<compile_context>
chip_gen: v7x
topology: tpu7x:2x2x1
jax: 0.10.2.dev20260603
libtpu: 0.0.44.dev20260713+nightly
codegen_flags: <defaults>
</compile_context>

<pallas_src>
import jax
import jax.numpy as jnp
from jax import lax
from jax.experimental import pallas as pl
from jax.experimental.pallas import tpu as pltpu
from jax.experimental.pallas import tpu_sc as plsc

N = 10000
E = 320000
D = 128
DC = 64
DH1 = 256

NC = 2
NS = 16

CH = 128
G = 160
EPT = CH * G
E_PAD = EPT * NS

N_ACC = 10240
RZ = N_ACC // NS
KZ = RZ // CH

_MESH = plsc.VectorSubcoreMesh(core_axis_name="c", subcore_axis_name="s",
                               num_cores=NC, num_subcores=NS)


def _sc_agg_body(table2, srcp2, dstp, zf, outf, src_all, dst_all,
                 rows0, rows1, rows2, rows3, zrow_v, accf, sem_g, sem_s):
    cid = lax.axis_index("c")
    sid = lax.axis_index("s")
    row0 = sid * RZ

    pltpu.sync_copy(srcp2.at[pl.ds((cid * NS + sid) * G, G)], src_all)
    pltpu.sync_copy(dstp.at[pl.ds(sid * G, G)], dst_all)

    pltpu.sync_copy(zf, zrow_v)
    for k in range(KZ):
        pltpu.sync_copy(zrow_v, accf.at[pl.ds(row0 + k * CH, CH)])
    plsc.subcore_barrier()

    def gather(g, buf):
        pltpu.async_copy(table2.at[src_all.at[g]], buf, sem_g)

    def drain_gather(g, buf):
        pltpu.make_async_copy(table2.at[src_all.at[g]], buf, sem_g).wait()

    def scatter(g, buf):
        pltpu.async_copy(buf, accf.at[dst_all.at[g]], sem_s, add=True)

    def drain_scatter(g, buf):
        pltpu.make_async_copy(buf, accf.at[dst_all.at[g]], sem_s).wait()

    rows = (rows0, rows1, rows2, rows3)
    gather(0, rows[0])
    gather(1, rows[1])
    gather(2, rows[2])

    def body(i, carry):
        for b in range(4):
            g = 4 * i + b
            buf = rows[b]
            drain_gather(g, buf)
            scatter(g, buf)

            @pl.when(g + 3 < G)
            def _():
                @pl.when(g >= 1)
                def _():
                    drain_scatter(g - 1, rows[(b + 3) % 4])
                gather(g + 3, rows[(b + 3) % 4])
        return carry

    lax.fori_loop(0, G // 4, body, 0)
    for g in (G - 4, G - 3, G - 2, G - 1):
        drain_scatter(g, rows[g % 4])
    plsc.subcore_barrier()

    obase = cid * N_ACC + row0
    for k in range(KZ):
        pltpu.sync_copy(accf.at[pl.ds(row0 + k * CH, CH)], rows0)
        pltpu.sync_copy(rows0, outf.at[pl.ds(obase + k * CH, CH)])


def _sc_agg(table2, srcp2, dstp, zf):
    scratch = [
        pltpu.VMEM((G, CH), jnp.int32),
        pltpu.VMEM((G, CH), jnp.int32),
        pltpu.VMEM((CH, DC), jnp.float32),
        pltpu.VMEM((CH, DC), jnp.float32),
        pltpu.VMEM((CH, DC), jnp.float32),
        pltpu.VMEM((CH, DC), jnp.float32),
        pltpu.VMEM((CH, DC), jnp.float32),
        pltpu.VMEM_SHARED((N_ACC, DC), jnp.float32),
        pltpu.SemaphoreType.DMA,
        pltpu.SemaphoreType.DMA,
    ]
    return pl.kernel(
        _sc_agg_body,
        out_type=jax.ShapeDtypeStruct((NC * N_ACC, DC), jnp.float32),
        mesh=_MESH, scratch_types=scratch,
        compiler_params=pltpu.CompilerParams(use_tc_tiling_on_sc=False),
    )(table2, srcp2, dstp, zf)


GH = G // 2


def _sc_counts_body(dstp, zc, ones_h, outc, dst_all, ones_v, zc_v,
                    accc):
    cid = lax.axis_index("c")
    sid = lax.axis_index("s")
    row0 = sid * RZ

    pltpu.sync_copy(dstp.at[pl.ds(sid * G + cid * GH, GH)], dst_all)
    pltpu.sync_copy(zc, zc_v)
    for k in range(KZ):
        pltpu.sync_copy(zc_v, accc.at[pl.ds(row0 + k * CH, CH)])
    pltpu.sync_copy(ones_h, ones_v)
    plsc.subcore_barrier()

    def body(g, carry):
        pltpu.sync_copy(ones_v, accc.at[dst_all.at[g]], add=True)
        return carry

    lax.fori_loop(0, GH, body, 0)
    plsc.subcore_barrier()

    obase = cid * N_ACC + row0
    for k in range(KZ):
        pltpu.sync_copy(accc.at[pl.ds(row0 + k * CH, CH)], zc_v)
        pltpu.sync_copy(zc_v, outc.at[pl.ds(obase + k * CH, CH)])


def _sc_counts(dstp, zc, ones_h):
    scratch = [
        pltpu.VMEM((GH, CH), jnp.int32),
        pltpu.VMEM((CH, 16), jnp.float32),
        pltpu.VMEM((CH, 16), jnp.float32),
        pltpu.VMEM_SHARED((N_ACC, 16), jnp.float32),
    ]
    return pl.kernel(
        _sc_counts_body,
        out_type=jax.ShapeDtypeStruct((NC * N_ACC, 16), jnp.float32),
        mesh=_MESH, scratch_types=scratch,
        compiler_params=pltpu.CompilerParams(use_tc_tiling_on_sc=False),
    )(dstp, zc, ones_h)


BLK = 1000
GRID = N // BLK


def _tc1_body(pf, pc, x, wl1t, bl1, wr1t, wl2t, h1_o, f2_o, inv_o):
    p = pf[...]
    s = jnp.concatenate([p[0], p[1]], axis=1)
    c = pc[...]
    cnt = c[0, :, 0:1] + c[1, :, 0:1]
    inv = 1.0 / jnp.maximum(cnt, 1.0)
    mean = s * inv
    h1 = jnp.maximum(
        jnp.dot(mean, wl1t[...], preferred_element_type=jnp.float32)
        + bl1[...]
        + jnp.dot(x[...], wr1t[...], preferred_element_type=jnp.float32),
        0.0)
    h1_o[...] = h1
    f2_o[...] = jnp.dot(h1, wl2t[...], preferred_element_type=jnp.float32)
    inv_o[...] = inv


def _tc1(pf, pc, x, wl1t, bl1, wr1t, wl2t):
    return pl.pallas_call(
        _tc1_body,
        grid=(GRID,),
        in_specs=[
            pl.BlockSpec((NC, BLK, DC), lambda i: (0, i, 0)),
            pl.BlockSpec((NC, BLK, 16), lambda i: (0, i, 0)),
            pl.BlockSpec((BLK, D), lambda i: (i, 0)),
            pl.BlockSpec((D, DH1), lambda i: (0, 0)),
            pl.BlockSpec((1, DH1), lambda i: (0, 0)),
            pl.BlockSpec((D, DH1), lambda i: (0, 0)),
            pl.BlockSpec((DH1, D), lambda i: (0, 0)),
        ],
        out_specs=[
            pl.BlockSpec((BLK, DH1), lambda i: (i, 0)),
            pl.BlockSpec((BLK, D), lambda i: (i, 0)),
            pl.BlockSpec((BLK, 1), lambda i: (i, 0)),
        ],
        out_shape=[
            jax.ShapeDtypeStruct((N, DH1), jnp.float32),
            jax.ShapeDtypeStruct((N, D), jnp.float32),
            jax.ShapeDtypeStruct((N, 1), jnp.float32),
        ],
    )(pf, pc, x, wl1t, bl1, wr1t, wl2t)


def _tc2_body(pf, inv, h1, bl2, wr2t, wl3t, h2_o, f3_o):
    p = pf[...]
    s = jnp.concatenate([p[0], p[1]], axis=1)
    h2 = jnp.maximum(
        s * inv[...] + bl2[...]
        + jnp.dot(h1[...], wr2t[...], preferred_element_type=jnp.float32),
        0.0)
    h2_o[...] = h2
    f3_o[...] = jnp.dot(h2, wl3t[...], preferred_element_type=jnp.float32)


def _tc2(pf, inv, h1, bl2, wr2t, wl3t):
    return pl.pallas_call(
        _tc2_body,
        grid=(GRID,),
        in_specs=[
            pl.BlockSpec((NC, BLK, DC), lambda i: (0, i, 0)),
            pl.BlockSpec((BLK, 1), lambda i: (i, 0)),
            pl.BlockSpec((BLK, DH1), lambda i: (i, 0)),
            pl.BlockSpec((1, D), lambda i: (0, 0)),
            pl.BlockSpec((DH1, D), lambda i: (0, 0)),
            pl.BlockSpec((D, D), lambda i: (0, 0)),
        ],
        out_specs=[
            pl.BlockSpec((BLK, D), lambda i: (i, 0)),
            pl.BlockSpec((BLK, D), lambda i: (i, 0)),
        ],
        out_shape=[
            jax.ShapeDtypeStruct((N, D), jnp.float32),
            jax.ShapeDtypeStruct((N, D), jnp.float32),
        ],
    )(pf, inv, h1, bl2, wr2t, wl3t)


def _tc3_body(pf, inv, h1, h2, bl3, wr3t, out_o):
    p = pf[...]
    s = jnp.concatenate([p[0], p[1]], axis=1)
    h3 = jnp.maximum(
        s * inv[...] + bl3[...]
        + jnp.dot(h2[...], wr3t[...], preferred_element_type=jnp.float32),
        0.0)
    out_o[...] = jnp.concatenate([h1[...], h2[...], h3], axis=1)


def _tc3(pf, inv, h1, h2, bl3, wr3t):
    return pl.pallas_call(
        _tc3_body,
        grid=(GRID,),
        in_specs=[
            pl.BlockSpec((NC, BLK, DC), lambda i: (0, i, 0)),
            pl.BlockSpec((BLK, 1), lambda i: (i, 0)),
            pl.BlockSpec((BLK, DH1), lambda i: (i, 0)),
            pl.BlockSpec((BLK, D), lambda i: (i, 0)),
            pl.BlockSpec((1, D), lambda i: (0, 0)),
            pl.BlockSpec((D, D), lambda i: (0, 0)),
        ],
        out_specs=pl.BlockSpec((BLK, DH1 + 2 * D), lambda i: (i, 0)),
        out_shape=jax.ShapeDtypeStruct((N, DH1 + 2 * D), jnp.float32),
    )(pf, inv, h1, h2, bl3, wr3t)


def kernel(x, edge_index, Wl1, bl1, Wr1, Wl2, bl2, Wr2, Wl3, bl3, Wr3):
    src = edge_index[0].astype(jnp.int32)
    dst = edge_index[1].astype(jnp.int32)
    pad = E_PAD - E
    ar = jnp.arange(pad, dtype=jnp.int32)
    srcp = jnp.concatenate([src, ar % N])
    dstp = jnp.concatenate([dst, N + ar % (N_ACC - N)])
    srcp2 = jnp.concatenate([2 * srcp, 2 * srcp + 1]).reshape(
        NC * NS * G, CH)
    dstp = dstp.reshape(NS * G, CH)

    zf = jnp.zeros((CH, DC), jnp.float32)
    zc = jnp.zeros((CH, 16), jnp.float32)
    ones_h = jnp.ones((CH, 16), jnp.float32)

    wl1t = Wl1.T
    wr1t = Wr1.T
    wl2t = Wl2.T
    wr2t = Wr2.T
    wl3t = Wl3.T
    wr3t = Wr3.T
    bl1r = bl1.reshape(1, DH1)
    bl2r = bl2.reshape(1, D)
    bl3r = bl3.reshape(1, D)

    pc1 = _sc_counts(dstp, zc, ones_h)
    pf1 = _sc_agg(x.reshape(2 * N, DC), srcp2, dstp, zf)
    h1, f2, inv = _tc1(pf1.reshape(NC, N_ACC, DC), pc1.reshape(NC, N_ACC, 16),
                       x, wl1t, bl1r, wr1t, wl2t)

    pf2 = _sc_agg(f2.reshape(2 * N, DC), srcp2, dstp, zf)
    h2, f3 = _tc2(pf2.reshape(NC, N_ACC, DC), inv, h1, bl2r, wr2t, wl3t)

    pf3 = _sc_agg(f3.reshape(2 * N, DC), srcp2, dstp, zf)
    out = _tc3(pf3.reshape(NC, N_ACC, DC), inv, h1, h2, bl3r, wr3t)
    return out

# --- scband reference (transcript-rebuilt; emitter-appended) ---
"""Pipeline reference for scband-simple-graph-sage-53197464928385 (READ-ONLY COPY).

The authoritative reference and input builder live on the scoring server;
editing this copy changes nothing except your own understanding.
"""

import jax, jax.numpy as jnp
import numpy as np

N_NODES = 10000
N_EDGES = 320000
D_IN = 128
D_H1 = 256  # hidden_channels * 2
D_H2 = 128  # hidden_channels
D_OUT = 128  # out_channels


def sage_conv(x, edge_index, Wl, bl, Wr):
    # PyG SAGEConv (mean aggregation): out = lin_l(mean_j x_j) + lin_r(x_i)
    src = edge_index[0]
    dst = edge_index[1]
    msgs = jnp.take(x, src, axis=0)
    agg = jax.ops.segment_sum(msgs, dst, num_segments=N_NODES)
    cnt = jax.ops.segment_sum(jnp.ones((msgs.shape[0],), dtype=x.dtype), dst, num_segments=N_NODES)
    mean = agg / jnp.maximum(cnt, 1.0)[:, None]
    return mean @ Wl.T + bl + x @ Wr.T


def setup_inputs(seed: int = 0) -> dict:
    key = jax.random.key(seed)
    ks = jax.random.split(key, 12)
    x = jax.random.normal(ks[0], (N_NODES, D_IN), dtype=jnp.float32)
    edge_index = jax.random.randint(ks[1], (2, N_EDGES), 0, N_NODES)
    s1 = 1.0 / np.sqrt(D_IN)
    s2 = 1.0 / np.sqrt(D_H1)
    s3 = 1.0 / np.sqrt(D_H2)
    Wl1 = jax.random.normal(ks[2], (D_H1, D_IN), dtype=jnp.float32) * s1
    bl1 = jnp.zeros((D_H1,), dtype=jnp.float32)
    Wr1 = jax.random.normal(ks[3], (D_H1, D_IN), dtype=jnp.float32) * s1
    Wl2 = jax.random.normal(ks[4], (D_H2, D_H1), dtype=jnp.float32) * s2
    bl2 = jnp.zeros((D_H2,), dtype=jnp.float32)
    Wr2 = jax.random.normal(ks[5], (D_H2, D_H1), dtype=jnp.float32) * s2
    Wl3 = jax.random.normal(ks[6], (D_OUT, D_H2), dtype=jnp.float32) * s3
    bl3 = jnp.zeros((D_OUT,), dtype=jnp.float32)
    Wr3 = jax.random.normal(ks[7], (D_OUT, D_H2), dtype=jnp.float32) * s3
    return {"x": x, "edge_index": edge_index,
            "Wl1": Wl1, "bl1": bl1, "Wr1": Wr1,
            "Wl2": Wl2, "bl2": bl2, "Wr2": Wr2,
            "Wl3": Wl3, "bl3": bl3, "Wr3": Wr3}


def reference(x, edge_index, Wl1, bl1, Wr1, Wl2, bl2, Wr2, Wl3, bl3, Wr3):
    # eval mode: dropout is identity
    h1 = jax.nn.relu(sage_conv(x, edge_index, Wl1, bl1, Wr1))
    h2 = jax.nn.relu(sage_conv(h1, edge_index, Wl2, bl2, Wr2))
    h3 = jax.nn.relu(sage_conv(h2, edge_index, Wl3, bl3, Wr3))
    return jnp.concatenate([h1, h2, h3], axis=1)

if __name__ == "__main__":
    import jax
    _d = setup_inputs()
    print(jax.jit(kernel)(*tuple(_d.values())))

</pallas_src>

<mosaic_0001>
#map = affine_map<(d0, d1) -> (0, 0)>
module attributes {stable_mosaic.version = 14 : i64} {
  func.func @_sc_agg_body(%arg0: i32, %arg1: i32, %arg2: memref<20000x64xf32, #tpu.memory_space<hbm>>, %arg3: memref<5120x128xi32, #tpu.memory_space<hbm>>, %arg4: memref<2560x128xi32, #tpu.memory_space<hbm>>, %arg5: memref<128x64xf32, #tpu.memory_space<hbm>>, %arg6: memref<20480x64xf32, #tpu.memory_space<hbm>>, %arg7: memref<160x128xi32, #tpu.memory_space<vmem>>, %arg8: memref<160x128xi32, #tpu.memory_space<vmem>>, %arg9: memref<128x64xf32, #tpu.memory_space<vmem>>, %arg10: memref<128x64xf32, #tpu.memory_space<vmem>>, %arg11: memref<128x64xf32, #tpu.memory_space<vmem>>, %arg12: memref<128x64xf32, #tpu.memory_space<vmem>>, %arg13: memref<128x64xf32, #tpu.memory_space<vmem>>, %arg14: memref<10240x64xf32, #tpu.memory_space<vmem_shared>>, %arg15: memref<!tpu.dma_semaphore, #tpu.memory_space<semaphore_mem>>, %arg16: memref<!tpu.dma_semaphore, #tpu.memory_space<semaphore_mem>>) attributes {dimension_semantics = [#tpu.dimension_semantics<core_parallel>, #tpu.dimension_semantics<subcore_parallel>], iteration_bounds = array<i64: 2, 16>, scalar_prefetch = 0 : i64, scratch_operands = 10 : i64, tpu.core_type = #tpu.core_type<sc_vector_subcore>, window_params = [{transform_indices = #map}, {transform_indices = #map}, {transform_indices = #map}, {transform_indices = #map}, {transform_indices = #map}]} {
    %mul3A = arith.constant 640 : i32
    %mul3A_0 = arith.muli %arg1, %mul3A : i32
    %mul3A_1 = arith.constant 16 : i32
    %mul3A_2 = arith.muli %arg0, %mul3A_1 : i32
    %add3A = arith.addi %mul3A_2, %arg1 : i32
    %mul3A_3 = arith.constant 160 : i32
    %mul3A_4 = arith.muli %add3A, %mul3A_3 : i32
    "tpu.region"() ({
      %run_scoped3A = tpu.sem_alloc : memref<!tpu.dma_semaphore, #tpu.memory_space<semaphore_mem>>
      %dma_start3A_93 = arith.constant 0 : i32
      %dma_start3A_94 = tpu.memref_slice %arg3[%mul3A_4, %dma_start3A_93] : memref<5120x128xi32, #tpu.memory_space<hbm>> -> memref<160x128xi32, #tpu.memory_space<hbm>>
      %dma_start3A_95 = arith.constant 0 : i32
      %dma_start3A_96 = tpu.memref_slice %arg3[%mul3A_4, %dma_start3A_95] : memref<5120x128xi32, #tpu.memory_space<hbm>> -> memref<160x128xi32, #tpu.memory_space<hbm>>
      tpu.enqueue_dma source(%dma_start3A_96 : memref<160x128xi32, #tpu.memory_space<hbm>>) target(%arg7 : memref<160x128xi32, #tpu.memory_space<vmem>>) target_semaphore(%run_scoped3A : memref<!tpu.dma_semaphore, #tpu.memory_space<semaphore_mem>>)
      %dma_wait3A_97 = arith.constant 0 : i32
      %dma_wait3A_98 = tpu.memref_slice %arg3[%mul3A_4, %dma_wait3A_97] : memref<5120x128xi32, #tpu.memory_space<hbm>> -> memref<160x128xi32, #tpu.memory_space<hbm>>
      %dma_wait3A_99 = arith.constant 0 : i32
      %dma_wait3A_100 = tpu.memref_slice %arg3[%mul3A_4, %dma_wait3A_99] : memref<5120x128xi32, #tpu.memory_space<hbm>> -> memref<160x128xi32, #tpu.memory_space<hbm>>
      tpu.wait_dma2 semaphore(%run_scoped3A : memref<!tpu.dma_semaphore, #tpu.memory_space<semaphore_mem>>) src(%dma_wait3A_100 : memref<160x128xi32, #tpu.memory_space<hbm>>) dst(%arg7 : memref<160x128xi32, #tpu.memory_space<vmem>>)
      tpu.yield
    }) : () -> ()
    %mul3A_5 = arith.constant 160 : i32
    %mul3A_6 = arith.muli %arg1, %mul3A_5 : i32
    "tpu.region"() ({
      %run_scoped3A = tpu.sem_alloc : memref<!tpu.dma_semaphore, #tpu.memory_space<semaphore_mem>>
      %dma_start3A_93 = arith.constant 0 : i32
      %dma_start3A_94 = tpu.memref_slice %arg4[%mul3A_6, %dma_start3A_93] : memref<2560x128xi32, #tpu.memory_space<hbm>> -> memref<160x128xi32, #tpu.memory_space<hbm>>
      %dma_start3A_95 = arith.constant 0 : i32
      %dma_start3A_96 = tpu.memref_slice %arg4[%mul3A_6, %dma_start3A_95] : memref<2560x128xi32, #tpu.memory_space<hbm>> -> memref<160x128xi32, #tpu.memory_space<hbm>>
      tpu.enqueue_dma source(%dma_start3A_96 : memref<160x128xi32, #tpu.memory_space<hbm>>) target(%arg8 : memref<160x128xi32, #tpu.memory_space<vmem>>) target_semaphore(%run_scoped3A : memref<!tpu.dma_semaphore, #tpu.memory_space<semaphore_mem>>)
      %dma_wait3A_97 = arith.constant 0 : i32
      %dma_wait3A_98 = tpu.memref_slice %arg4[%mul3A_6, %dma_wait3A_97] : memref<2560x128xi32, #tpu.memory_space<hbm>> -> memref<160x128xi32, #tpu.memory_space<hbm>>
      %dma_wait3A_99 = arith.constant 0 : i32
      %dma_wait3A_100 = tpu.memref_slice %arg4[%mul3A_6, %dma_wait3A_99] : memref<2560x128xi32, #tpu.memory_space<hbm>> -> memref<160x128xi32, #tpu.memory_space<hbm>>
      tpu.wait_dma2 semaphore(%run_scoped3A : memref<!tpu.dma_semaphore, #tpu.memory_space<semaphore_mem>>) src(%dma_wait3A_100 : memref<160x128xi32, #tpu.memory_space<hbm>>) dst(%arg8 : memref<160x128xi32, #tpu.memory_space<vmem>>)
      tpu.yield
    }) : () -> ()
    "tpu.region"() ({
      %run_scoped3A = tpu.sem_alloc : memref<!tpu.dma_semaphore, #tpu.memory_space<semaphore_mem>>
      tpu.enqueue_dma source(%arg5 : memref<128x64xf32, #tpu.memory_space<hbm>>) target(%arg13 : memref<128x64xf32, #tpu.memory_space<vmem>>) target_semaphore(%run_scoped3A : memref<!tpu.dma_semaphore, #tpu.memory_space<semaphore_mem>>)
      tpu.wait_dma2 semaphore(%run_scoped3A : memref<!tpu.dma_semaphore, #tpu.memory_space<semaphore_mem>>) src(%arg5 : memref<128x64xf32, #tpu.memory_space<hbm>>) dst(%arg13 : memref<128x64xf32, #tpu.memory_space<vmem>>)
      tpu.yield
    }) : () -> ()
    %add3A_7 = arith.constant 0 : i32
    %add3A_8 = arith.addi %mul3A_0, %add3A_7 : i32
    "tpu.region"() ({
      %run_scoped3A = tpu.sem_alloc : memref<!tpu.dma_semaphore, #tpu.memory_space<semaphore_mem>>
      %dma_start3A_93 = arith.constant 0 : i32
      %dma_start3A_94 = tpu.memref_slice %arg14[%add3A_8, %dma_start3A_93] : memref<10240x64xf32, #tpu.memory_space<vmem_shared>> -> memref<128x64xf32, #tpu.memory_space<vmem_shared>>
      %dma_start3A_95 = arith.constant 0 : i32
      %dma_start3A_96 = tpu.memref_slice %arg14[%add3A_8, %dma_start3A_95] : memref<10240x64xf32, #tpu.memory_space<vmem_shared>> -> memref<128x64xf32, #tpu.memory_space<vmem_shared>>
      tpu.enqueue_dma source(%arg13 : memref<128x64xf32, #tpu.memory_space<vmem>>) target(%dma_start3A_96 : memref<128x64xf32, #tpu.memory_space<vmem_shared>>) target_semaphore(%run_scoped3A : memref<!tpu.dma_semaphore, #tpu.memory_space<semaphore_mem>>)
      %dma_wait3A_97 = arith.constant 0 : i32
      %dma_wait3A_98 = tpu.memref_slice %arg14[%add3A_8, %dma_wait3A_97] : memref<10240x64xf32, #tpu.memory_space<vmem_shared>> -> memref<128x64xf32, #tpu.memory_space<vmem_shared>>
      %dma_wait3A_99 = arith.constant 0 : i32
      %dma_wait3A_100 = tpu.memref_slice %arg14[%add3A_8, %dma_wait3A_99] : memref<10240x64xf32, #tpu.memory_space<vmem_shared>> -> memref<128x64xf32, #tpu.memory_space<vmem_shared>>
      tpu.wait_dma2 semaphore(%run_scoped3A : memref<!tpu.dma_semaphore, #tpu.memory_space<semaphore_mem>>) src(%arg13 : memref<128x64xf32, #tpu.memory_space<vmem>>) dst(%dma_wait3A_100 : memref<128x64xf32, #tpu.memory_space<vmem_shared>>)
      tpu.yield
    }) : () -> ()
    %add3A_9 = arith.constant 128 : i32
    %add3A_10 = arith.addi %mul3A_0, %add3A_9 : i32
    "tpu.region"() ({
      %run_scoped3A = tpu.sem_alloc : memref<!tpu.dma_semaphore, #tpu.memory_space<semaphore_mem>>
      %dma_start3A_93 = arith.constant 0 : i32
      %dma_start3A_94 = tpu.memref_slice %arg14[%add3A_10, %dma_start3A_93] : memref<10240x64xf32, #tpu.memory_space<vmem_shared>> -> memref<128x64xf32, #tpu.memory_space<vmem_shared>>
      %dma_start3A_95 = arith.constant 0 : i32
      %dma_start3A_96 = tpu.memref_slice %arg14[%add3A_10, %dma_start3A_95] : memref<10240x64xf32, #tpu.memory_space<vmem_shared>> -> memref<128x64xf32, #tpu.memory_space<vmem_shared>>
      tpu.enqueue_dma source(%arg13 : memref<128x64xf32, #tpu.memory_space<vmem>>) target(%dma_start3A_96 : memref<128x64xf32, #tpu.memory_space<vmem_shared>>) target_semaphore(%run_scoped3A : memref<!tpu.dma_semaphore, #tpu.memory_space<semaphore_mem>>)
      %dma_wait3A_97 = arith.constant 0 : i32
      %dma_wait3A_98 = tpu.memref_slice %arg14[%add3A_10, %dma_wait3A_97] : memref<10240x64xf32, #tpu.memory_space<vmem_shared>> -> memref<128x64xf32, #tpu.memory_space<vmem_shared>>
      %dma_wait3A_99 = arith.constant 0 : i32
      %dma_wait3A_100 = tpu.memref_slice %arg14[%add3A_10, %dma_wait3A_99] : memref<10240x64xf32, #tpu.memory_space<vmem_shared>> -> memref<128x64xf32, #tpu.memory_space<vmem_shared>>
      tpu.wait_dma2 semaphore(%run_scoped3A : memref<!tpu.dma_semaphore, #tpu.memory_space<semaphore_mem>>) src(%arg13 : memref<128x64xf32, #tpu.memory_space<vmem>>) dst(%dma_wait3A_100 : memref<128x64xf32, #tpu.memory_space<vmem_shared>>)
      tpu.yield
    }) : () -> ()
    %add3A_11 = arith.constant 256 : i32
    %add3A_12 = arith.addi %mul3A_0, %add3A_11 : i32
    "tpu.region"() ({
      %run_scoped3A = tpu.sem_alloc : memref<!tpu.dma_semaphore, #tpu.memory_space<semaphore_mem>>
      %dma_start3A_93 = arith.constant 0 : i32
      %dma_start3A_94 = tpu.memref_slice %arg14[%add3A_12, %dma_start3A_93] : memref<10240x64xf32, #tpu.memory_space<vmem_shared>> -> memref<128x64xf32, #tpu.memory_space<vmem_shared>>
      %dma_start3A_95 = arith.constant 0 : i32
      %dma_start3A_96 = tpu.memref_slice %arg14[%add3A_12, %dma_start3A_95] : memref<10240x64xf32, #tpu.memory_space<vmem_shared>> -> memref<128x64xf32, #tpu.memory_space<vmem_shared>>
      tpu.enqueue_dma source(%arg13 : memref<128x64xf32, #tpu.memory_space<vmem>>) target(%dma_start3A_96 : memref<128x64xf32, #tpu.memory_space<vmem_shared>>) target_semaphore(%run_scoped3A : memref<!tpu.dma_semaphore, #tpu.memory_space<semaphore_mem>>)
      %dma_wait3A_97 = arith.constant 0 : i32
      %dma_wait3A_98 = tpu.memref_slice %arg14[%add3A_12, %dma_wait3A_97] : memref<10240x64xf32, #tpu.memory_space<vmem_shared>> -> memref<128x64xf32, #tpu.memory_space<vmem_shared>>
      %dma_wait3A_99 = arith.constant 0 : i32
      %dma_wait3A_100 = tpu.memref_slice %arg14[%add3A_12, %dma_wait3A_99] : memref<10240x64xf32, #tpu.memory_space<vmem_shared>> -> memref<128x64xf32, #tpu.memory_space<vmem_shared>>
      tpu.wait_dma2 semaphore(%run_scoped3A : memref<!tpu.dma_semaphore, #tpu.memory_space<semaphore_mem>>) src(%arg13 : memref<128x64xf32, #tpu.memory_space<vmem>>) dst(%dma_wait3A_100 : memref<128x64xf32, #tpu.memory_space<vmem_shared>>)
      tpu.yield
    }) : () -> ()
    %add3A_13 = arith.constant 384 : i32
    %add3A_14 = arith.addi %mul3A_0, %add3A_13 : i32
    "tpu.region"() ({
      %run_scoped3A = tpu.sem_alloc : memref<!tpu.dma_semaphore, #tpu.memory_space<semaphore_mem>>
      %dma_start3A_93 = arith.constant 0 : i32
      %dma_start3A_94 = tpu.memref_slice %arg14[%add3A_14, %dma_start3A_93] : memref<10240x64xf32, #tpu.memory_space<vmem_shared>> -> memref<128x64xf32, #tpu.memory_space<vmem_shared>>
      %dma_start3A_95 = arith.constant 0 : i32
      %dma_start3A_96 = tpu.memref_slice %arg14[%add3A_14, %dma_start3A_95] : memref<10240x64xf32, #tpu.memory_space<vmem_shared>> -> memref<128x64xf32, #tpu.memory_space<vmem_shared>>
      tpu.enqueue_dma source(%arg13 : memref<128x64xf32, #tpu.memory_space<vmem>>) target(%dma_start3A_96 : memref<128x64xf32, #tpu.memory_space<vmem_shared>>) target_semaphore(%run_scoped3A : memref<!tpu.dma_semaphore, #tpu.memory_space<semaphore_mem>>)
      %dma_wait3A_97 = arith.constant 0 : i32
      %dma_wait3A_98 = tpu.memref_slice %arg14[%add3A_14, %dma_wait3A_97] : memref<10240x64xf32, #tpu.memory_space<vmem_shared>> -> memref<128x64xf32, #tpu.memory_space<vmem_shared>>
      %dma_wait3A_99 = arith.constant 0 : i32
      %dma_wait3A_100 = tpu.memref_slice %arg14[%add3A_14, %dma_wait3A_99] : memref<10240x64xf32, #tpu.memory_space<vmem_shared>> -> memref<128x64xf32, #tpu.memory_space<vmem_shared>>
      tpu.wait_dma2 semaphore(%run_scoped3A : memref<!tpu.dma_semaphore, #tpu.memory_space<semaphore_mem>>) src(%arg13 : memref<128x64xf32, #tpu.memory_space<vmem>>) dst(%dma_wait3A_100 : memref<128x64xf32, #tpu.memory_space<vmem_shared>>)
      tpu.yield
    }) : () -> ()
    %add3A_15 = arith.constant 512 : i32
    %add3A_16 = arith.addi %mul3A_0, %add3A_15 : i32
    "tpu.region"() ({
      %run_scoped3A = tpu.sem_alloc : memref<!tpu.dma_semaphore, #tpu.memory_space<semaphore_mem>>
      %dma_start3A_93 = arith.constant 0 : i32
      %dma_start3A_94 = tpu.memref_slice %arg14[%add3A_16, %dma_start3A_93] : memref<10240x64xf32, #tpu.memory_space<vmem_shared>> -> memref<128x64xf32, #tpu.memory_space<vmem_shared>>
      %dma_start3A_95 = arith.constant 0 : i32
      %dma_start3A_96 = tpu.memref_slice %arg14[%add3A_16, %dma_start3A_95] : memref<10240x64xf32, #tpu.memory_space<vmem_shared>> -> memref<128x64xf32, #tpu.memory_space<vmem_shared>>
      tpu.enqueue_dma source(%arg13 : memref<128x64xf32, #tpu.memory_space<vmem>>) target(%dma_start3A_96 : memref<128x64xf32, #tpu.memory_space<vmem_shared>>) target_semaphore(%run_scoped3A : memref<!tpu.dma_semaphore, #tpu.memory_space<semaphore_mem>>)
      %dma_wait3A_97 = arith.constant 0 : i32
      %dma_wait3A_98 = tpu.memref_slice %arg14[%add3A_16, %dma_wait3A_97] : memref<10240x64xf32, #tpu.memory_space<vmem_shared>> -> memref<128x64xf32, #tpu.memory_space<vmem_shared>>
      %dma_wait3A_99 = arith.constant 0 : i32
      %dma_wait3A_100 = tpu.memref_slice %arg14[%add3A_16, %dma_wait3A_99] : memref<10240x64xf32, #tpu.memory_space<vmem_shared>> -> memref<128x64xf32, #tpu.memory_space<vmem_shared>>
      tpu.wait_dma2 semaphore(%run_scoped3A : memref<!tpu.dma_semaphore, #tpu.memory_space<semaphore_mem>>) src(%arg13 : memref<128x64xf32, #tpu.memory_space<vmem>>) dst(%dma_wait3A_100 : memref<128x64xf32, #tpu.memory_space<vmem_shared>>)
      tpu.yield
    }) : () -> ()
    %barrier3A = arith.constant 0 : index
    tpu.barrier barrier_id(%barrier3A)
    %dma_start3A = arith.constant 0 : i32
    %dma_start3A_17 = arith.constant 0 : i32
    %dma_start3A_18 = tpu.memref_slice %arg7[%dma_start3A, %dma_start3A_17] : memref<160x128xi32, #tpu.memory_space<vmem>> -> memref<1x128xi32, #tpu.memory_space<vmem>>
    %dma_start3A_19 = tpu.memref_squeeze %dma_start3A_18 : memref<1x128xi32, #tpu.memory_space<vmem>> -> memref<128xi32, #tpu.memory_space<vmem>>
    %dma_start3A_20 = arith.constant 0 : i32
    %dma_start3A_21 = arith.constant 0 : i32
    %dma_start3A_22 = tpu.memref_slice %arg2[%dma_start3A_20, %dma_start3A_21] : memref<20000x64xf32, #tpu.memory_space<hbm>> -> memref<20000x64xf32, #tpu.memory_space<hbm>>
    tpu.enqueue_indirect_dma source(%dma_start3A_22 : memref<20000x64xf32, #tpu.memory_space<hbm>>) target(%arg9 : memref<128x64xf32, #tpu.memory_space<vmem>>) offsets(%dma_start3A_19 : memref<128xi32, #tpu.memory_space<vmem>>) semaphore(%arg15 : memref<!tpu.dma_semaphore, #tpu.memory_space<semaphore_mem>>)
    %dma_start3A_23 = arith.constant 1 : i32
    %dma_start3A_24 = arith.constant 0 : i32
    %dma_start3A_25 = tpu.memref_slice %arg7[%dma_start3A_23, %dma_start3A_24] : memref<160x128xi32, #tpu.memory_space<vmem>> -> memref<1x128xi32, #tpu.memory_space<vmem>>
    %dma_start3A_26 = tpu.memref_squeeze %dma_start3A_25 : memref<1x128xi32, #tpu.memory_space<vmem>> -> memref<128xi32, #tpu.memory_space<vmem>>
    %dma_start3A_27 = arith.constant 0 : i32
    %dma_start3A_28 = arith.constant 0 : i32
    %dma_start3A_29 = tpu.memref_slice %arg2[%dma_start3A_27, %dma_start3A_28] : memref<20000x64xf32, #tpu.memory_space<hbm>> -> memref<20000x64xf32, #tpu.memory_space<hbm>>
    tpu.enqueue_indirect_dma source(%dma_start3A_29 : memref<20000x64xf32, #tpu.memory_space<hbm>>) target(%arg10 : memref<128x64xf32, #tpu.memory_space<vmem>>) offsets(%dma_start3A_26 : memref<128xi32, #tpu.memory_space<vmem>>) semaphore(%arg15 : memref<!tpu.dma_semaphore, #tpu.memory_space<semaphore_mem>>)
    %dma_start3A_30 = arith.constant 2 : i32
    %dma_start3A_31 = arith.constant 0 : i32
    %dma_start3A_32 = tpu.memref_slice %arg7[%dma_start3A_30, %dma_start3A_31] : memref<160x128xi32, #tpu.memory_space<vmem>> -> memref<1x128xi32, #tpu.memory_space<vmem>>
    %dma_start3A_33 = tpu.memref_squeeze %dma_start3A_32 : memref<1x128xi32, #tpu.memory_space<vmem>> -> memref<128xi32, #tpu.memory_space<vmem>>
    %dma_start3A_34 = arith.constant 0 : i32
    %dma_start3A_35 = arith.constant 0 : i32
    %dma_start3A_36 = tpu.memref_slice %arg2[%dma_start3A_34, %dma_start3A_35] : memref<20000x64xf32, #tpu.memory_space<hbm>> -> memref<20000x64xf32, #tpu.memory_space<hbm>>
    tpu.enqueue_indirect_dma source(%dma_start3A_36 : memref<20000x64xf32, #tpu.memory_space<hbm>>) target(%arg11 : memref<128x64xf32, #tpu.memory_space<vmem>>) offsets(%dma_start3A_33 : memref<128xi32, #tpu.memory_space<vmem>>) semaphore(%arg15 : memref<!tpu.dma_semaphore, #tpu.memory_space<semaphore_mem>>)
    %scan3A = arith.constant 0 : i32
    %scan3A_37 = arith.constant 0 : i32
    %scan3A_38 = arith.constant 40 : i32
    %scan3A_39 = arith.addi %scan3A_37, %scan3A_38 : i32
    %scan3A_40 = arith.constant 1 : i32
    scf.for %scan3A_93 = %scan3A_37 to %scan3A_39 step %scan3A_40  : i32 {
      %mul3A_94 = arith.constant 4 : i32
      %mul3A_95 = arith.muli %mul3A_94, %scan3A_93 : i32
      %add3A_96 = arith.constant 0 : i32
      %add3A_97 = arith.addi %mul3A_95, %add3A_96 : i32
      %dma_wait3A_98 = arith.constant 0 : i32
      %dma_wait3A_99 = tpu.memref_slice %arg7[%add3A_97, %dma_wait3A_98] : memref<160x128xi32, #tpu.memory_space<vmem>> -> memref<1x128xi32, #tpu.memory_space<vmem>>
      %dma_wait3A_100 = tpu.memref_squeeze %dma_wait3A_99 : memref<1x128xi32, #tpu.memory_space<vmem>> -> memref<128xi32, #tpu.memory_space<vmem>>
      %dma_wait3A_101 = arith.constant 0 : i32
      %dma_wait3A_102 = arith.constant 0 : i32
      %dma_wait3A_103 = tpu.memref_slice %arg2[%dma_wait3A_101, %dma_wait3A_102] : memref<20000x64xf32, #tpu.memory_space<hbm>> -> memref<20000x64xf32, #tpu.memory_space<hbm>>
      tpu.wait_indirect_dma semaphore(%arg15 : memref<!tpu.dma_semaphore, #tpu.memory_space<semaphore_mem>>) src(%dma_wait3A_103 : memref<20000x64xf32, #tpu.memory_space<hbm>>) dst(%arg9 : memref<128x64xf32, #tpu.memory_space<vmem>>)
      %dma_start3A_104 = arith.constant 0 : i32
      %dma_start3A_105 = tpu.memref_slice %arg8[%add3A_97, %dma_start3A_104] : memref<160x128xi32, #tpu.memory_space<vmem>> -> memref<1x128xi32, #tpu.memory_space<vmem>>
      %dma_start3A_106 = tpu.memref_squeeze %dma_start3A_105 : memref<1x128xi32, #tpu.memory_space<vmem>> -> memref<128xi32, #tpu.memory_space<vmem>>
      %dma_start3A_107 = arith.constant 0 : i32
      %dma_start3A_108 = arith.constant 0 : i32
      %dma_start3A_109 = tpu.memref_slice %arg14[%dma_start3A_107, %dma_start3A_108] : memref<10240x64xf32, #tpu.memory_space<vmem_shared>> -> memref<10240x64xf32, #tpu.memory_space<vmem_shared>>
      tpu.enqueue_indirect_dma source(%arg9 : memref<128x64xf32, #tpu.memory_space<vmem>>) target(%dma_start3A_109 : memref<10240x64xf32, #tpu.memory_space<vmem_shared>>) offsets(%dma_start3A_106 : memref<128xi32, #tpu.memory_space<vmem>>) semaphore(%arg16 : memref<!tpu.dma_semaphore, #tpu.memory_space<semaphore_mem>>) {add = true}
      %add3A_110 = arith.constant 3 : i32
      %add3A_111 = arith.addi %add3A_97, %add3A_110 : i32
      %lt3A = arith.constant 160 : i32
      %lt3A_112 = arith.cmpi slt, %add3A_111, %lt3A : i32
      %convert_element_type3A = arith.extui %lt3A_112 : i1 to i32
      %cond3A = arith.constant 0 : i32
      %cond3A_113 = arith.cmpi ne, %convert_element_type3A, %cond3A : i32
      scf.if %cond3A_113 {
        %ge3A = arith.constant 1 : i32
        %ge3A_183 = arith.cmpi sge, %add3A_97, %ge3A : i32
        %convert_element_type3A_184 = arith.extui %ge3A_183 : i1 to i32
        %cond3A_185 = arith.constant 0 : i32
        %cond3A_186 = arith.cmpi ne, %convert_element_type3A_184, %cond3A_185 : i32
        scf.if %cond3A_186 {
          %sub3A = arith.constant 1 : i32
          %sub3A_195 = arith.subi %add3A_97, %sub3A : i32
          %dma_wait3A_196 = arith.constant 0 : i32
          %dma_wait3A_197 = tpu.memref_slice %arg8[%sub3A_195, %dma_wait3A_196] : memref<160x128xi32, #tpu.memory_space<vmem>> -> memref<1x128xi32, #tpu.memory_space<vmem>>
          %dma_wait3A_198 = tpu.memref_squeeze %dma_wait3A_197 : memref<1x128xi32, #tpu.memory_space<vmem>> -> memref<128xi32, #tpu.memory_space<vmem>>
          %dma_wait3A_199 = arith.constant 0 : i32
          %dma_wait3A_200 = arith.constant 0 : i32
          %dma_wait3A_201 = tpu.memref_slice %arg14[%dma_wait3A_199, %dma_wait3A_200] : memref<10240x64xf32, #tpu.memory_space<vmem_shared>> -> memref<10240x64xf32, #tpu.memory_space<vmem_shared>>
          tpu.wait_indirect_dma semaphore(%arg16 : memref<!tpu.dma_semaphore, #tpu.memory_space<semaphore_mem>>) src(%arg12 : memref<128x64xf32, #tpu.memory_space<vmem>>) dst(%dma_wait3A_201 : memref<10240x64xf32, #tpu.memory_space<vmem_shared>>)
        } else {
        }
        %add3A_187 = arith.constant 3 : i32
        %add3A_188 = arith.addi %add3A_97, %add3A_187 : i32
        %dma_start3A_189 = arith.constant 0 : i32
        %dma_start3A_190 = tpu.memref_slice %arg7[%add3A_188, %dma_start3A_189] : memref<160x128xi32, #tpu.memory_space<vmem>> -> memref<1x128xi32, #tpu.memory_space<vmem>>
        %dma_start3A_191 = tpu.memref_squeeze %dma_start3A_190 : memref<1x128xi32, #tpu.memory_space<vmem>> -> memref<128xi32, #tpu.memory_space<vmem>>
        %dma_start3A_192 = arith.constant 0 : i32
        %dma_start3A_193 = arith.constant 0 : i32
        %dma_start3A_194 = tpu.memref_slice %arg2[%dma_start3A_192, %dma_start3A_193] : memref<20000x64xf32, #tpu.memory_space<hbm>> -> memref<20000x64xf32, #tpu.memory_space<hbm>>
        tpu.enqueue_indirect_dma source(%dma_start3A_194 : memref<20000x64xf32, #tpu.memory_space<hbm>>) target(%arg12 : memref<128x64xf32, #tpu.memory_space<vmem>>) offsets(%dma_start3A_191 : memref<128xi32, #tpu.memory_space<vmem>>) semaphore(%arg15 : memref<!tpu.dma_semaphore, #tpu.memory_space<semaphore_mem>>)
      } else {
      }
      %mul3A_114 = arith.constant 4 : i32
      %mul3A_115 = arith.muli %mul3A_114, %scan3A_93 : i32
      %add3A_116 = arith.constant 1 : i32
      %add3A_117 = arith.addi %mul3A_115, %add3A_116 : i32
      %dma_wait3A_118 = arith.constant 0 : i32
      %dma_wait3A_119 = tpu.memref_slice %arg7[%add3A_117, %dma_wait3A_118] : memref<160x128xi32, #tpu.memory_space<vmem>> -> memref<1x128xi32, #tpu.memory_space<vmem>>
      %dma_wait3A_120 = tpu.memref_squeeze %dma_wait3A_119 : memref<1x128xi32, #tpu.memory_space<vmem>> -> memref<128xi32, #tpu.memory_space<vmem>>
      %dma_wait3A_121 = arith.constant 0 : i32
      %dma_wait3A_122 = arith.constant 0 : i32
      %dma_wait3A_123 = tpu.memref_slice %arg2[%dma_wait3A_121, %dma_wait3A_122] : memref<20000x64xf32, #tpu.memory_space<hbm>> -> memref<20000x64xf32, #tpu.memory_space<hbm>>
      tpu.wait_indirect_dma semaphore(%arg15 : memref<!tpu.dma_semaphore, #tpu.memory_space<semaphore_mem>>) src(%dma_wait3A_123 : memref<20000x64xf32, #tpu.memory_space<hbm>>) dst(%arg10 : memref<128x64xf32, #tpu.memory_space<vmem>>)
      %dma_start3A_124 = arith.constant 0 : i32
      %dma_start3A_125 = tpu.memref_slice %arg8[%add3A_117, %dma_start3A_124] : memref<160x128xi32, #tpu.memory_space<vmem>> -> memref<1x128xi32, #tpu.memory_space<vmem>>
      %dma_start3A_126 = tpu.memref_squeeze %dma_start3A_125 : memref<1x128xi32, #tpu.memory_space<vmem>> -> memref<128xi32, #tpu.memory_space<vmem>>
      %dma_start3A_127 = arith.constant 0 : i32
      %dma_start3A_128 = arith.constant 0 : i32
      %dma_start3A_129 = tpu.memref_slice %arg14[%dma_start3A_127, %dma_start3A_128] : memref<10240x64xf32, #tpu.memory_space<vmem_shared>> -> memref<10240x64xf32, #tpu.memory_space<vmem_shared>>
      tpu.enqueue_indirect_dma source(%arg10 : memref<128x64xf32, #tpu.memory_space<vmem>>) target(%dma_start3A_129 : memref<10240x64xf32, #tpu.memory_space<vmem_shared>>) offsets(%dma_start3A_126 : memref<128xi32, #tpu.memory_space<vmem>>) semaphore(%arg16 : memref<!tpu.dma_semaphore, #tpu.memory_space<semaphore_mem>>) {add = true}
      %add3A_130 = arith.constant 3 : i32
      %add3A_131 = arith.addi %add3A_117, %add3A_130 : i32
      %lt3A_132 = arith.constant 160 : i32
      %lt3A_133 = arith.cmpi slt, %add3A_131, %lt3A_132 : i32
      %convert_element_type3A_134 = arith.extui %lt3A_133 : i1 to i32
      %cond3A_135 = arith.constant 0 : i32
      %cond3A_136 = arith.cmpi ne, %convert_element_type3A_134, %cond3A_135 : i32
      scf.if %cond3A_136 {
        %ge3A = arith.constant 1 : i32
        %ge3A_183 = arith.cmpi sge, %add3A_117, %ge3A : i32
        %convert_element_type3A_184 = arith.extui %ge3A_183 : i1 to i32
        %cond3A_185 = arith.constant 0 : i32
        %cond3A_186 = arith.cmpi ne, %convert_element_type3A_184, %cond3A_185 : i32
        scf.if %cond3A_186 {
          %sub3A = arith.constant 1 : i32
          %sub3A_195 = arith.subi %add3A_117, %sub3A : i32
          %dma_wait3A_196 = arith.constant 0 : i32
          %dma_wait3A_197 = tpu.memref_slice %arg8[%sub3A_195, %dma_wait3A_196] : memref<160x128xi32, #tpu.memory_space<vmem>> -> memref<1x128xi32, #tpu.memory_space<vmem>>
          %dma_wait3A_198 = tpu.memref_squeeze %dma_wait3A_197 : memref<1x128xi32, #tpu.memory_space<vmem>> -> memref<128xi32, #tpu.memory_space<vmem>>
          %dma_wait3A_199 = arith.constant 0 : i32
          %dma_wait3A_200 = arith.constant 0 : i32
          %dma_wait3A_201 = tpu.memref_slice %arg14[%dma_wait3A_199, %dma_wait3A_200] : memref<10240x64xf32, #tpu.memory_space<vmem_shared>> -> memref<10240x64xf32, #tpu.memory_space<vmem_shared>>
          tpu.wait_indirect_dma semaphore(%arg16 : memref<!tpu.dma_semaphore, #tpu.memory_space<semaphore_mem>>) src(%arg9 : memref<128x64xf32, #tpu.memory_space<vmem>>) dst(%dma_wait3A_201 : memref<10240x64xf32, #tpu.memory_space<vmem_shared>>)
        } else {
        }
        %add3A_187 = arith.constant 3 : i32
        %add3A_188 = arith.addi %add3A_117, %add3A_187 : i32
        %dma_start3A_189 = arith.constant 0 : i32
        %dma_start3A_190 = tpu.memref_slice %arg7[%add3A_188, %dma_start3A_189] : memref<160x128xi32, #tpu.memory_space<vmem>> -> memref<1x128xi32, #tpu.memory_space<vmem>>
        %dma_start3A_191 = tpu.memref_squeeze %dma_start3A_190 : memref<1x128xi32, #tpu.memory_space<vmem>> -> memref<128xi32, #tpu.memory_space<vmem>>
        %dma_start3A_192 = arith.constant 0 : i32
        %dma_start3A_193 = arith.constant 0 : i32
        %dma_start3A_194 = tpu.memref_slice %arg2[%dma_start3A_192, %dma_start3A_193] : memref<20000x64xf32, #tpu.memory_space<hbm>> -> memref<20000x64xf32, #tpu.memory_space<hbm>>
        tpu.enqueue_indirect_dma source(%dma_start3A_194 : memref<20000x64xf32, #tpu.memory_space<hbm>>) target(%arg9 : memref<128x64xf32, #tpu.memory_space<vmem>>) offsets(%dma_start3A_191 : memref<128xi32, #tpu.memory_space<vmem>>) semaphore(%arg15 : memref<!tpu.dma_semaphore, #tpu.memory_space<semaphore_mem>>)
      } else {
      }
      %mul3A_137 = arith.constant 4 : i32
      %mul3A_138 = arith.muli %mul3A_137, %scan3A_93 : i32
      %add3A_139 = arith.constant 2 : i32
      %add3A_140 = arith.addi %mul3A_138, %add3A_139 : i32
      %dma_wait3A_141 = arith.constant 0 : i32
      %dma_wait3A_142 = tpu.memref_slice %arg7[%add3A_140, %dma_wait3A_141] : memref<160x128xi32, #tpu.memory_space<vmem>> -> memref<1x128xi32, #tpu.memory_space<vmem>>
      %dma_wait3A_143 = tpu.memref_squeeze %dma_wait3A_142 : memref<1x128xi32, #tpu.memory_space<vmem>> -> memref<128xi32, #tpu.memory_space<vmem>>
      %dma_wait3A_144 = arith.constant 0 : i32
      %dma_wait3A_145 = arith.constant 0 : i32
      %dma_wait3A_146 = tpu.memref_slice %arg2[%dma_wait3A_144, %dma_wait3A_145] : memref<20000x64xf32, #tpu.memory_space<hbm>> -> memref<20000x64xf32, #tpu.memory_space<hbm>>
      tpu.wait_indirect_dma semaphore(%arg15 : memref<!tpu.dma_semaphore, #tpu.memory_space<semaphore_mem>>) src(%dma_wait3A_146 : memref<20000x64xf32, #tpu.memory_space<hbm>>) dst(%arg11 : memref<128x64xf32, #tpu.memory_space<vmem>>)
      %dma_start3A_147 = arith.constant 0 : i32
      %dma_start3A_148 = tpu.memref_slice %arg8[%add3A_140, %dma_start3A_147] : memref<160x128xi32, #tpu.memory_space<vmem>> -> memref<1x128xi32, #tpu.memory_space<vmem>>
      %dma_start3A_149 = tpu.memref_squeeze %dma_start3A_148 : memref<1x128xi32, #tpu.memory_space<vmem>> -> memref<128xi32, #tpu.memory_space<vmem>>
      %dma_start3A_150 = arith.constant 0 : i32
      %dma_start3A_151 = arith.constant 0 : i32
      %dma_start3A_152 = tpu.memref_slice %arg14[%dma_start3A_150, %dma_start3A_151] : memref<10240x64xf32, #tpu.memory_space<vmem_shared>> -> memref<10240x64xf32, #tpu.memory_space<vmem_shared>>
      tpu.enqueue_indirect_dma source(%arg11 : memref<128x64xf32, #tpu.memory_space<vmem>>) target(%dma_start3A_152 : memref<10240x64xf32, #tpu.memory_space<vmem_shared>>) offsets(%dma_start3A_149 : memref<128xi32, #tpu.memory_space<vmem>>) semaphore(%arg16 : memref<!tpu.dma_semaphore, #tpu.memory_space<semaphore_mem>>) {add = true}
      %add3A_153 = arith.constant 3 : i32
      %add3A_154 = arith.addi %add3A_140, %add3A_153 : i32
      %lt3A_155 = arith.constant 160 : i32
      %lt3A_156 = arith.cmpi slt, %add3A_154, %lt3A_155 : i32
      %convert_element_type3A_157 = arith.extui %lt3A_156 : i1 to i32
      %cond3A_158 = arith.constant 0 : i32
      %cond3A_159 = arith.cmpi ne, %convert_element_type3A_157, %cond3A_158 : i32
      scf.if %cond3A_159 {
        %ge3A = arith.constant 1 : i32
        %ge3A_183 = arith.cmpi sge, %add3A_140, %ge3A : i32
        %convert_element_type3A_184 = arith.extui %ge3A_183 : i1 to i32
        %cond3A_185 = arith.constant 0 : i32
        %cond3A_186 = arith.cmpi ne, %convert_element_type3A_184, %cond3A_185 : i32
        scf.if %cond3A_186 {
          %sub3A = arith.constant 1 : i32
          %sub3A_195 = arith.subi %add3A_140, %sub3A : i32
          %dma_wait3A_196 = arith.constant 0 : i32
          %dma_wait3A_197 = tpu.memref_slice %arg8[%sub3A_195, %dma_wait3A_196] : memref<160x128xi32, #tpu.memory_space<vmem>> -> memref<1x128xi32, #tpu.memory_space<vmem>>
          %dma_wait3A_198 = tpu.memref_squeeze %dma_wait3A_197 : memref<1x128xi32, #tpu.memory_space<vmem>> -> memref<128xi32, #tpu.memory_space<vmem>>
          %dma_wait3A_199 = arith.constant 0 : i32
          %dma_wait3A_200 = arith.constant 0 : i32
          %dma_wait3A_201 = tpu.memref_slice %arg14[%dma_wait3A_199, %dma_wait3A_200] : memref<10240x64xf32, #tpu.memory_space<vmem_shared>> -> memref<10240x64xf32, #tpu.memory_space<vmem_shared>>
          tpu.wait_indirect_dma semaphore(%arg16 : memref<!tpu.dma_semaphore, #tpu.memory_space<semaphore_mem>>) src(%arg10 : memref<128x64xf32, #tpu.memory_space<vmem>>) dst(%dma_wait3A_201 : memref<10240x64xf32, #tpu.memory_space<vmem_shared>>)
        } else {
        }
        %add3A_187 = arith.constant 3 : i32
        %add3A_188 = arith.addi %add3A_140, %add3A_187 : i32
        %dma_start3A_189 = arith.constant 0 : i32
        %dma_start3A_190 = tpu.memref_slice %arg7[%add3A_188, %dma_start3A_189] : memref<160x128xi32, #tpu.memory_space<vmem>> -> memref<1x128xi32, #tpu.memory_space<vmem>>
        %dma_start3A_191 = tpu.memref_squeeze %dma_start3A_190 : memref<1x128xi32, #tpu.memory_space<vmem>> -> memref<128xi32, #tpu.memory_space<vmem>>
        %dma_start3A_192 = arith.constant 0 : i32
        %dma_start3A_193 = arith.constant 0 : i32
        %dma_start3A_194 = tpu.memref_slice %arg2[%dma_start3A_192, %dma_start3A_193] : memref<20000x64xf32, #tpu.memory_space<hbm>> -> memref<20000x64xf32, #tpu.memory_space<hbm>>
        tpu.enqueue_indirect_dma source(%dma_start3A_194 : memref<20000x64xf32, #tpu.memory_space<hbm>>) target(%arg10 : memref<128x64xf32, #tpu.memory_space<vmem>>) offsets(%dma_start3A_191 : memref<128xi32, #tpu.memory_space<vmem>>) semaphore(%arg15 : memref<!tpu.dma_semaphore, #tpu.memory_space<semaphore_mem>>)
      } else {
      }
      %mul3A_160 = arith.constant 4 : i32
      %mul3A_161 = arith.muli %mul3A_160, %scan3A_93 : i32
      %add3A_162 = arith.constant 3 : i32
      %add3A_163 = arith.addi %mul3A_161, %add3A_162 : i32
      %dma_wait3A_164 = arith.constant 0 : i32
      %dma_wait3A_165 = tpu.memref_slice %arg7[%add3A_163, %dma_wait3A_164] : memref<160x128xi32, #tpu.memory_space<vmem>> -> memref<1x128xi32, #tpu.memory_space<vmem>>
      %dma_wait3A_166 = tpu.memref_squeeze %dma_wait3A_165 : memref<1x128xi32, #tpu.memory_space<vmem>> -> memref<128xi32, #tpu.memory_space<vmem>>
      %dma_wait3A_167 = arith.constant 0 : i32
      %dma_wait3A_168 = arith.constant 0 : i32
      %dma_wait3A_169 = tpu.memref_slice %arg2[%dma_wait3A_167, %dma_wait3A_168] : memref<20000x64xf32, #tpu.memory_space<hbm>> -> memref<20000x64xf32, #tpu.memory_space<hbm>>
      tpu.wait_indirect_dma semaphore(%arg15 : memref<!tpu.dma_semaphore, #tpu.memory_space<semaphore_mem>>) src(%dma_wait3A_169 : memref<20000x64xf32, #tpu.memory_space<hbm>>) dst(%arg12 : memref<128x64xf32, #tpu.memory_space<vmem>>)
      %dma_start3A_170 = arith.constant 0 : i32
      %dma_start3A_171 = tpu.memref_slice %arg8[%add3A_163, %dma_start3A_170] : memref<160x128xi32, #tpu.memory_space<vmem>> -> memref<1x128xi32, #tpu.memory_space<vmem>>
      %dma_start3A_172 = tpu.memref_squeeze %dma_start3A_171 : memref<1x128xi32, #tpu.memory_space<vmem>> -> memref<128xi32, #tpu.memory_space<vmem>>
      %dma_start3A_173 = arith.constant 0 : i32
      %dma_start3A_174 = arith.constant 0 : i32
      %dma_start3A_175 = tpu.memref_slice %arg14[%dma_start3A_173, %dma_start3A_174] : memref<10240x64xf32, #tpu.memory_space<vmem_shared>> -> memref<10240x64xf32, #tpu.memory_space<vmem_shared>>
      tpu.enqueue_indirect_dma source(%arg12 : memref<128x64xf32, #tpu.memory_space<vmem>>) target(%dma_start3A_175 : memref<10240x64xf32, #tpu.memory_space<vmem_shared>>) offsets(%dma_start3A_172 : memref<128xi32, #tpu.memory_space<vmem>>) semaphore(%arg16 : memref<!tpu.dma_semaphore, #tpu.memory_space<semaphore_mem>>) {add = true}
      %add3A_176 = arith.constant 3 : i32
      %add3A_177 = arith.addi %add3A_163, %add3A_176 : i32
      %lt3A_178 = arith.constant 160 : i32
      %lt3A_179 = arith.cmpi slt, %add3A_177, %lt3A_178 : i32
      %convert_element_type3A_180 = arith.extui %lt3A_179 : i1 to i32
      %cond3A_181 = arith.constant 0 : i32
      %cond3A_182 = arith.cmpi ne, %convert_element_type3A_180, %cond3A_181 : i32
      scf.if %cond3A_182 {
        %ge3A = arith.constant 1 : i32
        %ge3A_183 = arith.cmpi sge, %add3A_163, %ge3A : i32
        %convert_element_type3A_184 = arith.extui %ge3A_183 : i1 to i32
        %cond3A_185 = arith.constant 0 : i32
        %cond3A_186 = arith.cmpi ne, %convert_element_type3A_184, %cond3A_185 : i32
        scf.if %cond3A_186 {
          %sub3A = arith.constant 1 : i32
          %sub3A_195 = arith.subi %add3A_163, %sub3A : i32
          %dma_wait3A_196 = arith.constant 0 : i32
          %dma_wait3A_197 = tpu.memref_slice %arg8[%sub3A_195, %dma_wait3A_196] : memref<160x128xi32, #tpu.memory_space<vmem>> -> memref<1x128xi32, #tpu.memory_space<vmem>>
          %dma_wait3A_198 = tpu.memref_squeeze %dma_wait3A_197 : memref<1x128xi32, #tpu.memory_space<vmem>> -> memref<128xi32, #tpu.memory_space<vmem>>
          %dma_wait3A_199 = arith.constant 0 : i32
          %dma_wait3A_200 = arith.constant 0 : i32
          %dma_wait3A_201 = tpu.memref_slice %arg14[%dma_wait3A_199, %dma_wait3A_200] : memref<10240x64xf32, #tpu.memory_space<vmem_shared>> -> memref<10240x64xf32, #tpu.memory_space<vmem_shared>>
          tpu.wait_indirect_dma semaphore(%arg16 : memref<!tpu.dma_semaphore, #tpu.memory_space<semaphore_mem>>) src(%arg11 : memref<128x64xf32, #tpu.memory_space<vmem>>) dst(%dma_wait3A_201 : memref<10240x64xf32, #tpu.memory_space<vmem_shared>>)
        } else {
        }
        %add3A_187 = arith.constant 3 : i32
        %add3A_188 = arith.addi %add3A_163, %add3A_187 : i32
        %dma_start3A_189 = arith.constant 0 : i32
        %dma_start3A_190 = tpu.memref_slice %arg7[%add3A_188, %dma_start3A_189] : memref<160x128xi32, #tpu.memory_space<vmem>> -> memref<1x128xi32, #tpu.memory_space<vmem>>
        %dma_start3A_191 = tpu.memref_squeeze %dma_start3A_190 : memref<1x128xi32, #tpu.memory_space<vmem>> -> memref<128xi32, #tpu.memory_space<vmem>>
        %dma_start3A_192 = arith.constant 0 : i32
        %dma_start3A_193 = arith.constant 0 : i32
        %dma_start3A_194 = tpu.memref_slice %arg2[%dma_start3A_192, %dma_start3A_193] : memref<20000x64xf32, #tpu.memory_space<hbm>> -> memref<20000x64xf32, #tpu.memory_space<hbm>>
        tpu.enqueue_indirect_dma source(%dma_start3A_194 : memref<20000x64xf32, #tpu.memory_space<hbm>>) target(%arg11 : memref<128x64xf32, #tpu.memory_space<vmem>>) offsets(%dma_start3A_191 : memref<128xi32, #tpu.memory_space<vmem>>) semaphore(%arg15 : memref<!tpu.dma_semaphore, #tpu.memory_space<semaphore_mem>>)
      } else {
      }
    }
    %scan3A_41 = arith.constant 40 : i32
    %dma_wait3A = arith.constant 156 : i32
    %dma_wait3A_42 = arith.constant 0 : i32
    %dma_wait3A_43 = tpu.memref_slice %arg8[%dma_wait3A, %dma_wait3A_42] : memref<160x128xi32, #tpu.memory_space<vmem>> -> memref<1x128xi32, #tpu.memory_space<vmem>>
    %dma_wait3A_44 = tpu.memref_squeeze %dma_wait3A_43 : memref<1x128xi32, #tpu.memory_space<vmem>> -> memref<128xi32, #tpu.memory_space<vmem>>
    %dma_wait3A_45 = arith.constant 0 : i32
    %dma_wait3A_46 = arith.constant 0 : i32
    %dma_wait3A_47 = tpu.memref_slice %arg14[%dma_wait3A_45, %dma_wait3A_46] : memref<10240x64xf32, #tpu.memory_space<vmem_shared>> -> memref<10240x64xf32, #tpu.memory_space<vmem_shared>>
    tpu.wait_indirect_dma semaphore(%arg16 : memref<!tpu.dma_semaphore, #tpu.memory_space<semaphore_mem>>) src(%arg9 : memref<128x64xf32, #tpu.memory_space<vmem>>) dst(%dma_wait3A_47 : memref<10240x64xf32, #tpu.memory_space<vmem_shared>>)
    %dma_wait3A_48 = arith.constant 157 : i32
    %dma_wait3A_49 = arith.constant 0 : i32
    %dma_wait3A_50 = tpu.memref_slice %arg8[%dma_wait3A_48, %dma_wait3A_49] : memref<160x128xi32, #tpu.memory_space<vmem>> -> memref<1x128xi32, #tpu.memory_space<vmem>>
    %dma_wait3A_51 = tpu.memref_squeeze %dma_wait3A_50 : memref<1x128xi32, #tpu.memory_space<vmem>> -> memref<128xi32, #tpu.memory_space<vmem>>
    %dma_wait3A_52 = arith.constant 0 : i32
    %dma_wait3A_53 = arith.constant 0 : i32
    %dma_wait3A_54 = tpu.memref_slice %arg14[%dma_wait3A_52, %dma_wait3A_53] : memref<10240x64xf32, #tpu.memory_space<vmem_shared>> -> memref<10240x64xf32, #tpu.memory_space<vmem_shared>>
    tpu.wait_indirect_dma semaphore(%arg16 : memref<!tpu.dma_semaphore, #tpu.memory_space<semaphore_mem>>) src(%arg10 : memref<128x64xf32, #tpu.memory_space<vmem>>) dst(%dma_wait3A_54 : memref<10240x64xf32, #tpu.memory_space<vmem_shared>>)
    %dma_wait3A_55 = arith.constant 158 : i32
    %dma_wait3A_56 = arith.constant 0 : i32
    %dma_wait3A_57 = tpu.memref_slice %arg8[%dma_wait3A_55, %dma_wait3A_56] : memref<160x128xi32, #tpu.memory_space<vmem>> -> memref<1x128xi32, #tpu.memory_space<vmem>>
    %dma_wait3A_58 = tpu.memref_squeeze %dma_wait3A_57 : memref<1x128xi32, #tpu.memory_space<vmem>> -> memref<128xi32, #tpu.memory_space<vmem>>
    %dma_wait3A_59 = arith.constant 0 : i32
    %dma_wait3A_60 = arith.constant 0 : i32
    %dma_wait3A_61 = tpu.memref_slice %arg14[%dma_wait3A_59, %dma_wait3A_60] : memref<10240x64xf32, #tpu.memory_space<vmem_shared>> -> memref<10240x64xf32, #tpu.memory_space<vmem_shared>>
    tpu.wait_indirect_dma semaphore(%arg16 : memref<!tpu.dma_semaphore, #tpu.memory_space<semaphore_mem>>) src(%arg11 : memref<128x64xf32, #tpu.memory_space<vmem>>) dst(%dma_wait3A_61 : memref<10240x64xf32, #tpu.memory_space<vmem_shared>>)
    %dma_wait3A_62 = arith.constant 159 : i32
    %dma_wait3A_63 = arith.constant 0 : i32
    %dma_wait3A_64 = tpu.memref_slice %arg8[%dma_wait3A_62, %dma_wait3A_63] : memref<160x128xi32, #tpu.memory_space<vmem>> -> memref<1x128xi32, #tpu.memory_space<vmem>>
    %dma_wait3A_65 = tpu.memref_squeeze %dma_wait3A_64 : memref<1x128xi32, #tpu.memory_space<vmem>> -> memref<128xi32, #tpu.memory_space<vmem>>
    %dma_wait3A_66 = arith.constant 0 : i32
    %dma_wait3A_67 = arith.constant 0 : i32
    %dma_wait3A_68 = tpu.memref_slice %arg14[%dma_wait3A_66, %dma_wait3A_67] : memref<10240x64xf32, #tpu.memory_space<vmem_shared>> -> memref<10240x64xf32, #tpu.memory_space<vmem_shared>>
    tpu.wait_indirect_dma semaphore(%arg16 : memref<!tpu.dma_semaphore, #tpu.memory_space<semaphore_mem>>) src(%arg12 : memref<128x64xf32, #tpu.memory_space<vmem>>) dst(%dma_wait3A_68 : memref<10240x64xf32, #tpu.memory_space<vmem_shared>>)
    %barrier3A_69 = arith.constant 0 : index
    tpu.barrier barrier_id(%barrier3A_69)
    %mul3A_70 = arith.constant 10240 : i32
    %mul3A_71 = arith.muli %arg0, %mul3A_70 : i32
    %add3A_72 = arith.addi %mul3A_71, %mul3A_0 : i32
    %add3A_73 = arith.constant 0 : i32
    %add3A_74 = arith.addi %mul3A_0, %add3A_73 : i32
    "tpu.region"() ({
      %run_scoped3A = tpu.sem_alloc : memref<!tpu.dma_semaphore, #tpu.memory_space<semaphore_mem>>
      %dma_start3A_93 = arith.constant 0 : i32
      %dma_start3A_94 = tpu.memref_slice %arg14[%add3A_74, %dma_start3A_93] : memref<10240x64xf32, #tpu.memory_space<vmem_shared>> -> memref<128x64xf32, #tpu.memory_space<vmem_shared>>
      %dma_start3A_95 = arith.constant 0 : i32
      %dma_start3A_96 = tpu.memref_slice %arg14[%add3A_74, %dma_start3A_95] : memref<10240x64xf32, #tpu.memory_space<vmem_shared>> -> memref<128x64xf32, #tpu.memory_space<vmem_shared>>
      tpu.enqueue_dma source(%dma_start3A_96 : memref<128x64xf32, #tpu.memory_space<vmem_shared>>) target(%arg9 : memref<128x64xf32, #tpu.memory_space<vmem>>) target_semaphore(%run_scoped3A : memref<!tpu.dma_semaphore, #tpu.memory_space<semaphore_mem>>)
      %dma_wait3A_97 = arith.constant 0 : i32
      %dma_wait3A_98 = tpu.memref_slice %arg14[%add3A_74, %dma_wait3A_97] : memref<10240x64xf32, #tpu.memory_space<vmem_shared>> -> memref<128x64xf32, #tpu.memory_space<vmem_shared>>
      %dma_wait3A_99 = arith.constant 0 : i32
      %dma_wait3A_100 = tpu.memref_slice %arg14[%add3A_74, %dma_wait3A_99] : memref<10240x64xf32, #tpu.memory_space<vmem_shared>> -> memref<128x64xf32, #tpu.memory_space<vmem_shared>>
      tpu.wait_dma2 semaphore(%run_scoped3A : memref<!tpu.dma_semaphore, #tpu.memory_space<semaphore_mem>>) src(%dma_wait3A_100 : memref<128x64xf32, #tpu.memory_space<vmem_shared>>) dst(%arg9 : memref<128x64xf32, #tpu.memory_space<vmem>>)
      tpu.yield
    }) : () -> ()
    %add3A_75 = arith.constant 0 : i32
    %add3A_76 = arith.addi %add3A_72, %add3A_75 : i32
    "tpu.region"() ({
      %run_scoped3A = tpu.sem_alloc : memref<!tpu.dma_semaphore, #tpu.memory_space<semaphore_mem>>
      %dma_start3A_93 = arith.constant 0 : i32
      %dma_start3A_94 = tpu.memref_slice %arg6[%add3A_76, %dma_start3A_93] : memref<20480x64xf32, #tpu.memory_space<hbm>> -> memref<128x64xf32, #tpu.memory_space<hbm>>
      %dma_start3A_95 = arith.constant 0 : i32
      %dma_start3A_96 = tpu.memref_slice %arg6[%add3A_76, %dma_start3A_95] : memref<20480x64xf32, #tpu.memory_space<hbm>> -> memref<128x64xf32, #tpu.memory_space<hbm>>
      tpu.enqueue_dma source(%arg9 : memref<128x64xf32, #tpu.memory_space<vmem>>) target(%dma_start3A_96 : memref<128x64xf32, #tpu.memory_space<hbm>>) target_semaphore(%run_scoped3A : memref<!tpu.dma_semaphore, #tpu.memory_space<semaphore_mem>>)
      %dma_wait3A_97 = arith.constant 0 : i32
      %dma_wait3A_98 = tpu.memref_slice %arg6[%add3A_76, %dma_wait3A_97] : memref<20480x64xf32, #tpu.memory_space<hbm>> -> memref<128x64xf32, #tpu.memory_space<hbm>>
      %dma_wait3A_99 = arith.constant 0 : i32
      %dma_wait3A_100 = tpu.memref_slice %arg6[%add3A_76, %dma_wait3A_99] : memref<20480x64xf32, #tpu.memory_space<hbm>> -> memref<128x64xf32, #tpu.memory_space<hbm>>
      tpu.wait_dma2 semaphore(%run_scoped3A : memref<!tpu.dma_semaphore, #tpu.memory_space<semaphore_mem>>) src(%arg9 : memref<128x64xf32, #tpu.memory_space<vmem>>) dst(%dma_wait3A_100 : memref<128x64xf32, #tpu.memory_space<hbm>>)
      tpu.yield
    }) : () -> ()
    %add3A_77 = arith.constant 128 : i32
    %add3A_78 = arith.addi %mul3A_0, %add3A_77 : i32
    "tpu.region"() ({
      %run_scoped3A = tpu.sem_alloc : memref<!tpu.dma_semaphore, #tpu.memory_space<semaphore_mem>>
      %dma_start3A_93 = arith.constant 0 : i32
      %dma_start3A_94 = tpu.memref_slice %arg14[%add3A_78, %dma_start3A_93] : memref<10240x64xf32, #tpu.memory_space<vmem_shared>> -> memref<128x64xf32, #tpu.memory_space<vmem_shared>>
      %dma_start3A_95 = arith.constant 0 : i32
      %dma_start3A_96 = tpu.memref_slice %arg14[%add3A_78, %dma_start3A_95] : memref<10240x64xf32, #tpu.memory_space<vmem_shared>> -> memref<128x64xf32, #tpu.memory_space<vmem_shared>>
      tpu.enqueue_dma source(%dma_start3A_96 : memref<128x64xf32, #tpu.memory_space<vmem_shared>>) target(%arg9 : memref<128x64xf32, #tpu.memory_space<vmem>>) target_semaphore(%run_scoped3A : memref<!tpu.dma_semaphore, #tpu.memory_space<semaphore_mem>>)
      %dma_wait3A_97 = arith.constant 0 : i32
      %dma_wait3A_98 = tpu.memref_slice %arg14[%add3A_78, %dma_wait3A_97] : memref<10240x64xf32, #tpu.memory_space<vmem_shared>> -> memref<128x64xf32, #tpu.memory_space<vmem_shared>>
      %dma_wait3A_99 = arith.constant 0 : i32
      %dma_wait3A_100 = tpu.memref_slice %arg14[%add3A_78, %dma_wait3A_99] : memref<10240x64xf32, #tpu.memory_space<vmem_shared>> -> memref<128x64xf32, #tpu.memory_space<vmem_shared>>
      tpu.wait_dma2 semaphore(%run_scoped3A : memref<!tpu.dma_semaphore, #tpu.memory_space<semaphore_mem>>) src(%dma_wait3A_100 : memref<128x64xf32, #tpu.memory_space<vmem_shared>>) dst(%arg9 : memref<128x64xf32, #tpu.memory_space<vmem>>)
      tpu.yield
    }) : () -> ()
    %add3A_79 = arith.constant 128 : i32
    %add3A_80 = arith.addi %add3A_72, %add3A_79 : i32
    "tpu.region"() ({
      %run_scoped3A = tpu.sem_alloc : memref<!tpu.dma_semaphore, #tpu.memory_space<semaphore_mem>>
      %dma_start3A_93 = arith.constant 0 : i32
      %dma_start3A_94 = tpu.memref_slice %arg6[%add3A_80, %dma_start3A_93] : memref<20480x64xf32, #tpu.memory_space<hbm>> -> memref<128x64xf32, #tpu.memory_space<hbm>>
      %dma_start3A_95 = arith.constant 0 : i32
      %dma_start3A_96 = tpu.memref_slice %arg6[%add3A_80, %dma_start3A_95] : memref<20480x64xf32, #tpu.memory_space<hbm>> -> memref<128x64xf32, #tpu.memory_space<hbm>>
      tpu.enqueue_dma source(%arg9 : memref<128x64xf32, #tpu.memory_space<vmem>>) target(%dma_start3A_96 : memref<128x64xf32, #tpu.memory_space<hbm>>) target_semaphore(%run_scoped3A : memref<!tpu.dma_semaphore, #tpu.memory_space<semaphore_mem>>)
      %dma_wait3A_97 = arith.constant 0 : i32
      %dma_wait3A_98 = tpu.memref_slice %arg6[%add3A_80, %dma_wait3A_97] : memref<20480x64xf32, #tpu.memory_space<hbm>> -> memref<128x64xf32, #tpu.memory_space<hbm>>
      %dma_wait3A_99 = arith.constant 0 : i32
      %dma_wait3A_100 = tpu.memref_slice %arg6[%add3A_80, %dma_wait3A_99] : memref<20480x64xf32, #tpu.memory_space<hbm>> -> memref<128x64xf32, #tpu.memory_space<hbm>>
      tpu.wait_dma2 semaphore(%run_scoped3A : memref<!tpu.dma_semaphore, #tpu.memory_space<semaphore_mem>>) src(%arg9 : memref<128x64xf32, #tpu.memory_space<vmem>>) dst(%dma_wait3A_100 : memref<128x64xf32, #tpu.memory_space<hbm>>)
      tpu.yield
    }) : () -> ()
    %add3A_81 = arith.constant 256 : i32
    %add3A_82 = arith.addi %mul3A_0, %add3A_81 : i32
    "tpu.region"() ({
      %run_scoped3A = tpu.sem_alloc : memref<!tpu.dma_semaphore, #tpu.memory_space<semaphore_mem>>
      %dma_start3A_93 = arith.constant 0 : i32
      %dma_start3A_94 = tpu.memref_slice %arg14[%add3A_82, %dma_start3A_93] : memref<10240x64xf32, #tpu.memory_space<vmem_shared>> -> memref<128x64xf32, #tpu.memory_space<vmem_shared>>
      %dma_start3A_95 = arith.constant 0 : i32
      %dma_start3A_96 = tpu.memref_slice %arg14[%add3A_82, %dma_start3A_95] : memref<10240x64xf32, #tpu.memory_space<vmem_shared>> -> memref<128x64xf32, #tpu.memory_space<vmem_shared>>
      tpu.enqueue_dma source(%dma_start3A_96 : memref<128x64xf32, #tpu.memory_space<vmem_shared>>) target(%arg9 : memref<128x64xf32, #tpu.memory_space<vmem>>) target_semaphore(%run_scoped3A : memref<!tpu.dma_semaphore, #tpu.memory_space<semaphore_mem>>)
      %dma_wait3A_97 = arith.constant 0 : i32
      %dma_wait3A_98 = tpu.memref_slice %arg14[%add3A_82, %dma_wait3A_97] : memref<10240x64xf32, #tpu.memory_space<vmem_shared>> -> memref<128x64xf32, #tpu.memory_space<vmem_shared>>
      %dma_wait3A_99 = arith.constant 0 : i32
      %dma_wait3A_100 = tpu.memref_slice %arg14[%add3A_82, %dma_wait3A_99] : memref<10240x64xf32, #tpu.memory_space<vmem_shared>> -> memref<128x64xf32, #tpu.memory_space<vmem_shared>>
      tpu.wait_dma2 semaphore(%run_scoped3A : memref<!tpu.dma_semaphore, #tpu.memory_space<semaphore_mem>>) src(%dma_wait3A_100 : memref<128x64xf32, #tpu.memory_space<vmem_shared>>) dst(%arg9 : memref<128x64xf32, #tpu.memory_space<vmem>>)
      tpu.yield
    }) : () -> ()
    %add3A_83 = arith.constant 256 : i32
    %add3A_84 = arith.addi %add3A_72, %add3A_83 : i32
    "tpu.region"() ({
      %run_scoped3A = tpu.sem_alloc : memref<!tpu.dma_semaphore, #tpu.memory_space<semaphore_mem>>
      %dma_start3A_93 = arith.constant 0 : i32
      %dma_start3A_94 = tpu.memref_slice %arg6[%add3A_84, %dma_start3A_93] : memref<20480x64xf32, #tpu.memory_space<hbm>> -> memref<128x64xf32, #tpu.memory_space<hbm>>
      %dma_start3A_95 = arith.constant 0 : i32
      %dma_start3A_96 = tpu.memref_slice %arg6[%add3A_84, %dma_start3A_95] : memref<20480x64xf32, #tpu.memory_space<hbm>> -> memref<128x64xf32, #tpu.memory_space<hbm>>
      tpu.enqueue_dma source(%arg9 : memref<128x64xf32, #tpu.memory_space<vmem>>) target(%dma_start3A_96 : memref<128x64xf32, #tpu.memory_space<hbm>>) target_semaphore(%run_scoped3A : memref<!tpu.dma_semaphore, #tpu.memory_space<semaphore_mem>>)
      %dma_wait3A_97 = arith.constant 0 : i32
      %dma_wait3A_98 = tpu.memref_slice %arg6[%add3A_84, %dma_wait3A_97] : memref<20480x64xf32, #tpu.memory_space<hbm>> -> memref<128x64xf32, #tpu.memory_space<hbm>>
      %dma_wait3A_99 = arith.constant 0 : i32
      %dma_wait3A_100 = tpu.memref_slice %arg6[%add3A_84, %dma_wait3A_99] : memref<20480x64xf32, #tpu.memory_space<hbm>> -> memref<128x64xf32, #tpu.memory_space<hbm>>
      tpu.wait_dma2 semaphore(%run_scoped3A : memref<!tpu.dma_semaphore, #tpu.memory_space<semaphore_mem>>) src(%arg9 : memref<128x64xf32, #tpu.memory_space<vmem>>) dst(%dma_wait3A_100 : memref<128x64xf32, #tpu.memory_space<hbm>>)
      tpu.yield
    }) : () -> ()
    %add3A_85 = arith.constant 384 : i32
    %add3A_86 = arith.addi %mul3A_0, %add3A_85 : i32
    "tpu.region"() ({
      %run_scoped3A = tpu.sem_alloc : memref<!tpu.dma_semaphore, #tpu.memory_space<semaphore_mem>>
      %dma_start3A_93 = arith.constant 0 : i32
      %dma_start3A_94 = tpu.memref_slice %arg14[%add3A_86, %dma_start3A_93] : memref<10240x64xf32, #tpu.memory_space<vmem_shared>> -> memref<128x64xf32, #tpu.memory_space<vmem_shared>>
      %dma_start3A_95 = arith.constant 0 : i32
      %dma_start3A_96 = tpu.memref_slice %arg14[%add3A_86, %dma_start3A_95] : memref<10240x64xf32, #tpu.memory_space<vmem_shared>> -> memref<128x64xf32, #tpu.memory_space<vmem_shared>>
      tpu.enqueue_dma source(%dma_start3A_96 : memref<128x64xf32, #tpu.memory_space<vmem_shared>>) target(%arg9 : memref<128x64xf32, #tpu.memory_space<vmem>>) target_semaphore(%run_scoped3A : memref<!tpu.dma_semaphore, #tpu.memory_space<semaphore_mem>>)
      %dma_wait3A_97 = arith.constant 0 : i32
      %dma_wait3A_98 = tpu.memref_slice %arg14[%add3A_86, %dma_wait3A_97] : memref<10240x64xf32, #tpu.memory_space<vmem_shared>> -> memref<128x64xf32, #tpu.memory_space<vmem_shared>>
      %dma_wait3A_99 = arith.constant 0 : i32
      %dma_wait3A_100 = tpu.memref_slice %arg14[%add3A_86, %dma_wait3A_99] : memref<10240x64xf32, #tpu.memory_space<vmem_shared>> -> memref<128x64xf32, #tpu.memory_space<vmem_shared>>
      tpu.wait_dma2 semaphore(%run_scoped3A : memref<!tpu.dma_semaphore, #tpu.memory_space<semaphore_mem>>) src(%dma_wait3A_100 : memref<128x64xf32, #tpu.memory_space<vmem_shared>>) dst(%arg9 : memref<128x64xf32, #tpu.memory_space<vmem>>)
      tpu.yield
    }) : () -> ()
    %add3A_87 = arith.constant 384 : i32
    %add3A_88 = arith.addi %add3A_72, %add3A_87 : i32
    "tpu.region"() ({
      %run_scoped3A = tpu.sem_alloc : memref<!tpu.dma_semaphore, #tpu.memory_space<semaphore_mem>>
      %dma_start3A_93 = arith.constant 0 : i32
      %dma_start3A_94 = tpu.memref_slice %arg6[%add3A_88, %dma_start3A_93] : memref<20480x64xf32, #tpu.memory_space<hbm>> -> memref<128x64xf32, #tpu.memory_space<hbm>>
      %dma_start3A_95 = arith.constant 0 : i32
      %dma_start3A_96 = tpu.memref_slice %arg6[%add3A_88, %dma_start3A_95] : memref<20480x64xf32, #tpu.memory_space<hbm>> -> memref<128x64xf32, #tpu.memory_space<hbm>>
      tpu.enqueue_dma source(%arg9 : memref<128x64xf32, #tpu.memory_space<vmem>>) target(%dma_start3A_96 : memref<128x64xf32, #tpu.memory_space<hbm>>) target_semaphore(%run_scoped3A : memref<!tpu.dma_semaphore, #tpu.memory_space<semaphore_mem>>)
      %dma_wait3A_97 = arith.constant 0 : i32
      %dma_wait3A_98 = tpu.memref_slice %arg6[%add3A_88, %dma_wait3A_97] : memref<20480x64xf32, #tpu.memory_space<hbm>> -> memref<128x64xf32, #tpu.memory_space<hbm>>
      %dma_wait3A_99 = arith.constant 0 : i32
      %dma_wait3A_100 = tpu.memref_slice %arg6[%add3A_88, %dma_wait3A_99] : memref<20480x64xf32, #tpu.memory_space<hbm>> -> memref<128x64xf32, #tpu.memory_space<hbm>>
      tpu.wait_dma2 semaphore(%run_scoped3A : memref<!tpu.dma_semaphore, #tpu.memory_space<semaphore_mem>>) src(%arg9 : memref<128x64xf32, #tpu.memory_space<vmem>>) dst(%dma_wait3A_100 : memref<128x64xf32, #tpu.memory_space<hbm>>)
      tpu.yield
    }) : () -> ()
    %add3A_89 = arith.constant 512 : i32
    %add3A_90 = arith.addi %mul3A_0, %add3A_89 : i32
    "tpu.region"() ({
      %run_scoped3A = tpu.sem_alloc : memref<!tpu.dma_semaphore, #tpu.memory_space<semaphore_mem>>
      %dma_start3A_93 = arith.constant 0 : i32
      %dma_start3A_94 = tpu.memref_slice %arg14[%add3A_90, %dma_start3A_93] : memref<10240x64xf32, #tpu.memory_space<vmem_shared>> -> memref<128x64xf32, #tpu.memory_space<vmem_shared>>
      %dma_start3A_95 = arith.constant 0 : i32
      %dma_start3A_96 = tpu.memref_slice %arg14[%add3A_90, %dma_start3A_95] : memref<10240x64xf32, #tpu.memory_space<vmem_shared>> -> memref<128x64xf32, #tpu.memory_space<vmem_shared>>
      tpu.enqueue_dma source(%dma_start3A_96 : memref<128x64xf32, #tpu.memory_space<vmem_shared>>) target(%arg9 : memref<128x64xf32, #tpu.memory_space<vmem>>) target_semaphore(%run_scoped3A : memref<!tpu.dma_semaphore, #tpu.memory_space<semaphore_mem>>)
      %dma_wait3A_97 = arith.constant 0 : i32
      %dma_wait3A_98 = tpu.memref_slice %arg14[%add3A_90, %dma_wait3A_97] : memref<10240x64xf32, #tpu.memory_space<vmem_shared>> -> memref<128x64xf32, #tpu.memory_space<vmem_shared>>
      %dma_wait3A_99 = arith.constant 0 : i32
      %dma_wait3A_100 = tpu.memref_slice %arg14[%add3A_90, %dma_wait3A_99] : memref<10240x64xf32, #tpu.memory_space<vmem_shared>> -> memref<128x64xf32, #tpu.memory_space<vmem_shared>>
      tpu.wait_dma2 semaphore(%run_scoped3A : memref<!tpu.dma_semaphore, #tpu.memory_space<semaphore_mem>>) src(%dma_wait3A_100 : memref<128x64xf32, #tpu.memory_space<vmem_shared>>) dst(%arg9 : memref<128x64xf32, #tpu.memory_space<vmem>>)
      tpu.yield
    }) : () -> ()
    %add3A_91 = arith.constant 512 : i32
    %add3A_92 = arith.addi %add3A_72, %add3A_91 : i32
    "tpu.region"() ({
      %run_scoped3A = tpu.sem_alloc : memref<!tpu.dma_semaphore, #tpu.memory_space<semaphore_mem>>
      %dma_start3A_93 = arith.constant 0 : i32
      %dma_start3A_94 = tpu.memref_slice %arg6[%add3A_92, %dma_start3A_93] : memref<20480x64xf32, #tpu.memory_space<hbm>> -> memref<128x64xf32, #tpu.memory_space<hbm>>
      %dma_start3A_95 = arith.constant 0 : i32
      %dma_start3A_96 = tpu.memref_slice %arg6[%add3A_92, %dma_start3A_95] : memref<20480x64xf32, #tpu.memory_space<hbm>> -> memref<128x64xf32, #tpu.memory_space<hbm>>
      tpu.enqueue_dma source(%arg9 : memref<128x64xf32, #tpu.memory_space<vmem>>) target(%dma_start3A_96 : memref<128x64xf32, #tpu.memory_space<hbm>>) target_semaphore(%run_scoped3A : memref<!tpu.dma_semaphore, #tpu.memory_space<semaphore_mem>>)
      %dma_wait3A_97 = arith.constant 0 : i32
      %dma_wait3A_98 = tpu.memref_slice %arg6[%add3A_92, %dma_wait3A_97] : memref<20480x64xf32, #tpu.memory_space<hbm>> -> memref<128x64xf32, #tpu.memory_space<hbm>>
      %dma_wait3A_99 = arith.constant 0 : i32
      %dma_wait3A_100 = tpu.memref_slice %arg6[%add3A_92, %dma_wait3A_99] : memref<20480x64xf32, #tpu.memory_space<hbm>> -> memref<128x64xf32, #tpu.memory_space<hbm>>
      tpu.wait_dma2 semaphore(%run_scoped3A : memref<!tpu.dma_semaphore, #tpu.memory_space<semaphore_mem>>) src(%arg9 : memref<128x64xf32, #tpu.memory_space<vmem>>) dst(%dma_wait3A_100 : memref<128x64xf32, #tpu.memory_space<hbm>>)
      tpu.yield
    }) : () -> ()
    return
  }
}

#map = affine_map<(d0, d1) -> (0, 0)>
module attributes {stable_mosaic.version = 14 : i64} {
  func.func @_sc_agg_body(%arg0: i32, %arg1: i32, %arg2: memref<20000x64xf32, #tpu.memory_space<hbm>>, %arg3: memref<5120x128xi32, #tpu.memory_space<hbm>>, %arg4: memref<2560x128xi32, #tpu.memory_space<hbm>>, %arg5: memref<128x64xf32, #tpu.memory_space<hbm>>, %arg6: memref<20480x64xf32, #tpu.memory_space<hbm>>, %arg7: memref<160x128xi32, #tpu.memory_space<vmem>>, %arg8: memref<160x128xi32, #tpu.memory_space<vmem>>, %arg9: memref<128x64xf32, #tpu.memory_space<vmem>>, %arg10: memref<128x64xf32, #tpu.memory_space<vmem>>, %arg11: memref<128x64xf32, #tpu.memory_space<vmem>>, %arg12: memref<128x64xf32, #tpu.memory_space<vmem>>, %arg13: memref<128x64xf32, #tpu.memory_space<vmem>>, %arg14: memref<10240x64xf32, #tpu.memory_space<vmem_shared>>, %arg15: memref<!tpu.dma_semaphore, #tpu.memory_space<semaphore_mem>>, %arg16: memref<!tpu.dma_semaphore, #tpu.memory_space<semaphore_mem>>) attributes {dimension_semantics = [#tpu.dimension_semantics<core_parallel>, #tpu.dimension_semantics<subcore_parallel>], iteration_bounds = array<i64: 2, 16>, scalar_prefetch = 0 : i64, scratch_operands = 10 : i64, tpu.core_type = #tpu.core_type<sc_vector_subcore>, window_params = [{transform_indices = #map}, {transform_indices = #map}, {transform_indices = #map}, {transform_indices = #map}, {transform_indices = #map}]} {
    %mul3A = arith.constant 640 : i32
    %mul3A_0 = arith.muli %arg1, %mul3A : i32
    %mul3A_1 = arith.constant 16 : i32
    %mul3A_2 = arith.muli %arg0, %mul3A_1 : i32
    %add3A = arith.addi %mul3A_2, %arg1 : i32
    %mul3A_3 = arith.constant 160 : i32
    %mul3A_4 = arith.muli %add3A, %mul3A_3 : i32
    "tpu.region"() ({
      %run_scoped3A = tpu.sem_alloc : memref<!tpu.dma_semaphore, #tpu.memory_space<semaphore_mem>>
      %dma_start3A_93 = arith.constant 0 : i32
      %dma_start3A_94 = tpu.memref_slice %arg3[%mul3A_4, %dma_start3A_93] : memref<5120x128xi32, #tpu.memory_space<hbm>> -> memref<160x128xi32, #tpu.memory_space<hbm>>
      %dma_start3A_95 = arith.constant 0 : i32
      %dma_start3A_96 = tpu.memref_slice %arg3[%mul3A_4, %dma_start3A_95] : memref<5120x128xi32, #tpu.memory_space<hbm>> -> memref<160x128xi32, #tpu.memory_space<hbm>>
      tpu.enqueue_dma source(%dma_start3A_96 : memref<160x128xi32, #tpu.memory_space<hbm>>) target(%arg7 : memref<160x128xi32, #tpu.memory_space<vmem>>) target_semaphore(%run_scoped3A : memref<!tpu.dma_semaphore, #tpu.memory_space<semaphore_mem>>)
      %dma_wait3A_97 = arith.constant 0 : i32
      %dma_wait3A_98 = tpu.memref_slice %arg3[%mul3A_4, %dma_wait3A_97] : memref<5120x128xi32, #tpu.memory_space<hbm>> -> memref<160x128xi32, #tpu.memory_space<hbm>>
      %dma_wait3A_99 = arith.constant 0 : i32
      %dma_wait3A_100 = tpu.memref_slice %arg3[%mul3A_4, %dma_wait3A_99] : memref<5120x128xi32, #tpu.memory_space<hbm>> -> memref<160x128xi32, #tpu.memory_space<hbm>>
      tpu.wait_dma2 semaphore(%run_scoped3A : memref<!tpu.dma_semaphore, #tpu.memory_space<semaphore_mem>>) src(%dma_wait3A_100 : memref<160x128xi32, #tpu.memory_space<hbm>>) dst(%arg7 : memref<160x128xi32, #tpu.memory_space<vmem>>)
      tpu.yield
    }) : () -> ()
    %mul3A_5 = arith.constant 160 : i32
    %mul3A_6 = arith.muli %arg1, %mul3A_5 : i32
    "tpu.region"() ({
      %run_scoped3A = tpu.sem_alloc : memref<!tpu.dma_semaphore, #tpu.memory_space<semaphore_mem>>
      %dma_start3A_93 = arith.constant 0 : i32
      %dma_start3A_94 = tpu.memref_slice %arg4[%mul3A_6, %dma_start3A_93] : memref<2560x128xi32, #tpu.memory_space<hbm>> -> memref<160x128xi32, #tpu.memory_space<hbm>>
      %dma_start3A_95 = arith.constant 0 : i32
      %dma_start3A_96 = tpu.memref_slice %arg4[%mul3A_6, %dma_start3A_95] : memref<2560x128xi32, #tpu.memory_space<hbm>> -> memref<160x128xi32, #tpu.memory_space<hbm>>
      tpu.enqueue_dma source(%dma_start3A_96 : memref<160x128xi32, #tpu.memory_space<hbm>>) target(%arg8 : memref<160x128xi32, #tpu.memory_space<vmem>>) target_semaphore(%run_scoped3A : memref<!tpu.dma_semaphore, #tpu.memory_space<semaphore_mem>>)
      %dma_wait3A_97 = arith.constant 0 : i32
      %dma_wait3A_98 = tpu.memref_slice %arg4[%mul3A_6, %dma_wait3A_97] : memref<2560x128xi32, #tpu.memory_space<hbm>> -> memref<160x128xi32, #tpu.memory_space<hbm>>
      %dma_wait3A_99 = arith.constant 0 : i32
      %dma_wait3A_100 = tpu.memref_slice %arg4[%mul3A_6, %dma_wait3A_99] : memref<2560x128xi32, #tpu.memory_space<hbm>> -> memref<160x128xi32, #tpu.memory_space<hbm>>
      tpu.wait_dma2 semaphore(%run_scoped3A : memref<!tpu.dma_semaphore, #tpu.memory_space<semaphore_mem>>) src(%dma_wait3A_100 : memref<160x128xi32, #tpu.memory_space<hbm>>) dst(%arg8 : memref<160x128xi32, #tpu.memory_space<vmem>>)
      tpu.yield
    }) : () -> ()
    "tpu.region"() ({
      %run_scoped3A = tpu.sem_alloc : memref<!tpu.dma_semaphore, #tpu.memory_space<semaphore_mem>>
      tpu.enqueue_dma source(%arg5 : memref<128x64xf32, #tpu.memory_space<hbm>>) target(%arg13 : memref<128x64xf32, #tpu.memory_space<vmem>>) target_semaphore(%run_scoped3A : memref<!tpu.dma_semaphore, #tpu.memory_space<semaphore_mem>>)
      tpu.wait_dma2 semaphore(%run_scoped3A : memref<!tpu.dma_semaphore, #tpu.memory_space<semaphore_mem>>) src(%arg5 : memref<128x64xf32, #tpu.memory_space<hbm>>) dst(%arg13 : memref<128x64xf32, #tpu.memory_space<vmem>>)
      tpu.yield
    }) : () -> ()
    %add3A_7 = arith.constant 0 : i32
    %add3A_8 = arith.addi %mul3A_0, %add3A_7 : i32
    "tpu.region"() ({
      %run_scoped3A = tpu.sem_alloc : memref<!tpu.dma_semaphore, #tpu.memory_space<semaphore_mem>>
      %dma_start3A_93 = arith.constant 0 : i32
      %dma_start3A_94 = tpu.memref_slice %arg14[%add3A_8, %dma_start3A_93] : memref<10240x64xf32, #tpu.memory_space<vmem_shared>> -> memref<128x64xf32, #tpu.memory_space<vmem_shared>>
      %dma_start3A_95 = arith.constant 0 : i32
      %dma_start3A_96 = tpu.memref_slice %arg14[%add3A_8, %dma_start3A_95] : memref<10240x64xf32, #tpu.memory_space<vmem_shared>> -> memref<128x64xf32, #tpu.memory_space<vmem_shared>>
      tpu.enqueue_dma source(%arg13 : memref<128x64xf32, #tpu.memory_space<vmem>>) target(%dma_start3A_96 : memref<128x64xf32, #tpu.memory_space<vmem_shared>>) target_semaphore(%run_scoped3A : memref<!tpu.dma_semaphore, #tpu.memory_space<semaphore_mem>>)
      %dma_wait3A_97 = arith.constant 0 : i32
      %dma_wait3A_98 = tpu.memref_slice %arg14[%add3A_8, %dma_wait3A_97] : memref<10240x64xf32, #tpu.memory_space<vmem_shared>> -> memref<128x64xf32, #tpu.memory_space<vmem_shared>>
      %dma_wait3A_99 = arith.constant 0 : i32
      %dma_wait3A_100 = tpu.memref_slice %arg14[%add3A_8, %dma_wait3A_99] : memref<10240x64xf32, #tpu.memory_space<vmem_shared>> -> memref<128x64xf32, #tpu.memory_space<vmem_shared>>
      tpu.wait_dma2 semaphore(%run_scoped3A : memref<!tpu.dma_semaphore, #tpu.memory_space<semaphore_mem>>) src(%arg13 : memref<128x64xf32, #tpu.memory_space<vmem>>) dst(%dma_wait3A_100 : memref<128x64xf32, #tpu.memory_space<vmem_shared>>)
      tpu.yield
    }) : () -> ()
    %add3A_9 = arith.constant 128 : i32
    %add3A_10 = arith.addi %mul3A_0, %add3A_9 : i32
    "tpu.region"() ({
      %run_scoped3A = tpu.sem_alloc : memref<!tpu.dma_semaphore, #tpu.memory_space<semaphore_mem>>
      %dma_start3A_93 = arith.constant 0 : i32
      %dma_start3A_94 = tpu.memref_slice %arg14[%add3A_10, %dma_start3A_93] : memref<10240x64xf32, #tpu.memory_space<vmem_shared>> -> memref<128x64xf32, #tpu.memory_space<vmem_shared>>
      %dma_start3A_95 = arith.constant 0 : i32
      %dma_start3A_96 = tpu.memref_slice %arg14[%add3A_10, %dma_start3A_95] : memref<10240x64xf32, #tpu.memory_space<vmem_shared>> -> memref<128x64xf32, #tpu.memory_space<vmem_shared>>
      tpu.enqueue_dma source(%arg13 : memref<128x64xf32, #tpu.memory_space<vmem>>) target(%dma_start3A_96 : memref<128x64xf32, #tpu.memory_space<vmem_shared>>) target_semaphore(%run_scoped3A : memref<!tpu.dma_semaphore, #tpu.memory_space<semaphore_mem>>)
      %dma_wait3A_97 = arith.constant 0 : i32
      %dma_wait3A_98 = tpu.memref_slice %arg14[%add3A_10, %dma_wait3A_97] : memref<10240x64xf32, #tpu.memory_space<vmem_shared>> -> memref<128x64xf32, #tpu.memory_space<vmem_shared>>
      %dma_wait3A_99 = arith.constant 0 : i32
      %dma_wait3A_100 = tpu.memref_slice %arg14[%add3A_10, %dma_wait3A_99] : memref<10240x64xf32, #tpu.memory_space<vmem_shared>> -> memref<128x64xf32, #tpu.memory_space<vmem_shared>>
      tpu.wait_dma2 semaphore(%run_scoped3A : memref<!tpu.dma_semaphore, #tpu.memory_space<semaphore_mem>>) src(%arg13 : memref<128x64xf32, #tpu.memory_space<vmem>>) dst(%dma_wait3A_100 : memref<128x64xf32, #tpu.memory_space<vmem_shared>>)
      tpu.yield
    }) : () -> ()
    %add3A_11 = arith.constant 256 : i32
    %add3A_12 = arith.addi %mul3A_0, %add3A_11 : i32
    "tpu.region"() ({
      %run_scoped3A = tpu.sem_alloc : memref<!tpu.dma_semaphore, #tpu.memory_space<semaphore_mem>>
      %dma_start3A_93 = arith.constant 0 : i32
      %dma_start3A_94 = tpu.memref_slice %arg14[%add3A_12, %dma_start3A_93] : memref<10240x64xf32, #tpu.memory_space<vmem_shared>> -> memref<128x64xf32, #tpu.memory_space<vmem_shared>>
      %dma_start3A_95 = arith.constant 0 : i32
      %dma_start3A_96 = tpu.memref_slice %arg14[%add3A_12, %dma_start3A_95] : memref<10240x64xf32, #tpu.memory_space<vmem_shared>> -> memref<128x64xf32, #tpu.memory_space<vmem_shared>>
      tpu.enqueue_dma source(%arg13 : memref<128x64xf32, #tpu.memory_space<vmem>>) target(%dma_start3A_96 : memref<128x64xf32, #tpu.memory_space<vmem_shared>>) target_semaphore(%run_scoped3A : memref<!tpu.dma_semaphore, #tpu.memory_space<semaphore_mem>>)
      %dma_wait3A_97 = arith.constant 0 : i32
      %dma_wait3A_98 = tpu.memref_slice %arg14[%add3A_12, %dma_wait3A_97] : memref<10240x64xf32, #tpu.memory_space<vmem_shared>> -> memref<128x64xf32, #tpu.memory_space<vmem_shared>>
      %dma_wait3A_99 = arith.constant 0 : i32
      %dma_wait3A_100 = tpu.memref_slice %arg14[%add3A_12, %dma_wait3A_99] : memref<10240x64xf32, #tpu.memory_space<vmem_shared>> -> memref<128x64xf32, #tpu.memory_space<vmem_shared>>
      tpu.wait_dma2 semaphore(%run_scoped3A : memref<!tpu.dma_semaphore, #tpu.memory_space<semaphore_mem>>) src(%arg13 : memref<128x64xf32, #tpu.memory_space<vmem>>) dst(%dma_wait3A_100 : memref<128x64xf32, #tpu.memory_space<vmem_shared>>)
      tpu.yield
    }) : () -> ()
    %add3A_13 = arith.constant 384 : i32
    %add3A_14 = arith.addi %mul3A_0, %add3A_13 : i32
    "tpu.region"() ({
      %run_scoped3A = tpu.sem_alloc : memref<!tpu.dma_semaphore, #tpu.memory_space<semaphore_mem>>
      %dma_start3A_93 = arith.constant 0 : i32
      %dma_start3A_94 = tpu.memref_slice %arg14[%add3A_14, %dma_start3A_93] : memref<10240x64xf32, #tpu.memory_space<vmem_shared>> -> memref<128x64xf32, #tpu.memory_space<vmem_shared>>
      %dma_start3A_95 = arith.constant 0 : i32
      %dma_start3A_96 = tpu.memref_slice %arg14[%add3A_14, %dma_start3A_95] : memref<10240x64xf32, #tpu.memory_space<vmem_shared>> -> memref<128x64xf32, #tpu.memory_space<vmem_shared>>
      tpu.enqueue_dma source(%arg13 : memref<128x64xf32, #tpu.memory_space<vmem>>) target(%dma_start3A_96 : memref<128x64xf32, #tpu.memory_space<vmem_shared>>) target_semaphore(%run_scoped3A : memref<!tpu.dma_semaphore, #tpu.memory_space<semaphore_mem>>)
      %dma_wait3A_97 = arith.constant 0 : i32
      %dma_wait3A_98 = tpu.memref_slice %arg14[%add3A_14, %dma_wait3A_97] : memref<10240x64xf32, #tpu.memory_space<vmem_shared>> -> memref<128x64xf32, #tpu.memory_space<vmem_shared>>
      %dma_wait3A_99 = arith.constant 0 : i32
      %dma_wait3A_100 = tpu.memref_slice %arg14[%add3A_14, %dma_wait3A_99] : memref<10240x64xf32, #tpu.memory_space<vmem_shared>> -> memref<128x64xf32, #tpu.memory_space<vmem_shared>>
      tpu.wait_dma2 semaphore(%run_scoped3A : memref<!tpu.dma_semaphore, #tpu.memory_space<semaphore_mem>>) src(%arg13 : memref<128x64xf32, #tpu.memory_space<vmem>>) dst(%dma_wait3A_100 : memref<128x64xf32, #tpu.memory_space<vmem_shared>>)
      tpu.yield
    }) : () -> ()
    %add3A_15 = arith.constant 512 : i32
    %add3A_16 = arith.addi %mul3A_0, %add3A_15 : i32
    "tpu.region"() ({
      %run_scoped3A = tpu.sem_alloc : memref<!tpu.dma_semaphore, #tpu.memory_space<semaphore_mem>>
      %dma_start3A_93 = arith.constant 0 : i32
      %dma_start3A_94 = tpu.memref_slice %arg14[%add3A_16, %dma_start3A_93] : memref<10240x64xf32, #tpu.memory_space<vmem_shared>> -> memref<128x64xf32, #tpu.memory_space<vmem_shared>>
      %dma_start3A_95 = arith.constant 0 : i32
      %dma_start3A_96 = tpu.memref_slice %arg14[%add3A_16, %dma_start3A_95] : memref<10240x64xf32, #tpu.memory_space<vmem_shared>> -> memref<128x64xf32, #tpu.memory_space<vmem_shared>>
      tpu.enqueue_dma source(%arg13 : memref<128x64xf32, #tpu.memory_space<vmem>>) target(%dma_start3A_96 : memref<128x64xf32, #tpu.memory_space<vmem_shared>>) target_semaphore(%run_scoped3A : memref<!tpu.dma_semaphore, #tpu.memory_space<semaphore_mem>>)
      %dma_wait3A_97 = arith.constant 0 : i32
      %dma_wait3A_98 = tpu.memref_slice %arg14[%add3A_16, %dma_wait3A_97] : memref<10240x64xf32, #tpu.memory_space<vmem_shared>> -> memref<128x64xf32, #tpu.memory_space<vmem_shared>>
      %dma_wait3A_99 = arith.constant 0 : i32
      %dma_wait3A_100 = tpu.memref_slice %arg14[%add3A_16, %dma_wait3A_99] : memref<10240x64xf32, #tpu.memory_space<vmem_shared>> -> memref<128x64xf32, #tpu.memory_space<vmem_shared>>
      tpu.wait_dma2 semaphore(%run_scoped3A : memref<!tpu.dma_semaphore, #tpu.memory_space<semaphore_mem>>) src(%arg13 : memref<128x64xf32, #tpu.memory_space<vmem>>) dst(%dma_wait3A_100 : memref<128x64xf32, #tpu.memory_space<vmem_shared>>)
      tpu.yield
    }) : () -> ()
    %barrier3A = arith.constant 0 : index
    tpu.barrier barrier_id(%barrier3A)
    %dma_start3A = arith.constant 0 : i32
    %dma_start3A_17 = arith.constant 0 : i32
    %dma_start3A_18 = tpu.memref_slice %arg7[%dma_start3A, %dma_start3A_17] : memref<160x128xi32, #tpu.memory_space<vmem>> -> memref<1x128xi32, #tpu.memory_space<vmem>>
    %dma_start3A_19 = tpu.memref_squeeze %dma_start3A_18 : memref<1x128xi32, #tpu.memory_space<vmem>> -> memref<128xi32, #tpu.memory_space<vmem>>
    %dma_start3A_20 = arith.constant 0 : i32
    %dma_start3A_21 = arith.constant 0 : i32
    %dma_start3A_22 = tpu.memref_slice %arg2[%dma_start3A_20, %dma_start3A_21] : memref<20000x64xf32, #tpu.memory_space<hbm>> -> memref<20000x64xf32, #tpu.memory_space<hbm>>
    tpu.enqueue_indirect_dma source(%dma_start3A_22 : memref<20000x64xf32, #tpu.memory_space<hbm>>) target(%arg9 : memref<128x64xf32, #tpu.memory_space<vmem>>) offsets(%dma_start3A_19 : memref<128xi32, #tpu.memory_space<vmem>>) semaphore(%arg15 : memref<!tpu.dma_semaphore, #tpu.memory_space<semaphore_mem>>)
    %dma_start3A_23 = arith.constant 1 : i32
    %dma_start3A_24 = arith.constant 0 : i32
    %dma_start3A_25 = tpu.memref_slice %arg7[%dma_start3A_23, %dma_start3A_24] : memref<160x128xi32, #tpu.memory_space<vmem>> -> memref<1x128xi32, #tpu.memory_space<vmem>>
    %dma_start3A_26 = tpu.memref_squeeze %dma_start3A_25 : memref<1x128xi32, #tpu.memory_space<vmem>> -> memref<128xi32, #tpu.memory_space<vmem>>
    %dma_start3A_27 = arith.constant 0 : i32
    %dma_start3A_28 = arith.constant 0 : i32
    %dma_start3A_29 = tpu.memref_slice %arg2[%dma_start3A_27, %dma_start3A_28] : memref<20000x64xf32, #tpu.memory_space<hbm>> -> memref<20000x64xf32, #tpu.memory_space<hbm>>
    tpu.enqueue_indirect_dma source(%dma_start3A_29 : memref<20000x64xf32, #tpu.memory_space<hbm>>) target(%arg10 : memref<128x64xf32, #tpu.memory_space<vmem>>) offsets(%dma_start3A_26 : memref<128xi32, #tpu.memory_space<vmem>>) semaphore(%arg15 : memref<!tpu.dma_semaphore, #tpu.memory_space<semaphore_mem>>)
    %dma_start3A_30 = arith.constant 2 : i32
    %dma_start3A_31 = arith.constant 0 : i32
    %dma_start3A_32 = tpu.memref_slice %arg7[%dma_start3A_30, %dma_start3A_31] : memref<160x128xi32, #tpu.memory_space<vmem>> -> memref<1x128xi32, #tpu.memory_space<vmem>>
    %dma_start3A_33 = tpu.memref_squeeze %dma_start3A_32 : memref<1x128xi32, #tpu.memory_space<vmem>> -> memref<128xi32, #tpu.memory_space<vmem>>
    %dma_start3A_34 = arith.constant 0 : i32
    %dma_start3A_35 = arith.constant 0 : i32
    %dma_start3A_36 = tpu.memref_slice %arg2[%dma_start3A_34, %dma_start3A_35] : memref<20000x64xf32, #tpu.memory_space<hbm>> -> memref<20000x64xf32, #tpu.memory_space<hbm>>
    tpu.enqueue_indirect_dma source(%dma_start3A_36 : memref<20000x64xf32, #tpu.memory_space<hbm>>) target(%arg11 : memref<128x64xf32, #tpu.memory_space<vmem>>) offsets(%dma_start3A_33 : memref<128xi32, #tpu.memory_space<vmem>>) semaphore(%arg15 : memref<!tpu.dma_semaphore, #tpu.memory_space<semaphore_mem>>)
    %scan3A = arith.constant 0 : i32
    %scan3A_37 = arith.constant 0 : i32
    %scan3A_38 = arith.constant 40 : i32
    %scan3A_39 = arith.addi %scan3A_37, %scan3A_38 : i32
    %scan3A_40 = arith.constant 1 : i32
    scf.for %scan3A_93 = %scan3A_37 to %scan3A_39 step %scan3A_40  : i32 {
      %mul3A_94 = arith.constant 4 : i32
      %mul3A_95 = arith.muli %mul3A_94, %scan3A_93 : i32
      %add3A_96 = arith.constant 0 : i32
      %add3A_97 = arith.addi %mul3A_95, %add3A_96 : i32
      %dma_wait3A_98 = arith.constant 0 : i32
      %dma_wait3A_99 = tpu.memref_slice %arg7[%add3A_97, %dma_wait3A_98] : memref<160x128xi32, #tpu.memory_space<vmem>> -> memref<1x128xi32, #tpu.memory_space<vmem>>
      %dma_wait3A_100 = tpu.memref_squeeze %dma_wait3A_99 : memref<1x128xi32, #tpu.memory_space<vmem>> -> memref<128xi32, #tpu.memory_space<vmem>>
      %dma_wait3A_101 = arith.constant 0 : i32
      %dma_wait3A_102 = arith.constant 0 : i32
      %dma_wait3A_103 = tpu.memref_slice %arg2[%dma_wait3A_101, %dma_wait3A_102] : memref<20000x64xf32, #tpu.memory_space<hbm>> -> memref<20000x64xf32, #tpu.memory_space<hbm>>
      tpu.wait_indirect_dma semaphore(%arg15 : memref<!tpu.dma_semaphore, #tpu.memory_space<semaphore_mem>>) src(%dma_wait3A_103 : memref<20000x64xf32, #tpu.memory_space<hbm>>) dst(%arg9 : memref<128x64xf32, #tpu.memory_space<vmem>>)
      %dma_start3A_104 = arith.constant 0 : i32
      %dma_start3A_105 = tpu.memref_slice %arg8[%add3A_97, %dma_start3A_104] : memref<160x128xi32, #tpu.memory_space<vmem>> -> memref<1x128xi32, #tpu.memory_space<vmem>>
      %dma_start3A_106 = tpu.memref_squeeze %dma_start3A_105 : memref<1x128xi32, #tpu.memory_space<vmem>> -> memref<128xi32, #tpu.memory_space<vmem>>
      %dma_start3A_107 = arith.constant 0 : i32
      %dma_start3A_108 = arith.constant 0 : i32
      %dma_start3A_109 = tpu.memref_slice %arg14[%dma_start3A_107, %dma_start3A_108] : memref<10240x64xf32, #tpu.memory_space<vmem_shared>> -> memref<10240x64xf32, #tpu.memory_space<vmem_shared>>
      tpu.enqueue_indirect_dma source(%arg9 : memref<128x64xf32, #tpu.memory_space<vmem>>) target(%dma_start3A_109 : memref<10240x64xf32, #tpu.memory_space<vmem_shared>>) offsets(%dma_start3A_106 : memref<128xi32, #tpu.memory_space<vmem>>) semaphore(%arg16 : memref<!tpu.dma_semaphore, #tpu.memory_space<semaphore_mem>>) {add = true}
      %add3A_110 = arith.constant 3 : i32
      %add3A_111 = arith.addi %add3A_97, %add3A_110 : i32
      %lt3A = arith.constant 160 : i32
      %lt3A_112 = arith.cmpi slt, %add3A_111, %lt3A : i32
      %convert_element_type3A = arith.extui %lt3A_112 : i1 to i32
      %cond3A = arith.constant 0 : i32
      %cond3A_113 = arith.cmpi ne, %convert_element_type3A, %cond3A : i32
      scf.if %cond3A_113 {
        %ge3A = arith.constant 1 : i32
        %ge3A_183 = arith.cmpi sge, %add3A_97, %ge3A : i32
        %convert_element_type3A_184 = arith.extui %ge3A_183 : i1 to i32
        %cond3A_185 = arith.constant 0 : i32
        %cond3A_186 = arith.cmpi ne, %convert_element_type3A_184, %cond3A_185 : i32
        scf.if %cond3A_186 {
          %sub3A = arith.constant 1 : i32
          %sub3A_195 = arith.subi %add3A_97, %sub3A : i32
          %dma_wait3A_196 = arith.constant 0 : i32
          %dma_wait3A_197 = tpu.memref_slice %arg8[%sub3A_195, %dma_wait3A_196] : memref<160x128xi32, #tpu.memory_space<vmem>> -> memref<1x128xi32, #tpu.memory_space<vmem>>
          %dma_wait3A_198 = tpu.memref_squeeze %dma_wait3A_197 : memref<1x128xi32, #tpu.memory_space<vmem>> -> memref<128xi32, #tpu.memory_space<vmem>>
          %dma_wait3A_199 = arith.constant 0 : i32
          %dma_wait3A_200 = arith.constant 0 : i32
          %dma_wait3A_201 = tpu.memref_slice %arg14[%dma_wait3A_199, %dma_wait3A_200] : memref<10240x64xf32, #tpu.memory_space<vmem_shared>> -> memref<10240x64xf32, #tpu.memory_space<vmem_shared>>
          tpu.wait_indirect_dma semaphore(%arg16 : memref<!tpu.dma_semaphore, #tpu.memory_space<semaphore_mem>>) src(%arg12 : memref<128x64xf32, #tpu.memory_space<vmem>>) dst(%dma_wait3A_201 : memref<10240x64xf32, #tpu.memory_space<vmem_shared>>)
        } else {
        }
        %add3A_187 = arith.constant 3 : i32
        %add3A_188 = arith.addi %add3A_97, %add3A_187 : i32
        %dma_start3A_189 = arith.constant 0 : i32
        %dma_start3A_190 = tpu.memref_slice %arg7[%add3A_188, %dma_start3A_189] : memref<160x128xi32, #tpu.memory_space<vmem>> -> memref<1x128xi32, #tpu.memory_space<vmem>>
        %dma_start3A_191 = tpu.memref_squeeze %dma_start3A_190 : memref<1x128xi32, #tpu.memory_space<vmem>> -> memref<128xi32, #tpu.memory_space<vmem>>
        %dma_start3A_192 = arith.constant 0 : i32
        %dma_start3A_193 = arith.constant 0 : i32
        %dma_start3A_194 = tpu.memref_slice %arg2[%dma_start3A_192, %dma_start3A_193] : memref<20000x64xf32, #tpu.memory_space<hbm>> -> memref<20000x64xf32, #tpu.memory_space<hbm>>
        tpu.enqueue_indirect_dma source(%dma_start3A_194 : memref<20000x64xf32, #tpu.memory_space<hbm>>) target(%arg12 : memref<128x64xf32, #tpu.memory_space<vmem>>) offsets(%dma_start3A_191 : memref<128xi32, #tpu.memory_space<vmem>>) semaphore(%arg15 : memref<!tpu.dma_semaphore, #tpu.memory_space<semaphore_mem>>)
      } else {
      }
      %mul3A_114 = arith.constant 4 : i32
      %mul3A_115 = arith.muli %mul3A_114, %scan3A_93 : i32
      %add3A_116 = arith.constant 1 : i32
      %add3A_117 = arith.addi %mul3A_115, %add3A_116 : i32
      %dma_wait3A_118 = arith.constant 0 : i32
      %dma_wait3A_119 = tpu.memref_slice %arg7[%add3A_117, %dma_wait3A_118] : memref<160x128xi32, #tpu.memory_space<vmem>> -> memref<1x128xi32, #tpu.memory_space<vmem>>
      %dma_wait3A_120 = tpu.memref_squeeze %dma_wait3A_119 : memref<1x128xi32, #tpu.memory_space<vmem>> -> memref<128xi32, #tpu.memory_space<vmem>>
      %dma_wait3A_121 = arith.constant 0 : i32
      %dma_wait3A_122 = arith.constant 0 : i32
      %dma_wait3A_123 = tpu.memref_slice %arg2[%dma_wait3A_121, %dma_wait3A_122] : memref<20000x64xf32, #tpu.memory_space<hbm>> -> memref<20000x64xf32, #tpu.memory_space<hbm>>
      tpu.wait_indirect_dma semaphore(%arg15 : memref<!tpu.dma_semaphore, #tpu.memory_space<semaphore_mem>>) src(%dma_wait3A_123 : memref<20000x64xf32, #tpu.memory_space<hbm>>) dst(%arg10 : memref<128x64xf32, #tpu.memory_space<vmem>>)
      %dma_start3A_124 = arith.constant 0 : i32
      %dma_start3A_125 = tpu.memref_slice %arg8[%add3A_117, %dma_start3A_124] : memref<160x128xi32, #tpu.memory_space<vmem>> -> memref<1x128xi32, #tpu.memory_space<vmem>>
      %dma_start3A_126 = tpu.memref_squeeze %dma_start3A_125 : memref<1x128xi32, #tpu.memory_space<vmem>> -> memref<128xi32, #tpu.memory_space<vmem>>
      %dma_start3A_127 = arith.constant 0 : i32
      %dma_start3A_128 = arith.constant 0 : i32
      %dma_start3A_129 = tpu.memref_slice %arg14[%dma_start3A_127, %dma_start3A_128] : memref<10240x64xf32, #tpu.memory_space<vmem_shared>> -> memref<10240x64xf32, #tpu.memory_space<vmem_shared>>
      tpu.enqueue_indirect_dma source(%arg10 : memref<128x64xf32, #tpu.memory_space<vmem>>) target(%dma_start3A_129 : memref<10240x64xf32, #tpu.memory_space<vmem_shared>>) offsets(%dma_start3A_126 : memref<128xi32, #tpu.memory_space<vmem>>) semaphore(%arg16 : memref<!tpu.dma_semaphore, #tpu.memory_space<semaphore_mem>>) {add = true}
      %add3A_130 = arith.constant 3 : i32
      %add3A_131 = arith.addi %add3A_117, %add3A_130 : i32
      %lt3A_132 = arith.constant 160 : i32
      %lt3A_133 = arith.cmpi slt, %add3A_131, %lt3A_132 : i32
      %convert_element_type3A_134 = arith.extui %lt3A_133 : i1 to i32
      %cond3A_135 = arith.constant 0 : i32
      %cond3A_136 = arith.cmpi ne, %convert_element_type3A_134, %cond3A_135 : i32
      scf.if %cond3A_136 {
        %ge3A = arith.constant 1 : i32
        %ge3A_183 = arith.cmpi sge, %add3A_117, %ge3A : i32
        %convert_element_type3A_184 = arith.extui %ge3A_183 : i1 to i32
        %cond3A_185 = arith.constant 0 : i32
        %cond3A_186 = arith.cmpi ne, %convert_element_type3A_184, %cond3A_185 : i32
        scf.if %cond3A_186 {
          %sub3A = arith.constant 1 : i32
          %sub3A_195 = arith.subi %add3A_117, %sub3A : i32
          %dma_wait3A_196 = arith.constant 0 : i32
          %dma_wait3A_197 = tpu.memref_slice %arg8[%sub3A_195, %dma_wait3A_196] : memref<160x128xi32, #tpu.memory_space<vmem>> -> memref<1x128xi32, #tpu.memory_space<vmem>>
          %dma_wait3A_198 = tpu.memref_squeeze %dma_wait3A_197 : memref<1x128xi32, #tpu.memory_space<vmem>> -> memref<128xi32, #tpu.memory_space<vmem>>
          %dma_wait3A_199 = arith.constant 0 : i32
          %dma_wait3A_200 = arith.constant 0 : i32
          %dma_wait3A_201 = tpu.memref_slice %arg14[%dma_wait3A_199, %dma_wait3A_200] : memref<10240x64xf32, #tpu.memory_space<vmem_shared>> -> memref<10240x64xf32, #tpu.memory_space<vmem_shared>>
          tpu.wait_indirect_dma semaphore(%arg16 : memref<!tpu.dma_semaphore, #tpu.memory_space<semaphore_mem>>) src(%arg9 : memref<128x64xf32, #tpu.memory_space<vmem>>) dst(%dma_wait3A_201 : memref<10240x64xf32, #tpu.memory_space<vmem_shared>>)
        } else {
        }
        %add3A_187 = arith.constant 3 : i32
        %add3A_188 = arith.addi %add3A_117, %add3A_187 : i32
        %dma_start3A_189 = arith.constant 0 : i32
        %dma_start3A_190 = tpu.memref_slice %arg7[%add3A_188, %dma_start3A_189] : memref<160x128xi32, #tpu.memory_space<vmem>> -> memref<1x128xi32, #tpu.memory_space<vmem>>
        %dma_start3A_191 = tpu.memref_squeeze %dma_start3A_190 : memref<1x128xi32, #tpu.memory_space<vmem>> -> memref<128xi32, #tpu.memory_space<vmem>>
        %dma_start3A_192 = arith.constant 0 : i32
        %dma_start3A_193 = arith.constant 0 : i32
        %dma_start3A_194 = tpu.memref_slice %arg2[%dma_start3A_192, %dma_start3A_193] : memref<20000x64xf32, #tpu.memory_space<hbm>> -> memref<20000x64xf32, #tpu.memory_space<hbm>>
        tpu.enqueue_indirect_dma source(%dma_start3A_194 : memref<20000x64xf32, #tpu.memory_space<hbm>>) target(%arg9 : memref<128x64xf32, #tpu.memory_space<vmem>>) offsets(%dma_start3A_191 : memref<128xi32, #tpu.memory_space<vmem>>) semaphore(%arg15 : memref<!tpu.dma_semaphore, #tpu.memory_space<semaphore_mem>>)
      } else {
      }
      %mul3A_137 = arith.constant 4 : i32
      %mul3A_138 = arith.muli %mul3A_137, %scan3A_93 : i32
      %add3A_139 = arith.constant 2 : i32
      %add3A_140 = arith.addi %mul3A_138, %add3A_139 : i32
      %dma_wait3A_141 = arith.constant 0 : i32
      %dma_wait3A_142 = tpu.memref_slice %arg7[%add3A_140, %dma_wait3A_141] : memref<160x128xi32, #tpu.memory_space<vmem>> -> memref<1x128xi32, #tpu.memory_space<vmem>>
      %dma_wait3A_143 = tpu.memref_squeeze %dma_wait3A_142 : memref<1x128xi32, #tpu.memory_space<vmem>> -> memref<128xi32, #tpu.memory_space<vmem>>
      %dma_wait3A_144 = arith.constant 0 : i32
      %dma_wait3A_145 = arith.constant 0 : i32
      %dma_wait3A_146 = tpu.memref_slice %arg2[%dma_wait3A_144, %dma_wait3A_145] : memref<20000x64xf32, #tpu.memory_space<hbm>> -> memref<20000x64xf32, #tpu.memory_space<hbm>>
      tpu.wait_indirect_dma semaphore(%arg15 : memref<!tpu.dma_semaphore, #tpu.memory_space<semaphore_mem>>) src(%dma_wait3A_146 : memref<20000x64xf32, #tpu.memory_space<hbm>>) dst(%arg11 : memref<128x64xf32, #tpu.memory_space<vmem>>)
      %dma_start3A_147 = arith.constant 0 : i32
      %dma_start3A_148 = tpu.memref_slice %arg8[%add3A_140, %dma_start3A_147] : memref<160x128xi32, #tpu.memory_space<vmem>> -> memref<1x128xi32, #tpu.memory_space<vmem>>
      %dma_start3A_149 = tpu.memref_squeeze %dma_start3A_148 : memref<1x128xi32, #tpu.memory_space<vmem>> -> memref<128xi32, #tpu.memory_space<vmem>>
      %dma_start3A_150 = arith.constant 0 : i32
      %dma_start3A_151 = arith.constant 0 : i32
      %dma_start3A_152 = tpu.memref_slice %arg14[%dma_start3A_150, %dma_start3A_151] : memref<10240x64xf32, #tpu.memory_space<vmem_shared>> -> memref<10240x64xf32, #tpu.memory_space<vmem_shared>>
      tpu.enqueue_indirect_dma source(%arg11 : memref<128x64xf32, #tpu.memory_space<vmem>>) target(%dma_start3A_152 : memref<10240x64xf32, #tpu.memory_space<vmem_shared>>) offsets(%dma_start3A_149 : memref<128xi32, #tpu.memory_space<vmem>>) semaphore(%arg16 : memref<!tpu.dma_semaphore, #tpu.memory_space<semaphore_mem>>) {add = true}
      %add3A_153 = arith.constant 3 : i32
      %add3A_154 = arith.addi %add3A_140, %add3A_153 : i32
      %lt3A_155 = arith.constant 160 : i32
      %lt3A_156 = arith.cmpi slt, %add3A_154, %lt3A_155 : i32
      %convert_element_type3A_157 = arith.extui %lt3A_156 : i1 to i32
      %cond3A_158 = arith.constant 0 : i32
      %cond3A_159 = arith.cmpi ne, %convert_element_type3A_157, %cond3A_158 : i32
      scf.if %cond3A_159 {
        %ge3A = arith.constant 1 : i32
        %ge3A_183 = arith.cmpi sge, %add3A_140, %ge3A : i32
        %convert_element_type3A_184 = arith.extui %ge3A_183 : i1 to i32
        %cond3A_185 = arith.constant 0 : i32
        %cond3A_186 = arith.cmpi ne, %convert_element_type3A_184, %cond3A_185 : i32
        scf.if %cond3A_186 {
          %sub3A = arith.constant 1 : i32
          %sub3A_195 = arith.subi %add3A_140, %sub3A : i32
          %dma_wait3A_196 = arith.constant 0 : i32
          %dma_wait3A_197 = tpu.memref_slice %arg8[%sub3A_195, %dma_wait3A_196] : memref<160x128xi32, #tpu.memory_space<vmem>> -> memref<1x128xi32, #tpu.memory_space<vmem>>
          %dma_wait3A_198 = tpu.memref_squeeze %dma_wait3A_197 : memref<1x128xi32, #tpu.memory_space<vmem>> -> memref<128xi32, #tpu.memory_space<vmem>>
          %dma_wait3A_199 = arith.constant 0 : i32
          %dma_wait3A_200 = arith.constant 0 : i32
          %dma_wait3A_201 = tpu.memref_slice %arg14[%dma_wait3A_199, %dma_wait3A_200] : memref<10240x64xf32, #tpu.memory_space<vmem_shared>> -> memref<10240x64xf32, #tpu.memory_space<vmem_shared>>
          tpu.wait_indirect_dma semaphore(%arg16 : memref<!tpu.dma_semaphore, #tpu.memory_space<semaphore_mem>>) src(%arg10 : memref<128x64xf32, #tpu.memory_space<vmem>>) dst(%dma_wait3A_201 : memref<10240x64xf32, #tpu.memory_space<vmem_shared>>)
        } else {
        }
        %add3A_187 = arith.constant 3 : i32
        %add3A_188 = arith.addi %add3A_140, %add3A_187 : i32
        %dma_start3A_189 = arith.constant 0 : i32
        %dma_start3A_190 = tpu.memref_slice %arg7[%add3A_188, %dma_start3A_189] : memref<160x128xi32, #tpu.memory_space<vmem>> -> memref<1x128xi32, #tpu.memory_space<vmem>>
        %dma_start3A_191 = tpu.memref_squeeze %dma_start3A_190 : memref<1x128xi32, #tpu.memory_space<vmem>> -> memref<128xi32, #tpu.memory_space<vmem>>
        %dma_start3A_192 = arith.constant 0 : i32
        %dma_start3A_193 = arith.constant 0 : i32
        %dma_start3A_194 = tpu.memref_slice %arg2[%dma_start3A_192, %dma_start3A_193] : memref<20000x64xf32, #tpu.memory_space<hbm>> -> memref<20000x64xf32, #tpu.memory_space<hbm>>
        tpu.enqueue_indirect_dma source(%dma_start3A_194 : memref<20000x64xf32, #tpu.memory_space<hbm>>) target(%arg10 : memref<128x64xf32, #tpu.memory_space<vmem>>) offsets(%dma_start3A_191 : memref<128xi32, #tpu.memory_space<vmem>>) semaphore(%arg15 : memref<!tpu.dma_semaphore, #tpu.memory_space<semaphore_mem>>)
      } else {
      }
      %mul3A_160 = arith.constant 4 : i32
      %mul3A_161 = arith.muli %mul3A_160, %scan3A_93 : i32
      %add3A_162 = arith.constant 3 : i32
      %add3A_163 = arith.addi %mul3A_161, %add3A_162 : i32
      %dma_wait3A_164 = arith.constant 0 : i32
      %dma_wait3A_165 = tpu.memref_slice %arg7[%add3A_163, %dma_wait3A_164] : memref<160x128xi32, #tpu.memory_space<vmem>> -> memref<1x128xi32, #tpu.memory_space<vmem>>
      %dma_wait3A_166 = tpu.memref_squeeze %dma_wait3A_165 : memref<1x128xi32, #tpu.memory_space<vmem>> -> memref<128xi32, #tpu.memory_space<vmem>>
      %dma_wait3A_167 = arith.constant 0 : i32
      %dma_wait3A_168 = arith.constant 0 : i32
      %dma_wait3A_169 = tpu.memref_slice %arg2[%dma_wait3A_167, %dma_wait3A_168] : memref<20000x64xf32, #tpu.memory_space<hbm>> -> memref<20000x64xf32, #tpu.memory_space<hbm>>
      tpu.wait_indirect_dma semaphore(%arg15 : memref<!tpu.dma_semaphore, #tpu.memory_space<semaphore_mem>>) src(%dma_wait3A_169 : memref<20000x64xf32, #tpu.memory_space<hbm>>) dst(%arg12 : memref<128x64xf32, #tpu.memory_space<vmem>>)
      %dma_start3A_170 = arith.constant 0 : i32
      %dma_start3A_171 = tpu.memref_slice %arg8[%add3A_163, %dma_start3A_170] : memref<160x128xi32, #tpu.memory_space<vmem>> -> memref<1x128xi32, #tpu.memory_space<vmem>>
      %dma_start3A_172 = tpu.memref_squeeze %dma_start3A_171 : memref<1x128xi32, #tpu.memory_space<vmem>> -> memref<128xi32, #tpu.memory_space<vmem>>
      %dma_start3A_173 = arith.constant 0 : i32
      %dma_start3A_174 = arith.constant 0 : i32
      %dma_start3A_175 = tpu.memref_slice %arg14[%dma_start3A_173, %dma_start3A_174] : memref<10240x64xf32, #tpu.memory_space<vmem_shared>> -> memref<10240x64xf32, #tpu.memory_space<vmem_shared>>
      tpu.enqueue_indirect_dma source(%arg12 : memref<128x64xf32, #tpu.memory_space<vmem>>) target(%dma_start3A_175 : memref<10240x64xf32, #tpu.memory_space<vmem_shared>>) offsets(%dma_start3A_172 : memref<128xi32, #tpu.memory_space<vmem>>) semaphore(%arg16 : memref<!tpu.dma_semaphore, #tpu.memory_space<semaphore_mem>>) {add = true}
      %add3A_176 = arith.constant 3 : i32
      %add3A_177 = arith.addi %add3A_163, %add3A_176 : i32
      %lt3A_178 = arith.constant 160 : i32
      %lt3A_179 = arith.cmpi slt, %add3A_177, %lt3A_178 : i32
      %convert_element_type3A_180 = arith.extui %lt3A_179 : i1 to i32
      %cond3A_181 = arith.constant 0 : i32
      %cond3A_182 = arith.cmpi ne, %convert_element_type3A_180, %cond3A_181 : i32
      scf.if %cond3A_182 {
        %ge3A = arith.constant 1 : i32
        %ge3A_183 = arith.cmpi sge, %add3A_163, %ge3A : i32
        %convert_element_type3A_184 = arith.extui %ge3A_183 : i1 to i32
        %cond3A_185 = arith.constant 0 : i32
        %cond3A_186 = arith.cmpi ne, %convert_element_type3A_184, %cond3A_185 : i32
        scf.if %cond3A_186 {
          %sub3A = arith.constant 1 : i32
          %sub3A_195 = arith.subi %add3A_163, %sub3A : i32
          %dma_wait3A_196 = arith.constant 0 : i32
          %dma_wait3A_197 = tpu.memref_slice %arg8[%sub3A_195, %dma_wait3A_196] : memref<160x128xi32, #tpu.memory_space<vmem>> -> memref<1x128xi32, #tpu.memory_space<vmem>>
          %dma_wait3A_198 = tpu.memref_squeeze %dma_wait3A_197 : memref<1x128xi32, #tpu.memory_space<vmem>> -> memref<128xi32, #tpu.memory_space<vmem>>
          %dma_wait3A_199 = arith.constant 0 : i32
          %dma_wait3A_200 = arith.constant 0 : i32
          %dma_wait3A_201 = tpu.memref_slice %arg14[%dma_wait3A_199, %dma_wait3A_200] : memref<10240x64xf32, #tpu.memory_space<vmem_shared>> -> memref<10240x64xf32, #tpu.memory_space<vmem_shared>>
          tpu.wait_indirect_dma semaphore(%arg16 : memref<!tpu.dma_semaphore, #tpu.memory_space<semaphore_mem>>) src(%arg11 : memref<128x64xf32, #tpu.memory_space<vmem>>) dst(%dma_wait3A_201 : memref<10240x64xf32, #tpu.memory_space<vmem_shared>>)
        } else {
        }
        %add3A_187 = arith.constant 3 : i32
        %add3A_188 = arith.addi %add3A_163, %add3A_187 : i32
        %dma_start3A_189 = arith.constant 0 : i32
        %dma_start3A_190 = tpu.memref_slice %arg7[%add3A_188, %dma_start3A_189] : memref<160x128xi32, #tpu.memory_space<vmem>> -> memref<1x128xi32, #tpu.memory_space<vmem>>
        %dma_start3A_191 = tpu.memref_squeeze %dma_start3A_190 : memref<1x128xi32, #tpu.memory_space<vmem>> -> memref<128xi32, #tpu.memory_space<vmem>>
        %dma_start3A_192 = arith.constant 0 : i32
        %dma_start3A_193 = arith.constant 0 : i32
        %dma_start3A_194 = tpu.memref_slice %arg2[%dma_start3A_192, %dma_start3A_193] : memref<20000x64xf32, #tpu.memory_space<hbm>> -> memref<20000x64xf32, #tpu.memory_space<hbm>>
        tpu.enqueue_indirect_dma source(%dma_start3A_194 : memref<20000x64xf32, #tpu.memory_space<hbm>>) target(%arg11 : memref<128x64xf32, #tpu.memory_space<vmem>>) offsets(%dma_start3A_191 : memref<128xi32, #tpu.memory_space<vmem>>) semaphore(%arg15 : memref<!tpu.dma_semaphore, #tpu.memory_space<semaphore_mem>>)
      } else {
      }
    }
    %scan3A_41 = arith.constant 40 : i32
    %dma_wait3A = arith.constant 156 : i32
    %dma_wait3A_42 = arith.constant 0 : i32
    %dma_wait3A_43 = tpu.memref_slice %arg8[%dma_wait3A, %dma_wait3A_42] : memref<160x128xi32, #tpu.memory_space<vmem>> -> memref<1x128xi32, #tpu.memory_space<vmem>>
    %dma_wait3A_44 = tpu.memref_squeeze %dma_wait3A_43 : memref<1x128xi32, #tpu.memory_space<vmem>> -> memref<128xi32, #tpu.memory_space<vmem>>
    %dma_wait3A_45 = arith.constant 0 : i32
    %dma_wait3A_46 = arith.constant 0 : i32
    %dma_wait3A_47 = tpu.memref_slice %arg14[%dma_wait3A_45, %dma_wait3A_46] : memref<10240x64xf32, #tpu.memory_space<vmem_shared>> -> memref<10240x64xf32, #tpu.memory_space<vmem_shared>>
    tpu.wait_indirect_dma semaphore(%arg16 : memref<!tpu.dma_semaphore, #tpu.memory_space<semaphore_mem>>) src(%arg9 : memref<128x64xf32, #tpu.memory_space<vmem>>) dst(%dma_wait3A_47 : memref<10240x64xf32, #tpu.memory_space<vmem_shared>>)
    %dma_wait3A_48 = arith.constant 157 : i32
    %dma_wait3A_49 = arith.constant 0 : i32
    %dma_wait3A_50 = tpu.memref_slice %arg8[%dma_wait3A_48, %dma_wait3A_49] : memref<160x128xi32, #tpu.memory_space<vmem>> -> memref<1x128xi32, #tpu.memory_space<vmem>>
    %dma_wait3A_51 = tpu.memref_squeeze %dma_wait3A_50 : memref<1x128xi32, #tpu.memory_space<vmem>> -> memref<128xi32, #tpu.memory_space<vmem>>
    %dma_wait3A_52 = arith.constant 0 : i32
    %dma_wait3A_53 = arith.constant 0 : i32
    %dma_wait3A_54 = tpu.memref_slice %arg14[%dma_wait3A_52, %dma_wait3A_53] : memref<10240x64xf32, #tpu.memory_space<vmem_shared>> -> memref<10240x64xf32, #tpu.memory_space<vmem_shared>>
    tpu.wait_indirect_dma semaphore(%arg16 : memref<!tpu.dma_semaphore, #tpu.memory_space<semaphore_mem>>) src(%arg10 : memref<128x64xf32, #tpu.memory_space<vmem>>) dst(%dma_wait3A_54 : memref<10240x64xf32, #tpu.memory_space<vmem_shared>>)
    %dma_wait3A_55 = arith.constant 158 : i32
    %dma_wait3A_56 = arith.constant 0 : i32
    %dma_wait3A_57 = tpu.memref_slice %arg8[%dma_wait3A_55, %dma_wait3A_56] : memref<160x128xi32, #tpu.memory_space<vmem>> -> memref<1x128xi32, #tpu.memory_space<vmem>>
    %dma_wait3A_58 = tpu.memref_squeeze %dma_wait3A_57 : memref<1x128xi32, #tpu.memory_space<vmem>> -> memref<128xi32, #tpu.memory_space<vmem>>
    %dma_wait3A_59 = arith.constant 0 : i32
    %dma_wait3A_60 = arith.constant 0 : i32
    %dma_wait3A_61 = tpu.memref_slice %arg14[%dma_wait3A_59, %dma_wait3A_60] : memref<10240x64xf32, #tpu.memory_space<vmem_shared>> -> memref<10240x64xf32, #tpu.memory_space<vmem_shared>>
    tpu.wait_indirect_dma semaphore(%arg16 : memref<!tpu.dma_semaphore, #tpu.memory_space<semaphore_mem>>) src(%arg11 : memref<128x64xf32, #tpu.memory_space<vmem>>) dst(%dma_wait3A_61 : memref<10240x64xf32, #tpu.memory_space<vmem_shared>>)
    %dma_wait3A_62 = arith.constant 159 : i32
    %dma_wait3A_63 = arith.constant 0 : i32
    %dma_wait3A_64 = tpu.memref_slice %arg8[%dma_wait3A_62, %dma_wait3A_63] : memref<160x128xi32, #tpu.memory_space<vmem>> -> memref<1x128xi32, #tpu.memory_space<vmem>>
    %dma_wait3A_65 = tpu.memref_squeeze %dma_wait3A_64 : memref<1x128xi32, #tpu.memory_space<vmem>> -> memref<128xi32, #tpu.memory_space<vmem>>
    %dma_wait3A_66 = arith.constant 0 : i32
    %dma_wait3A_67 = arith.constant 0 : i32
    %dma_wait3A_68 = tpu.memref_slice %arg14[%dma_wait3A_66, %dma_wait3A_67] : memref<10240x64xf32, #tpu.memory_space<vmem_shared>> -> memref<10240x64xf32, #tpu.memory_space<vmem_shared>>
    tpu.wait_indirect_dma semaphore(%arg16 : memref<!tpu.dma_semaphore, #tpu.memory_space<semaphore_mem>>) src(%arg12 : memref<128x64xf32, #tpu.memory_space<vmem>>) dst(%dma_wait3A_68 : memref<10240x64xf32, #tpu.memory_space<vmem_shared>>)
    %barrier3A_69 = arith.constant 0 : index
    tpu.barrier barrier_id(%barrier3A_69)
    %mul3A_70 = arith.constant 10240 : i32
    %mul3A_71 = arith.muli %arg0, %mul3A_70 : i32
    %add3A_72 = arith.addi %mul3A_71, %mul3A_0 : i32
    %add3A_73 = arith.constant 0 : i32
    %add3A_74 = arith.addi %mul3A_0, %add3A_73 : i32
    "tpu.region"() ({
      %run_scoped3A = tpu.sem_alloc : memref<!tpu.dma_semaphore, #tpu.memory_space<semaphore_mem>>
      %dma_start3A_93 = arith.constant 0 : i32
      %dma_start3A_94 = tpu.memref_slice %arg14[%add3A_74, %dma_start3A_93] : memref<10240x64xf32, #tpu.memory_space<vmem_shared>> -> memref<128x64xf32, #tpu.memory_space<vmem_shared>>
      %dma_start3A_95 = arith.constant 0 : i32
      %dma_start3A_96 = tpu.memref_slice %arg14[%add3A_74, %dma_start3A_95] : memref<10240x64xf32, #tpu.memory_space<vmem_shared>> -> memref<128x64xf32, #tpu.memory_space<vmem_shared>>
      tpu.enqueue_dma source(%dma_start3A_96 : memref<128x64xf32, #tpu.memory_space<vmem_shared>>) target(%arg9 : memref<128x64xf32, #tpu.memory_space<vmem>>) target_semaphore(%run_scoped3A : memref<!tpu.dma_semaphore, #tpu.memory_space<semaphore_mem>>)
      %dma_wait3A_97 = arith.constant 0 : i32
      %dma_wait3A_98 = tpu.memref_slice %arg14[%add3A_74, %dma_wait3A_97] : memref<10240x64xf32, #tpu.memory_space<vmem_shared>> -> memref<128x64xf32, #tpu.memory_space<vmem_shared>>
      %dma_wait3A_99 = arith.constant 0 : i32
      %dma_wait3A_100 = tpu.memref_slice %arg14[%add3A_74, %dma_wait3A_99] : memref<10240x64xf32, #tpu.memory_space<vmem_shared>> -> memref<128x64xf32, #tpu.memory_space<vmem_shared>>
      tpu.wait_dma2 semaphore(%run_scoped3A : memref<!tpu.dma_semaphore, #tpu.memory_space<semaphore_mem>>) src(%dma_wait3A_100 : memref<128x64xf32, #tpu.memory_space<vmem_shared>>) dst(%arg9 : memref<128x64xf32, #tpu.memory_space<vmem>>)
      tpu.yield
    }) : () -> ()
    %add3A_75 = arith.constant 0 : i32
    %add3A_76 = arith.addi %add3A_72, %add3A_75 : i32
    "tpu.region"() ({
      %run_scoped3A = tpu.sem_alloc : memref<!tpu.dma_semaphore, #tpu.memory_space<semaphore_mem>>
      %dma_start3A_93 = arith.constant 0 : i32
      %dma_start3A_94 = tpu.memref_slice %arg6[%add3A_76, %dma_start3A_93] : memref<20480x64xf32, #tpu.memory_space<hbm>> -> memref<128x64xf32, #tpu.memory_space<hbm>>
      %dma_start3A_95 = arith.constant 0 : i32
      %dma_start3A_96 = tpu.memref_slice %arg6[%add3A_76, %dma_start3A_95] : memref<20480x64xf32, #tpu.memory_space<hbm>> -> memref<128x64xf32, #tpu.memory_space<hbm>>
      tpu.enqueue_dma source(%arg9 : memref<128x64xf32, #tpu.memory_space<vmem>>) target(%dma_start3A_96 : memref<128x64xf32, #tpu.memory_space<hbm>>) target_semaphore(%run_scoped3A : memref<!tpu.dma_semaphore, #tpu.memory_space<semaphore_mem>>)
      %dma_wait3A_97 = arith.constant 0 : i32
      %dma_wait3A_98 = tpu.memref_slice %arg6[%add3A_76, %dma_wait3A_97] : memref<20480x64xf32, #tpu.memory_space<hbm>> -> memref<128x64xf32, #tpu.memory_space<hbm>>
      %dma_wait3A_99 = arith.constant 0 : i32
      %dma_wait3A_100 = tpu.memref_slice %arg6[%add3A_76, %dma_wait3A_99] : memref<20480x64xf32, #tpu.memory_space<hbm>> -> memref<128x64xf32, #tpu.memory_space<hbm>>
      tpu.wait_dma2 semaphore(%run_scoped3A : memref<!tpu.dma_semaphore, #tpu.memory_space<semaphore_mem>>) src(%arg9 : memref<128x64xf32, #tpu.memory_space<vmem>>) dst(%dma_wait3A_100 : memref<128x64xf32, #tpu.memory_space<hbm>>)
      tpu.yield
    }) : () -> ()
    %add3A_77 = arith.constant 128 : i32
    %add3A_78 = arith.addi %mul3A_0, %add3A_77 : i32
    "tpu.region"() ({
      %run_scoped3A = tpu.sem_alloc : memref<!tpu.dma_semaphore, #tpu.memory_space<semaphore_mem>>
      %dma_start3A_93 = arith.constant 0 : i32
      %dma_start3A_94 = tpu.memref_slice %arg14[%add3A_78, %dma_start3A_93] : memref<10240x64xf32, #tpu.memory_space<vmem_shared>> -> memref<128x64xf32, #tpu.memory_space<vmem_shared>>
      %dma_start3A_95 = arith.constant 0 : i32
      %dma_start3A_96 = tpu.memref_slice %arg14[%add3A_78, %dma_start3A_95] : memref<10240x64xf32, #tpu.memory_space<vmem_shared>> -> memref<128x64xf32, #tpu.memory_space<vmem_shared>>
      tpu.enqueue_dma source(%dma_start3A_96 : memref<128x64xf32, #tpu.memory_space<vmem_shared>>) target(%arg9 : memref<128x64xf32, #tpu.memory_space<vmem>>) target_semaphore(%run_scoped3A : memref<!tpu.dma_semaphore, #tpu.memory_space<semaphore_mem>>)
      %dma_wait3A_97 = arith.constant 0 : i32
      %dma_wait3A_98 = tpu.memref_slice %arg14[%add3A_78, %dma_wait3A_97] : memref<10240x64xf32, #tpu.memory_space<vmem_shared>> -> memref<128x64xf32, #tpu.memory_space<vmem_shared>>
      %dma_wait3A_99 = arith.constant 0 : i32
      %dma_wait3A_100 = tpu.memref_slice %arg14[%add3A_78, %dma_wait3A_99] : memref<10240x64xf32, #tpu.memory_space<vmem_shared>> -> memref<128x64xf32, #tpu.memory_space<vmem_shared>>
      tpu.wait_dma2 semaphore(%run_scoped3A : memref<!tpu.dma_semaphore, #tpu.memory_space<semaphore_mem>>) src(%dma_wait3A_100 : memref<128x64xf32, #tpu.memory_space<vmem_shared>>) dst(%arg9 : memref<128x64xf32, #tpu.memory_space<vmem>>)
      tpu.yield
    }) : () -> ()
    %add3A_79 = arith.constant 128 : i32
    %add3A_80 = arith.addi %add3A_72, %add3A_79 : i32
    "tpu.region"() ({
      %run_scoped3A = tpu.sem_alloc : memref<!tpu.dma_semaphore, #tpu.memory_space<semaphore_mem>>
      %dma_start3A_93 = arith.constant 0 : i32
      %dma_start3A_94 = tpu.memref_slice %arg6[%add3A_80, %dma_start3A_93] : memref<20480x64xf32, #tpu.memory_space<hbm>> -> memref<128x64xf32, #tpu.memory_space<hbm>>
      %dma_start3A_95 = arith.constant 0 : i32
      %dma_start3A_96 = tpu.memref_slice %arg6[%add3A_80, %dma_start3A_95] : memref<20480x64xf32, #tpu.memory_space<hbm>> -> memref<128x64xf32, #tpu.memory_space<hbm>>
      tpu.enqueue_dma source(%arg9 : memref<128x64xf32, #tpu.memory_space<vmem>>) target(%dma_start3A_96 : memref<128x64xf32, #tpu.memory_space<hbm>>) target_semaphore(%run_scoped3A : memref<!tpu.dma_semaphore, #tpu.memory_space<semaphore_mem>>)
      %dma_wait3A_97 = arith.constant 0 : i32
      %dma_wait3A_98 = tpu.memref_slice %arg6[%add3A_80, %dma_wait3A_97] : memref<20480x64xf32, #tpu.memory_space<hbm>> -> memref<128x64xf32, #tpu.memory_space<hbm>>
      %dma_wait3A_99 = arith.constant 0 : i32
      %dma_wait3A_100 = tpu.memref_slice %arg6[%add3A_80, %dma_wait3A_99] : memref<20480x64xf32, #tpu.memory_space<hbm>> -> memref<128x64xf32, #tpu.memory_space<hbm>>
      tpu.wait_dma2 semaphore(%run_scoped3A : memref<!tpu.dma_semaphore, #tpu.memory_space<semaphore_mem>>) src(%arg9 : memref<128x64xf32, #tpu.memory_space<vmem>>) dst(%dma_wait3A_100 : memref<128x64xf32, #tpu.memory_space<hbm>>)
      tpu.yield
    }) : () -> ()
    %add3A_81 = arith.constant 256 : i32
    %add3A_82 = arith.addi %mul3A_0, %add3A_81 : i32
    "tpu.region"() ({
      %run_scoped3A = tpu.sem_alloc : memref<!tpu.dma_semaphore, #tpu.memory_space<semaphore_mem>>
      %dma_start3A_93 = arith.constant 0 : i32
      %dma_start3A_94 = tpu.memref_slice %arg14[%add3A_82, %dma_start3A_93] : memref<10240x64xf32, #tpu.memory_space<vmem_shared>> -> memref<128x64xf32, #tpu.memory_space<vmem_shared>>
      %dma_start3A_95 = arith.constant 0 : i32
      %dma_start3A_96 = tpu.memref_slice %arg14[%add3A_82, %dma_start3A_95] : memref<10240x64xf32, #tpu.memory_space<vmem_shared>> -> memref<128x64xf32, #tpu.memory_space<vmem_shared>>
      tpu.enqueue_dma source(%dma_start3A_96 : memref<128x64xf32, #tpu.memory_space<vmem_shared>>) target(%arg9 : memref<128x64xf32, #tpu.memory_space<vmem>>) target_semaphore(%run_scoped3A : memref<!tpu.dma_semaphore, #tpu.memory_space<semaphore_mem>>)
      %dma_wait3A_97 = arith.constant 0 : i32
      %dma_wait3A_98 = tpu.memref_slice %arg14[%add3A_82, %dma_wait3A_97] : memref<10240x64xf32, #tpu.memory_space<vmem_shared>> -> memref<128x64xf32, #tpu.memory_space<vmem_shared>>
      %dma_wait3A_99 = arith.constant 0 : i32
      %dma_wait3A_100 = tpu.memref_slice %arg14[%add3A_82, %dma_wait3A_99] : memref<10240x64xf32, #tpu.memory_space<vmem_shared>> -> memref<128x64xf32, #tpu.memory_space<vmem_shared>>
      tpu.wait_dma2 semaphore(%run_scoped3A : memref<!tpu.dma_semaphore, #tpu.memory_space<semaphore_mem>>) src(%dma_wait3A_100 : memref<128x64xf32, #tpu.memory_space<vmem_shared>>) dst(%arg9 : memref<128x64xf32, #tpu.memory_space<vmem>>)
      tpu.yield
    }) : () -> ()
    %add3A_83 = arith.constant 256 : i32
    %add3A_84 = arith.addi %add3A_72, %add3A_83 : i32
    "tpu.region"() ({
      %run_scoped3A = tpu.sem_alloc : memref<!tpu.dma_semaphore, #tpu.memory_space<semaphore_mem>>
      %dma_start3A_93 = arith.constant 0 : i32
      %dma_start3A_94 = tpu.memref_slice %arg6[%add3A_84, %dma_start3A_93] : memref<20480x64xf32, #tpu.memory_space<hbm>> -> memref<128x64xf32, #tpu.memory_space<hbm>>
      %dma_start3A_95 = arith.constant 0 : i32
      %dma_start3A_96 = tpu.memref_slice %arg6[%add3A_84, %dma_start3A_95] : memref<20480x64xf32, #tpu.memory_space<hbm>> -> memref<128x64xf32, #tpu.memory_space<hbm>>
      tpu.enqueue_dma source(%arg9 : memref<128x64xf32, #tpu.memory_space<vmem>>) target(%dma_start3A_96 : memref<128x64xf32, #tpu.memory_space<hbm>>) target_semaphore(%run_scoped3A : memref<!tpu.dma_semaphore, #tpu.memory_space<semaphore_mem>>)
      %dma_wait3A_97 = arith.constant 0 : i32
      %dma_wait3A_98 = tpu.memref_slice %arg6[%add3A_84, %dma_wait3A_97] : memref<20480x64xf32, #tpu.memory_space<hbm>> -> memref<128x64xf32, #tpu.memory_space<hbm>>
      %dma_wait3A_99 = arith.constant 0 : i32
      %dma_wait3A_100 = tpu.memref_slice %arg6[%add3A_84, %dma_wait3A_99] : memref<20480x64xf32, #tpu.memory_space<hbm>> -> memref<128x64xf32, #tpu.memory_space<hbm>>
      tpu.wait_dma2 semaphore(%run_scoped3A : memref<!tpu.dma_semaphore, #tpu.memory_space<semaphore_mem>>) src(%arg9 : memref<128x64xf32, #tpu.memory_space<vmem>>) dst(%dma_wait3A_100 : memref<128x64xf32, #tpu.memory_space<hbm>>)
      tpu.yield
    }) : () -> ()
    %add3A_85 = arith.constant 384 : i32
    %add3A_86 = arith.addi %mul3A_0, %add3A_85 : i32
    "tpu.region"() ({
      %run_scoped3A = tpu.sem_alloc : memref<!tpu.dma_semaphore, #tpu.memory_space<semaphore_mem>>
      %dma_start3A_93 = arith.constant 0 : i32
      %dma_start3A_94 = tpu.memref_slice %arg14[%add3A_86, %dma_start3A_93] : memref<10240x64xf32, #tpu.memory_space<vmem_shared>> -> memref<128x64xf32, #tpu.memory_space<vmem_shared>>
      %dma_start3A_95 = arith.constant 0 : i32
      %dma_start3A_96 = tpu.memref_slice %arg14[%add3A_86, %dma_start3A_95] : memref<10240x64xf32, #tpu.memory_space<vmem_shared>> -> memref<128x64xf32, #tpu.memory_space<vmem_shared>>
      tpu.enqueue_dma source(%dma_start3A_96 : memref<128x64xf32, #tpu.memory_space<vmem_shared>>) target(%arg9 : memref<128x64xf32, #tpu.memory_space<vmem>>) target_semaphore(%run_scoped3A : memref<!tpu.dma_semaphore, #tpu.memory_space<semaphore_mem>>)
      %dma_wait3A_97 = arith.constant 0 : i32
      %dma_wait3A_98 = tpu.memref_slice %arg14[%add3A_86, %dma_wait3A_97] : memref<10240x64xf32, #tpu.memory_space<vmem_shared>> -> memref<128x64xf32, #tpu.memory_space<vmem_shared>>
      %dma_wait3A_99 = arith.constant 0 : i32
      %dma_wait3A_100 = tpu.memref_slice %arg14[%add3A_86, %dma_wait3A_99] : memref<10240x64xf32, #tpu.memory_space<vmem_shared>> -> memref<128x64xf32, #tpu.memory_space<vmem_shared>>
      tpu.wait_dma2 semaphore(%run_scoped3A : memref<!tpu.dma_semaphore, #tpu.memory_space<semaphore_mem>>) src(%dma_wait3A_100 : memref<128x64xf32, #tpu.memory_space<vmem_shared>>) dst(%arg9 : memref<128x64xf32, #tpu.memory_space<vmem>>)
      tpu.yield
    }) : () -> ()
    %add3A_87 = arith.constant 384 : i32
    %add3A_88 = arith.addi %add3A_72, %add3A_87 : i32
    "tpu.region"() ({
      %run_scoped3A = tpu.sem_alloc : memref<!tpu.dma_semaphore, #tpu.memory_space<semaphore_mem>>
      %dma_start3A_93 = arith.constant 0 : i32
      %dma_start3A_94 = tpu.memref_slice %arg6[%add3A_88, %dma_start3A_93] : memref<20480x64xf32, #tpu.memory_space<hbm>> -> memref<128x64xf32, #tpu.memory_space<hbm>>
      %dma_start3A_95 = arith.constant 0 : i32
      %dma_start3A_96 = tpu.memref_slice %arg6[%add3A_88, %dma_start3A_95] : memref<20480x64xf32, #tpu.memory_space<hbm>> -> memref<128x64xf32, #tpu.memory_space<hbm>>
      tpu.enqueue_dma source(%arg9 : memref<128x64xf32, #tpu.memory_space<vmem>>) target(%dma_start3A_96 : memref<128x64xf32, #tpu.memory_space<hbm>>) target_semaphore(%run_scoped3A : memref<!tpu.dma_semaphore, #tpu.memory_space<semaphore_mem>>)
      %dma_wait3A_97 = arith.constant 0 : i32
      %dma_wait3A_98 = tpu.memref_slice %arg6[%add3A_88, %dma_wait3A_97] : memref<20480x64xf32, #tpu.memory_space<hbm>> -> memref<128x64xf32, #tpu.memory_space<hbm>>
      %dma_wait3A_99 = arith.constant 0 : i32
      %dma_wait3A_100 = tpu.memref_slice %arg6[%add3A_88, %dma_wait3A_99] : memref<20480x64xf32, #tpu.memory_space<hbm>> -> memref<128x64xf32, #tpu.memory_space<hbm>>
      tpu.wait_dma2 semaphore(%run_scoped3A : memref<!tpu.dma_semaphore, #tpu.memory_space<semaphore_mem>>) src(%arg9 : memref<128x64xf32, #tpu.memory_space<vmem>>) dst(%dma_wait3A_100 : memref<128x64xf32, #tpu.memory_space<hbm>>)
      tpu.yield
    }) : () -> ()
    %add3A_89 = arith.constant 512 : i32
    %add3A_90 = arith.addi %mul3A_0, %add3A_89 : i32
    "tpu.region"() ({
      %run_scoped3A = tpu.sem_alloc : memref<!tpu.dma_semaphore, #tpu.memory_space<semaphore_mem>>
      %dma_start3A_93 = arith.constant 0 : i32
      %dma_start3A_94 = tpu.memref_slice %arg14[%add3A_90, %dma_start3A_93] : memref<10240x64xf32, #tpu.memory_space<vmem_shared>> -> memref<128x64xf32, #tpu.memory_space<vmem_shared>>
      %dma_start3A_95 = arith.constant 0 : i32
      %dma_start3A_96 = tpu.memref_slice %arg14[%add3A_90, %dma_start3A_95] : memref<10240x64xf32, #tpu.memory_space<vmem_shared>> -> memref<128x64xf32, #tpu.memory_space<vmem_shared>>
      tpu.enqueue_dma source(%dma_start3A_96 : memref<128x64xf32, #tpu.memory_space<vmem_shared>>) target(%arg9 : memref<128x64xf32, #tpu.memory_space<vmem>>) target_semaphore(%run_scoped3A : memref<!tpu.dma_semaphore, #tpu.memory_space<semaphore_mem>>)
      %dma_wait3A_97 = arith.constant 0 : i32
      %dma_wait3A_98 = tpu.memref_slice %arg14[%add3A_90, %dma_wait3A_97] : memref<10240x64xf32, #tpu.memory_space<vmem_shared>> -> memref<128x64xf32, #tpu.memory_space<vmem_shared>>
      %dma_wait3A_99 = arith.constant 0 : i32
      %dma_wait3A_100 = tpu.memref_slice %arg14[%add3A_90, %dma_wait3A_99] : memref<10240x64xf32, #tpu.memory_space<vmem_shared>> -> memref<128x64xf32, #tpu.memory_space<vmem_shared>>
      tpu.wait_dma2 semaphore(%run_scoped3A : memref<!tpu.dma_semaphore, #tpu.memory_space<semaphore_mem>>) src(%dma_wait3A_100 : memref<128x64xf32, #tpu.memory_space<vmem_shared>>) dst(%arg9 : memref<128x64xf32, #tpu.memory_space<vmem>>)
      tpu.yield
    }) : () -> ()
    %add3A_91 = arith.constant 512 : i32
    %add3A_92 = arith.addi %add3A_72, %add3A_91 : i32
    "tpu.region"() ({
      %run_scoped3A = tpu.sem_alloc : memref<!tpu.dma_semaphore, #tpu.memory_space<semaphore_mem>>
      %dma_start3A_93 = arith.constant 0 : i32
      %dma_start3A_94 = tpu.memref_slice %arg6[%add3A_92, %dma_start3A_93] : memref<20480x64xf32, #tpu.memory_space<hbm>> -> memref<128x64xf32, #tpu.memory_space<hbm>>
      %dma_start3A_95 = arith.constant 0 : i32
      %dma_start3A_96 = tpu.memref_slice %arg6[%add3A_92, %dma_start3A_95] : memref<20480x64xf32, #tpu.memory_space<hbm>> -> memref<128x64xf32, #tpu.memory_space<hbm>>
      tpu.enqueue_dma source(%arg9 : memref<128x64xf32, #tpu.memory_space<vmem>>) target(%dma_start3A_96 : memref<128x64xf32, #tpu.memory_space<hbm>>) target_semaphore(%run_scoped3A : memref<!tpu.dma_semaphore, #tpu.memory_space<semaphore_mem>>)
      %dma_wait3A_97 = arith.constant 0 : i32
      %dma_wait3A_98 = tpu.memref_slice %arg6[%add3A_92, %dma_wait3A_97] : memref<20480x64xf32, #tpu.memory_space<hbm>> -> memref<128x64xf32, #tpu.memory_space<hbm>>
      %dma_wait3A_99 = arith.constant 0 : i32
      %dma_wait3A_100 = tpu.memref_slice %arg6[%add3A_92, %dma_wait3A_99] : memref<20480x64xf32, #tpu.memory_space<hbm>> -> memref<128x64xf32, #tpu.memory_space<hbm>>
      tpu.wait_dma2 semaphore(%run_scoped3A : memref<!tpu.dma_semaphore, #tpu.memory_space<semaphore_mem>>) src(%arg9 : memref<128x64xf32, #tpu.memory_space<vmem>>) dst(%dma_wait3A_100 : memref<128x64xf32, #tpu.memory_space<hbm>>)
      tpu.yield
    }) : () -> ()
    return
  }
}

#map = affine_map<(d0, d1) -> (0, 0)>
module attributes {stable_mosaic.version = 14 : i64} {
  func.func @_sc_counts_body(%arg0: i32, %arg1: i32, %arg2: memref<2560x128xi32, #tpu.memory_space<hbm>>, %arg3: memref<128x16xf32, #tpu.memory_space<hbm>>, %arg4: memref<128x16xf32, #tpu.memory_space<hbm>>, %arg5: memref<20480x16xf32, #tpu.memory_space<hbm>>, %arg6: memref<80x128xi32, #tpu.memory_space<vmem>>, %arg7: memref<128x16xf32, #tpu.memory_space<vmem>>, %arg8: memref<128x16xf32, #tpu.memory_space<vmem>>, %arg9: memref<10240x16xf32, #tpu.memory_space<vmem_shared>>) attributes {dimension_semantics = [#tpu.dimension_semantics<core_parallel>, #tpu.dimension_semantics<subcore_parallel>], iteration_bounds = array<i64: 2, 16>, scalar_prefetch = 0 : i64, scratch_operands = 4 : i64, tpu.core_type = #tpu.core_type<sc_vector_subcore>, window_params = [{transform_indices = #map}, {transform_indices = #map}, {transform_indices = #map}, {transform_indices = #map}]} {
    %mul3A = arith.constant 640 : i32
    %mul3A_0 = arith.muli %arg1, %mul3A : i32
    %mul3A_1 = arith.constant 160 : i32
    %mul3A_2 = arith.muli %arg1, %mul3A_1 : i32
    %mul3A_3 = arith.constant 80 : i32
    %mul3A_4 = arith.muli %arg0, %mul3A_3 : i32
    %add3A = arith.addi %mul3A_2, %mul3A_4 : i32
    "tpu.region"() ({
      %run_scoped3A = tpu.sem_alloc : memref<!tpu.dma_semaphore, #tpu.memory_space<semaphore_mem>>
      %dma_start3A = arith.constant 0 : i32
      %dma_start3A_44 = tpu.memref_slice %arg2[%add3A, %dma_start3A] : memref<2560x128xi32, #tpu.memory_space<hbm>> -> memref<80x128xi32, #tpu.memory_space<hbm>>
      %dma_start3A_45 = arith.constant 0 : i32
      %dma_start3A_46 = tpu.memref_slice %arg2[%add3A, %dma_start3A_45] : memref<2560x128xi32, #tpu.memory_space<hbm>> -> memref<80x128xi32, #tpu.memory_space<hbm>>
      tpu.enqueue_dma source(%dma_start3A_46 : memref<80x128xi32, #tpu.memory_space<hbm>>) target(%arg6 : memref<80x128xi32, #tpu.memory_space<vmem>>) target_semaphore(%run_scoped3A : memref<!tpu.dma_semaphore, #tpu.memory_space<semaphore_mem>>)
      %dma_wait3A = arith.constant 0 : i32
      %dma_wait3A_47 = tpu.memref_slice %arg2[%add3A, %dma_wait3A] : memref<2560x128xi32, #tpu.memory_space<hbm>> -> memref<80x128xi32, #tpu.memory_space<hbm>>
      %dma_wait3A_48 = arith.constant 0 : i32
      %dma_wait3A_49 = tpu.memref_slice %arg2[%add3A, %dma_wait3A_48] : memref<2560x128xi32, #tpu.memory_space<hbm>> -> memref<80x128xi32, #tpu.memory_space<hbm>>
      tpu.wait_dma2 semaphore(%run_scoped3A : memref<!tpu.dma_semaphore, #tpu.memory_space<semaphore_mem>>) src(%dma_wait3A_49 : memref<80x128xi32, #tpu.memory_space<hbm>>) dst(%arg6 : memref<80x128xi32, #tpu.memory_space<vmem>>)
      tpu.yield
    }) : () -> ()
    "tpu.region"() ({
      %run_scoped3A = tpu.sem_alloc : memref<!tpu.dma_semaphore, #tpu.memory_space<semaphore_mem>>
      tpu.enqueue_dma source(%arg3 : memref<128x16xf32, #tpu.memory_space<hbm>>) target(%arg8 : memref<128x16xf32, #tpu.memory_space<vmem>>) target_semaphore(%run_scoped3A : memref<!tpu.dma_semaphore, #tpu.memory_space<semaphore_mem>>)
      tpu.wait_dma2 semaphore(%run_scoped3A : memref<!tpu.dma_semaphore, #tpu.memory_space<semaphore_mem>>) src(%arg3 : memref<128x16xf32, #tpu.memory_space<hbm>>) dst(%arg8 : memref<128x16xf32, #tpu.memory_space<vmem>>)
      tpu.yield
    }) : () -> ()
    %add3A_5 = arith.constant 0 : i32
    %add3A_6 = arith.addi %mul3A_0, %add3A_5 : i32
    "tpu.region"() ({
      %run_scoped3A = tpu.sem_alloc : memref<!tpu.dma_semaphore, #tpu.memory_space<semaphore_mem>>
      %dma_start3A = arith.constant 0 : i32
      %dma_start3A_44 = tpu.memref_slice %arg9[%add3A_6, %dma_start3A] : memref<10240x16xf32, #tpu.memory_space<vmem_shared>> -> memref<128x16xf32, #tpu.memory_space<vmem_shared>>
      %dma_start3A_45 = arith.constant 0 : i32
      %dma_start3A_46 = tpu.memref_slice %arg9[%add3A_6, %dma_start3A_45] : memref<10240x16xf32, #tpu.memory_space<vmem_shared>> -> memref<128x16xf32, #tpu.memory_space<vmem_shared>>
      tpu.enqueue_dma source(%arg8 : memref<128x16xf32, #tpu.memory_space<vmem>>) target(%dma_start3A_46 : memref<128x16xf32, #tpu.memory_space<vmem_shared>>) target_semaphore(%run_scoped3A : memref<!tpu.dma_semaphore, #tpu.memory_space<semaphore_mem>>)
      %dma_wait3A = arith.constant 0 : i32
      %dma_wait3A_47 = tpu.memref_slice %arg9[%add3A_6, %dma_wait3A] : memref<10240x16xf32, #tpu.memory_space<vmem_shared>> -> memref<128x16xf32, #tpu.memory_space<vmem_shared>>
      %dma_wait3A_48 = arith.constant 0 : i32
      %dma_wait3A_49 = tpu.memref_slice %arg9[%add3A_6, %dma_wait3A_48] : memref<10240x16xf32, #tpu.memory_space<vmem_shared>> -> memref<128x16xf32, #tpu.memory_space<vmem_shared>>
      tpu.wait_dma2 semaphore(%run_scoped3A : memref<!tpu.dma_semaphore, #tpu.memory_space<semaphore_mem>>) src(%arg8 : memref<128x16xf32, #tpu.memory_space<vmem>>) dst(%dma_wait3A_49 : memref<128x16xf32, #tpu.memory_space<vmem_shared>>)
      tpu.yield
    }) : () -> ()
    %add3A_7 = arith.constant 128 : i32
    %add3A_8 = arith.addi %mul3A_0, %add3A_7 : i32
    "tpu.region"() ({
      %run_scoped3A = tpu.sem_alloc : memref<!tpu.dma_semaphore, #tpu.memory_space<semaphore_mem>>
      %dma_start3A = arith.constant 0 : i32
      %dma_start3A_44 = tpu.memref_slice %arg9[%add3A_8, %dma_start3A] : memref<10240x16xf32, #tpu.memory_space<vmem_shared>> -> memref<128x16xf32, #tpu.memory_space<vmem_shared>>
      %dma_start3A_45 = arith.constant 0 : i32
      %dma_start3A_46 = tpu.memref_slice %arg9[%add3A_8, %dma_start3A_45] : memref<10240x16xf32, #tpu.memory_space<vmem_shared>> -> memref<128x16xf32, #tpu.memory_space<vmem_shared>>
      tpu.enqueue_dma source(%arg8 : memref<128x16xf32, #tpu.memory_space<vmem>>) target(%dma_start3A_46 : memref<128x16xf32, #tpu.memory_space<vmem_shared>>) target_semaphore(%run_scoped3A : memref<!tpu.dma_semaphore, #tpu.memory_space<semaphore_mem>>)
      %dma_wait3A = arith.constant 0 : i32
      %dma_wait3A_47 = tpu.memref_slice %arg9[%add3A_8, %dma_wait3A] : memref<10240x16xf32, #tpu.memory_space<vmem_shared>> -> memref<128x16xf32, #tpu.memory_space<vmem_shared>>
      %dma_wait3A_48 = arith.constant 0 : i32
      %dma_wait3A_49 = tpu.memref_slice %arg9[%add3A_8, %dma_wait3A_48] : memref<10240x16xf32, #tpu.memory_space<vmem_shared>> -> memref<128x16xf32, #tpu.memory_space<vmem_shared>>
      tpu.wait_dma2 semaphore(%run_scoped3A : memref<!tpu.dma_semaphore, #tpu.memory_space<semaphore_mem>>) src(%arg8 : memref<128x16xf32, #tpu.memory_space<vmem>>) dst(%dma_wait3A_49 : memref<128x16xf32, #tpu.memory_space<vmem_shared>>)
      tpu.yield
    }) : () -> ()
    %add3A_9 = arith.constant 256 : i32
    %add3A_10 = arith.addi %mul3A_0, %add3A_9 : i32
    "tpu.region"() ({
      %run_scoped3A = tpu.sem_alloc : memref<!tpu.dma_semaphore, #tpu.memory_space<semaphore_mem>>
      %dma_start3A = arith.constant 0 : i32
      %dma_start3A_44 = tpu.memref_slice %arg9[%add3A_10, %dma_start3A] : memref<10240x16xf32, #tpu.memory_space<vmem_shared>> -> memref<128x16xf32, #tpu.memory_space<vmem_shared>>
      %dma_start3A_45 = arith.constant 0 : i32
      %dma_start3A_46 = tpu.memref_slice %arg9[%add3A_10, %dma_start3A_45] : memref<10240x16xf32, #tpu.memory_space<vmem_shared>> -> memref<128x16xf32, #tpu.memory_space<vmem_shared>>
      tpu.enqueue_dma source(%arg8 : memref<128x16xf32, #tpu.memory_space<vmem>>) target(%dma_start3A_46 : memref<128x16xf32, #tpu.memory_space<vmem_shared>>) target_semaphore(%run_scoped3A : memref<!tpu.dma_semaphore, #tpu.memory_space<semaphore_mem>>)
      %dma_wait3A = arith.constant 0 : i32
      %dma_wait3A_47 = tpu.memref_slice %arg9[%add3A_10, %dma_wait3A] : memref<10240x16xf32, #tpu.memory_space<vmem_shared>> -> memref<128x16xf32, #tpu.memory_space<vmem_shared>>
      %dma_wait3A_48 = arith.constant 0 : i32
      %dma_wait3A_49 = tpu.memref_slice %arg9[%add3A_10, %dma_wait3A_48] : memref<10240x16xf32, #tpu.memory_space<vmem_shared>> -> memref<128x16xf32, #tpu.memory_space<vmem_shared>>
      tpu.wait_dma2 semaphore(%run_scoped3A : memref<!tpu.dma_semaphore, #tpu.memory_space<semaphore_mem>>) src(%arg8 : memref<128x16xf32, #tpu.memory_space<vmem>>) dst(%dma_wait3A_49 : memref<128x16xf32, #tpu.memory_space<vmem_shared>>)
      tpu.yield
    }) : () -> ()
    %add3A_11 = arith.constant 384 : i32
    %add3A_12 = arith.addi %mul3A_0, %add3A_11 : i32
    "tpu.region"() ({
      %run_scoped3A = tpu.sem_alloc : memref<!tpu.dma_semaphore, #tpu.memory_space<semaphore_mem>>
      %dma_start3A = arith.constant 0 : i32
      %dma_start3A_44 = tpu.memref_slice %arg9[%add3A_12, %dma_start3A] : memref<10240x16xf32, #tpu.memory_space<vmem_shared>> -> memref<128x16xf32, #tpu.memory_space<vmem_shared>>
      %dma_start3A_45 = arith.constant 0 : i32
      %dma_start3A_46 = tpu.memref_slice %arg9[%add3A_12, %dma_start3A_45] : memref<10240x16xf32, #tpu.memory_space<vmem_shared>> -> memref<128x16xf32, #tpu.memory_space<vmem_shared>>
      tpu.enqueue_dma source(%arg8 : memref<128x16xf32, #tpu.memory_space<vmem>>) target(%dma_start3A_46 : memref<128x16xf32, #tpu.memory_space<vmem_shared>>) target_semaphore(%run_scoped3A : memref<!tpu.dma_semaphore, #tpu.memory_space<semaphore_mem>>)
      %dma_wait3A = arith.constant 0 : i32
      %dma_wait3A_47 = tpu.memref_slice %arg9[%add3A_12, %dma_wait3A] : memref<10240x16xf32, #tpu.memory_space<vmem_shared>> -> memref<128x16xf32, #tpu.memory_space<vmem_shared>>
      %dma_wait3A_48 = arith.constant 0 : i32
      %dma_wait3A_49 = tpu.memref_slice %arg9[%add3A_12, %dma_wait3A_48] : memref<10240x16xf32, #tpu.memory_space<vmem_shared>> -> memref<128x16xf32, #tpu.memory_space<vmem_shared>>
      tpu.wait_dma2 semaphore(%run_scoped3A : memref<!tpu.dma_semaphore, #tpu.memory_space<semaphore_mem>>) src(%arg8 : memref<128x16xf32, #tpu.memory_space<vmem>>) dst(%dma_wait3A_49 : memref<128x16xf32, #tpu.memory_space<vmem_shared>>)
      tpu.yield
    }) : () -> ()
    %add3A_13 = arith.constant 512 : i32
    %add3A_14 = arith.addi %mul3A_0, %add3A_13 : i32
    "tpu.region"() ({
      %run_scoped3A = tpu.sem_alloc : memref<!tpu.dma_semaphore, #tpu.memory_space<semaphore_mem>>
      %dma_start3A = arith.constant 0 : i32
      %dma_start3A_44 = tpu.memref_slice %arg9[%add3A_14, %dma_start3A] : memref<10240x16xf32, #tpu.memory_space<vmem_shared>> -> memref<128x16xf32, #tpu.memory_space<vmem_shared>>
      %dma_start3A_45 = arith.constant 0 : i32
      %dma_start3A_46 = tpu.memref_slice %arg9[%add3A_14, %dma_start3A_45] : memref<10240x16xf32, #tpu.memory_space<vmem_shared>> -> memref<128x16xf32, #tpu.memory_space<vmem_shared>>
      tpu.enqueue_dma source(%arg8 : memref<128x16xf32, #tpu.memory_space<vmem>>) target(%dma_start3A_46 : memref<128x16xf32, #tpu.memory_space<vmem_shared>>) target_semaphore(%run_scoped3A : memref<!tpu.dma_semaphore, #tpu.memory_space<semaphore_mem>>)
      %dma_wait3A = arith.constant 0 : i32
      %dma_wait3A_47 = tpu.memref_slice %arg9[%add3A_14, %dma_wait3A] : memref<10240x16xf32, #tpu.memory_space<vmem_shared>> -> memref<128x16xf32, #tpu.memory_space<vmem_shared>>
      %dma_wait3A_48 = arith.constant 0 : i32
      %dma_wait3A_49 = tpu.memref_slice %arg9[%add3A_14, %dma_wait3A_48] : memref<10240x16xf32, #tpu.memory_space<vmem_shared>> -> memref<128x16xf32, #tpu.memory_space<vmem_shared>>
      tpu.wait_dma2 semaphore(%run_scoped3A : memref<!tpu.dma_semaphore, #tpu.memory_space<semaphore_mem>>) src(%arg8 : memref<128x16xf32, #tpu.memory_space<vmem>>) dst(%dma_wait3A_49 : memref<128x16xf32, #tpu.memory_space<vmem_shared>>)
      tpu.yield
    }) : () -> ()
    "tpu.region"() ({
      %run_scoped3A = tpu.sem_alloc : memref<!tpu.dma_semaphore, #tpu.memory_space<semaphore_mem>>
      tpu.enqueue_dma source(%arg4 : memref<128x16xf32, #tpu.memory_space<hbm>>) target(%arg7 : memref<128x16xf32, #tpu.memory_space<vmem>>) target_semaphore(%run_scoped3A : memref<!tpu.dma_semaphore, #tpu.memory_space<semaphore_mem>>)
      tpu.wait_dma2 semaphore(%run_scoped3A : memref<!tpu.dma_semaphore, #tpu.memory_space<semaphore_mem>>) src(%arg4 : memref<128x16xf32, #tpu.memory_space<hbm>>) dst(%arg7 : memref<128x16xf32, #tpu.memory_space<vmem>>)
      tpu.yield
    }) : () -> ()
    %barrier3A = arith.constant 0 : index
    tpu.barrier barrier_id(%barrier3A)
    %scan3A = arith.constant 0 : i32
    %scan3A_15 = arith.constant 0 : i32
    %scan3A_16 = arith.constant 80 : i32
    %scan3A_17 = arith.addi %scan3A_15, %scan3A_16 : i32
    %scan3A_18 = arith.constant 1 : i32
    scf.for %scan3A_44 = %scan3A_15 to %scan3A_17 step %scan3A_18  : i32 {
      "tpu.region"() ({
        %run_scoped3A = tpu.sem_alloc : memref<!tpu.dma_semaphore, #tpu.memory_space<semaphore_mem>>
        %dma_start3A = arith.constant 0 : i32
        %dma_start3A_45 = tpu.memref_slice %arg6[%scan3A_44, %dma_start3A] : memref<80x128xi32, #tpu.memory_space<vmem>> -> memref<1x128xi32, #tpu.memory_space<vmem>>
        %dma_start3A_46 = tpu.memref_squeeze %dma_start3A_45 : memref<1x128xi32, #tpu.memory_space<vmem>> -> memref<128xi32, #tpu.memory_space<vmem>>
        %dma_start3A_47 = arith.constant 0 : i32
        %dma_start3A_48 = arith.constant 0 : i32
        %dma_start3A_49 = tpu.memref_slice %arg9[%dma_start3A_47, %dma_start3A_48] : memref<10240x16xf32, #tpu.memory_space<vmem_shared>> -> memref<10240x16xf32, #tpu.memory_space<vmem_shared>>
        tpu.enqueue_indirect_dma source(%arg7 : memref<128x16xf32, #tpu.memory_space<vmem>>) target(%dma_start3A_49 : memref<10240x16xf32, #tpu.memory_space<vmem_shared>>) offsets(%dma_start3A_46 : memref<128xi32, #tpu.memory_space<vmem>>) semaphore(%run_scoped3A : memref<!tpu.dma_semaphore, #tpu.memory_space<semaphore_mem>>) {add = true}
        %dma_wait3A = arith.constant 0 : i32
        %dma_wait3A_50 = tpu.memref_slice %arg6[%scan3A_44, %dma_wait3A] : memref<80x128xi32, #tpu.memory_space<vmem>> -> memref<1x128xi32, #tpu.memory_space<vmem>>
        %dma_wait3A_51 = tpu.memref_squeeze %dma_wait3A_50 : memref<1x128xi32, #tpu.memory_space<vmem>> -> memref<128xi32, #tpu.memory_space<vmem>>
        %dma_wait3A_52 = arith.constant 0 : i32
        %dma_wait3A_53 = arith.constant 0 : i32
        %dma_wait3A_54 = tpu.memref_slice %arg9[%dma_wait3A_52, %dma_wait3A_53] : memref<10240x16xf32, #tpu.memory_space<vmem_shared>> -> memref<10240x16xf32, #tpu.memory_space<vmem_shared>>
        tpu.wait_indirect_dma semaphore(%run_scoped3A : memref<!tpu.dma_semaphore, #tpu.memory_space<semaphore_mem>>) src(%arg7 : memref<128x16xf32, #tpu.memory_space<vmem>>) dst(%dma_wait3A_54 : memref<10240x16xf32, #tpu.memory_space<vmem_shared>>)
        tpu.yield
      }) : () -> ()
    }
    %scan3A_19 = arith.constant 80 : i32
    %barrier3A_20 = arith.constant 0 : index
    tpu.barrier barrier_id(%barrier3A_20)
    %mul3A_21 = arith.constant 10240 : i32
    %mul3A_22 = arith.muli %arg0, %mul3A_21 : i32
    %add3A_23 = arith.addi %mul3A_22, %mul3A_0 : i32
    %add3A_24 = arith.constant 0 : i32
    %add3A_25 = arith.addi %mul3A_0, %add3A_24 : i32
    "tpu.region"() ({
      %run_scoped3A = tpu.sem_alloc : memref<!tpu.dma_semaphore, #tpu.memory_space<semaphore_mem>>
      %dma_start3A = arith.constant 0 : i32
      %dma_start3A_44 = tpu.memref_slice %arg9[%add3A_25, %dma_start3A] : memref<10240x16xf32, #tpu.memory_space<vmem_shared>> -> memref<128x16xf32, #tpu.memory_space<vmem_shared>>
      %dma_start3A_45 = arith.constant 0 : i32
      %dma_start3A_46 = tpu.memref_slice %arg9[%add3A_25, %dma_start3A_45] : memref<10240x16xf32, #tpu.memory_space<vmem_shared>> -> memref<128x16xf32, #tpu.memory_space<vmem_shared>>
      tpu.enqueue_dma source(%dma_start3A_46 : memref<128x16xf32, #tpu.memory_space<vmem_shared>>) target(%arg8 : memref<128x16xf32, #tpu.memory_space<vmem>>) target_semaphore(%run_scoped3A : memref<!tpu.dma_semaphore, #tpu.memory_space<semaphore_mem>>)
      %dma_wait3A = arith.constant 0 : i32
      %dma_wait3A_47 = tpu.memref_slice %arg9[%add3A_25, %dma_wait3A] : memref<10240x16xf32, #tpu.memory_space<vmem_shared>> -> memref<128x16xf32, #tpu.memory_space<vmem_shared>>
      %dma_wait3A_48 = arith.constant 0 : i32
      %dma_wait3A_49 = tpu.memref_slice %arg9[%add3A_25, %dma_wait3A_48] : memref<10240x16xf32, #tpu.memory_space<vmem_shared>> -> memref<128x16xf32, #tpu.memory_space<vmem_shared>>
      tpu.wait_dma2 semaphore(%run_scoped3A : memref<!tpu.dma_semaphore, #tpu.memory_space<semaphore_mem>>) src(%dma_wait3A_49 : memref<128x16xf32, #tpu.memory_space<vmem_shared>>) dst(%arg8 : memref<128x16xf32, #tpu.memory_space<vmem>>)
      tpu.yield
    }) : () -> ()
    %add3A_26 = arith.constant 0 : i32
    %add3A_27 = arith.addi %add3A_23, %add3A_26 : i32
    "tpu.region"() ({
      %run_scoped3A = tpu.sem_alloc : memref<!tpu.dma_semaphore, #tpu.memory_space<semaphore_mem>>
      %dma_start3A = arith.constant 0 : i32
      %dma_start3A_44 = tpu.memref_slice %arg5[%add3A_27, %dma_start3A] : memref<20480x16xf32, #tpu.memory_space<hbm>> -> memref<128x16xf32, #tpu.memory_space<hbm>>
      %dma_start3A_45 = arith.constant 0 : i32
      %dma_start3A_46 = tpu.memref_slice %arg5[%add3A_27, %dma_start3A_45] : memref<20480x16xf32, #tpu.memory_space<hbm>> -> memref<128x16xf32, #tpu.memory_space<hbm>>
      tpu.enqueue_dma source(%arg8 : memref<128x16xf32, #tpu.memory_space<vmem>>) target(%dma_start3A_46 : memref<128x16xf32, #tpu.memory_space<hbm>>) target_semaphore(%run_scoped3A : memref<!tpu.dma_semaphore, #tpu.memory_space<semaphore_mem>>)
      %dma_wait3A = arith.constant 0 : i32
      %dma_wait3A_47 = tpu.memref_slice %arg5[%add3A_27, %dma_wait3A] : memref<20480x16xf32, #tpu.memory_space<hbm>> -> memref<128x16xf32, #tpu.memory_space<hbm>>
      %dma_wait3A_48 = arith.constant 0 : i32
      %dma_wait3A_49 = tpu.memref_slice %arg5[%add3A_27, %dma_wait3A_48] : memref<20480x16xf32, #tpu.memory_space<hbm>> -> memref<128x16xf32, #tpu.memory_space<hbm>>
      tpu.wait_dma2 semaphore(%run_scoped3A : memref<!tpu.dma_semaphore, #tpu.memory_space<semaphore_mem>>) src(%arg8 : memref<128x16xf32, #tpu.memory_space<vmem>>) dst(%dma_wait3A_49 : memref<128x16xf32, #tpu.memory_space<hbm>>)
      tpu.yield
    }) : () -> ()
    %add3A_28 = arith.constant 128 : i32
    %add3A_29 = arith.addi %mul3A_0, %add3A_28 : i32
    "tpu.region"() ({
      %run_scoped3A = tpu.sem_alloc : memref<!tpu.dma_semaphore, #tpu.memory_space<semaphore_mem>>
      %dma_start3A = arith.constant 0 : i32
      %dma_start3A_44 = tpu.memref_slice %arg9[%add3A_29, %dma_start3A] : memref<10240x16xf32, #tpu.memory_space<vmem_shared>> -> memref<128x16xf32, #tpu.memory_space<vmem_shared>>
      %dma_start3A_45 = arith.constant 0 : i32
      %dma_start3A_46 = tpu.memref_slice %arg9[%add3A_29, %dma_start3A_45] : memref<10240x16xf32, #tpu.memory_space<vmem_shared>> -> memref<128x16xf32, #tpu.memory_space<vmem_shared>>
      tpu.enqueue_dma source(%dma_start3A_46 : memref<128x16xf32, #tpu.memory_space<vmem_shared>>) target(%arg8 : memref<128x16xf32, #tpu.memory_space<vmem>>) target_semaphore(%run_scoped3A : memref<!tpu.dma_semaphore, #tpu.memory_space<semaphore_mem>>)
      %dma_wait3A = arith.constant 0 : i32
      %dma_wait3A_47 = tpu.memref_slice %arg9[%add3A_29, %dma_wait3A] : memref<10240x16xf32, #tpu.memory_space<vmem_shared>> -> memref<128x16xf32, #tpu.memory_space<vmem_shared>>
      %dma_wait3A_48 = arith.constant 0 : i32
      %dma_wait3A_49 = tpu.memref_slice %arg9[%add3A_29, %dma_wait3A_48] : memref<10240x16xf32, #tpu.memory_space<vmem_shared>> -> memref<128x16xf32, #tpu.memory_space<vmem_shared>>
      tpu.wait_dma2 semaphore(%run_scoped3A : memref<!tpu.dma_semaphore, #tpu.memory_space<semaphore_mem>>) src(%dma_wait3A_49 : memref<128x16xf32, #tpu.memory_space<vmem_shared>>) dst(%arg8 : memref<128x16xf32, #tpu.memory_space<vmem>>)
      tpu.yield
    }) : () -> ()
    %add3A_30 = arith.constant 128 : i32
    %add3A_31 = arith.addi %add3A_23, %add3A_30 : i32
    "tpu.region"() ({
      %run_scoped3A = tpu.sem_alloc : memref<!tpu.dma_semaphore, #tpu.memory_space<semaphore_mem>>
      %dma_start3A = arith.constant 0 : i32
      %dma_start3A_44 = tpu.memref_slice %arg5[%add3A_31, %dma_start3A] : memref<20480x16xf32, #tpu.memory_space<hbm>> -> memref<128x16xf32, #tpu.memory_space<hbm>>
      %dma_start3A_45 = arith.constant 0 : i32
      %dma_start3A_46 = tpu.memref_slice %arg5[%add3A_31, %dma_start3A_45] : memref<20480x16xf32, #tpu.memory_space<hbm>> -> memref<128x16xf32, #tpu.memory_space<hbm>>
      tpu.enqueue_dma source(%arg8 : memref<128x16xf32, #tpu.memory_space<vmem>>) target(%dma_start3A_46 : memref<128x16xf32, #tpu.memory_space<hbm>>) target_semaphore(%run_scoped3A : memref<!tpu.dma_semaphore, #tpu.memory_space<semaphore_mem>>)
      %dma_wait3A = arith.constant 0 : i32
      %dma_wait3A_47 = tpu.memref_slice %arg5[%add3A_31, %dma_wait3A] : memref<20480x16xf32, #tpu.memory_space<hbm>> -> memref<128x16xf32, #tpu.memory_space<hbm>>
      %dma_wait3A_48 = arith.constant 0 : i32
      %dma_wait3A_49 = tpu.memref_slice %arg5[%add3A_31, %dma_wait3A_48] : memref<20480x16xf32, #tpu.memory_space<hbm>> -> memref<128x16xf32, #tpu.memory_space<hbm>>
      tpu.wait_dma2 semaphore(%run_scoped3A : memref<!tpu.dma_semaphore, #tpu.memory_space<semaphore_mem>>) src(%arg8 : memref<128x16xf32, #tpu.memory_space<vmem>>) dst(%dma_wait3A_49 : memref<128x16xf32, #tpu.memory_space<hbm>>)
      tpu.yield
    }) : () -> ()
    %add3A_32 = arith.constant 256 : i32
    %add3A_33 = arith.addi %mul3A_0, %add3A_32 : i32
    "tpu.region"() ({
      %run_scoped3A = tpu.sem_alloc : memref<!tpu.dma_semaphore, #tpu.memory_space<semaphore_mem>>
      %dma_start3A = arith.constant 0 : i32
      %dma_start3A_44 = tpu.memref_slice %arg9[%add3A_33, %dma_start3A] : memref<10240x16xf32, #tpu.memory_space<vmem_shared>> -> memref<128x16xf32, #tpu.memory_space<vmem_shared>>
      %dma_start3A_45 = arith.constant 0 : i32
      %dma_start3A_46 = tpu.memref_slice %arg9[%add3A_33, %dma_start3A_45] : memref<10240x16xf32, #tpu.memory_space<vmem_shared>> -> memref<128x16xf32, #tpu.memory_space<vmem_shared>>
      tpu.enqueue_dma source(%dma_start3A_46 : memref<128x16xf32, #tpu.memory_space<vmem_shared>>) target(%arg8 : memref<128x16xf32, #tpu.memory_space<vmem>>) target_semaphore(%run_scoped3A : memref<!tpu.dma_semaphore, #tpu.memory_space<semaphore_mem>>)
      %dma_wait3A = arith.constant 0 : i32
      %dma_wait3A_47 = tpu.memref_slice %arg9[%add3A_33, %dma_wait3A] : memref<10240x16xf32, #tpu.memory_space<vmem_shared>> -> memref<128x16xf32, #tpu.memory_space<vmem_shared>>
      %dma_wait3A_48 = arith.constant 0 : i32
      %dma_wait3A_49 = tpu.memref_slice %arg9[%add3A_33, %dma_wait3A_48] : memref<10240x16xf32, #tpu.memory_space<vmem_shared>> -> memref<128x16xf32, #tpu.memory_space<vmem_shared>>
      tpu.wait_dma2 semaphore(%run_scoped3A : memref<!tpu.dma_semaphore, #tpu.memory_space<semaphore_mem>>) src(%dma_wait3A_49 : memref<128x16xf32, #tpu.memory_space<vmem_shared>>) dst(%arg8 : memref<128x16xf32, #tpu.memory_space<vmem>>)
      tpu.yield
    }) : () -> ()
    %add3A_34 = arith.constant 256 : i32
    %add3A_35 = arith.addi %add3A_23, %add3A_34 : i32
    "tpu.region"() ({
      %run_scoped3A = tpu.sem_alloc : memref<!tpu.dma_semaphore, #tpu.memory_space<semaphore_mem>>
      %dma_start3A = arith.constant 0 : i32
      %dma_start3A_44 = tpu.memref_slice %arg5[%add3A_35, %dma_start3A] : memref<20480x16xf32, #tpu.memory_space<hbm>> -> memref<128x16xf32, #tpu.memory_space<hbm>>
      %dma_start3A_45 = arith.constant 0 : i32
      %dma_start3A_46 = tpu.memref_slice %arg5[%add3A_35, %dma_start3A_45] : memref<20480x16xf32, #tpu.memory_space<hbm>> -> memref<128x16xf32, #tpu.memory_space<hbm>>
      tpu.enqueue_dma source(%arg8 : memref<128x16xf32, #tpu.memory_space<vmem>>) target(%dma_start3A_46 : memref<128x16xf32, #tpu.memory_space<hbm>>) target_semaphore(%run_scoped3A : memref<!tpu.dma_semaphore, #tpu.memory_space<semaphore_mem>>)
      %dma_wait3A = arith.constant 0 : i32
      %dma_wait3A_47 = tpu.memref_slice %arg5[%add3A_35, %dma_wait3A] : memref<20480x16xf32, #tpu.memory_space<hbm>> -> memref<128x16xf32, #tpu.memory_space<hbm>>
      %dma_wait3A_48 = arith.constant 0 : i32
      %dma_wait3A_49 = tpu.memref_slice %arg5[%add3A_35, %dma_wait3A_48] : memref<20480x16xf32, #tpu.memory_space<hbm>> -> memref<128x16xf32, #tpu.memory_space<hbm>>
      tpu.wait_dma2 semaphore(%run_scoped3A : memref<!tpu.dma_semaphore, #tpu.memory_space<semaphore_mem>>) src(%arg8 : memref<128x16xf32, #tpu.memory_space<vmem>>) dst(%dma_wait3A_49 : memref<128x16xf32, #tpu.memory_space<hbm>>)
      tpu.yield
    }) : () -> ()
    %add3A_36 = arith.constant 384 : i32
    %add3A_37 = arith.addi %mul3A_0, %add3A_36 : i32
    "tpu.region"() ({
      %run_scoped3A = tpu.sem_alloc : memref<!tpu.dma_semaphore, #tpu.memory_space<semaphore_mem>>
      %dma_start3A = arith.constant 0 : i32
      %dma_start3A_44 = tpu.memref_slice %arg9[%add3A_37, %dma_start3A] : memref<10240x16xf32, #tpu.memory_space<vmem_shared>> -> memref<128x16xf32, #tpu.memory_space<vmem_shared>>
      %dma_start3A_45 = arith.constant 0 : i32
      %dma_start3A_46 = tpu.memref_slice %arg9[%add3A_37, %dma_start3A_45] : memref<10240x16xf32, #tpu.memory_space<vmem_shared>> -> memref<128x16xf32, #tpu.memory_space<vmem_shared>>
      tpu.enqueue_dma source(%dma_start3A_46 : memref<128x16xf32, #tpu.memory_space<vmem_shared>>) target(%arg8 : memref<128x16xf32, #tpu.memory_space<vmem>>) target_semaphore(%run_scoped3A : memref<!tpu.dma_semaphore, #tpu.memory_space<semaphore_mem>>)
      %dma_wait3A = arith.constant 0 : i32
      %dma_wait3A_47 = tpu.memref_slice %arg9[%add3A_37, %dma_wait3A] : memref<10240x16xf32, #tpu.memory_space<vmem_shared>> -> memref<128x16xf32, #tpu.memory_space<vmem_shared>>
      %dma_wait3A_48 = arith.constant 0 : i32
      %dma_wait3A_49 = tpu.memref_slice %arg9[%add3A_37, %dma_wait3A_48] : memref<10240x16xf32, #tpu.memory_space<vmem_shared>> -> memref<128x16xf32, #tpu.memory_space<vmem_shared>>
      tpu.wait_dma2 semaphore(%run_scoped3A : memref<!tpu.dma_semaphore, #tpu.memory_space<semaphore_mem>>) src(%dma_wait3A_49 : memref<128x16xf32, #tpu.memory_space<vmem_shared>>) dst(%arg8 : memref<128x16xf32, #tpu.memory_space<vmem>>)
      tpu.yield
    }) : () -> ()
    %add3A_38 = arith.constant 384 : i32
    %add3A_39 = arith.addi %add3A_23, %add3A_38 : i32
    "tpu.region"() ({
      %run_scoped3A = tpu.sem_alloc : memref<!tpu.dma_semaphore, #tpu.memory_space<semaphore_mem>>
      %dma_start3A = arith.constant 0 : i32
      %dma_start3A_44 = tpu.memref_slice %arg5[%add3A_39, %dma_start3A] : memref<20480x16xf32, #tpu.memory_space<hbm>> -> memref<128x16xf32, #tpu.memory_space<hbm>>
      %dma_start3A_45 = arith.constant 0 : i32
      %dma_start3A_46 = tpu.memref_slice %arg5[%add3A_39, %dma_start3A_45] : memref<20480x16xf32, #tpu.memory_space<hbm>> -> memref<128x16xf32, #tpu.memory_space<hbm>>
      tpu.enqueue_dma source(%arg8 : memref<128x16xf32, #tpu.memory_space<vmem>>) target(%dma_start3A_46 : memref<128x16xf32, #tpu.memory_space<hbm>>) target_semaphore(%run_scoped3A : memref<!tpu.dma_semaphore, #tpu.memory_space<semaphore_mem>>)
      %dma_wait3A = arith.constant 0 : i32
      %dma_wait3A_47 = tpu.memref_slice %arg5[%add3A_39, %dma_wait3A] : memref<20480x16xf32, #tpu.memory_space<hbm>> -> memref<128x16xf32, #tpu.memory_space<hbm>>
      %dma_wait3A_48 = arith.constant 0 : i32
      %dma_wait3A_49 = tpu.memref_slice %arg5[%add3A_39, %dma_wait3A_48] : memref<20480x16xf32, #tpu.memory_space<hbm>> -> memref<128x16xf32, #tpu.memory_space<hbm>>
      tpu.wait_dma2 semaphore(%run_scoped3A : memref<!tpu.dma_semaphore, #tpu.memory_space<semaphore_mem>>) src(%arg8 : memref<128x16xf32, #tpu.memory_space<vmem>>) dst(%dma_wait3A_49 : memref<128x16xf32, #tpu.memory_space<hbm>>)
      tpu.yield
    }) : () -> ()
    %add3A_40 = arith.constant 512 : i32
    %add3A_41 = arith.addi %mul3A_0, %add3A_40 : i32
    "tpu.region"() ({
      %run_scoped3A = tpu.sem_alloc : memref<!tpu.dma_semaphore, #tpu.memory_space<semaphore_mem>>
      %dma_start3A = arith.constant 0 : i32
      %dma_start3A_44 = tpu.memref_slice %arg9[%add3A_41, %dma_start3A] : memref<10240x16xf32, #tpu.memory_space<vmem_shared>> -> memref<128x16xf32, #tpu.memory_space<vmem_shared>>
      %dma_start3A_45 = arith.constant 0 : i32
      %dma_start3A_46 = tpu.memref_slice %arg9[%add3A_41, %dma_start3A_45] : memref<10240x16xf32, #tpu.memory_space<vmem_shared>> -> memref<128x16xf32, #tpu.memory_space<vmem_shared>>
      tpu.enqueue_dma source(%dma_start3A_46 : memref<128x16xf32, #tpu.memory_space<vmem_shared>>) target(%arg8 : memref<128x16xf32, #tpu.memory_space<vmem>>) target_semaphore(%run_scoped3A : memref<!tpu.dma_semaphore, #tpu.memory_space<semaphore_mem>>)
      %dma_wait3A = arith.constant 0 : i32
      %dma_wait3A_47 = tpu.memref_slice %arg9[%add3A_41, %dma_wait3A] : memref<10240x16xf32, #tpu.memory_space<vmem_shared>> -> memref<128x16xf32, #tpu.memory_space<vmem_shared>>
      %dma_wait3A_48 = arith.constant 0 : i32
      %dma_wait3A_49 = tpu.memref_slice %arg9[%add3A_41, %dma_wait3A_48] : memref<10240x16xf32, #tpu.memory_space<vmem_shared>> -> memref<128x16xf32, #tpu.memory_space<vmem_shared>>
      tpu.wait_dma2 semaphore(%run_scoped3A : memref<!tpu.dma_semaphore, #tpu.memory_space<semaphore_mem>>) src(%dma_wait3A_49 : memref<128x16xf32, #tpu.memory_space<vmem_shared>>) dst(%arg8 : memref<128x16xf32, #tpu.memory_space<vmem>>)
      tpu.yield
    }) : () -> ()
    %add3A_42 = arith.constant 512 : i32
    %add3A_43 = arith.addi %add3A_23, %add3A_42 : i32
    "tpu.region"() ({
      %run_scoped3A = tpu.sem_alloc : memref<!tpu.dma_semaphore, #tpu.memory_space<semaphore_mem>>
      %dma_start3A = arith.constant 0 : i32
      %dma_start3A_44 = tpu.memref_slice %arg5[%add3A_43, %dma_start3A] : memref<20480x16xf32, #tpu.memory_space<hbm>> -> memref<128x16xf32, #tpu.memory_space<hbm>>
      %dma_start3A_45 = arith.constant 0 : i32
      %dma_start3A_46 = tpu.memref_slice %arg5[%add3A_43, %dma_start3A_45] : memref<20480x16xf32, #tpu.memory_space<hbm>> -> memref<128x16xf32, #tpu.memory_space<hbm>>
      tpu.enqueue_dma source(%arg8 : memref<128x16xf32, #tpu.memory_space<vmem>>) target(%dma_start3A_46 : memref<128x16xf32, #tpu.memory_space<hbm>>) target_semaphore(%run_scoped3A : memref<!tpu.dma_semaphore, #tpu.memory_space<semaphore_mem>>)
      %dma_wait3A = arith.constant 0 : i32
      %dma_wait3A_47 = tpu.memref_slice %arg5[%add3A_43, %dma_wait3A] : memref<20480x16xf32, #tpu.memory_space<hbm>> -> memref<128x16xf32, #tpu.memory_space<hbm>>
      %dma_wait3A_48 = arith.constant 0 : i32
      %dma_wait3A_49 = tpu.memref_slice %arg5[%add3A_43, %dma_wait3A_48] : memref<20480x16xf32, #tpu.memory_space<hbm>> -> memref<128x16xf32, #tpu.memory_space<hbm>>
      tpu.wait_dma2 semaphore(%run_scoped3A : memref<!tpu.dma_semaphore, #tpu.memory_space<semaphore_mem>>) src(%arg8 : memref<128x16xf32, #tpu.memory_space<vmem>>) dst(%dma_wait3A_49 : memref<128x16xf32, #tpu.memory_space<hbm>>)
      tpu.yield
    }) : () -> ()
    return
  }
}

#map = affine_map<(d0, d1) -> (0, 0)>
module attributes {stable_mosaic.version = 14 : i64} {
  func.func @_sc_agg_body(%arg0: i32, %arg1: i32, %arg2: memref<20000x64xf32, #tpu.memory_space<hbm>>, %arg3: memref<5120x128xi32, #tpu.memory_space<hbm>>, %arg4: memref<2560x128xi32, #tpu.memory_space<hbm>>, %arg5: memref<128x64xf32, #tpu.memory_space<hbm>>, %arg6: memref<20480x64xf32, #tpu.memory_space<hbm>>, %arg7: memref<160x128xi32, #tpu.memory_space<vmem>>, %arg8: memref<160x128xi32, #tpu.memory_space<vmem>>, %arg9: memref<128x64xf32, #tpu.memory_space<vmem>>, %arg10: memref<128x64xf32, #tpu.memory_space<vmem>>, %arg11: memref<128x64xf32, #tpu.memory_space<vmem>>, %arg12: memref<128x64xf32, #tpu.memory_space<vmem>>, %arg13: memref<128x64xf32, #tpu.memory_space<vmem>>, %arg14: memref<10240x64xf32, #tpu.memory_space<vmem_shared>>, %arg15: memref<!tpu.dma_semaphore, #tpu.memory_space<semaphore_mem>>, %arg16: memref<!tpu.dma_semaphore, #tpu.memory_space<semaphore_mem>>) attributes {dimension_semantics = [#tpu.dimension_semantics<core_parallel>, #tpu.dimension_semantics<subcore_parallel>], iteration_bounds = array<i64: 2, 16>, scalar_prefetch = 0 : i64, scratch_operands = 10 : i64, tpu.core_type = #tpu.core_type<sc_vector_subcore>, window_params = [{transform_indices = #map}, {transform_indices = #map}, {transform_indices = #map}, {transform_indices = #map}, {transform_indices = #map}]} {
    %mul3A = arith.constant 640 : i32
    %mul3A_0 = arith.muli %arg1, %mul3A : i32
    %mul3A_1 = arith.constant 16 : i32
    %mul3A_2 = arith.muli %arg0, %mul3A_1 : i32
    %add3A = arith.addi %mul3A_2, %arg1 : i32
    %mul3A_3 = arith.constant 160 : i32
    %mul3A_4 = arith.muli %add3A, %mul3A_3 : i32
    "tpu.region"() ({
      %run_scoped3A = tpu.sem_alloc : memref<!tpu.dma_semaphore, #tpu.memory_space<semaphore_mem>>
      %dma_start3A_93 = arith.constant 0 : i32
      %dma_start3A_94 = tpu.memref_slice %arg3[%mul3A_4, %dma_start3A_93] : memref<5120x128xi32, #tpu.memory_space<hbm>> -> memref<160x128xi32, #tpu.memory_space<hbm>>
      %dma_start3A_95 = arith.constant 0 : i32
      %dma_start3A_96 = tpu.memref_slice %arg3[%mul3A_4, %dma_start3A_95] : memref<5120x128xi32, #tpu.memory_space<hbm>> -> memref<160x128xi32, #tpu.memory_space<hbm>>
      tpu.enqueue_dma source(%dma_start3A_96 : memref<160x128xi32, #tpu.memory_space<hbm>>) target(%arg7 : memref<160x128xi32, #tpu.memory_space<vmem>>) target_semaphore(%run_scoped3A : memref<!tpu.dma_semaphore, #tpu.memory_space<semaphore_mem>>)
      %dma_wait3A_97 = arith.constant 0 : i32
      %dma_wait3A_98 = tpu.memref_slice %arg3[%mul3A_4, %dma_wait3A_97] : memref<5120x128xi32, #tpu.memory_space<hbm>> -> memref<160x128xi32, #tpu.memory_space<hbm>>
      %dma_wait3A_99 = arith.constant 0 : i32
      %dma_wait3A_100 = tpu.memref_slice %arg3[%mul3A_4, %dma_wait3A_99] : memref<5120x128xi32, #tpu.memory_space<hbm>> -> memref<160x128xi32, #tpu.memory_space<hbm>>
      tpu.wait_dma2 semaphore(%run_scoped3A : memref<!tpu.dma_semaphore, #tpu.memory_space<semaphore_mem>>) src(%dma_wait3A_100 : memref<160x128xi32, #tpu.memory_space<hbm>>) dst(%arg7 : memref<160x128xi32, #tpu.memory_space<vmem>>)
      tpu.yield
    }) : () -> ()
    %mul3A_5 = arith.constant 160 : i32
    %mul3A_6 = arith.muli %arg1, %mul3A_5 : i32
    "tpu.region"() ({
      %run_scoped3A = tpu.sem_alloc : memref<!tpu.dma_semaphore, #tpu.memory_space<semaphore_mem>>
      %dma_start3A_93 = arith.constant 0 : i32
      %dma_start3A_94 = tpu.memref_slice %arg4[%mul3A_6, %dma_start3A_93] : memref<2560x128xi32, #tpu.memory_space<hbm>> -> memref<160x128xi32, #tpu.memory_space<hbm>>
      %dma_start3A_95 = arith.constant 0 : i32
      %dma_start3A_96 = tpu.memref_slice %arg4[%mul3A_6, %dma_start3A_95] : memref<2560x128xi32, #tpu.memory_space<hbm>> -> memref<160x128xi32, #tpu.memory_space<hbm>>
      tpu.enqueue_dma source(%dma_start3A_96 : memref<160x128xi32, #tpu.memory_space<hbm>>) target(%arg8 : memref<160x128xi32, #tpu.memory_space<vmem>>) target_semaphore(%run_scoped3A : memref<!tpu.dma_semaphore, #tpu.memory_space<semaphore_mem>>)
      %dma_wait3A_97 = arith.constant 0 : i32
      %dma_wait3A_98 = tpu.memref_slice %arg4[%mul3A_6, %dma_wait3A_97] : memref<2560x128xi32, #tpu.memory_space<hbm>> -> memref<160x128xi32, #tpu.memory_space<hbm>>
      %dma_wait3A_99 = arith.constant 0 : i32
      %dma_wait3A_100 = tpu.memref_slice %arg4[%mul3A_6, %dma_wait3A_99] : memref<2560x128xi32, #tpu.memory_space<hbm>> -> memref<160x128xi32, #tpu.memory_space<hbm>>
      tpu.wait_dma2 semaphore(%run_scoped3A : memref<!tpu.dma_semaphore, #tpu.memory_space<semaphore_mem>>) src(%dma_wait3A_100 : memref<160x128xi32, #tpu.memory_space<hbm>>) dst(%arg8 : memref<160x128xi32, #tpu.memory_space<vmem>>)
      tpu.yield
    }) : () -> ()
    "tpu.region"() ({
      %run_scoped3A = tpu.sem_alloc : memref<!tpu.dma_semaphore, #tpu.memory_space<semaphore_mem>>
      tpu.enqueue_dma source(%arg5 : memref<128x64xf32, #tpu.memory_space<hbm>>) target(%arg13 : memref<128x64xf32, #tpu.memory_space<vmem>>) target_semaphore(%run_scoped3A : memref<!tpu.dma_semaphore, #tpu.memory_space<semaphore_mem>>)
      tpu.wait_dma2 semaphore(%run_scoped3A : memref<!tpu.dma_semaphore, #tpu.memory_space<semaphore_mem>>) src(%arg5 : memref<128x64xf32, #tpu.memory_space<hbm>>) dst(%arg13 : memref<128x64xf32, #tpu.memory_space<vmem>>)
      tpu.yield
    }) : () -> ()
    %add3A_7 = arith.constant 0 : i32
    %add3A_8 = arith.addi %mul3A_0, %add3A_7 : i32
    "tpu.region"() ({
      %run_scoped3A = tpu.sem_alloc : memref<!tpu.dma_semaphore, #tpu.memory_space<semaphore_mem>>
      %dma_start3A_93 = arith.constant 0 : i32
      %dma_start3A_94 = tpu.memref_slice %arg14[%add3A_8, %dma_start3A_93] : memref<10240x64xf32, #tpu.memory_space<vmem_shared>> -> memref<128x64xf32, #tpu.memory_space<vmem_shared>>
      %dma_start3A_95 = arith.constant 0 : i32
      %dma_start3A_96 = tpu.memref_slice %arg14[%add3A_8, %dma_start3A_95] : memref<10240x64xf32, #tpu.memory_space<vmem_shared>> -> memref<128x64xf32, #tpu.memory_space<vmem_shared>>
      tpu.enqueue_dma source(%arg13 : memref<128x64xf32, #tpu.memory_space<vmem>>) target(%dma_start3A_96 : memref<128x64xf32, #tpu.memory_space<vmem_shared>>) target_semaphore(%run_scoped3A : memref<!tpu.dma_semaphore, #tpu.memory_space<semaphore_mem>>)
      %dma_wait3A_97 = arith.constant 0 : i32
      %dma_wait3A_98 = tpu.memref_slice %arg14[%add3A_8, %dma_wait3A_97] : memref<10240x64xf32, #tpu.memory_space<vmem_shared>> -> memref<128x64xf32, #tpu.memory_space<vmem_shared>>
      %dma_wait3A_99 = arith.constant 0 : i32
      %dma_wait3A_100 = tpu.memref_slice %arg14[%add3A_8, %dma_wait3A_99] : memref<10240x64xf32, #tpu.memory_space<vmem_shared>> -> memref<128x64xf32, #tpu.memory_space<vmem_shared>>
      tpu.wait_dma2 semaphore(%run_scoped3A : memref<!tpu.dma_semaphore, #tpu.memory_space<semaphore_mem>>) src(%arg13 : memref<128x64xf32, #tpu.memory_space<vmem>>) dst(%dma_wait3A_100 : memref<128x64xf32, #tpu.memory_space<vmem_shared>>)
      tpu.yield
    }) : () -> ()
    %add3A_9 = arith.constant 128 : i32
    %add3A_10 = arith.addi %mul3A_0, %add3A_9 : i32
    "tpu.region"() ({
      %run_scoped3A = tpu.sem_alloc : memref<!tpu.dma_semaphore, #tpu.memory_space<semaphore_mem>>
      %dma_start3A_93 = arith.constant 0 : i32
      %dma_start3A_94 = tpu.memref_slice %arg14[%add3A_10, %dma_start3A_93] : memref<10240x64xf32, #tpu.memory_space<vmem_shared>> -> memref<128x64xf32, #tpu.memory_space<vmem_shared>>
      %dma_start3A_95 = arith.constant 0 : i32
      %dma_start3A_96 = tpu.memref_slice %arg14[%add3A_10, %dma_start3A_95] : memref<10240x64xf32, #tpu.memory_space<vmem_shared>> -> memref<128x64xf32, #tpu.memory_space<vmem_shared>>
      tpu.enqueue_dma source(%arg13 : memref<128x64xf32, #tpu.memory_space<vmem>>) target(%dma_start3A_96 : memref<128x64xf32, #tpu.memory_space<vmem_shared>>) target_semaphore(%run_scoped3A : memref<!tpu.dma_semaphore, #tpu.memory_space<semaphore_mem>>)
      %dma_wait3A_97 = arith.constant 0 : i32
      %dma_wait3A_98 = tpu.memref_slice %arg14[%add3A_10, %dma_wait3A_97] : memref<10240x64xf32, #tpu.memory_space<vmem_shared>> -> memref<128x64xf32, #tpu.memory_space<vmem_shared>>
      %dma_wait3A_99 = arith.constant 0 : i32
      %dma_wait3A_100 = tpu.memref_slice %arg14[%add3A_10, %dma_wait3A_99] : memref<10240x64xf32, #tpu.memory_space<vmem_shared>> -> memref<128x64xf32, #tpu.memory_space<vmem_shared>>
      tpu.wait_dma2 semaphore(%run_scoped3A : memref<!tpu.dma_semaphore, #tpu.memory_space<semaphore_mem>>) src(%arg13 : memref<128x64xf32, #tpu.memory_space<vmem>>) dst(%dma_wait3A_100 : memref<128x64xf32, #tpu.memory_space<vmem_shared>>)
      tpu.yield
    }) : () -> ()
    %add3A_11 = arith.constant 256 : i32
    %add3A_12 = arith.addi %mul3A_0, %add3A_11 : i32
    "tpu.region"() ({
      %run_scoped3A = tpu.sem_alloc : memref<!tpu.dma_semaphore, #tpu.memory_space<semaphore_mem>>
      %dma_start3A_93 = arith.constant 0 : i32
      %dma_start3A_94 = tpu.memref_slice %arg14[%add3A_12, %dma_start3A_93] : memref<10240x64xf32, #tpu.memory_space<vmem_shared>> -> memref<128x64xf32, #tpu.memory_space<vmem_shared>>
      %dma_start3A_95 = arith.constant 0 : i32
      %dma_start3A_96 = tpu.memref_slice %arg14[%add3A_12, %dma_start3A_95] : memref<10240x64xf32, #tpu.memory_space<vmem_shared>> -> memref<128x64xf32, #tpu.memory_space<vmem_shared>>
      tpu.enqueue_dma source(%arg13 : memref<128x64xf32, #tpu.memory_space<vmem>>) target(%dma_start3A_96 : memref<128x64xf32, #tpu.memory_space<vmem_shared>>) target_semaphore(%run_scoped3A : memref<!tpu.dma_semaphore, #tpu.memory_space<semaphore_mem>>)
      %dma_wait3A_97 = arith.constant 0 : i32
      %dma_wait3A_98 = tpu.memref_slice %arg14[%add3A_12, %dma_wait3A_97] : memref<10240x64xf32, #tpu.memory_space<vmem_shared>> -> memref<128x64xf32, #tpu.memory_space<vmem_shared>>
      %dma_wait3A_99 = arith.constant 0 : i32
      %dma_wait3A_100 = tpu.memref_slice %arg14[%add3A_12, %dma_wait3A_99] : memref<10240x64xf32, #tpu.memory_space<vmem_shared>> -> memref<128x64xf32, #tpu.memory_space<vmem_shared>>
      tpu.wait_dma2 semaphore(%run_scoped3A : memref<!tpu.dma_semaphore, #tpu.memory_space<semaphore_mem>>) src(%arg13 : memref<128x64xf32, #tpu.memory_space<vmem>>) dst(%dma_wait3A_100 : memref<128x64xf32, #tpu.memory_space<vmem_shared>>)
      tpu.yield
    }) : () -> ()
    %add3A_13 = arith.constant 384 : i32
    %add3A_14 = arith.addi %mul3A_0, %add3A_13 : i32
    "tpu.region"() ({
      %run_scoped3A = tpu.sem_alloc : memref<!tpu.dma_semaphore, #tpu.memory_space<semaphore_mem>>
      %dma_start3A_93 = arith.constant 0 : i32
      %dma_start3A_94 = tpu.memref_slice %arg14[%add3A_14, %dma_start3A_93] : memref<10240x64xf32, #tpu.memory_space<vmem_shared>> -> memref<128x64xf32, #tpu.memory_space<vmem_shared>>
      %dma_start3A_95 = arith.constant 0 : i32
      %dma_start3A_96 = tpu.memref_slice %arg14[%add3A_14, %dma_start3A_95] : memref<10240x64xf32, #tpu.memory_space<vmem_shared>> -> memref<128x64xf32, #tpu.memory_space<vmem_shared>>
      tpu.enqueue_dma source(%arg13 : memref<128x64xf32, #tpu.memory_space<vmem>>) target(%dma_start3A_96 : memref<128x64xf32, #tpu.memory_space<vmem_shared>>) target_semaphore(%run_scoped3A : memref<!tpu.dma_semaphore, #tpu.memory_space<semaphore_mem>>)
      %dma_wait3A_97 = arith.constant 0 : i32
      %dma_wait3A_98 = tpu.memref_slice %arg14[%add3A_14, %dma_wait3A_97] : memref<10240x64xf32, #tpu.memory_space<vmem_shared>> -> memref<128x64xf32, #tpu.memory_space<vmem_shared>>
      %dma_wait3A_99 = arith.constant 0 : i32
      %dma_wait3A_100 = tpu.memref_slice %arg14[%add3A_14, %dma_wait3A_99] : memref<10240x64xf32, #tpu.memory_space<vmem_shared>> -> memref<128x64xf32, #tpu.memory_space<vmem_shared>>
      tpu.wait_dma2 semaphore(%run_scoped3A : memref<!tpu.dma_semaphore, #tpu.memory_space<semaphore_mem>>) src(%arg13 : memref<128x64xf32, #tpu.memory_space<vmem>>) dst(%dma_wait3A_100 : memref<128x64xf32, #tpu.memory_space<vmem_shared>>)
      tpu.yield
    }) : () -> ()
    %add3A_15 = arith.constant 512 : i32
    %add3A_16 = arith.addi %mul3A_0, %add3A_15 : i32
    "tpu.region"() ({
      %run_scoped3A = tpu.sem_alloc : memref<!tpu.dma_semaphore, #tpu.memory_space<semaphore_mem>>
      %dma_start3A_93 = arith.constant 0 : i32
      %dma_start3A_94 = tpu.memref_slice %arg14[%add3A_16, %dma_start3A_93] : memref<10240x64xf32, #tpu.memory_space<vmem_shared>> -> memref<128x64xf32, #tpu.memory_space<vmem_shared>>
      %dma_start3A_95 = arith.constant 0 : i32
      %dma_start3A_96 = tpu.memref_slice %arg14[%add3A_16, %dma_start3A_95] : memref<10240x64xf32, #tpu.memory_space<vmem_shared>> -> memref<128x64xf32, #tpu.memory_space<vmem_shared>>
      tpu.enqueue_dma source(%arg13 : memref<128x64xf32, #tpu.memory_space<vmem>>) target(%dma_start3A_96 : memref<128x64xf32, #tpu.memory_space<vmem_shared>>) target_semaphore(%run_scoped3A : memref<!tpu.dma_semaphore, #tpu.memory_space<semaphore_mem>>)
      %dma_wait3A_97 = arith.constant 0 : i32
      %dma_wait3A_98 = tpu.memref_slice %arg14[%add3A_16, %dma_wait3A_97] : memref<10240x64xf32, #tpu.memory_space<vmem_shared>> -> memref<128x64xf32, #tpu.memory_space<vmem_shared>>
      %dma_wait3A_99 = arith.constant 0 : i32
      %dma_wait3A_100 = tpu.memref_slice %arg14[%add3A_16, %dma_wait3A_99] : memref<10240x64xf32, #tpu.memory_space<vmem_shared>> -> memref<128x64xf32, #tpu.memory_space<vmem_shared>>
      tpu.wait_dma2 semaphore(%run_scoped3A : memref<!tpu.dma_semaphore, #tpu.memory_space<semaphore_mem>>) src(%arg13 : memref<128x64xf32, #tpu.memory_space<vmem>>) dst(%dma_wait3A_100 : memref<128x64xf32, #tpu.memory_space<vmem_shared>>)
      tpu.yield
    }) : () -> ()
    %barrier3A = arith.constant 0 : index
    tpu.barrier barrier_id(%barrier3A)
    %dma_start3A = arith.constant 0 : i32
    %dma_start3A_17 = arith.constant 0 : i32
    %dma_start3A_18 = tpu.memref_slice %arg7[%dma_start3A, %dma_start3A_17] : memref<160x128xi32, #tpu.memory_space<vmem>> -> memref<1x128xi32, #tpu.memory_space<vmem>>
    %dma_start3A_19 = tpu.memref_squeeze %dma_start3A_18 : memref<1x128xi32, #tpu.memory_space<vmem>> -> memref<128xi32, #tpu.memory_space<vmem>>
    %dma_start3A_20 = arith.constant 0 : i32
    %dma_start3A_21 = arith.constant 0 : i32
    %dma_start3A_22 = tpu.memref_slice %arg2[%dma_start3A_20, %dma_start3A_21] : memref<20000x64xf32, #tpu.memory_space<hbm>> -> memref<20000x64xf32, #tpu.memory_space<hbm>>
    tpu.enqueue_indirect_dma source(%dma_start3A_22 : memref<20000x64xf32, #tpu.memory_space<hbm>>) target(%arg9 : memref<128x64xf32, #tpu.memory_space<vmem>>) offsets(%dma_start3A_19 : memref<128xi32, #tpu.memory_space<vmem>>) semaphore(%arg15 : memref<!tpu.dma_semaphore, #tpu.memory_space<semaphore_mem>>)
    %dma_start3A_23 = arith.constant 1 : i32
    %dma_start3A_24 = arith.constant 0 : i32
    %dma_start3A_25 = tpu.memref_slice %arg7[%dma_start3A_23, %dma_start3A_24] : memref<160x128xi32, #tpu.memory_space<vmem>> -> memref<1x128xi32, #tpu.memory_space<vmem>>
    %dma_start3A_26 = tpu.memref_squeeze %dma_start3A_25 : memref<1x128xi32, #tpu.memory_space<vmem>> -> memref<128xi32, #tpu.memory_space<vmem>>
    %dma_start3A_27 = arith.constant 0 : i32
    %dma_start3A_28 = arith.constant 0 : i32
    %dma_start3A_29 = tpu.memref_slice %arg2[%dma_start3A_27, %dma_start3A_28] : memref<20000x64xf32, #tpu.memory_space<hbm>> -> memref<20000x64xf32, #tpu.memory_space<hbm>>
    tpu.enqueue_indirect_dma source(%dma_start3A_29 : memref<20000x64xf32, #tpu.memory_space<hbm>>) target(%arg10 : memref<128x64xf32, #tpu.memory_space<vmem>>) offsets(%dma_start3A_26 : memref<128xi32, #tpu.memory_space<vmem>>) semaphore(%arg15 : memref<!tpu.dma_semaphore, #tpu.memory_space<semaphore_mem>>)
    %dma_start3A_30 = arith.constant 2 : i32
    %dma_start3A_31 = arith.constant 0 : i32
    %dma_start3A_32 = tpu.memref_slice %arg7[%dma_start3A_30, %dma_start3A_31] : memref<160x128xi32, #tpu.memory_space<vmem>> -> memref<1x128xi32, #tpu.memory_space<vmem>>
    %dma_start3A_33 = tpu.memref_squeeze %dma_start3A_32 : memref<1x128xi32, #tpu.memory_space<vmem>> -> memref<128xi32, #tpu.memory_space<vmem>>
    %dma_start3A_34 = arith.constant 0 : i32
    %dma_start3A_35 = arith.constant 0 : i32
    %dma_start3A_36 = tpu.memref_slice %arg2[%dma_start3A_34, %dma_start3A_35] : memref<20000x64xf32, #tpu.memory_space<hbm>> -> memref<20000x64xf32, #tpu.memory_space<hbm>>
    tpu.enqueue_indirect_dma source(%dma_start3A_36 : memref<20000x64xf32, #tpu.memory_space<hbm>>) target(%arg11 : memref<128x64xf32, #tpu.memory_space<vmem>>) offsets(%dma_start3A_33 : memref<128xi32, #tpu.memory_space<vmem>>) semaphore(%arg15 : memref<!tpu.dma_semaphore, #tpu.memory_space<semaphore_mem>>)
    %scan3A = arith.constant 0 : i32
    %scan3A_37 = arith.constant 0 : i32
    %scan3A_38 = arith.constant 40 : i32
    %scan3A_39 = arith.addi %scan3A_37, %scan3A_38 : i32
    %scan3A_40 = arith.constant 1 : i32
    scf.for %scan3A_93 = %scan3A_37 to %scan3A_39 step %scan3A_40  : i32 {
      %mul3A_94 = arith.constant 4 : i32
      %mul3A_95 = arith.muli %mul3A_94, %scan3A_93 : i32
      %add3A_96 = arith.constant 0 : i32
      %add3A_97 = arith.addi %mul3A_95, %add3A_96 : i32
      %dma_wait3A_98 = arith.constant 0 : i32
      %dma_wait3A_99 = tpu.memref_slice %arg7[%add3A_97, %dma_wait3A_98] : memref<160x128xi32, #tpu.memory_space<vmem>> -> memref<1x128xi32, #tpu.memory_space<vmem>>
      %dma_wait3A_100 = tpu.memref_squeeze %dma_wait3A_99 : memref<1x128xi32, #tpu.memory_space<vmem>> -> memref<128xi32, #tpu.memory_space<vmem>>
      %dma_wait3A_101 = arith.constant 0 : i32
      %dma_wait3A_102 = arith.constant 0 : i32
      %dma_wait3A_103 = tpu.memref_slice %arg2[%dma_wait3A_101, %dma_wait3A_102] : memref<20000x64xf32, #tpu.memory_space<hbm>> -> memref<20000x64xf32, #tpu.memory_space<hbm>>
      tpu.wait_indirect_dma semaphore(%arg15 : memref<!tpu.dma_semaphore, #tpu.memory_space<semaphore_mem>>) src(%dma_wait3A_103 : memref<20000x64xf32, #tpu.memory_space<hbm>>) dst(%arg9 : memref<128x64xf32, #tpu.memory_space<vmem>>)
      %dma_start3A_104 = arith.constant 0 : i32
      %dma_start3A_105 = tpu.memref_slice %arg8[%add3A_97, %dma_start3A_104] : memref<160x128xi32, #tpu.memory_space<vmem>> -> memref<1x128xi32, #tpu.memory_space<vmem>>
      %dma_start3A_106 = tpu.memref_squeeze %dma_start3A_105 : memref<1x128xi32, #tpu.memory_space<vmem>> -> memref<128xi32, #tpu.memory_space<vmem>>
      %dma_start3A_107 = arith.constant 0 : i32
      %dma_start3A_108 = arith.constant 0 : i32
      %dma_start3A_109 = tpu.memref_slice %arg14[%dma_start3A_107, %dma_start3A_108] : memref<10240x64xf32, #tpu.memory_space<vmem_shared>> -> memref<10240x64xf32, #tpu.memory_space<vmem_shared>>
      tpu.enqueue_indirect_dma source(%arg9 : memref<128x64xf32, #tpu.memory_space<vmem>>) target(%dma_start3A_109 : memref<10240x64xf32, #tpu.memory_space<vmem_shared>>) offsets(%dma_start3A_106 : memref<128xi32, #tpu.memory_space<vmem>>) semaphore(%arg16 : memref<!tpu.dma_semaphore, #tpu.memory_space<semaphore_mem>>) {add = true}
      %add3A_110 = arith.constant 3 : i32
      %add3A_111 = arith.addi %add3A_97, %add3A_110 : i32
      %lt3A = arith.constant 160 : i32
      %lt3A_112 = arith.cmpi slt, %add3A_111, %lt3A : i32
      %convert_element_type3A = arith.extui %lt3A_112 : i1 to i32
      %cond3A = arith.constant 0 : i32
      %cond3A_113 = arith.cmpi ne, %convert_element_type3A, %cond3A : i32
      scf.if %cond3A_113 {
        %ge3A = arith.constant 1 : i32
        %ge3A_183 = arith.cmpi sge, %add3A_97, %ge3A : i32
        %convert_element_type3A_184 = arith.extui %ge3A_183 : i1 to i32
        %cond3A_185 = arith.constant 0 : i32
        %cond3A_186 = arith.cmpi ne, %convert_element_type3A_184, %cond3A_185 : i32
        scf.if %cond3A_186 {
          %sub3A = arith.constant 1 : i32
          %sub3A_195 = arith.subi %add3A_97, %sub3A : i32
          %dma_wait3A_196 = arith.constant 0 : i32
          %dma_wait3A_197 = tpu.memref_slice %arg8[%sub3A_195, %dma_wait3A_196] : memref<160x128xi32, #tpu.memory_space<vmem>> -> memref<1x128xi32, #tpu.memory_space<vmem>>
          %dma_wait3A_198 = tpu.memref_squeeze %dma_wait3A_197 : memref<1x128xi32, #tpu.memory_space<vmem>> -> memref<128xi32, #tpu.memory_space<vmem>>
          %dma_wait3A_199 = arith.constant 0 : i32
          %dma_wait3A_200 = arith.constant 0 : i32
          %dma_wait3A_201 = tpu.memref_slice %arg14[%dma_wait3A_199, %dma_wait3A_200] : memref<10240x64xf32, #tpu.memory_space<vmem_shared>> -> memref<10240x64xf32, #tpu.memory_space<vmem_shared>>
          tpu.wait_indirect_dma semaphore(%arg16 : memref<!tpu.dma_semaphore, #tpu.memory_space<semaphore_mem>>) src(%arg12 : memref<128x64xf32, #tpu.memory_space<vmem>>) dst(%dma_wait3A_201 : memref<10240x64xf32, #tpu.memory_space<vmem_shared>>)
        } else {
        }
        %add3A_187 = arith.constant 3 : i32
        %add3A_188 = arith.addi %add3A_97, %add3A_187 : i32
        %dma_start3A_189 = arith.constant 0 : i32
        %dma_start3A_190 = tpu.memref_slice %arg7[%add3A_188, %dma_start3A_189] : memref<160x128xi32, #tpu.memory_space<vmem>> -> memref<1x128xi32, #tpu.memory_space<vmem>>
        %dma_start3A_191 = tpu.memref_squeeze %dma_start3A_190 : memref<1x128xi32, #tpu.memory_space<vmem>> -> memref<128xi32, #tpu.memory_space<vmem>>
        %dma_start3A_192 = arith.constant 0 : i32
        %dma_start3A_193 = arith.constant 0 : i32
        %dma_start3A_194 = tpu.memref_slice %arg2[%dma_start3A_192, %dma_start3A_193] : memref<20000x64xf32, #tpu.memory_space<hbm>> -> memref<20000x64xf32, #tpu.memory_space<hbm>>
        tpu.enqueue_indirect_dma source(%dma_start3A_194 : memref<20000x64xf32, #tpu.memory_space<hbm>>) target(%arg12 : memref<128x64xf32, #tpu.memory_space<vmem>>) offsets(%dma_start3A_191 : memref<128xi32, #tpu.memory_space<vmem>>) semaphore(%arg15 : memref<!tpu.dma_semaphore, #tpu.memory_space<semaphore_mem>>)
      } else {
      }
      %mul3A_114 = arith.constant 4 : i32
      %mul3A_115 = arith.muli %mul3A_114, %scan3A_93 : i32
      %add3A_116 = arith.constant 1 : i32
      %add3A_117 = arith.addi %mul3A_115, %add3A_116 : i32
      %dma_wait3A_118 = arith.constant 0 : i32
      %dma_wait3A_119 = tpu.memref_slice %arg7[%add3A_117, %dma_wait3A_118] : memref<160x128xi32, #tpu.memory_space<vmem>> -> memref<1x128xi32, #tpu.memory_space<vmem>>
      %dma_wait3A_120 = tpu.memref_squeeze %dma_wait3A_119 : memref<1x128xi32, #tpu.memory_space<vmem>> -> memref<128xi32, #tpu.memory_space<vmem>>
      %dma_wait3A_121 = arith.constant 0 : i32
      %dma_wait3A_122 = arith.constant 0 : i32
      %dma_wait3A_123 = tpu.memref_slice %arg2[%dma_wait3A_121, %dma_wait3A_122] : memref<20000x64xf32, #tpu.memory_space<hbm>> -> memref<20000x64xf32, #tpu.memory_space<hbm>>
      tpu.wait_indirect_dma semaphore(%arg15 : memref<!tpu.dma_semaphore, #tpu.memory_space<semaphore_mem>>) src(%dma_wait3A_123 : memref<20000x64xf32, #tpu.memory_space<hbm>>) dst(%arg10 : memref<128x64xf32, #tpu.memory_space<vmem>>)
      %dma_start3A_124 = arith.constant 0 : i32
      %dma_start3A_125 = tpu.memref_slice %arg8[%add3A_117, %dma_start3A_124] : memref<160x128xi32, #tpu.memory_space<vmem>> -> memref<1x128xi32, #tpu.memory_space<vmem>>
      %dma_start3A_126 = tpu.memref_squeeze %dma_start3A_125 : memref<1x128xi32, #tpu.memory_space<vmem>> -> memref<128xi32, #tpu.memory_space<vmem>>
      %dma_start3A_127 = arith.constant 0 : i32
      %dma_start3A_128 = arith.constant 0 : i32
      %dma_start3A_129 = tpu.memref_slice %arg14[%dma_start3A_127, %dma_start3A_128] : memref<10240x64xf32, #tpu.memory_space<vmem_shared>> -> memref<10240x64xf32, #tpu.memory_space<vmem_shared>>
      tpu.enqueue_indirect_dma source(%arg10 : memref<128x64xf32, #tpu.memory_space<vmem>>) target(%dma_start3A_129 : memref<10240x64xf32, #tpu.memory_space<vmem_shared>>) offsets(%dma_start3A_126 : memref<128xi32, #tpu.memory_space<vmem>>) semaphore(%arg16 : memref<!tpu.dma_semaphore, #tpu.memory_space<semaphore_mem>>) {add = true}
      %add3A_130 = arith.constant 3 : i32
      %add3A_131 = arith.addi %add3A_117, %add3A_130 : i32
      %lt3A_132 = arith.constant 160 : i32
      %lt3A_133 = arith.cmpi slt, %add3A_131, %lt3A_132 : i32
      %convert_element_type3A_134 = arith.extui %lt3A_133 : i1 to i32
      %cond3A_135 = arith.constant 0 : i32
      %cond3A_136 = arith.cmpi ne, %convert_element_type3A_134, %cond3A_135 : i32
      scf.if %cond3A_136 {
        %ge3A = arith.constant 1 : i32
        %ge3A_183 = arith.cmpi sge, %add3A_117, %ge3A : i32
        %convert_element_type3A_184 = arith.extui %ge3A_183 : i1 to i32
        %cond3A_185 = arith.constant 0 : i32
        %cond3A_186 = arith.cmpi ne, %convert_element_type3A_184, %cond3A_185 : i32
        scf.if %cond3A_186 {
          %sub3A = arith.constant 1 : i32
          %sub3A_195 = arith.subi %add3A_117, %sub3A : i32
          %dma_wait3A_196 = arith.constant 0 : i32
          %dma_wait3A_197 = tpu.memref_slice %arg8[%sub3A_195, %dma_wait3A_196] : memref<160x128xi32, #tpu.memory_space<vmem>> -> memref<1x128xi32, #tpu.memory_space<vmem>>
          %dma_wait3A_198 = tpu.memref_squeeze %dma_wait3A_197 : memref<1x128xi32, #tpu.memory_space<vmem>> -> memref<128xi32, #tpu.memory_space<vmem>>
          %dma_wait3A_199 = arith.constant 0 : i32
          %dma_wait3A_200 = arith.constant 0 : i32
          %dma_wait3A_201 = tpu.memref_slice %arg14[%dma_wait3A_199, %dma_wait3A_200] : memref<10240x64xf32, #tpu.memory_space<vmem_shared>> -> memref<10240x64xf32, #tpu.memory_space<vmem_shared>>
          tpu.wait_indirect_dma semaphore(%arg16 : memref<!tpu.dma_semaphore, #tpu.memory_space<semaphore_mem>>) src(%arg9 : memref<128x64xf32, #tpu.memory_space<vmem>>) dst(%dma_wait3A_201 : memref<10240x64xf32, #tpu.memory_space<vmem_shared>>)
        } else {
        }
        %add3A_187 = arith.constant 3 : i32
        %add3A_188 = arith.addi %add3A_117, %add3A_187 : i32
        %dma_start3A_189 = arith.constant 0 : i32
        %dma_start3A_190 = tpu.memref_slice %arg7[%add3A_188, %dma_start3A_189] : memref<160x128xi32, #tpu.memory_space<vmem>> -> memref<1x128xi32, #tpu.memory_space<vmem>>
        %dma_start3A_191 = tpu.memref_squeeze %dma_start3A_190 : memref<1x128xi32, #tpu.memory_space<vmem>> -> memref<128xi32, #tpu.memory_space<vmem>>
        %dma_start3A_192 = arith.constant 0 : i32
        %dma_start3A_193 = arith.constant 0 : i32
        %dma_start3A_194 = tpu.memref_slice %arg2[%dma_start3A_192, %dma_start3A_193] : memref<20000x64xf32, #tpu.memory_space<hbm>> -> memref<20000x64xf32, #tpu.memory_space<hbm>>
        tpu.enqueue_indirect_dma source(%dma_start3A_194 : memref<20000x64xf32, #tpu.memory_space<hbm>>) target(%arg9 : memref<128x64xf32, #tpu.memory_space<vmem>>) offsets(%dma_start3A_191 : memref<128xi32, #tpu.memory_space<vmem>>) semaphore(%arg15 : memref<!tpu.dma_semaphore, #tpu.memory_space<semaphore_mem>>)
      } else {
      }
      %mul3A_137 = arith.constant 4 : i32
      %mul3A_138 = arith.muli %mul3A_137, %scan3A_93 : i32
      %add3A_139 = arith.constant 2 : i32
      %add3A_140 = arith.addi %mul3A_138, %add3A_139 : i32
      %dma_wait3A_141 = arith.constant 0 : i32
      %dma_wait3A_142 = tpu.memref_slice %arg7[%add3A_140, %dma_wait3A_141] : memref<160x128xi32, #tpu.memory_space<vmem>> -> memref<1x128xi32, #tpu.memory_space<vmem>>
      %dma_wait3A_143 = tpu.memref_squeeze %dma_wait3A_142 : memref<1x128xi32, #tpu.memory_space<vmem>> -> memref<128xi32, #tpu.memory_space<vmem>>
      %dma_wait3A_144 = arith.constant 0 : i32
      %dma_wait3A_145 = arith.constant 0 : i32
      %dma_wait3A_146 = tpu.memref_slice %arg2[%dma_wait3A_144, %dma_wait3A_145] : memref<20000x64xf32, #tpu.memory_space<hbm>> -> memref<20000x64xf32, #tpu.memory_space<hbm>>
      tpu.wait_indirect_dma semaphore(%arg15 : memref<!tpu.dma_semaphore, #tpu.memory_space<semaphore_mem>>) src(%dma_wait3A_146 : memref<20000x64xf32, #tpu.memory_space<hbm>>) dst(%arg11 : memref<128x64xf32, #tpu.memory_space<vmem>>)
      %dma_start3A_147 = arith.constant 0 : i32
      %dma_start3A_148 = tpu.memref_slice %arg8[%add3A_140, %dma_start3A_147] : memref<160x128xi32, #tpu.memory_space<vmem>> -> memref<1x128xi32, #tpu.memory_space<vmem>>
      %dma_start3A_149 = tpu.memref_squeeze %dma_start3A_148 : memref<1x128xi32, #tpu.memory_space<vmem>> -> memref<128xi32, #tpu.memory_space<vmem>>
      %dma_start3A_150 = arith.constant 0 : i32
      %dma_start3A_151 = arith.constant 0 : i32
      %dma_start3A_152 = tpu.memref_slice %arg14[%dma_start3A_150, %dma_start3A_151] : memref<10240x64xf32, #tpu.memory_space<vmem_shared>> -> memref<10240x64xf32, #tpu.memory_space<vmem_shared>>
      tpu.enqueue_indirect_dma source(%arg11 : memref<128x64xf32, #tpu.memory_space<vmem>>) target(%dma_start3A_152 : memref<10240x64xf32, #tpu.memory_space<vmem_shared>>) offsets(%dma_start3A_149 : memref<128xi32, #tpu.memory_space<vmem>>) semaphore(%arg16 : memref<!tpu.dma_semaphore, #tpu.memory_space<semaphore_mem>>) {add = true}
      %add3A_153 = arith.constant 3 : i32
      %add3A_154 = arith.addi %add3A_140, %add3A_153 : i32
      %lt3A_155 = arith.constant 160 : i32
      %lt3A_156 = arith.cmpi slt, %add3A_154, %lt3A_155 : i32
      %convert_element_type3A_157 = arith.extui %lt3A_156 : i1 to i32
      %cond3A_158 = arith.constant 0 : i32
      %cond3A_159 = arith.cmpi ne, %convert_element_type3A_157, %cond3A_158 : i32
      scf.if %cond3A_159 {
        %ge3A = arith.constant 1 : i32
        %ge3A_183 = arith.cmpi sge, %add3A_140, %ge3A : i32
        %convert_element_type3A_184 = arith.extui %ge3A_183 : i1 to i32
        %cond3A_185 = arith.constant 0 : i32
        %cond3A_186 = arith.cmpi ne, %convert_element_type3A_184, %cond3A_185 : i32
        scf.if %cond3A_186 {
          %sub3A = arith.constant 1 : i32
          %sub3A_195 = arith.subi %add3A_140, %sub3A : i32
          %dma_wait3A_196 = arith.constant 0 : i32
          %dma_wait3A_197 = tpu.memref_slice %arg8[%sub3A_195, %dma_wait3A_196] : memref<160x128xi32, #tpu.memory_space<vmem>> -> memref<1x128xi32, #tpu.memory_space<vmem>>
          %dma_wait3A_198 = tpu.memref_squeeze %dma_wait3A_197 : memref<1x128xi32, #tpu.memory_space<vmem>> -> memref<128xi32, #tpu.memory_space<vmem>>
          %dma_wait3A_199 = arith.constant 0 : i32
          %dma_wait3A_200 = arith.constant 0 : i32
          %dma_wait3A_201 = tpu.memref_slice %arg14[%dma_wait3A_199, %dma_wait3A_200] : memref<10240x64xf32, #tpu.memory_space<vmem_shared>> -> memref<10240x64xf32, #tpu.memory_space<vmem_shared>>
          tpu.wait_indirect_dma semaphore(%arg16 : memref<!tpu.dma_semaphore, #tpu.memory_space<semaphore_mem>>) src(%arg10 : memref<128x64xf32, #tpu.memory_space<vmem>>) dst(%dma_wait3A_201 : memref<10240x64xf32, #tpu.memory_space<vmem_shared>>)
        } else {
        }
        %add3A_187 = arith.constant 3 : i32
        %add3A_188 = arith.addi %add3A_140, %add3A_187 : i32
        %dma_start3A_189 = arith.constant 0 : i32
        %dma_start3A_190 = tpu.memref_slice %arg7[%add3A_188, %dma_start3A_189] : memref<160x128xi32, #tpu.memory_space<vmem>> -> memref<1x128xi32, #tpu.memory_space<vmem>>
        %dma_start3A_191 = tpu.memref_squeeze %dma_start3A_190 : memref<1x128xi32, #tpu.memory_space<vmem>> -> memref<128xi32, #tpu.memory_space<vmem>>
        %dma_start3A_192 = arith.constant 0 : i32
        %dma_start3A_193 = arith.constant 0 : i32
        %dma_start3A_194 = tpu.memref_slice %arg2[%dma_start3A_192, %dma_start3A_193] : memref<20000x64xf32, #tpu.memory_space<hbm>> -> memref<20000x64xf32, #tpu.memory_space<hbm>>
        tpu.enqueue_indirect_dma source(%dma_start3A_194 : memref<20000x64xf32, #tpu.memory_space<hbm>>) target(%arg10 : memref<128x64xf32, #tpu.memory_space<vmem>>) offsets(%dma_start3A_191 : memref<128xi32, #tpu.memory_space<vmem>>) semaphore(%arg15 : memref<!tpu.dma_semaphore, #tpu.memory_space<semaphore_mem>>)
      } else {
      }
      %mul3A_160 = arith.constant 4 : i32
      %mul3A_161 = arith.muli %mul3A_160, %scan3A_93 : i32
      %add3A_162 = arith.constant 3 : i32
      %add3A_163 = arith.addi %mul3A_161, %add3A_162 : i32
      %dma_wait3A_164 = arith.constant 0 : i32
      %dma_wait3A_165 = tpu.memref_slice %arg7[%add3A_163, %dma_wait3A_164] : memref<160x128xi32, #tpu.memory_space<vmem>> -> memref<1x128xi32, #tpu.memory_space<vmem>>
      %dma_wait3A_166 = tpu.memref_squeeze %dma_wait3A_165 : memref<1x128xi32, #tpu.memory_space<vmem>> -> memref<128xi32, #tpu.memory_space<vmem>>
      %dma_wait3A_167 = arith.constant 0 : i32
      %dma_wait3A_168 = arith.constant 0 : i32
      %dma_wait3A_169 = tpu.memref_slice %arg2[%dma_wait3A_167, %dma_wait3A_168] : memref<20000x64xf32, #tpu.memory_space<hbm>> -> memref<20000x64xf32, #tpu.memory_space<hbm>>
      tpu.wait_indirect_dma semaphore(%arg15 : memref<!tpu.dma_semaphore, #tpu.memory_space<semaphore_mem>>) src(%dma_wait3A_169 : memref<20000x64xf32, #tpu.memory_space<hbm>>) dst(%arg12 : memref<128x64xf32, #tpu.memory_space<vmem>>)
      %dma_start3A_170 = arith.constant 0 : i32
      %dma_start3A_171 = tpu.memref_slice %arg8[%add3A_163, %dma_start3A_170] : memref<160x128xi32, #tpu.memory_space<vmem>> -> memref<1x128xi32, #tpu.memory_space<vmem>>
      %dma_start3A_172 = tpu.memref_squeeze %dma_start3A_171 : memref<1x128xi32, #tpu.memory_space<vmem>> -> memref<128xi32, #tpu.memory_space<vmem>>
      %dma_start3A_173 = arith.constant 0 : i32
      %dma_start3A_174 = arith.constant 0 : i32
      %dma_start3A_175 = tpu.memref_slice %arg14[%dma_start3A_173, %dma_start3A_174] : memref<10240x64xf32, #tpu.memory_space<vmem_shared>> -> memref<10240x64xf32, #tpu.memory_space<vmem_shared>>
      tpu.enqueue_indirect_dma source(%arg12 : memref<128x64xf32, #tpu.memory_space<vmem>>) target(%dma_start3A_175 : memref<10240x64xf32, #tpu.memory_space<vmem_shared>>) offsets(%dma_start3A_172 : memref<128xi32, #tpu.memory_space<vmem>>) semaphore(%arg16 : memref<!tpu.dma_semaphore, #tpu.memory_space<semaphore_mem>>) {add = true}
      %add3A_176 = arith.constant 3 : i32
      %add3A_177 = arith.addi %add3A_163, %add3A_176 : i32
      %lt3A_178 = arith.constant 160 : i32
      %lt3A_179 = arith.cmpi slt, %add3A_177, %lt3A_178 : i32
      %convert_element_type3A_180 = arith.extui %lt3A_179 : i1 to i32
      %cond3A_181 = arith.constant 0 : i32
      %cond3A_182 = arith.cmpi ne, %convert_element_type3A_180, %cond3A_181 : i32
      scf.if %cond3A_182 {
        %ge3A = arith.constant 1 : i32
        %ge3A_183 = arith.cmpi sge, %add3A_163, %ge3A : i32
        %convert_element_type3A_184 = arith.extui %ge3A_183 : i1 to i32
        %cond3A_185 = arith.constant 0 : i32
        %cond3A_186 = arith.cmpi ne, %convert_element_type3A_184, %cond3A_185 : i32
        scf.if %cond3A_186 {
          %sub3A = arith.constant 1 : i32
          %sub3A_195 = arith.subi %add3A_163, %sub3A : i32
          %dma_wait3A_196 = arith.constant 0 : i32
          %dma_wait3A_197 = tpu.memref_slice %arg8[%sub3A_195, %dma_wait3A_196] : memref<160x128xi32, #tpu.memory_space<vmem>> -> memref<1x128xi32, #tpu.memory_space<vmem>>
          %dma_wait3A_198 = tpu.memref_squeeze %dma_wait3A_197 : memref<1x128xi32, #tpu.memory_space<vmem>> -> memref<128xi32, #tpu.memory_space<vmem>>
          %dma_wait3A_199 = arith.constant 0 : i32
          %dma_wait3A_200 = arith.constant 0 : i32
          %dma_wait3A_201 = tpu.memref_slice %arg14[%dma_wait3A_199, %dma_wait3A_200] : memref<10240x64xf32, #tpu.memory_space<vmem_shared>> -> memref<10240x64xf32, #tpu.memory_space<vmem_shared>>
          tpu.wait_indirect_dma semaphore(%arg16 : memref<!tpu.dma_semaphore, #tpu.memory_space<semaphore_mem>>) src(%arg11 : memref<128x64xf32, #tpu.memory_space<vmem>>) dst(%dma_wait3A_201 : memref<10240x64xf32, #tpu.memory_space<vmem_shared>>)
        } else {
        }
        %add3A_187 = arith.constant 3 : i32
        %add3A_188 = arith.addi %add3A_163, %add3A_187 : i32
        %dma_start3A_189 = arith.constant 0 : i32
        %dma_start3A_190 = tpu.memref_slice %arg7[%add3A_188, %dma_start3A_189] : memref<160x128xi32, #tpu.memory_space<vmem>> -> memref<1x128xi32, #tpu.memory_space<vmem>>
        %dma_start3A_191 = tpu.memref_squeeze %dma_start3A_190 : memref<1x128xi32, #tpu.memory_space<vmem>> -> memref<128xi32, #tpu.memory_space<vmem>>
        %dma_start3A_192 = arith.constant 0 : i32
        %dma_start3A_193 = arith.constant 0 : i32
        %dma_start3A_194 = tpu.memref_slice %arg2[%dma_start3A_192, %dma_start3A_193] : memref<20000x64xf32, #tpu.memory_space<hbm>> -> memref<20000x64xf32, #tpu.memory_space<hbm>>
        tpu.enqueue_indirect_dma source(%dma_start3A_194 : memref<20000x64xf32, #tpu.memory_space<hbm>>) target(%arg11 : memref<128x64xf32, #tpu.memory_space<vmem>>) offsets(%dma_start3A_191 : memref<128xi32, #tpu.memory_space<vmem>>) semaphore(%arg15 : memref<!tpu.dma_semaphore, #tpu.memory_space<semaphore_mem>>)
      } else {
      }
    }
    %scan3A_41 = arith.constant 40 : i32
    %dma_wait3A = arith.constant 156 : i32
    %dma_wait3A_42 = arith.constant 0 : i32
    %dma_wait3A_43 = tpu.memref_slice %arg8[%dma_wait3A, %dma_wait3A_42] : memref<160x128xi32, #tpu.memory_space<vmem>> -> memref<1x128xi32, #tpu.memory_space<vmem>>
    %dma_wait3A_44 = tpu.memref_squeeze %dma_wait3A_43 : memref<1x128xi32, #tpu.memory_space<vmem>> -> memref<128xi32, #tpu.memory_space<vmem>>
    %dma_wait3A_45 = arith.constant 0 : i32
    %dma_wait3A_46 = arith.constant 0 : i32
    %dma_wait3A_47 = tpu.memref_slice %arg14[%dma_wait3A_45, %dma_wait3A_46] : memref<10240x64xf32, #tpu.memory_space<vmem_shared>> -> memref<10240x64xf32, #tpu.memory_space<vmem_shared>>
    tpu.wait_indirect_dma semaphore(%arg16 : memref<!tpu.dma_semaphore, #tpu.memory_space<semaphore_mem>>) src(%arg9 : memref<128x64xf32, #tpu.memory_space<vmem>>) dst(%dma_wait3A_47 : memref<10240x64xf32, #tpu.memory_space<vmem_shared>>)
    %dma_wait3A_48 = arith.constant 157 : i32
    %dma_wait3A_49 = arith.constant 0 : i32
    %dma_wait3A_50 = tpu.memref_slice %arg8[%dma_wait3A_48, %dma_wait3A_49] : memref<160x128xi32, #tpu.memory_space<vmem>> -> memref<1x128xi32, #tpu.memory_space<vmem>>
    %dma_wait3A_51 = tpu.memref_squeeze %dma_wait3A_50 : memref<1x128xi32, #tpu.memory_space<vmem>> -> memref<128xi32, #tpu.memory_space<vmem>>
    %dma_wait3A_52 = arith.constant 0 : i32
    %dma_wait3A_53 = arith.constant 0 : i32
    %dma_wait3A_54 = tpu.memref_slice %arg14[%dma_wait3A_52, %dma_wait3A_53] : memref<10240x64xf32, #tpu.memory_space<vmem_shared>> -> memref<10240x64xf32, #tpu.memory_space<vmem_shared>>
    tpu.wait_indirect_dma semaphore(%arg16 : memref<!tpu.dma_semaphore, #tpu.memory_space<semaphore_mem>>) src(%arg10 : memref<128x64xf32, #tpu.memory_space<vmem>>) dst(%dma_wait3A_54 : memref<10240x64xf32, #tpu.memory_space<vmem_shared>>)
    %dma_wait3A_55 = arith.constant 158 : i32
    %dma_wait3A_56 = arith.constant 0 : i32
    %dma_wait3A_57 = tpu.memref_slice %arg8[%dma_wait3A_55, %dma_wait3A_56] : memref<160x128xi32, #tpu.memory_space<vmem>> -> memref<1x128xi32, #tpu.memory_space<vmem>>
    %dma_wait3A_58 = tpu.memref_squeeze %dma_wait3A_57 : memref<1x128xi32, #tpu.memory_space<vmem>> -> memref<128xi32, #tpu.memory_space<vmem>>
    %dma_wait3A_59 = arith.constant 0 : i32
    %dma_wait3A_60 = arith.constant 0 : i32
    %dma_wait3A_61 = tpu.memref_slice %arg14[%dma_wait3A_59, %dma_wait3A_60] : memref<10240x64xf32, #tpu.memory_space<vmem_shared>> -> memref<10240x64xf32, #tpu.memory_space<vmem_shared>>
    tpu.wait_indirect_dma semaphore(%arg16 : memref<!tpu.dma_semaphore, #tpu.memory_space<semaphore_mem>>) src(%arg11 : memref<128x64xf32, #tpu.memory_space<vmem>>) dst(%dma_wait3A_61 : memref<10240x64xf32, #tpu.memory_space<vmem_shared>>)
    %dma_wait3A_62 = arith.constant 159 : i32
    %dma_wait3A_63 = arith.constant 0 : i32
    %dma_wait3A_64 = tpu.memref_slice %arg8[%dma_wait3A_62, %dma_wait3A_63] : memref<160x128xi32, #tpu.memory_space<vmem>> -> memref<1x128xi32, #tpu.memory_space<vmem>>
    %dma_wait3A_65 = tpu.memref_squeeze %dma_wait3A_64 : memref<1x128xi32, #tpu.memory_space<vmem>> -> memref<128xi32, #tpu.memory_space<vmem>>
    %dma_wait3A_66 = arith.constant 0 : i32
    %dma_wait3A_67 = arith.constant 0 : i32
    %dma_wait3A_68 = tpu.memref_slice %arg14[%dma_wait3A_66, %dma_wait3A_67] : memref<10240x64xf32, #tpu.memory_space<vmem_shared>> -> memref<10240x64xf32, #tpu.memory_space<vmem_shared>>
    tpu.wait_indirect_dma semaphore(%arg16 : memref<!tpu.dma_semaphore, #tpu.memory_space<semaphore_mem>>) src(%arg12 : memref<128x64xf32, #tpu.memory_space<vmem>>) dst(%dma_wait3A_68 : memref<10240x64xf32, #tpu.memory_space<vmem_shared>>)
    %barrier3A_69 = arith.constant 0 : index
    tpu.barrier barrier_id(%barrier3A_69)
    %mul3A_70 = arith.constant 10240 : i32
    %mul3A_71 = arith.muli %arg0, %mul3A_70 : i32
    %add3A_72 = arith.addi %mul3A_71, %mul3A_0 : i32
    %add3A_73 = arith.constant 0 : i32
    %add3A_74 = arith.addi %mul3A_0, %add3A_73 : i32
    "tpu.region"() ({
      %run_scoped3A = tpu.sem_alloc : memref<!tpu.dma_semaphore, #tpu.memory_space<semaphore_mem>>
      %dma_start3A_93 = arith.constant 0 : i32
      %dma_start3A_94 = tpu.memref_slice %arg14[%add3A_74, %dma_start3A_93] : memref<10240x64xf32, #tpu.memory_space<vmem_shared>> -> memref<128x64xf32, #tpu.memory_space<vmem_shared>>
      %dma_start3A_95 = arith.constant 0 : i32
      %dma_start3A_96 = tpu.memref_slice %arg14[%add3A_74, %dma_start3A_95] : memref<10240x64xf32, #tpu.memory_space<vmem_shared>> -> memref<128x64xf32, #tpu.memory_space<vmem_shared>>
      tpu.enqueue_dma source(%dma_start3A_96 : memref<128x64xf32, #tpu.memory_space<vmem_shared>>) target(%arg9 : memref<128x64xf32, #tpu.memory_space<vmem>>) target_semaphore(%run_scoped3A : memref<!tpu.dma_semaphore, #tpu.memory_space<semaphore_mem>>)
      %dma_wait3A_97 = arith.constant 0 : i32
      %dma_wait3A_98 = tpu.memref_slice %arg14[%add3A_74, %dma_wait3A_97] : memref<10240x64xf32, #tpu.memory_space<vmem_shared>> -> memref<128x64xf32, #tpu.memory_space<vmem_shared>>
      %dma_wait3A_99 = arith.constant 0 : i32
      %dma_wait3A_100 = tpu.memref_slice %arg14[%add3A_74, %dma_wait3A_99] : memref<10240x64xf32, #tpu.memory_space<vmem_shared>> -> memref<128x64xf32, #tpu.memory_space<vmem_shared>>
      tpu.wait_dma2 semaphore(%run_scoped3A : memref<!tpu.dma_semaphore, #tpu.memory_space<semaphore_mem>>) src(%dma_wait3A_100 : memref<128x64xf32, #tpu.memory_space<vmem_shared>>) dst(%arg9 : memref<128x64xf32, #tpu.memory_space<vmem>>)
      tpu.yield
    }) : () -> ()
    %add3A_75 = arith.constant 0 : i32
    %add3A_76 = arith.addi %add3A_72, %add3A_75 : i32
    "tpu.region"() ({
      %run_scoped3A = tpu.sem_alloc : memref<!tpu.dma_semaphore, #tpu.memory_space<semaphore_mem>>
      %dma_start3A_93 = arith.constant 0 : i32
      %dma_start3A_94 = tpu.memref_slice %arg6[%add3A_76, %dma_start3A_93] : memref<20480x64xf32, #tpu.memory_space<hbm>> -> memref<128x64xf32, #tpu.memory_space<hbm>>
      %dma_start3A_95 = arith.constant 0 : i32
      %dma_start3A_96 = tpu.memref_slice %arg6[%add3A_76, %dma_start3A_95] : memref<20480x64xf32, #tpu.memory_space<hbm>> -> memref<128x64xf32, #tpu.memory_space<hbm>>
      tpu.enqueue_dma source(%arg9 : memref<128x64xf32, #tpu.memory_space<vmem>>) target(%dma_start3A_96 : memref<128x64xf32, #tpu.memory_space<hbm>>) target_semaphore(%run_scoped3A : memref<!tpu.dma_semaphore, #tpu.memory_space<semaphore_mem>>)
      %dma_wait3A_97 = arith.constant 0 : i32
      %dma_wait3A_98 = tpu.memref_slice %arg6[%add3A_76, %dma_wait3A_97] : memref<20480x64xf32, #tpu.memory_space<hbm>> -> memref<128x64xf32, #tpu.memory_space<hbm>>
      %dma_wait3A_99 = arith.constant 0 : i32
      %dma_wait3A_100 = tpu.memref_slice %arg6[%add3A_76, %dma_wait3A_99] : memref<20480x64xf32, #tpu.memory_space<hbm>> -> memref<128x64xf32, #tpu.memory_space<hbm>>
      tpu.wait_dma2 semaphore(%run_scoped3A : memref<!tpu.dma_semaphore, #tpu.memory_space<semaphore_mem>>) src(%arg9 : memref<128x64xf32, #tpu.memory_space<vmem>>) dst(%dma_wait3A_100 : memref<128x64xf32, #tpu.memory_space<hbm>>)
      tpu.yield
    }) : () -> ()
    %add3A_77 = arith.constant 128 : i32
    %add3A_78 = arith.addi %mul3A_0, %add3A_77 : i32
    "tpu.region"() ({
      %run_scoped3A = tpu.sem_alloc : memref<!tpu.dma_semaphore, #tpu.memory_space<semaphore_mem>>
      %dma_start3A_93 = arith.constant 0 : i32
      %dma_start3A_94 = tpu.memref_slice %arg14[%add3A_78, %dma_start3A_93] : memref<10240x64xf32, #tpu.memory_space<vmem_shared>> -> memref<128x64xf32, #tpu.memory_space<vmem_shared>>
      %dma_start3A_95 = arith.constant 0 : i32
      %dma_start3A_96 = tpu.memref_slice %arg14[%add3A_78, %dma_start3A_95] : memref<10240x64xf32, #tpu.memory_space<vmem_shared>> -> memref<128x64xf32, #tpu.memory_space<vmem_shared>>
      tpu.enqueue_dma source(%dma_start3A_96 : memref<128x64xf32, #tpu.memory_space<vmem_shared>>) target(%arg9 : memref<128x64xf32, #tpu.memory_space<vmem>>) target_semaphore(%run_scoped3A : memref<!tpu.dma_semaphore, #tpu.memory_space<semaphore_mem>>)
      %dma_wait3A_97 = arith.constant 0 : i32
      %dma_wait3A_98 = tpu.memref_slice %arg14[%add3A_78, %dma_wait3A_97] : memref<10240x64xf32, #tpu.memory_space<vmem_shared>> -> memref<128x64xf32, #tpu.memory_space<vmem_shared>>
      %dma_wait3A_99 = arith.constant 0 : i32
      %dma_wait3A_100 = tpu.memref_slice %arg14[%add3A_78, %dma_wait3A_99] : memref<10240x64xf32, #tpu.memory_space<vmem_shared>> -> memref<128x64xf32, #tpu.memory_space<vmem_shared>>
      tpu.wait_dma2 semaphore(%run_scoped3A : memref<!tpu.dma_semaphore, #tpu.memory_space<semaphore_mem>>) src(%dma_wait3A_100 : memref<128x64xf32, #tpu.memory_space<vmem_shared>>) dst(%arg9 : memref<128x64xf32, #tpu.memory_space<vmem>>)
      tpu.yield
    }) : () -> ()
    %add3A_79 = arith.constant 128 : i32
    %add3A_80 = arith.addi %add3A_72, %add3A_79 : i32
    "tpu.region"() ({
      %run_scoped3A = tpu.sem_alloc : memref<!tpu.dma_semaphore, #tpu.memory_space<semaphore_mem>>
      %dma_start3A_93 = arith.constant 0 : i32
      %dma_start3A_94 = tpu.memref_slice %arg6[%add3A_80, %dma_start3A_93] : memref<20480x64xf32, #tpu.memory_space<hbm>> -> memref<128x64xf32, #tpu.memory_space<hbm>>
      %dma_start3A_95 = arith.constant 0 : i32
      %dma_start3A_96 = tpu.memref_slice %arg6[%add3A_80, %dma_start3A_95] : memref<20480x64xf32, #tpu.memory_space<hbm>> -> memref<128x64xf32, #tpu.memory_space<hbm>>
      tpu.enqueue_dma source(%arg9 : memref<128x64xf32, #tpu.memory_space<vmem>>) target(%dma_start3A_96 : memref<128x64xf32, #tpu.memory_space<hbm>>) target_semaphore(%run_scoped3A : memref<!tpu.dma_semaphore, #tpu.memory_space<semaphore_mem>>)
      %dma_wait3A_97 = arith.constant 0 : i32
      %dma_wait3A_98 = tpu.memref_slice %arg6[%add3A_80, %dma_wait3A_97] : memref<20480x64xf32, #tpu.memory_space<hbm>> -> memref<128x64xf32, #tpu.memory_space<hbm>>
      %dma_wait3A_99 = arith.constant 0 : i32
      %dma_wait3A_100 = tpu.memref_slice %arg6[%add3A_80, %dma_wait3A_99] : memref<20480x64xf32, #tpu.memory_space<hbm>> -> memref<128x64xf32, #tpu.memory_space<hbm>>
      tpu.wait_dma2 semaphore(%run_scoped3A : memref<!tpu.dma_semaphore, #tpu.memory_space<semaphore_mem>>) src(%arg9 : memref<128x64xf32, #tpu.memory_space<vmem>>) dst(%dma_wait3A_100 : memref<128x64xf32, #tpu.memory_space<hbm>>)
      tpu.yield
    }) : () -> ()
    %add3A_81 = arith.constant 256 : i32
    %add3A_82 = arith.addi %mul3A_0, %add3A_81 : i32
    "tpu.region"() ({
      %run_scoped3A = tpu.sem_alloc : memref<!tpu.dma_semaphore, #tpu.memory_space<semaphore_mem>>
      %dma_start3A_93 = arith.constant 0 : i32
      %dma_start3A_94 = tpu.memref_slice %arg14[%add3A_82, %dma_start3A_93] : memref<10240x64xf32, #tpu.memory_space<vmem_shared>> -> memref<128x64xf32, #tpu.memory_space<vmem_shared>>
      %dma_start3A_95 = arith.constant 0 : i32
      %dma_start3A_96 = tpu.memref_slice %arg14[%add3A_82, %dma_start3A_95] : memref<10240x64xf32, #tpu.memory_space<vmem_shared>> -> memref<128x64xf32, #tpu.memory_space<vmem_shared>>
      tpu.enqueue_dma source(%dma_start3A_96 : memref<128x64xf32, #tpu.memory_space<vmem_shared>>) target(%arg9 : memref<128x64xf32, #tpu.memory_space<vmem>>) target_semaphore(%run_scoped3A : memref<!tpu.dma_semaphore, #tpu.memory_space<semaphore_mem>>)
      %dma_wait3A_97 = arith.constant 0 : i32
      %dma_wait3A_98 = tpu.memref_slice %arg14[%add3A_82, %dma_wait3A_97] : memref<10240x64xf32, #tpu.memory_space<vmem_shared>> -> memref<128x64xf32, #tpu.memory_space<vmem_shared>>
      %dma_wait3A_99 = arith.constant 0 : i32
      %dma_wait3A_100 = tpu.memref_slice %arg14[%add3A_82, %dma_wait3A_99] : memref<10240x64xf32, #tpu.memory_space<vmem_shared>> -> memref<128x64xf32, #tpu.memory_space<vmem_shared>>
      tpu.wait_dma2 semaphore(%run_scoped3A : memref<!tpu.dma_semaphore, #tpu.memory_space<semaphore_mem>>) src(%dma_wait3A_100 : memref<128x64xf32, #tpu.memory_space<vmem_shared>>) dst(%arg9 : memref<128x64xf32, #tpu.memory_space<vmem>>)
      tpu.yield
    }) : () -> ()
    %add3A_83 = arith.constant 256 : i32
    %add3A_84 = arith.addi %add3A_72, %add3A_83 : i32
    "tpu.region"() ({
      %run_scoped3A = tpu.sem_alloc : memref<!tpu.dma_semaphore, #tpu.memory_space<semaphore_mem>>
      %dma_start3A_93 = arith.constant 0 : i32
      %dma_start3A_94 = tpu.memref_slice %arg6[%add3A_84, %dma_start3A_93] : memref<20480x64xf32, #tpu.memory_space<hbm>> -> memref<128x64xf32, #tpu.memory_space<hbm>>
      %dma_start3A_95 = arith.constant 0 : i32
      %dma_start3A_96 = tpu.memref_slice %arg6[%add3A_84, %dma_start3A_95] : memref<20480x64xf32, #tpu.memory_space<hbm>> -> memref<128x64xf32, #tpu.memory_space<hbm>>
      tpu.enqueue_dma source(%arg9 : memref<128x64xf32, #tpu.memory_space<vmem>>) target(%dma_start3A_96 : memref<128x64xf32, #tpu.memory_space<hbm>>) target_semaphore(%run_scoped3A : memref<!tpu.dma_semaphore, #tpu.memory_space<semaphore_mem>>)
      %dma_wait3A_97 = arith.constant 0 : i32
      %dma_wait3A_98 = tpu.memref_slice %arg6[%add3A_84, %dma_wait3A_97] : memref<20480x64xf32, #tpu.memory_space<hbm>> -> memref<128x64xf32, #tpu.memory_space<hbm>>
      %dma_wait3A_99 = arith.constant 0 : i32
      %dma_wait3A_100 = tpu.memref_slice %arg6[%add3A_84, %dma_wait3A_99] : memref<20480x64xf32, #tpu.memory_space<hbm>> -> memref<128x64xf32, #tpu.memory_space<hbm>>
      tpu.wait_dma2 semaphore(%run_scoped3A : memref<!tpu.dma_semaphore, #tpu.memory_space<semaphore_mem>>) src(%arg9 : memref<128x64xf32, #tpu.memory_space<vmem>>) dst(%dma_wait3A_100 : memref<128x64xf32, #tpu.memory_space<hbm>>)
      tpu.yield
    }) : () -> ()
    %add3A_85 = arith.constant 384 : i32
    %add3A_86 = arith.addi %mul3A_0, %add3A_85 : i32
    "tpu.region"() ({
      %run_scoped3A = tpu.sem_alloc : memref<!tpu.dma_semaphore, #tpu.memory_space<semaphore_mem>>
      %dma_start3A_93 = arith.constant 0 : i32
      %dma_start3A_94 = tpu.memref_slice %arg14[%add3A_86, %dma_start3A_93] : memref<10240x64xf32, #tpu.memory_space<vmem_shared>> -> memref<128x64xf32, #tpu.memory_space<vmem_shared>>
      %dma_start3A_95 = arith.constant 0 : i32
      %dma_start3A_96 = tpu.memref_slice %arg14[%add3A_86, %dma_start3A_95] : memref<10240x64xf32, #tpu.memory_space<vmem_shared>> -> memref<128x64xf32, #tpu.memory_space<vmem_shared>>
      tpu.enqueue_dma source(%dma_start3A_96 : memref<128x64xf32, #tpu.memory_space<vmem_shared>>) target(%arg9 : memref<128x64xf32, #tpu.memory_space<vmem>>) target_semaphore(%run_scoped3A : memref<!tpu.dma_semaphore, #tpu.memory_space<semaphore_mem>>)
      %dma_wait3A_97 = arith.constant 0 : i32
      %dma_wait3A_98 = tpu.memref_slice %arg14[%add3A_86, %dma_wait3A_97] : memref<10240x64xf32, #tpu.memory_space<vmem_shared>> -> memref<128x64xf32, #tpu.memory_space<vmem_shared>>
      %dma_wait3A_99 = arith.constant 0 : i32
      %dma_wait3A_100 = tpu.memref_slice %arg14[%add3A_86, %dma_wait3A_99] : memref<10240x64xf32, #tpu.memory_space<vmem_shared>> -> memref<128x64xf32, #tpu.memory_space<vmem_shared>>
      tpu.wait_dma2 semaphore(%run_scoped3A : memref<!tpu.dma_semaphore, #tpu.memory_space<semaphore_mem>>) src(%dma_wait3A_100 : memref<128x64xf32, #tpu.memory_space<vmem_shared>>) dst(%arg9 : memref<128x64xf32, #tpu.memory_space<vmem>>)
      tpu.yield
    }) : () -> ()
    %add3A_87 = arith.constant 384 : i32
    %add3A_88 = arith.addi %add3A_72, %add3A_87 : i32
    "tpu.region"() ({
      %run_scoped3A = tpu.sem_alloc : memref<!tpu.dma_semaphore, #tpu.memory_space<semaphore_mem>>
      %dma_start3A_93 = arith.constant 0 : i32
      %dma_start3A_94 = tpu.memref_slice %arg6[%add3A_88, %dma_start3A_93] : memref<20480x64xf32, #tpu.memory_space<hbm>> -> memref<128x64xf32, #tpu.memory_space<hbm>>
      %dma_start3A_95 = arith.constant 0 : i32
      %dma_start3A_96 = tpu.memref_slice %arg6[%add3A_88, %dma_start3A_95] : memref<20480x64xf32, #tpu.memory_space<hbm>> -> memref<128x64xf32, #tpu.memory_space<hbm>>
      tpu.enqueue_dma source(%arg9 : memref<128x64xf32, #tpu.memory_space<vmem>>) target(%dma_start3A_96 : memref<128x64xf32, #tpu.memory_space<hbm>>) target_semaphore(%run_scoped3A : memref<!tpu.dma_semaphore, #tpu.memory_space<semaphore_mem>>)
      %dma_wait3A_97 = arith.constant 0 : i32
      %dma_wait3A_98 = tpu.memref_slice %arg6[%add3A_88, %dma_wait3A_97] : memref<20480x64xf32, #tpu.memory_space<hbm>> -> memref<128x64xf32, #tpu.memory_space<hbm>>
      %dma_wait3A_99 = arith.constant 0 : i32
      %dma_wait3A_100 = tpu.memref_slice %arg6[%add3A_88, %dma_wait3A_99] : memref<20480x64xf32, #tpu.memory_space<hbm>> -> memref<128x64xf32, #tpu.memory_space<hbm>>
      tpu.wait_dma2 semaphore(%run_scoped3A : memref<!tpu.dma_semaphore, #tpu.memory_space<semaphore_mem>>) src(%arg9 : memref<128x64xf32, #tpu.memory_space<vmem>>) dst(%dma_wait3A_100 : memref<128x64xf32, #tpu.memory_space<hbm>>)
      tpu.yield
    }) : () -> ()
    %add3A_89 = arith.constant 512 : i32
    %add3A_90 = arith.addi %mul3A_0, %add3A_89 : i32
    "tpu.region"() ({
      %run_scoped3A = tpu.sem_alloc : memref<!tpu.dma_semaphore, #tpu.memory_space<semaphore_mem>>
      %dma_start3A_93 = arith.constant 0 : i32
      %dma_start3A_94 = tpu.memref_slice %arg14[%add3A_90, %dma_start3A_93] : memref<10240x64xf32, #tpu.memory_space<vmem_shared>> -> memref<128x64xf32, #tpu.memory_space<vmem_shared>>
      %dma_start3A_95 = arith.constant 0 : i32
      %dma_start3A_96 = tpu.memref_slice %arg14[%add3A_90, %dma_start3A_95] : memref<10240x64xf32, #tpu.memory_space<vmem_shared>> -> memref<128x64xf32, #tpu.memory_space<vmem_shared>>
      tpu.enqueue_dma source(%dma_start3A_96 : memref<128x64xf32, #tpu.memory_space<vmem_shared>>) target(%arg9 : memref<128x64xf32, #tpu.memory_space<vmem>>) target_semaphore(%run_scoped3A : memref<!tpu.dma_semaphore, #tpu.memory_space<semaphore_mem>>)
      %dma_wait3A_97 = arith.constant 0 : i32
      %dma_wait3A_98 = tpu.memref_slice %arg14[%add3A_90, %dma_wait3A_97] : memref<10240x64xf32, #tpu.memory_space<vmem_shared>> -> memref<128x64xf32, #tpu.memory_space<vmem_shared>>
      %dma_wait3A_99 = arith.constant 0 : i32
      %dma_wait3A_100 = tpu.memref_slice %arg14[%add3A_90, %dma_wait3A_99] : memref<10240x64xf32, #tpu.memory_space<vmem_shared>> -> memref<128x64xf32, #tpu.memory_space<vmem_shared>>
      tpu.wait_dma2 semaphore(%run_scoped3A : memref<!tpu.dma_semaphore, #tpu.memory_space<semaphore_mem>>) src(%dma_wait3A_100 : memref<128x64xf32, #tpu.memory_space<vmem_shared>>) dst(%arg9 : memref<128x64xf32, #tpu.memory_space<vmem>>)
      tpu.yield
    }) : () -> ()
    %add3A_91 = arith.constant 512 : i32
    %add3A_92 = arith.addi %add3A_72, %add3A_91 : i32
    "tpu.region"() ({
      %run_scoped3A = tpu.sem_alloc : memref<!tpu.dma_semaphore, #tpu.memory_space<semaphore_mem>>
      %dma_start3A_93 = arith.constant 0 : i32
      %dma_start3A_94 = tpu.memref_slice %arg6[%add3A_92, %dma_start3A_93] : memref<20480x64xf32, #tpu.memory_space<hbm>> -> memref<128x64xf32, #tpu.memory_space<hbm>>
      %dma_start3A_95 = arith.constant 0 : i32
      %dma_start3A_96 = tpu.memref_slice %arg6[%add3A_92, %dma_start3A_95] : memref<20480x64xf32, #tpu.memory_space<hbm>> -> memref<128x64xf32, #tpu.memory_space<hbm>>
      tpu.enqueue_dma source(%arg9 : memref<128x64xf32, #tpu.memory_space<vmem>>) target(%dma_start3A_96 : memref<128x64xf32, #tpu.memory_space<hbm>>) target_semaphore(%run_scoped3A : memref<!tpu.dma_semaphore, #tpu.memory_space<semaphore_mem>>)
      %dma_wait3A_97 = arith.constant 0 : i32
      %dma_wait3A_98 = tpu.memref_slice %arg6[%add3A_92, %dma_wait3A_97] : memref<20480x64xf32, #tpu.memory_space<hbm>> -> memref<128x64xf32, #tpu.memory_space<hbm>>
      %dma_wait3A_99 = arith.constant 0 : i32
      %dma_wait3A_100 = tpu.memref_slice %arg6[%add3A_92, %dma_wait3A_99] : memref<20480x64xf32, #tpu.memory_space<hbm>> -> memref<128x64xf32, #tpu.memory_space<hbm>>
      tpu.wait_dma2 semaphore(%run_scoped3A : memref<!tpu.dma_semaphore, #tpu.memory_space<semaphore_mem>>) src(%arg9 : memref<128x64xf32, #tpu.memory_space<vmem>>) dst(%dma_wait3A_100 : memref<128x64xf32, #tpu.memory_space<hbm>>)
      tpu.yield
    }) : () -> ()
    return
  }
}

module attributes {stable_mosaic.version = 14 : i64} {
  func.func @_tc1_body(%arg0: i32, %arg1: memref<2x1000x64xf32, #tpu.memory_space<vmem>>, %arg2: memref<2x1000x16xf32, #tpu.memory_space<vmem>>, %arg3: memref<1000x128xf32, #tpu.memory_space<vmem>>, %arg4: memref<128x256xf32, #tpu.memory_space<vmem>>, %arg5: memref<1x256xf32, #tpu.memory_space<vmem>>, %arg6: memref<128x256xf32, #tpu.memory_space<vmem>>, %arg7: memref<256x128xf32, #tpu.memory_space<vmem>>, %arg8: memref<1000x256xf32, #tpu.memory_space<vmem>>, %arg9: memref<1000x128xf32, #tpu.memory_space<vmem>>, %arg10: memref<1000x1xf32, #tpu.memory_space<vmem>>) attributes {dimension_semantics = [#tpu.dimension_semantics<arbitrary>], iteration_bounds = array<i64: 10>, scalar_prefetch = 0 : i64, scratch_operands = 0 : i64, tpu.core_type = #tpu.core_type<tc>, window_params = [{transform_indices = @transform_0, window_bounds = array<i64: 2, 1000, 64>}, {transform_indices = @transform_1, window_bounds = array<i64: 2, 1000, 16>}, {transform_indices = @transform_2, window_bounds = array<i64: 1000, 128>}, {pipeline_mode = #tpu.pipeline_mode<synchronous>, transform_indices = @transform_3, window_bounds = array<i64: 128, 256>}, {pipeline_mode = #tpu.pipeline_mode<synchronous>, transform_indices = @transform_4, window_bounds = array<i64: 1, 256>}, {pipeline_mode = #tpu.pipeline_mode<synchronous>, transform_indices = @transform_5, window_bounds = array<i64: 128, 256>}, {pipeline_mode = #tpu.pipeline_mode<synchronous>, transform_indices = @transform_6, window_bounds = array<i64: 256, 128>}, {transform_indices = @transform_7, window_bounds = array<i64: 1000, 256>}, {transform_indices = @transform_8, window_bounds = array<i64: 1000, 128>}, {transform_indices = @transform_9, window_bounds = array<i64: 1000, 1>}]} {
    %get3A = arith.constant 0 : index
    %get3A_0 = arith.constant 0 : index
    %get3A_1 = arith.constant 0 : index
    %get3A_2 = vector.load %arg1[%get3A, %get3A_0, %get3A_1] : memref<2x1000x64xf32, #tpu.memory_space<vmem>>, vector<2x1000x64xf32>
    %slice3A = vector.extract_strided_slice %get3A_2 {offsets = [0, 0, 0], sizes = [1, 1000, 64], strides = [1, 1, 1]} : vector<2x1000x64xf32> to vector<1x1000x64xf32>
    %squeeze3A = vector.shape_cast %slice3A : vector<1x1000x64xf32> to vector<1000x64xf32>
    %slice3A_3 = vector.extract_strided_slice %get3A_2 {offsets = [1, 0, 0], sizes = [1, 1000, 64], strides = [1, 1, 1]} : vector<2x1000x64xf32> to vector<1x1000x64xf32>
    %squeeze3A_4 = vector.shape_cast %slice3A_3 : vector<1x1000x64xf32> to vector<1000x64xf32>
    %concatenate3A = tpu.concatenate %squeeze3A, %squeeze3A_4 in 1 : vector<1000x64xf32>, vector<1000x64xf32> -> vector<1000x128xf32>
    %get3A_5 = arith.constant 0 : index
    %get3A_6 = arith.constant 0 : index
    %get3A_7 = arith.constant 0 : index
    %get3A_8 = vector.load %arg2[%get3A_5, %get3A_6, %get3A_7] : memref<2x1000x16xf32, #tpu.memory_space<vmem>>, vector<2x1000x16xf32>
    %slice3A_9 = vector.extract_strided_slice %get3A_8 {offsets = [0, 0, 0], sizes = [1, 1000, 1], strides = [1, 1, 1]} : vector<2x1000x16xf32> to vector<1x1000x1xf32>
    %squeeze3A_10 = vector.shape_cast %slice3A_9 : vector<1x1000x1xf32> to vector<1000x1xf32>
    %slice3A_11 = vector.extract_strided_slice %get3A_8 {offsets = [1, 0, 0], sizes = [1, 1000, 1], strides = [1, 1, 1]} : vector<2x1000x16xf32> to vector<1x1000x1xf32>
    %squeeze3A_12 = vector.shape_cast %slice3A_11 : vector<1x1000x1xf32> to vector<1000x1xf32>
    %add3A = arith.addf %squeeze3A_10, %squeeze3A_12 : vector<1000x1xf32>
    %max3A = arith.constant 1.000000e+00 : f32
    %max3A_13 = vector.broadcast %max3A : f32 to vector<1000x1xf32>
    %max3A_14 = arith.maximumf %add3A, %max3A_13 : vector<1000x1xf32>
    %div3A = arith.constant 1.000000e+00 : f32
    %div3A_15 = vector.broadcast %div3A : f32 to vector<1000x1xf32>
    %div3A_16 = arith.divf %div3A_15, %max3A_14 : vector<1000x1xf32>
    %mul3A = vector.broadcast %div3A_16 : vector<1000x1xf32> to vector<1000x128xf32>
    %mul3A_17 = arith.mulf %concatenate3A, %mul3A : vector<1000x128xf32>
    %get3A_18 = arith.constant 0 : index
    %get3A_19 = arith.constant 0 : index
    %get3A_20 = vector.load %arg4[%get3A_18, %get3A_19] : memref<128x256xf32, #tpu.memory_space<vmem>>, vector<128x256xf32>
    %dot_general3A = arith.constant dense<0.000000e+00> : vector<1000x256xf32>
    %dot_general3A_21 = tpu.matmul %mul3A_17, %get3A_20, %dot_general3A {dimension_numbers = #tpu.dot_dimension_numbers<[1], [0], [0], [1], [0, 0, 1, 1], [], []>, transpose_lhs_hint = false} : vector<1000x128xf32>, vector<128x256xf32>, vector<1000x256xf32> -> vector<1000x256xf32>
    %get3A_22 = arith.constant 0 : index
    %get3A_23 = arith.constant 0 : index
    %get3A_24 = vector.load %arg5[%get3A_22, %get3A_23] : memref<1x256xf32, #tpu.memory_space<vmem>>, vector<1x256xf32>
    %add3A_25 = vector.broadcast %get3A_24 : vector<1x256xf32> to vector<1000x256xf32>
    %add3A_26 = arith.addf %dot_general3A_21, %add3A_25 : vector<1000x256xf32>
    %get3A_27 = arith.constant 0 : index
    %get3A_28 = arith.constant 0 : index
    %get3A_29 = vector.load %arg3[%get3A_27, %get3A_28] : memref<1000x128xf32, #tpu.memory_space<vmem>>, vector<1000x128xf32>
    %get3A_30 = arith.constant 0 : index
    %get3A_31 = arith.constant 0 : index
    %get3A_32 = vector.load %arg6[%get3A_30, %get3A_31] : memref<128x256xf32, #tpu.memory_space<vmem>>, vector<128x256xf32>
    %dot_general3A_33 = arith.constant dense<0.000000e+00> : vector<1000x256xf32>
    %dot_general3A_34 = tpu.matmul %get3A_29, %get3A_32, %dot_general3A_33 {dimension_numbers = #tpu.dot_dimension_numbers<[1], [0], [0], [1], [0, 0, 1, 1], [], []>, transpose_lhs_hint = false} : vector<1000x128xf32>, vector<128x256xf32>, vector<1000x256xf32> -> vector<1000x256xf32>
    %add3A_35 = arith.addf %add3A_26, %dot_general3A_34 : vector<1000x256xf32>
    %max3A_36 = arith.constant 0.000000e+00 : f32
    %max3A_37 = vector.broadcast %max3A_36 : f32 to vector<1000x256xf32>
    %max3A_38 = arith.maximumf %add3A_35, %max3A_37 : vector<1000x256xf32>
    %swap3A = arith.constant 0 : index
    %swap3A_39 = arith.constant 0 : index
    %swap3A_40 = vector.load %arg8[%swap3A, %swap3A_39] : memref<1000x256xf32, #tpu.memory_space<vmem>>, vector<1000x256xf32>
    tpu.vector_store %arg8[%swap3A, %swap3A_39], %max3A_38 {strides = array<i32>} : memref<1000x256xf32, #tpu.memory_space<vmem>>, vector<1000x256xf32>,
    %get3A_41 = arith.constant 0 : index
    %get3A_42 = arith.constant 0 : index
    %get3A_43 = vector.load %arg7[%get3A_41, %get3A_42] : memref<256x128xf32, #tpu.memory_space<vmem>>, vector<256x128xf32>
    %dot_general3A_44 = arith.constant dense<0.000000e+00> : vector<1000x128xf32>
    %dot_general3A_45 = tpu.matmul %max3A_38, %get3A_43, %dot_general3A_44 {dimension_numbers = #tpu.dot_dimension_numbers<[1], [0], [0], [1], [0, 0, 1, 1], [], []>, transpose_lhs_hint = false} : vector<1000x256xf32>, vector<256x128xf32>, vector<1000x128xf32> -> vector<1000x128xf32>
    %swap3A_46 = arith.constant 0 : index
    %swap3A_47 = arith.constant 0 : index
    %swap3A_48 = vector.load %arg9[%swap3A_46, %swap3A_47] : memref<1000x128xf32, #tpu.memory_space<vmem>>, vector<1000x128xf32>
    tpu.vector_store %arg9[%swap3A_46, %swap3A_47], %dot_general3A_45 {strides = array<i32>} : memref<1000x128xf32, #tpu.memory_space<vmem>>, vector<1000x128xf32>,
    %swap3A_49 = arith.constant 0 : index
    %swap3A_50 = arith.constant 0 : index
    %swap3A_51 = vector.load %arg10[%swap3A_49, %swap3A_50] : memref<1000x1xf32, #tpu.memory_space<vmem>>, vector<1000x1xf32>
    tpu.vector_store %arg10[%swap3A_49, %swap3A_50], %div3A_16 {strides = array<i32>} : memref<1000x1xf32, #tpu.memory_space<vmem>>, vector<1000x1xf32>,
    return
  }
  func.func @transform_0(%arg0: i32) -> (i32, i32, i32) {
    %c0_i32 = arith.constant 0 : i32
    %c0_i32_0 = arith.constant 0 : i32
    %c0_i32_1 = arith.constant 0 : i32
    return %c0_i32, %arg0, %c0_i32_0 : i32, i32, i32
  }
  func.func @transform_1(%arg0: i32) -> (i32, i32, i32) {
    %c0_i32 = arith.constant 0 : i32
    %c0_i32_0 = arith.constant 0 : i32
    %c0_i32_1 = arith.constant 0 : i32
    return %c0_i32, %arg0, %c0_i32_0 : i32, i32, i32
  }
  func.func @transform_2(%arg0: i32) -> (i32, i32) {
    %c0_i32 = arith.constant 0 : i32
    %c0_i32_0 = arith.constant 0 : i32
    return %arg0, %c0_i32 : i32, i32
  }
  func.func @transform_3(%arg0: i32) -> (i32, i32) {
    %c0_i32 = arith.constant 0 : i32
    %c0_i32_0 = arith.constant 0 : i32
    %c0_i32_1 = arith.constant 0 : i32
    return %c0_i32, %c0_i32_0 : i32, i32
  }
  func.func @transform_4(%arg0: i32) -> (i32, i32) {
    %c0_i32 = arith.constant 0 : i32
    %c0_i32_0 = arith.constant 0 : i32
    %c0_i32_1 = arith.constant 0 : i32
    return %c0_i32, %c0_i32_0 : i32, i32
  }
  func.func @transform_5(%arg0: i32) -> (i32, i32) {
    %c0_i32 = arith.constant 0 : i32
    %c0_i32_0 = arith.constant 0 : i32
    %c0_i32_1 = arith.constant 0 : i32
    return %c0_i32, %c0_i32_0 : i32, i32
  }
  func.func @transform_6(%arg0: i32) -> (i32, i32) {
    %c0_i32 = arith.constant 0 : i32
    %c0_i32_0 = arith.constant 0 : i32
    %c0_i32_1 = arith.constant 0 : i32
    return %c0_i32, %c0_i32_0 : i32, i32
  }
  func.func @transform_7(%arg0: i32) -> (i32, i32) {
    %c0_i32 = arith.constant 0 : i32
    %c0_i32_0 = arith.constant 0 : i32
    return %arg0, %c0_i32 : i32, i32
  }
  func.func @transform_8(%arg0: i32) -> (i32, i32) {
    %c0_i32 = arith.constant 0 : i32
    %c0_i32_0 = arith.constant 0 : i32
    return %arg0, %c0_i32 : i32, i32
  }
  func.func @transform_9(%arg0: i32) -> (i32, i32) {
    %c0_i32 = arith.constant 0 : i32
    %c0_i32_0 = arith.constant 0 : i32
    return %arg0, %c0_i32 : i32, i32
  }
}

module attributes {stable_mosaic.version = 14 : i64} {
  func.func @_tc2_body(%arg0: i32, %arg1: memref<2x1000x64xf32, #tpu.memory_space<vmem>>, %arg2: memref<1000x1xf32, #tpu.memory_space<vmem>>, %arg3: memref<1000x256xf32, #tpu.memory_space<vmem>>, %arg4: memref<1x128xf32, #tpu.memory_space<vmem>>, %arg5: memref<256x128xf32, #tpu.memory_space<vmem>>, %arg6: memref<128x128xf32, #tpu.memory_space<vmem>>, %arg7: memref<1000x128xf32, #tpu.memory_space<vmem>>, %arg8: memref<1000x128xf32, #tpu.memory_space<vmem>>) attributes {dimension_semantics = [#tpu.dimension_semantics<arbitrary>], iteration_bounds = array<i64: 10>, scalar_prefetch = 0 : i64, scratch_operands = 0 : i64, tpu.core_type = #tpu.core_type<tc>, window_params = [{transform_indices = @transform_0, window_bounds = array<i64: 2, 1000, 64>}, {transform_indices = @transform_1, window_bounds = array<i64: 1000, 1>}, {transform_indices = @transform_2, window_bounds = array<i64: 1000, 256>}, {pipeline_mode = #tpu.pipeline_mode<synchronous>, transform_indices = @transform_3, window_bounds = array<i64: 1, 128>}, {pipeline_mode = #tpu.pipeline_mode<synchronous>, transform_indices = @transform_4, window_bounds = array<i64: 256, 128>}, {pipeline_mode = #tpu.pipeline_mode<synchronous>, transform_indices = @transform_5, window_bounds = array<i64: 128, 128>}, {transform_indices = @transform_6, window_bounds = array<i64: 1000, 128>}, {transform_indices = @transform_7, window_bounds = array<i64: 1000, 128>}]} {
    %get3A = arith.constant 0 : index
    %get3A_0 = arith.constant 0 : index
    %get3A_1 = arith.constant 0 : index
    %get3A_2 = vector.load %arg1[%get3A, %get3A_0, %get3A_1] : memref<2x1000x64xf32, #tpu.memory_space<vmem>>, vector<2x1000x64xf32>
    %slice3A = vector.extract_strided_slice %get3A_2 {offsets = [0, 0, 0], sizes = [1, 1000, 64], strides = [1, 1, 1]} : vector<2x1000x64xf32> to vector<1x1000x64xf32>
    %squeeze3A = vector.shape_cast %slice3A : vector<1x1000x64xf32> to vector<1000x64xf32>
    %slice3A_3 = vector.extract_strided_slice %get3A_2 {offsets = [1, 0, 0], sizes = [1, 1000, 64], strides = [1, 1, 1]} : vector<2x1000x64xf32> to vector<1x1000x64xf32>
    %squeeze3A_4 = vector.shape_cast %slice3A_3 : vector<1x1000x64xf32> to vector<1000x64xf32>
    %concatenate3A = tpu.concatenate %squeeze3A, %squeeze3A_4 in 1 : vector<1000x64xf32>, vector<1000x64xf32> -> vector<1000x128xf32>
    %get3A_5 = arith.constant 0 : index
    %get3A_6 = arith.constant 0 : index
    %get3A_7 = vector.load %arg2[%get3A_5, %get3A_6] : memref<1000x1xf32, #tpu.memory_space<vmem>>, vector<1000x1xf32>
    %mul3A = vector.broadcast %get3A_7 : vector<1000x1xf32> to vector<1000x128xf32>
    %mul3A_8 = arith.mulf %concatenate3A, %mul3A : vector<1000x128xf32>
    %get3A_9 = arith.constant 0 : index
    %get3A_10 = arith.constant 0 : index
    %get3A_11 = vector.load %arg4[%get3A_9, %get3A_10] : memref<1x128xf32, #tpu.memory_space<vmem>>, vector<1x128xf32>
    %add3A = vector.broadcast %get3A_11 : vector<1x128xf32> to vector<1000x128xf32>
    %add3A_12 = arith.addf %mul3A_8, %add3A : vector<1000x128xf32>
    %get3A_13 = arith.constant 0 : index
    %get3A_14 = arith.constant 0 : index
    %get3A_15 = vector.load %arg3[%get3A_13, %get3A_14] : memref<1000x256xf32, #tpu.memory_space<vmem>>, vector<1000x256xf32>
    %get3A_16 = arith.constant 0 : index
    %get3A_17 = arith.constant 0 : index
    %get3A_18 = vector.load %arg5[%get3A_16, %get3A_17] : memref<256x128xf32, #tpu.memory_space<vmem>>, vector<256x128xf32>
    %dot_general3A = arith.constant dense<0.000000e+00> : vector<1000x128xf32>
    %dot_general3A_19 = tpu.matmul %get3A_15, %get3A_18, %dot_general3A {dimension_numbers = #tpu.dot_dimension_numbers<[1], [0], [0], [1], [0, 0, 1, 1], [], []>, transpose_lhs_hint = false} : vector<1000x256xf32>, vector<256x128xf32>, vector<1000x128xf32> -> vector<1000x128xf32>
    %add3A_20 = arith.addf %add3A_12, %dot_general3A_19 : vector<1000x128xf32>
    %max3A = arith.constant 0.000000e+00 : f32
    %max3A_21 = vector.broadcast %max3A : f32 to vector<1000x128xf32>
    %max3A_22 = arith.maximumf %add3A_20, %max3A_21 : vector<1000x128xf32>
    %swap3A = arith.constant 0 : index
    %swap3A_23 = arith.constant 0 : index
    %swap3A_24 = vector.load %arg7[%swap3A, %swap3A_23] : memref<1000x128xf32, #tpu.memory_space<vmem>>, vector<1000x128xf32>
    tpu.vector_store %arg7[%swap3A, %swap3A_23], %max3A_22 {strides = array<i32>} : memref<1000x128xf32, #tpu.memory_space<vmem>>, vector<1000x128xf32>,
    %get3A_25 = arith.constant 0 : index
    %get3A_26 = arith.constant 0 : index
    %get3A_27 = vector.load %arg6[%get3A_25, %get3A_26] : memref<128x128xf32, #tpu.memory_space<vmem>>, vector<128x128xf32>
    %dot_general3A_28 = arith.constant dense<0.000000e+00> : vector<1000x128xf32>
    %dot_general3A_29 = tpu.matmul %max3A_22, %get3A_27, %dot_general3A_28 {dimension_numbers = #tpu.dot_dimension_numbers<[1], [0], [0], [1], [0, 0, 1, 1], [], []>, transpose_lhs_hint = false} : vector<1000x128xf32>, vector<128x128xf32>, vector<1000x128xf32> -> vector<1000x128xf32>
    %swap3A_30 = arith.constant 0 : index
    %swap3A_31 = arith.constant 0 : index
    %swap3A_32 = vector.load %arg8[%swap3A_30, %swap3A_31] : memref<1000x128xf32, #tpu.memory_space<vmem>>, vector<1000x128xf32>
    tpu.vector_store %arg8[%swap3A_30, %swap3A_31], %dot_general3A_29 {strides = array<i32>} : memref<1000x128xf32, #tpu.memory_space<vmem>>, vector<1000x128xf32>,
    return
  }
  func.func @transform_0(%arg0: i32) -> (i32, i32, i32) {
    %c0_i32 = arith.constant 0 : i32
    %c0_i32_0 = arith.constant 0 : i32
    %c0_i32_1 = arith.constant 0 : i32
    return %c0_i32, %arg0, %c0_i32_0 : i32, i32, i32
  }
  func.func @transform_1(%arg0: i32) -> (i32, i32) {
    %c0_i32 = arith.constant 0 : i32
    %c0_i32_0 = arith.constant 0 : i32
    return %arg0, %c0_i32 : i32, i32
  }
  func.func @transform_2(%arg0: i32) -> (i32, i32) {
    %c0_i32 = arith.constant 0 : i32
    %c0_i32_0 = arith.constant 0 : i32
    return %arg0, %c0_i32 : i32, i32
  }
  func.func @transform_3(%arg0: i32) -> (i32, i32) {
    %c0_i32 = arith.constant 0 : i32
    %c0_i32_0 = arith.constant 0 : i32
    %c0_i32_1 = arith.constant 0 : i32
    return %c0_i32, %c0_i32_0 : i32, i32
  }
  func.func @transform_4(%arg0: i32) -> (i32, i32) {
    %c0_i32 = arith.constant 0 : i32
    %c0_i32_0 = arith.constant 0 : i32
    %c0_i32_1 = arith.constant 0 : i32
    return %c0_i32, %c0_i32_0 : i32, i32
  }
  func.func @transform_5(%arg0: i32) -> (i32, i32) {
    %c0_i32 = arith.constant 0 : i32
    %c0_i32_0 = arith.constant 0 : i32
    %c0_i32_1 = arith.constant 0 : i32
    return %c0_i32, %c0_i32_0 : i32, i32
  }
  func.func @transform_6(%arg0: i32) -> (i32, i32) {
    %c0_i32 = arith.constant 0 : i32
    %c0_i32_0 = arith.constant 0 : i32
    return %arg0, %c0_i32 : i32, i32
  }
  func.func @transform_7(%arg0: i32) -> (i32, i32) {
    %c0_i32 = arith.constant 0 : i32
    %c0_i32_0 = arith.constant 0 : i32
    return %arg0, %c0_i32 : i32, i32
  }
}

module attributes {stable_mosaic.version = 14 : i64} {
  func.func @_tc3_body(%arg0: i32, %arg1: memref<2x1000x64xf32, #tpu.memory_space<vmem>>, %arg2: memref<1000x1xf32, #tpu.memory_space<vmem>>, %arg3: memref<1000x256xf32, #tpu.memory_space<vmem>>, %arg4: memref<1000x128xf32, #tpu.memory_space<vmem>>, %arg5: memref<1x128xf32, #tpu.memory_space<vmem>>, %arg6: memref<128x128xf32, #tpu.memory_space<vmem>>, %arg7: memref<1000x512xf32, #tpu.memory_space<vmem>>) attributes {dimension_semantics = [#tpu.dimension_semantics<arbitrary>], iteration_bounds = array<i64: 10>, scalar_prefetch = 0 : i64, scratch_operands = 0 : i64, tpu.core_type = #tpu.core_type<tc>, window_params = [{transform_indices = @transform_0, window_bounds = array<i64: 2, 1000, 64>}, {transform_indices = @transform_1, window_bounds = array<i64: 1000, 1>}, {transform_indices = @transform_2, window_bounds = array<i64: 1000, 256>}, {transform_indices = @transform_3, window_bounds = array<i64: 1000, 128>}, {pipeline_mode = #tpu.pipeline_mode<synchronous>, transform_indices = @transform_4, window_bounds = array<i64: 1, 128>}, {pipeline_mode = #tpu.pipeline_mode<synchronous>, transform_indices = @transform_5, window_bounds = array<i64: 128, 128>}, {transform_indices = @transform_6, window_bounds = array<i64: 1000, 512>}]} {
    %get3A = arith.constant 0 : index
    %get3A_0 = arith.constant 0 : index
    %get3A_1 = arith.constant 0 : index
    %get3A_2 = vector.load %arg1[%get3A, %get3A_0, %get3A_1] : memref<2x1000x64xf32, #tpu.memory_space<vmem>>, vector<2x1000x64xf32>
    %slice3A = vector.extract_strided_slice %get3A_2 {offsets = [0, 0, 0], sizes = [1, 1000, 64], strides = [1, 1, 1]} : vector<2x1000x64xf32> to vector<1x1000x64xf32>
    %squeeze3A = vector.shape_cast %slice3A : vector<1x1000x64xf32> to vector<1000x64xf32>
    %slice3A_3 = vector.extract_strided_slice %get3A_2 {offsets = [1, 0, 0], sizes = [1, 1000, 64], strides = [1, 1, 1]} : vector<2x1000x64xf32> to vector<1x1000x64xf32>
    %squeeze3A_4 = vector.shape_cast %slice3A_3 : vector<1x1000x64xf32> to vector<1000x64xf32>
    %concatenate3A = tpu.concatenate %squeeze3A, %squeeze3A_4 in 1 : vector<1000x64xf32>, vector<1000x64xf32> -> vector<1000x128xf32>
    %get3A_5 = arith.constant 0 : index
    %get3A_6 = arith.constant 0 : index
    %get3A_7 = vector.load %arg2[%get3A_5, %get3A_6] : memref<1000x1xf32, #tpu.memory_space<vmem>>, vector<1000x1xf32>
    %mul3A = vector.broadcast %get3A_7 : vector<1000x1xf32> to vector<1000x128xf32>
    %mul3A_8 = arith.mulf %concatenate3A, %mul3A : vector<1000x128xf32>
    %get3A_9 = arith.constant 0 : index
    %get3A_10 = arith.constant 0 : index
    %get3A_11 = vector.load %arg5[%get3A_9, %get3A_10] : memref<1x128xf32, #tpu.memory_space<vmem>>, vector<1x128xf32>
    %add3A = vector.broadcast %get3A_11 : vector<1x128xf32> to vector<1000x128xf32>
    %add3A_12 = arith.addf %mul3A_8, %add3A : vector<1000x128xf32>
    %get3A_13 = arith.constant 0 : index
    %get3A_14 = arith.constant 0 : index
    %get3A_15 = vector.load %arg4[%get3A_13, %get3A_14] : memref<1000x128xf32, #tpu.memory_space<vmem>>, vector<1000x128xf32>
    %get3A_16 = arith.constant 0 : index
    %get3A_17 = arith.constant 0 : index
    %get3A_18 = vector.load %arg6[%get3A_16, %get3A_17] : memref<128x128xf32, #tpu.memory_space<vmem>>, vector<128x128xf32>
    %dot_general3A = arith.constant dense<0.000000e+00> : vector<1000x128xf32>
    %dot_general3A_19 = tpu.matmul %get3A_15, %get3A_18, %dot_general3A {dimension_numbers = #tpu.dot_dimension_numbers<[1], [0], [0], [1], [0, 0, 1, 1], [], []>, transpose_lhs_hint = false} : vector<1000x128xf32>, vector<128x128xf32>, vector<1000x128xf32> -> vector<1000x128xf32>
    %add3A_20 = arith.addf %add3A_12, %dot_general3A_19 : vector<1000x128xf32>
    %max3A = arith.constant 0.000000e+00 : f32
    %max3A_21 = vector.broadcast %max3A : f32 to vector<1000x128xf32>
    %max3A_22 = arith.maximumf %add3A_20, %max3A_21 : vector<1000x128xf32>
    %get3A_23 = arith.constant 0 : index
    %get3A_24 = arith.constant 0 : index
    %get3A_25 = vector.load %arg3[%get3A_23, %get3A_24] : memref<1000x256xf32, #tpu.memory_space<vmem>>, vector<1000x256xf32>
    %get3A_26 = arith.constant 0 : index
    %get3A_27 = arith.constant 0 : index
    %get3A_28 = vector.load %arg4[%get3A_26, %get3A_27] : memref<1000x128xf32, #tpu.memory_space<vmem>>, vector<1000x128xf32>
    %concatenate3A_29 = tpu.concatenate %get3A_25, %get3A_28, %max3A_22 in 1 : vector<1000x256xf32>, vector<1000x128xf32>, vector<1000x128xf32> -> vector<1000x512xf32>
    %swap3A = arith.constant 0 : index
    %swap3A_30 = arith.constant 0 : index
    %swap3A_31 = vector.load %arg7[%swap3A, %swap3A_30] : memref<1000x512xf32, #tpu.memory_space<vmem>>, vector<1000x512xf32>
    tpu.vector_store %arg7[%swap3A, %swap3A_30], %concatenate3A_29 {strides = array<i32>} : memref<1000x512xf32, #tpu.memory_space<vmem>>, vector<1000x512xf32>,
    return
  }
  func.func @transform_0(%arg0: i32) -> (i32, i32, i32) {
    %c0_i32 = arith.constant 0 : i32
    %c0_i32_0 = arith.constant 0 : i32
    %c0_i32_1 = arith.constant 0 : i32
    return %c0_i32, %arg0, %c0_i32_0 : i32, i32, i32
  }
  func.func @transform_1(%arg0: i32) -> (i32, i32) {
    %c0_i32 = arith.constant 0 : i32
    %c0_i32_0 = arith.constant 0 : i32
    return %arg0, %c0_i32 : i32, i32
  }
  func.func @transform_2(%arg0: i32) -> (i32, i32) {
    %c0_i32 = arith.constant 0 : i32
    %c0_i32_0 = arith.constant 0 : i32
    return %arg0, %c0_i32 : i32, i32
  }
  func.func @transform_3(%arg0: i32) -> (i32, i32) {
    %c0_i32 = arith.constant 0 : i32
    %c0_i32_0 = arith.constant 0 : i32
    return %arg0, %c0_i32 : i32, i32
  }
  func.func @transform_4(%arg0: i32) -> (i32, i32) {
    %c0_i32 = arith.constant 0 : i32
    %c0_i32_0 = arith.constant 0 : i32
    %c0_i32_1 = arith.constant 0 : i32
    return %c0_i32, %c0_i32_0 : i32, i32
  }
  func.func @transform_5(%arg0: i32) -> (i32, i32) {
    %c0_i32 = arith.constant 0 : i32
    %c0_i32_0 = arith.constant 0 : i32
    %c0_i32_1 = arith.constant 0 : i32
    return %c0_i32, %c0_i32_0 : i32, i32
  }
  func.func @transform_6(%arg0: i32) -> (i32, i32) {
    %c0_i32 = arith.constant 0 : i32
    %c0_i32_0 = arith.constant 0 : i32
    return %arg0, %c0_i32 : i32, i32
  }
}

</mosaic_0001>

<sc_bundles>
// kernel: kernel.12.cloned.1.call-start
scs
__scs_entry_jumppad:
0x0: {  	(pc) =	sbr.rel $0x88, $3  }
0x1: {  	(tag) =	ssettag $0x0;
	lr =	simm.s32 $0x1  }
0x2: {  	[smem:$0x3F96] =	sst lr;
	_ =	strace $0xD0000000  }
0x3: {  	_ = 	snop  }
0x4: {  	_ = 	snop  }
0x5: {  	_ = 	snop  }
0x6: {  	_ = 	snop  }
0x7: {  	_ = 	snop  }
__scs_overlays_trampoline_lowered:
0x8: {  	[smem:$0x3FA5] =	sst s0  }
0x9: {  	[smem:$0x3FA6] =	sst s1  }
0xa: {  	[smem:$0x3FA7] =	sst s2  }
0xb: {  	[smem:$0x3FA8] =	sst s3  }
0xc: {  	[smem:$0x3FA9] =	sst s4  }
0xd: {  	[smem:$0x3FAA] =	sst s5  }
0xe: {  	[smem:$0x3FAB] =	sst s6  }
0xf: {  	[smem:$0x3FAC] =	sst s7  }
0x10: {  	[smem:$0x3FAD] =	sst s8  }
0x11: {  	[smem:$0x3FAE] =	sst s9;
	s0 =	simm.s32 @!p0 $0x0  }
0x12: {  	s1 =	sld [smem:$0x3F94];
	s0 =	simm.s32 @p0 $0x1  }
0x13: {  	[smem:$0x3FAF] =	sst s0;
	s0 =	simm.s32 @!p1 $0x0  }
0x14: {  	s2 =	sld [smem:$0x3F93];
	s0 =	simm.s32 @p1 $0x1  }
0x15: {  	[smem:$0x3FB0] =	sst s0;
	s0 =	simm.s32 @!p2 $0x0  }
0x16: {  	s3 =	sld [smem:$0x3FDB];
	s0 =	simm.s32 @p2 $0x1  }
0x17: {  	s4 =	simm.s32 $0x1BF5;
	[smem:$0x3FB2] =	sst s0  }
0x18: {  	s0 =	sld [smem:$0x3F95];
	_ =	swait.ge [sflag:s4], $0x0  }
0x19: {  	s7 =	sld [smem:$0x3F96]  }
0x1a: {  	s8 =	sadd.s32 $0xFFFFE003, lr  }
0x1b: {  	s9 =	sadd.s32 $0xFFFFFEF7, lr;
	s5 =	simm.s32 $0xFFFFFFFF;
	p2 =	slt.u32 s8, $0xFFFFF086  }
0x1c: {  	p1 =	slt.u32 s9, $0xF7A;
	s5 =	simm.s32 @!p2 $0x0  }
0x1d: {  	s5 =	simm.s32 @p1 $0x1;
	p0 =	seq.s32 s7, s2  }
0x1e: {  	s7 =	smul.u32 @!p0 $0xF7A, s2;
	p2 =	seq.s32 @!p0 s5, $0x0  }
0x1f: {  	s9 =	smul.u32 $0xF7A, s1;
	s8 =	simm.s32 @!p0 $0x1BF5;
	p2 =	por !p2, p0  }
0x20: {  	[sflag:s8] =	ssyncset.s32 @!p0 $0xFFFFF086;
	s6 =	sadd.s32 @!p0 s3, s7;
	s7 =	simm.s32 @!p0 $0x108  }
0x21: {  	s3 =	sadd.s32 s3, s9;
	s6 =	sadd.s32 @!p0 $0x88, s6;
	s7 =	simm.s32 @p2 $0x1082  }
0x22: {  	[simem:s7], [sflag:s8] =	dma.local @!p0 [hbm:s6], $0xF7A  }
0x23: {  	s9 =	sor.u32 $0xD0000000, s2;
	s6 =	simm.s32 $0x108;
	_ =	swait.ge @!p0 [sflag:s8], $0x0  }
0x24: {  	s3 =	sadd.s32 $0x88, s3;
	s6 =	simm.s32 @!p1 $0x1082;
	[sflag:s4] =	ssyncset.s32 $0xFFFFF086  }
0x25: {  	[simem:s6], [sflag:s4] =	dma.local [hbm:s3], $0xF7A  }
0x26: {  	[smem:$0x3F96] =	sst s1;
	(tag) =	ssettag s2;
	_ =	strace s9  }
0x27: {  	s1 =	sld [smem:$0x3FA6]  }
0x28: {  	s2 =	sld [smem:$0x3FA7]  }
0x29: {  	s4 =	sld [smem:$0x3FA9]  }
0x2a: {  	p0 =	seq.s32 s5, $0x0;
	s5 =	sld [smem:$0x3FAA]  }
0x2b: {  	s6 =	sld [smem:$0x3FAB]  }
0x2c: {  	s7 =	sld [smem:$0x3FAC]  }
0x2d: {  	s3 =	simm.s32 $0x108;
	s8 =	sld [smem:$0x3FAD]  }
0x2e: {  	s3 =	simm.s32 @!p0 $0x1082;
	s9 =	sld [smem:$0x3FAE]  }
0x2f: {  	lr =	sadd.s32 s0, s3;
	s0 =	sld [smem:$0x3FA5]  }
0x30: {  	s3 =	sld [smem:$0x3FA8]  }
0x31: {  	[smem:$0x3FB1] =	sst s10  }
0x32: {  	s10 =	sld [smem:$0x3FAF];
	_ =	sdelay $0x3  }
0x33: {  	p0 =	seq.s32 s10, $0x1;
	s10 =	sld [smem:$0x3FB1];
	_ =	sdelay $0x3  }
0x34: {  	[smem:$0x3FB1] =	sst s10  }
0x35: {  	s10 =	sld [smem:$0x3FB0];
	_ =	sdelay $0x3  }
0x36: {  	p1 =	seq.s32 s10, $0x1;
	s10 =	sld [smem:$0x3FB1];
	_ =	sdelay $0x3  }
0x37: {  	[smem:$0x3FB1] =	sst s10  }
0x38: {  	s10 =	sld [smem:$0x3FB2]  }
0x39: {  	_ = 	snop;
	(pc) =	sbr.ind lr, $3  }
0x3a: {  	_ = 	snop  }
0x3b: {  	_ = 	snop  }
0x3c: {  	p2 =	seq.s32 s10, $0x1;
	s10 =	sld [smem:$0x3FB1]  }
0x3d: {  	_ =	shalt  }
0x3e: {  	_ =	shalt  }
0x3f: {  	_ =	shalt  }
0x40: {  	_ =	shalt  }
0x41: {  	_ =	shalt  }
0x42: {  	_ =	shalt  }
0x43: {  	_ =	shalt  }
0x44: {  	_ =	shalt  }
0x45: {  	_ =	shalt  }
0x46: {  	_ =	shalt  }
0x47: {  	_ =	shalt  }
0x48: {  	_ =	shalt  }
0x49: {  	_ =	shalt  }
0x4a: {  	_ =	shalt  }
0x4b: {  	_ =	shalt  }
0x4c: {  	_ =	shalt  }
0x4d: {  	_ =	shalt  }
0x4e: {  	_ =	shalt  }
0x4f: {  	_ =	shalt  }
0x50: {  	_ =	shalt  }
0x51: {  	_ =	shalt  }
0x52: {  	_ =	shalt  }
0x53: {  	_ =	shalt  }
0x54: {  	_ =	shalt  }
0x55: {  	_ =	shalt  }
0x56: {  	_ =	shalt  }
0x57: {  	_ =	shalt  }
0x58: {  	_ =	shalt  }
0x59: {  	_ =	shalt  }
0x5a: {  	_ =	shalt  }
0x5b: {  	_ =	shalt  }
0x5c: {  	_ =	shalt  }
0x5d: {  	_ =	shalt  }
0x5e: {  	_ =	shalt  }
0x5f: {  	_ =	shalt  }
0x60: {  	_ =	shalt  }
0x61: {  	_ =	shalt  }
0x62: {  	_ =	shalt  }
0x63: {  	_ =	shalt  }
0x64: {  	_ =	shalt  }
0x65: {  	_ =	shalt  }
0x66: {  	_ =	shalt  }
0x67: {  	_ =	shalt  }
0x68: {  	_ =	shalt  }
0x69: {  	_ =	shalt  }
0x6a: {  	_ =	shalt  }
0x6b: {  	_ =	shalt  }
0x6c: {  	_ =	shalt  }
0x6d: {  	_ =	shalt  }
0x6e: {  	_ =	shalt  }
0x6f: {  	_ =	shalt  }
0x70: {  	_ =	shalt  }
0x71: {  	_ =	shalt  }
0x72: {  	_ =	shalt  }
0x73: {  	_ =	shalt  }
0x74: {  	_ =	shalt  }
0x75: {  	_ =	shalt  }
0x76: {  	_ =	shalt  }
0x77: {  	_ =	shalt  }
0x78: {  	_ =	shalt  }
0x79: {  	_ =	shalt  }
0x7a: {  	_ =	shalt  }
0x7b: {  	_ =	shalt  }
0x7c: {  	_ =	shalt  }
0x7d: {  	_ =	shalt  }
0x7e: {  	_ =	shalt  }
0x7f: {  	_ =	shalt  }
0x80: {  	_ =	shalt  }
0x81: {  	_ =	shalt  }
0x82: {  	_ =	shalt  }
0x83: {  	_ =	shalt  }
0x84: {  	_ =	shalt  }
0x85: {  	_ =	shalt  }
0x86: {  	_ =	shalt  }
0x87: {  	_ =	shalt  }
.Lfunc_end0:
.L_simem_size_0:
called_computation.1_lowered:
.L_overlay_start_0:
0x88: {  	s2 =	sld [smem:$0x3FD9]  }
0x89: {  	s3 =	sld [smem:$0x3FFE];
	_ =	sdelay $0x1  }
0x8a: {  	s1 =	srdreg.scid  }
0x8b: {  	s0 =	sand.u32 $0x1, s1  }
0x8c: {  	s17 =	sshll.u32 s0, $0xA;
	s2 =	sadd.s32 s3, s2  }
0x8d: {  	s2 =	sadd.s32 s2, s17  }
0x8e: {  	[smem:$0x3FBD] =	sst s2  }
0x8f: {  	_ = 	snop  }
0x90: {  	s2 =	sld [smem:$0x3FC9];
	(tm) =	ssettm $0x1  }
0x91: {  	s18 =	sld [smem:$0x3FFB];
	_ =	sdelay $0x3  }
0x92: {  	_ =	strace s18  }
0x93: {  	s3 =	sld [smem:$0x3FFC];
	_ =	sdelay $0x3  }
0x94: {  	_ =	strace s3  }
0x95: {  	s3 =	sld [smem:$0x3FFD];
	_ =	sdelay $0x3  }
0x96: {  	_ =	strace s3  }
0x97: {  	_ =	strace $0x8FFFFFFF  }
0x98: {  	s19 =	sld [smem:$0x3FDB];
	_ =	sdelay $0x1  }
0x99: {  	s4 =	simm.s32 $_scs_section_size  }
0x9a: {  	s5 =	simm.s32 $_size__tile_overlayer_lowered;
	s6 =	simm.s32 $_tile_overlayer_lowered  }
0x9b: {  	s22 =	simm.s32 $0x1BFF;
	s21 =	sshll.u32 s6, $0x1;
	s3 =	sadd.s32 s4, s19  }
0x9c: {  	s7 =	simm.s32 $0x0;
	s20 =	sshll.u32 s5, $0x1;
	s5 =	sadd.s32 s21, s3  }
0x9d: {  	[timem:s7], [sflag:s22] =	dma.local [hbm:s5], s20  }
0x9e: {  	_ =	swait.ge [sflag:s22], s20  }
0x9f: {  	s4 =	ssub.s32 $0x0, s20;
	[sflag:s22] =	ssyncset.done $0x0  }
0xa0: {  	[sflag:s22] =	ssyncadd.s32 s4;
	_ =	sdelay $0x1  }
0xa1: {  	s23 =	simm.s32 $0x1B8B  }
0xa2: {  	_ =	swait.ge [sflag:s23], $0x1  }
0xa3: {  	[sflag:s23] =	ssyncset.done $0x0  }
0xa4: {  	s25 =	simm.s32 $0x1B8E;
	s24 =	sld [smem:$0x3FFE];
	[sflag:s23] =	ssyncadd.s32 $0xFFFFFFFF  }
0xa5: {  	s26 =	simm.s32 $execute0_lowered;
	[smem:$0x3FD2] =	sst s25  }
0xa6: {  	s5 =	sshll.u32 s26, $0x1;
	_ =	strace $0x80000046;
	[dreg:$0x1] =	wrdreg $0xFFFFFFFF  }
0xa7: {  	s28 =	simm.s32 $_size_execute0_lowered;
	s3 =	sadd.s32 s3, s5;
	[dreg:$0x0] =	wrdreg $0x0  }
0xa8: {  	s5 =	sshll.u32 s28, $0x1;
	[dreg:$0x2] =	wrdreg s3  }
0xa9: {  	[dreg:$0x3] =	wrdreg s5  }
0xaa: {  	[dreg:$0x4] =	wrdreg $0xC0  }
0xab: {  	_ =	task [dreg:s7], $0x5FFFF  }
0xac: {  	[dreg:$0x1] =	wrdreg $0xFFFFFFFF  }
0xad: {  	[dreg:$0x0] =	wrdreg $0x60  }
0xae: {  	[dreg:$0x2] =	wrdreg s2  }
0xaf: {  	[dreg:$0x3] =	wrdreg s24  }
0xb0: {  	[dreg:$0x4] =	wrdreg $0x140000  }
0xb1: {  	[dreg:$0x5] =	wrdreg $0xA  }
0xb2: {  	_ =	task.clear_ibuf [dreg:s7], $0x6FFFF;
	_ =	strace $0x90000046  }
0xb3: {  	s29 =	simm.s32 $0xA;
	_ =	strace $0x80000048  }
0xb4: {  	_ =	swait.ge [sflag:s29], $0x1  }
0xb5: {  	[sflag:s29] =	ssyncadd.s32 $0xFFFFFFFF  }
0xb6: {  	_ =	strace $0x90000048  }
0xb7: {  	_ =	sfence  }
0xb8: {  	s30 =	sld [smem:$0x0];
	_ =	sdelay $0x2  }
0xb9: {  	s31 =	sshll.u32 s1, $0xD;
	s1 =	sshrl.u32 s1, $0x2  }
0xba: {  	s3 =	sand.u32 $0x4000, s31;
	s1 =	sadd.s32 s1, s30  }
0xbb: {  	s0 =	sor.u32 s3, s0;
	s1 =	sshll.u32 s1, $0x11  }
0xbc: {  	s0 =	sor.u32 s1, s0  }
0xbd: {  	s0 =	sadd.s32 $0x8F2B, s0  }
0xbe: {  	[sflag:s0] =	ssyncadd.remote.s32 $0x1  }
0xbf: {  	_ =	sfence.sel $0xFFFF  }
0xc0: {  	[dreg:$0x0] =	wrdreg $0xFFFFFFFF;
	(pc) =	sbr.abs _section_cstart, $3  }
0xc1: {  	[dreg:$0x1] =	wrdreg $0xFFFFFFFF  }
0xc2: {  	_ =	task.clear_ibuf [dreg:s7], $0x2FFFF;
	_ =	strace $0x9FFFFFFF  }
0xc3: {  	(tm) =	ssettm $0x7FFFFFFF  }
tec
execute0_lowered:
.L_overlay_start_1:
0x0: {  	(tag) =	ssettag $0x1  }
0x1: {  	s0 =	srdreg.scid;
	s2 =	rddreg [dreg:$0x0]  }
0x2: {  	s10 =	stileid.u32;
	s6 =	rddreg [dreg:$0x1]  }
0x3: {  	s3 =	rddreg [dreg:$0x2];
	s4 =	simm.s32 $0x0;
	s19 =	simm.s32 $0x3  }
0x4: {  	s20 =	simm.s32 $0x5000;
	s21 =	simm.s32 $0x12000;
	s22 =	simm.s32 $0x80  }
0x5: {  	s28 =	simm.s32 $0x1;
	s30 =	simm.s32 $0x10000;
	s5 =	smul.u32 $0xA00, s10  }
0x6: {  	s0 =	sand.u32 $0x1, s0;
	s7 =	smul.u32 $0x280, s10;
	[smem:$0x7FF] =	sst s4  }
0x7: {  	s23 =	smul.u32 $0x28000, s10;
	s24 =	sadd.s32 $0x22200, s6;
	s1 =	sshll.u32 s0, $0x4  }
0x8: {  	s8 =	smul.u32 $0x2800, s0;
	_ =	strace $0x80000047;
	[dreg:$0x4] =	wrdreg s24  }
0x9: {  	s0 =	ssub.s32 $0x2, s0;
	s24 =	simm.s32 $0xC000;
	s1 =	sor.u32 s10, s1  }
0xa: {  	s9 =	sadd.s32 s5, s6;
	s25 =	sshrl.u32 s0, $0x1;
	s26 =	sshrl.u32 s23, $0x2  }
0xb: {  	s23 =	simm.s32 $0xA000;
	s1 =	smul.u32 $0xA00, s1;
	s7 =	sadd.s32 s7, s8  }
0xc: {  	s0 =	ssub.s32 s0, s25;
	s29 =	sadd.s32 $0x4200, s9;
	s25 =	simm.s32 $0x0  }
0xd: {  	s7 =	sshll.u32 s7, $0x3;
	[dreg:$0x6] =	wrdreg s29;
	s18 =	smax.u32 s0, $0x1  }
0xe: {  	s1 =	sadd.s32 s1, s6;
	s17 =	sadd.s32 s7, s6;
	s7 =	sadd.s32 s26, s3  }
.Ltmp0:
0xf: {  	s26 =	simm.s32 $0xE000;
	s1 =	sadd.s32 $0xE200, s1;
	(pc) =	sbr.rel .LBB2_1-.Ltmp0, $4  }
0x10: {  	s9 =	sadd.s32 $0x2000, s7;
	s10 =	sadd.s32 $0x4000, s7;
	s11 =	sadd.s32 $0x6000, s7  }
0x11: {  	s12 =	sadd.s32 $0x8000, s7;
	s31 =	sadd.s32 $0x22600, s17;
	s14 =	sadd.s32 $0x22A00, s17  }
0x12: {  	s15 =	sadd.s32 $0x22E00, s17;
	s16 =	sadd.s32 $0x23200, s17;
	[dreg:$0x5] =	wrdreg s1  }
0x13: {  	s17 =	sadd.s32 $0x23600, s17;
	[dreg:$0x7] =	wrdreg s31;
	s1 =	simm.s32 $0x2  }
.LBB2_4:
0x14: {  	_ =	swait.ge [sflag:s1], $0x2000  }
0x15: {  	[sflag:s1] =	ssyncset.done $0x0  }
0x16: {  	[sflag:s1] =	ssyncadd.s32 $0xFFFFE000  }
0x17: {  	_ =	swait.ge [sflag:s1], $0x2000  }
0x18: {  	[sflag:s1] =	ssyncset.done $0x0  }
0x19: {  	[sflag:s1] =	ssyncadd.s32 $0xFFFFE000  }
0x1a: {  	_ =	swait.ge [sflag:s1], $0x2000  }
0x1b: {  	[sflag:s1] =	ssyncset.done $0x0  }
0x1c: {  	[sflag:s1] =	ssyncadd.s32 $0xFFFFE000  }
0x1d: {  	[bflag:$0x0] =	sbarrier.arrive $0xFFFF  }
0x1e: {  	[tilespmem:s23], [sflag:$0x3] =	stream.linear.gather [spmem:s7], $0x2000, $0x38;
	[tilespmem:$0x1E000] =	vst v63  }
0x1f: {  	_ =	swait.ge [sflag:s19], $0x2000  }
0x20: {  	[sflag:s19] =	ssyncset.done $0x0  }
0x21: {  	s0 =	rddreg [dreg:$0x7];
	[sflag:s19] =	ssyncadd.s32 $0xFFFFE000  }
0x22: {  	[hbm4b:s0+s4] =	stream.linear.scatter [tilespmem:s23], [sflag:$0x3], $0x2000, $0x38;
	[tilespmem:$0x1E000] =	vst v63  }
0x23: {  	_ =	swait.ge [sflag:s19], $0x2000  }
0x24: {  	[sflag:s19] =	ssyncset.done $0x0  }
0x25: {  	[sflag:s19] =	ssyncadd.s32 $0xFFFFE000  }
0x26: {  	[tilespmem:s23], [sflag:$0x3] =	stream.linear.gather [spmem:s9], $0x2000, $0x38;
	[tilespmem:$0x1E000] =	vst v63  }
0x27: {  	_ =	swait.ge [sflag:s19], $0x2000  }
0x28: {  	[sflag:s19] =	ssyncset.done $0x0  }
0x29: {  	[sflag:s19] =	ssyncadd.s32 $0xFFFFE000  }
0x2a: {  	[hbm4b:s14+s4] =	stream.linear.scatter [tilespmem:s23], [sflag:$0x3], $0x2000, $0x38;
	[tilespmem:$0x1E000] =	vst v63  }
0x2b: {  	_ =	swait.ge [sflag:s19], $0x2000  }
0x2c: {  	[sflag:s19] =	ssyncset.done $0x0  }
0x2d: {  	[sflag:s19] =	ssyncadd.s32 $0xFFFFE000  }
0x2e: {  	[tilespmem:s23], [sflag:$0x3] =	stream.linear.gather [spmem:s10], $0x2000, $0x38;
	[tilespmem:$0x1E000] =	vst v63  }
0x2f: {  	_ =	swait.ge [sflag:s19], $0x2000  }
0x30: {  	[sflag:s19] =	ssyncset.done $0x0  }
0x31: {  	[sflag:s19] =	ssyncadd.s32 $0xFFFFE000  }
0x32: {  	[hbm4b:s15+s4] =	stream.linear.scatter [tilespmem:s23], [sflag:$0x3], $0x2000, $0x38;
	[tilespmem:$0x1E000] =	vst v63  }
0x33: {  	_ =	swait.ge [sflag:s19], $0x2000  }
0x34: {  	[sflag:s19] =	ssyncset.done $0x0  }
0x35: {  	[sflag:s19] =	ssyncadd.s32 $0xFFFFE000  }
0x36: {  	[tilespmem:s23], [sflag:$0x3] =	stream.linear.gather [spmem:s11], $0x2000, $0x38;
	[tilespmem:$0x1E000] =	vst v63  }
0x37: {  	_ =	swait.ge [sflag:s19], $0x2000  }
0x38: {  	[sflag:s19] =	ssyncset.done $0x0  }
0x39: {  	[sflag:s19] =	ssyncadd.s32 $0xFFFFE000  }
0x3a: {  	[hbm4b:s16+s4] =	stream.linear.scatter [tilespmem:s23], [sflag:$0x3], $0x2000, $0x38;
	[tilespmem:$0x1E000] =	vst v63  }
0x3b: {  	_ =	swait.ge [sflag:s19], $0x2000  }
0x3c: {  	[sflag:s19] =	ssyncset.done $0x0  }
0x3d: {  	[sflag:s19] =	ssyncadd.s32 $0xFFFFE000  }
0x3e: {  	[tilespmem:s23], [sflag:$0x3] =	stream.linear.gather [spmem:s12], $0x2000, $0x38;
	[tilespmem:$0x1E000] =	vst v63  }
0x3f: {  	s25 =	sadd.s32 $0x1, s25;
	_ =	swait.ge [sflag:s19], $0x2000  }
0x40: {  	p0 =	sne.s32 s25, s18;
	[sflag:s19] =	ssyncset.done $0x0  }
.Ltmp1:
0x41: {  	[sflag:s19] =	ssyncadd.s32 $0xFFFFE000;
	(pc) =	sbr.rel @!p0 .LBB2_5-.Ltmp1, $4  }
0x42: {  	[hbm4b:s17+s4] =	stream.linear.scatter [tilespmem:s23], [sflag:$0x3], $0x2000, $0x38;
	[tilespmem:$0x1E000] =	vst v63  }
0x43: {  	_ =	swait.ge [sflag:s19], $0x2000  }
0x44: {  	[sflag:s19] =	ssyncset.done $0x0  }
0x45: {  	[sflag:s19] =	ssyncadd.s32 $0xFFFFE000  }
.LBB2_1:
0x46: {  	s0 =	rddreg [dreg:$0x5]  }
0x47: {  	[tilespmem:s4], [sflag:$0x3] =	stream.linear.gather [hbm4b:s0+s4], $0x5000, $0x38;
	[tilespmem:$0x1E000] =	vst v63  }
0x48: {  	_ =	swait.ge [sflag:s19], $0x5000  }
0x49: {  	[sflag:s19] =	ssyncset.done $0x0  }
0x4a: {  	s5 =	rddreg [dreg:$0x6];
	[sflag:s19] =	ssyncadd.s32 $0xFFFFB000  }
0x4b: {  	[tilespmem:s20], [sflag:$0x3] =	stream.linear.gather [hbm4b:s5+s4], $0x5000, $0x38;
	[tilespmem:$0x1E000] =	vst v63  }
0x4c: {  	_ =	swait.ge [sflag:s19], $0x5000  }
0x4d: {  	[sflag:s19] =	ssyncset.done $0x0  }
0x4e: {  	s6 =	rddreg [dreg:$0x4];
	[sflag:s19] =	ssyncadd.s32 $0xFFFFB000  }
0x4f: {  	[tilespmem:s21], [sflag:$0x3] =	stream.linear.gather [hbm4b:s6+s4], $0x2000, $0x38;
	[tilespmem:$0x1E000] =	vst v63  }
0x50: {  	_ =	swait.ge [sflag:s19], $0x2000  }
0x51: {  	[sflag:s19] =	ssyncset.done $0x0  }
0x52: {  	[sflag:s19] =	ssyncadd.s32 $0xFFFFE000  }
0x53: {  	[spmem:s7] =	stream.linear.scatter [tilespmem:s21], [sflag:$0x3], $0x2000, $0x38;
	[tilespmem:$0x1E000] =	vst v63  }
0x54: {  	_ =	swait.ge [sflag:s19], $0x2000  }
0x55: {  	[sflag:s19] =	ssyncset.done $0x0  }
0x56: {  	[sflag:s19] =	ssyncadd.s32 $0xFFFFE000  }
0x57: {  	[spmem:s9] =	stream.linear.scatter [tilespmem:s21], [sflag:$0x3], $0x2000, $0x38;
	[tilespmem:$0x1E000] =	vst v63  }
0x58: {  	_ =	swait.ge [sflag:s19], $0x2000  }
0x59: {  	[sflag:s19] =	ssyncset.done $0x0  }
0x5a: {  	[sflag:s19] =	ssyncadd.s32 $0xFFFFE000  }
0x5b: {  	[spmem:s10] =	stream.linear.scatter [tilespmem:s21], [sflag:$0x3], $0x2000, $0x38;
	[tilespmem:$0x1E000] =	vst v63  }
0x5c: {  	_ =	swait.ge [sflag:s19], $0x2000  }
0x5d: {  	[sflag:s19] =	ssyncset.done $0x0  }
0x5e: {  	[sflag:s19] =	ssyncadd.s32 $0xFFFFE000  }
0x5f: {  	[spmem:s11] =	stream.linear.scatter [tilespmem:s21], [sflag:$0x3], $0x2000, $0x38;
	[tilespmem:$0x1E000] =	vst v63  }
0x60: {  	_ =	swait.ge [sflag:s19], $0x2000  }
0x61: {  	[sflag:s19] =	ssyncset.done $0x0  }
0x62: {  	[sflag:s19] =	ssyncadd.s32 $0xFFFFE000  }
0x63: {  	[spmem:s12] =	stream.linear.scatter [tilespmem:s21], [sflag:$0x3], $0x2000, $0x38;
	[tilespmem:$0x1E000] =	vst v63  }
0x64: {  	_ =	swait.ge [sflag:s19], $0x2000  }
0x65: {  	[sflag:s19] =	ssyncset.done $0x0  }
0x66: {  	[sflag:s19] =	ssyncadd.s32 $0xFFFFE000  }
0x67: {  	[bflag:$0x0] =	sbarrier.arrive $0xFFFF  }
0x68: {  	[tilespmem:s23], [sflag:$0x1] =	stream.indirect.gather [hbm4b:s2+s22], $0x40, s4, s22, $0xb8;
	[tilespmem:$0x1E000] =	vst v63  }
0x69: {  	_ = 	snop  }
0x6a: {  	[tilespmem:s24], [sflag:$0x1] =	stream.indirect.gather [hbm4b:s2+s22], $0x40, s22, s22, $0xb8;
	[tilespmem:$0x1E000] =	vst v63  }
0x6b: {  	s8 =	simm.s32 $0x100  }
0x6c: {  	[tilespmem:s26], [sflag:$0x1] =	stream.indirect.gather [hbm4b:s2+s22], $0x40, s8, s22, $0xb8;
	[tilespmem:$0x1E000] =	vst v63  }
0x6d: {  	_ =	swait.ge [sflag:s28], $0x2000  }
0x6e: {  	[sflag:s28] =	ssyncset.done $0x0  }
0x6f: {  	[sflag:s28] =	ssyncadd.s32 $0xFFFFE000  }
0x70: {  	[spmem:s3] =	stream.indirect.scatter.add.f32 [tilespmem:s23], [sflag:$0x2], $0x40, s20, s22, $0xb8;
	[tilespmem:$0x1E000] =	vst v63  }
0x71: {  	s13 =	simm.s32 $0x180  }
0x72: {  	[tilespmem:s30], [sflag:$0x1] =	stream.indirect.gather [hbm4b:s2+s22], $0x40, s13, s22, $0xb8;
	[tilespmem:$0x1E000] =	vst v63  }
0x73: {  	_ =	swait.ge [sflag:s28], $0x2000  }
0x74: {  	[sflag:s28] =	ssyncset.done $0x0  }
0x75: {  	s31 =	simm.s32 $0x5080;
	[sflag:s28] =	ssyncadd.s32 $0xFFFFE000  }
0x76: {  	[spmem:s3] =	stream.indirect.scatter.add.f32 [tilespmem:s24], [sflag:$0x2], $0x40, s31, s22, $0xb8;
	[tilespmem:$0x1E000] =	vst v63  }
0x77: {  	_ =	swait.ge [sflag:s1], $0x2000  }
0x78: {  	[sflag:s1] =	ssyncset.done $0x0  }
0x79: {  	s5 =	simm.s32 $0x200;
	[sflag:s1] =	ssyncadd.s32 $0xFFFFE000  }
0x7a: {  	[tilespmem:s23], [sflag:$0x1] =	stream.indirect.gather [hbm4b:s2+s22], $0x40, s5, s22, $0xb8;
	[tilespmem:$0x1E000] =	vst v63  }
0x7b: {  	_ =	swait.ge [sflag:s28], $0x2000  }
0x7c: {  	[sflag:s28] =	ssyncset.done $0x0  }
0x7d: {  	s6 =	simm.s32 $0x5100;
	[sflag:s28] =	ssyncadd.s32 $0xFFFFE000  }
0x7e: {  	[spmem:s3] =	stream.indirect.scatter.add.f32 [tilespmem:s26], [sflag:$0x2], $0x40, s6, s22, $0xb8;
	[tilespmem:$0x1E000] =	vst v63  }
0x7f: {  	_ =	swait.ge [sflag:s1], $0x2000  }
0x80: {  	[sflag:s1] =	ssyncset.done $0x0  }
0x81: {  	s8 =	simm.s32 $0x280;
	[sflag:s1] =	ssyncadd.s32 $0xFFFFE000  }
0x82: {  	[tilespmem:s24], [sflag:$0x1] =	stream.indirect.gather [hbm4b:s2+s22], $0x40, s8, s22, $0xb8;
	[tilespmem:$0x1E000] =	vst v63  }
0x83: {  	_ =	swait.ge [sflag:s28], $0x2000  }
0x84: {  	[sflag:s28] =	ssyncset.done $0x0  }
0x85: {  	s13 =	simm.s32 $0x5180;
	[sflag:s28] =	ssyncadd.s32 $0xFFFFE000  }
0x86: {  	[spmem:s3] =	stream.indirect.scatter.add.f32 [tilespmem:s30], [sflag:$0x2], $0x40, s13, s22, $0xb8;
	[tilespmem:$0x1E000] =	vst v63  }
0x87: {  	_ =	swait.ge [sflag:s1], $0x2000  }
0x88: {  	[sflag:s1] =	ssyncset.done $0x0  }
0x89: {  	s29 =	simm.s32 $0x0;
	s31 =	simm.s32 $0x300;
	[sflag:s1] =	ssyncadd.s32 $0xFFFFE000  }
0x8a: {  	[tilespmem:s26], [sflag:$0x1] =	stream.indirect.gather [hbm4b:s2+s22], $0x40, s31, s22, $0xb8;
	[tilespmem:$0x1E000] =	vst v63  }
.LBB2_2:
0x8b: {  	_ =	swait.ge [sflag:s28], $0x2000  }
0x8c: {  	s31 =	sshra.s32 s29, $0x2;
	[sflag:s28] =	ssyncset.done $0x0  }
0x8d: {  	s0 =	sadd.s32 $0x5200, s31;
	[sflag:s28] =	ssyncadd.s32 $0xFFFFE000  }
0x8e: {  	[spmem:s3] =	stream.indirect.scatter.add.f32 [tilespmem:s23], [sflag:$0x2], $0x40, s0, s22, $0xb8;
	[tilespmem:$0x1E000] =	vst v63  }
0x8f: {  	_ =	swait.ge [sflag:s1], $0x2000  }
0x90: {  	[sflag:s1] =	ssyncset.done $0x0  }
0x91: {  	s6 =	sadd.s32 $0x380, s31;
	[sflag:s1] =	ssyncadd.s32 $0xFFFFE000  }
0x92: {  	[tilespmem:s30], [sflag:$0x1] =	stream.indirect.gather [hbm4b:s2+s22], $0x40, s6, s22, $0xb8;
	[tilespmem:$0x1E000] =	vst v63  }
0x93: {  	_ =	swait.ge [sflag:s28], $0x2000  }
0x94: {  	p0 =	seq.s32 s29, $0x13000;
	[sflag:s28] =	ssyncset.done $0x0  }
0x95: {  	s8 =	sadd.s32 $0x5280, s31;
	s0 =	simm.s32 @p0 $0x1;
	[sflag:s28] =	ssyncadd.s32 $0xFFFFE000  }
0x96: {  	[spmem:s3] =	stream.indirect.scatter.add.f32 [tilespmem:s24], [sflag:$0x2], $0x40, s8, s22, $0xb8;
	[tilespmem:$0x1E000] =	vst v63  }
0x97: {  	_ =	swait.ge @p0 [sflag:s0], $0x2000  }
0x98: {  	[sflag:s0] =	ssyncset.done @p0 $0x0  }
0x99: {  	[sflag:s0] =	ssyncadd.s32 @p0 $0xFFFFE000;
	s0 =	sshra.s32 @p0 s29, $0x2  }
0x9a: {  	s5 =	simm.s32 @p0 $0x80;
	s6 =	simm.s32 @p0 $0xE000;
	s0 =	sadd.s32 @p0 $0x5300, s0  }
0x9b: {  	[spmem:s3] =	stream.indirect.scatter.add.f32 @p0 [tilespmem:s6], [sflag:$0x2], $0x40, s0, s5, $0xb8;
	[tilespmem:$0x1E000] =	vst v63  }
0x9c: {  	s0 =	simm.s32 @!p0 $0x2  }
0x9d: {  	_ =	swait.ge @!p0 [sflag:s0], $0x2000  }
0x9e: {  	s13 =	simm.s32 @!p0 $0xA000;
	s5 =	sshra.s32 @!p0 s29, $0x2;
	[sflag:s0] =	ssyncset.done @!p0 $0x0  }
0x9f: {  	s8 =	simm.s32 @!p0 $0x80;
	s6 =	sadd.s32 @!p0 $0x400, s5;
	[sflag:s0] =	ssyncadd.s32 @!p0 $0xFFFFE000  }
0xa0: {  	[tilespmem:s13], [sflag:$0x1] =	stream.indirect.gather @!p0 [hbm4b:s2+s8], $0x40, s6, s8, $0xb8;
	[tilespmem:$0x1E000] =	vst v63  }
0xa1: {  	s6 =	simm.s32 @!p0 $0x1  }
0xa2: {  	_ =	swait.ge @!p0 [sflag:s6], $0x2000  }
0xa3: {  	[sflag:s6] =	ssyncset.done @!p0 $0x0  }
0xa4: {  	s13 =	simm.s32 @!p0 $0xE000;
	[sflag:s6] =	ssyncadd.s32 @!p0 $0xFFFFE000;
	s6 =	sadd.s32 @!p0 $0x5300, s5  }
0xa5: {  	[spmem:s3] =	stream.indirect.scatter.add.f32 @!p0 [tilespmem:s13], [sflag:$0x2], $0x40, s6, s8, $0xb8;
	[tilespmem:$0x1E000] =	vst v63  }
0xa6: {  	_ =	swait.ge @!p0 [sflag:s0], $0x2000  }
0xa7: {  	[sflag:s0] =	ssyncset.done @!p0 $0x0  }
0xa8: {  	[sflag:s0] =	ssyncadd.s32 @!p0 $0xFFFFE000;
	s0 =	sadd.s32 @!p0 $0x480, s5;
	s5 =	simm.s32 @!p0 $0xC000  }
0xa9: {  	[tilespmem:s5], [sflag:$0x1] =	stream.indirect.gather @!p0 [hbm4b:s2+s8], $0x40, s0, s8, $0xb8;
	[tilespmem:$0x1E000] =	vst v63  }
0xaa: {  	_ =	swait.ge [sflag:s28], $0x2000  }
0xab: {  	[sflag:s28] =	ssyncset.done $0x0  }
.Ltmp2:
0xac: {  	s13 =	sadd.s32 $0x5380, s31;
	[sflag:s28] =	ssyncadd.s32 $0xFFFFE000;
	(pc) =	sbr.rel @p0 .LBB2_4-.Ltmp2, $4  }
0xad: {  	[spmem:s3] =	stream.indirect.scatter.add.f32 [tilespmem:s30], [sflag:$0x2], $0x40, s13, s22, $0xb8;
	[tilespmem:$0x1E000] =	vst v63  }
0xae: {  	_ =	swait.ge [sflag:s1], $0x2000  }
0xaf: {  	[sflag:s1] =	ssyncset.done $0x0  }
0xb0: {  	[sflag:s1] =	ssyncadd.s32 $0xFFFFE000  }
.Ltmp3:
0xb1: {  	(pc) =	sbr.rel .LBB2_2-.Ltmp3, $3  }
0xb2: {  	_ =	sdelay $0x1  }
0xb3: {  	s0 =	sadd.s32 $0x500, s31;
	s29 =	sadd.s32 $0x800, s29  }
0xb4: {  	[tilespmem:s26], [sflag:$0x1] =	stream.indirect.gather [hbm4b:s2+s22], $0x40, s0, s22, $0xb8;
	[tilespmem:$0x1E000] =	vst v63  }
.LBB2_5:
0xb5: {  	_ =	sfence.sel $0x180000  }
0xb6: {  	[bflag:$0x0] =	sbarrier.arrive $0xFFFF  }
0xb7: {  	_ =	strace $0x90000047  }
0xb8: {  	s0 =	stileid.u32;
	[bflag:$0x2] =	sbarrier.arrive $0xFFFF  }
0xb9: {  	p0 =	sne.s32 s0, $0x0;
	s0 =	rddreg [dreg:$0x3]  }
0xba: {  	s0 =	sadd.s32 @!p0 $0x100000, s0  }
0xbb: {  	[sflag:s0] =	ssyncadd.tile.s32 @!p0 $0x1;
	_ =	shalt  }
.Lfunc_end2:
_tile_overlayer_lowered:
.L_overlay_start_2:
0xbc: {  	(tag) =	ssettag $0x2  }
0xbd: {  	s0 =	rddreg [dreg:$0x0];
	s2 =	stileid.u32  }
0xbe: {  	s1 =	rddreg [dreg:$0x1];
	p0 =	sne.s32 s2, $0x0  }
0xbf: {  	s3 =	rddreg [dreg:$0x2];
	[bflag:$0x3] =	sbarrier.arrive $0xFFFF;
	s2 =	simm.s32 @!p0 $0x1C03  }
0xc0: {  	[timem:s3], [sflag:s2] =	dma.local @!p0 [hbm:s0], s1  }
0xc1: {  	s0 =	simm.s32 @!p0 $0x3  }
0xc2: {  	_ =	swait.ge @!p0 [sflag:s0], s1  }
0xc3: {  	s1 =	ssub.s32 @!p0 $0x0, s1;
	[sflag:s0] =	ssyncset.done @!p0 $0x0  }
0xc4: {  	[sflag:s0] =	ssyncadd.s32 @!p0 s1  }
0xc5: {  	[bflag:$0x3] =	sbarrier.arrive $0xFFFF  }
0xc6: {  	_ =	shalt  }

// kernel: kernel.15.cloned.1.call-start
scs
__scs_entry_jumppad:
0x0: {  	(pc) =	sbr.rel $0x88, $3  }
0x1: {  	(tag) =	ssettag $0x0;
	lr =	simm.s32 $0x1  }
0x2: {  	[smem:$0x3F96] =	sst lr;
	_ =	strace $0xD0000000  }
0x3: {  	_ = 	snop  }
0x4: {  	_ = 	snop  }
0x5: {  	_ = 	snop  }
0x6: {  	_ = 	snop  }
0x7: {  	_ = 	snop  }
__scs_overlays_trampoline_lowered:
0x8: {  	[smem:$0x3FA5] =	sst s0  }
0x9: {  	[smem:$0x3FA6] =	sst s1  }
0xa: {  	[smem:$0x3FA7] =	sst s2  }
0xb: {  	[smem:$0x3FA8] =	sst s3  }
0xc: {  	[smem:$0x3FA9] =	sst s4  }
0xd: {  	[smem:$0x3FAA] =	sst s5  }
0xe: {  	[smem:$0x3FAB] =	sst s6  }
0xf: {  	[smem:$0x3FAC] =	sst s7  }
0x10: {  	[smem:$0x3FAD] =	sst s8  }
0x11: {  	[smem:$0x3FAE] =	sst s9;
	s0 =	simm.s32 @!p0 $0x0  }
0x12: {  	s1 =	sld [smem:$0x3F94];
	s0 =	simm.s32 @p0 $0x1  }
0x13: {  	[smem:$0x3FAF] =	sst s0;
	s0 =	simm.s32 @!p1 $0x0  }
0x14: {  	s2 =	sld [smem:$0x3F93];
	s0 =	simm.s32 @p1 $0x1  }
0x15: {  	[smem:$0x3FB0] =	sst s0;
	s0 =	simm.s32 @!p2 $0x0  }
0x16: {  	s3 =	sld [smem:$0x3FDB];
	s0 =	simm.s32 @p2 $0x1  }
0x17: {  	s4 =	simm.s32 $0x1BF5;
	[smem:$0x3FB2] =	sst s0  }
0x18: {  	s0 =	sld [smem:$0x3F95];
	_ =	swait.ge [sflag:s4], $0x0  }
0x19: {  	s7 =	sld [smem:$0x3F96]  }
0x1a: {  	s8 =	sadd.s32 $0xFFFFE003, lr  }
0x1b: {  	s9 =	sadd.s32 $0xFFFFFEF7, lr;
	s5 =	simm.s32 $0xFFFFFFFF;
	p2 =	slt.u32 s8, $0xFFFFF086  }
0x1c: {  	p1 =	slt.u32 s9, $0xF7A;
	s5 =	simm.s32 @!p2 $0x0  }
0x1d: {  	s5 =	simm.s32 @p1 $0x1;
	p0 =	seq.s32 s7, s2  }
0x1e: {  	s7 =	smul.u32 @!p0 $0xF7A, s2;
	p2 =	seq.s32 @!p0 s5, $0x0  }
0x1f: {  	s9 =	smul.u32 $0xF7A, s1;
	s8 =	simm.s32 @!p0 $0x1BF5;
	p2 =	por !p2, p0  }
0x20: {  	[sflag:s8] =	ssyncset.s32 @!p0 $0xFFFFF086;
	s6 =	sadd.s32 @!p0 s3, s7;
	s7 =	simm.s32 @!p0 $0x108  }
0x21: {  	s3 =	sadd.s32 s3, s9;
	s6 =	sadd.s32 @!p0 $0x88, s6;
	s7 =	simm.s32 @p2 $0x1082  }
0x22: {  	[simem:s7], [sflag:s8] =	dma.local @!p0 [hbm:s6], $0xF7A  }
0x23: {  	s9 =	sor.u32 $0xD0000000, s2;
	s6 =	simm.s32 $0x108;
	_ =	swait.ge @!p0 [sflag:s8], $0x0  }
0x24: {  	s3 =	sadd.s32 $0x88, s3;
	s6 =	simm.s32 @!p1 $0x1082;
	[sflag:s4] =	ssyncset.s32 $0xFFFFF086  }
0x25: {  	[simem:s6], [sflag:s4] =	dma.local [hbm:s3], $0xF7A  }
0x26: {  	[smem:$0x3F96] =	sst s1;
	(tag) =	ssettag s2;
	_ =	strace s9  }
0x27: {  	s1 =	sld [smem:$0x3FA6]  }
0x28: {  	s2 =	sld [smem:$0x3FA7]  }
0x29: {  	s4 =	sld [smem:$0x3FA9]  }
0x2a: {  	p0 =	seq.s32 s5, $0x0;
	s5 =	sld [smem:$0x3FAA]  }
0x2b: {  	s6 =	sld [smem:$0x3FAB]  }
0x2c: {  	s7 =	sld [smem:$0x3FAC]  }
0x2d: {  	s3 =	simm.s32 $0x108;
	s8 =	sld [smem:$0x3FAD]  }
0x2e: {  	s3 =	simm.s32 @!p0 $0x1082;
	s9 =	sld [smem:$0x3FAE]  }
0x2f: {  	lr =	sadd.s32 s0, s3;
	s0 =	sld [smem:$0x3FA5]  }
0x30: {  	s3 =	sld [smem:$0x3FA8]  }
0x31: {  	[smem:$0x3FB1] =	sst s10  }
0x32: {  	s10 =	sld [smem:$0x3FAF];
	_ =	sdelay $0x3  }
0x33: {  	p0 =	seq.s32 s10, $0x1;
	s10 =	sld [smem:$0x3FB1];
	_ =	sdelay $0x3  }
0x34: {  	[smem:$0x3FB1] =	sst s10  }
0x35: {  	s10 =	sld [smem:$0x3FB0];
	_ =	sdelay $0x3  }
0x36: {  	p1 =	seq.s32 s10, $0x1;
	s10 =	sld [smem:$0x3FB1];
	_ =	sdelay $0x3  }
0x37: {  	[smem:$0x3FB1] =	sst s10  }
0x38: {  	s10 =	sld [smem:$0x3FB2]  }
0x39: {  	_ = 	snop;
	(pc) =	sbr.ind lr, $3  }
0x3a: {  	_ = 	snop  }
0x3b: {  	_ = 	snop  }
0x3c: {  	p2 =	seq.s32 s10, $0x1;
	s10 =	sld [smem:$0x3FB1]  }
0x3d: {  	_ =	shalt  }
0x3e: {  	_ =	shalt  }
0x3f: {  	_ =	shalt  }
0x40: {  	_ =	shalt  }
0x41: {  	_ =	shalt  }
0x42: {  	_ =	shalt  }
0x43: {  	_ =	shalt  }
0x44: {  	_ =	shalt  }
0x45: {  	_ =	shalt  }
0x46: {  	_ =	shalt  }
0x47: {  	_ =	shalt  }
0x48: {  	_ =	shalt  }
0x49: {  	_ =	shalt  }
0x4a: {  	_ =	shalt  }
0x4b: {  	_ =	shalt  }
0x4c: {  	_ =	shalt  }
0x4d: {  	_ =	shalt  }
0x4e: {  	_ =	shalt  }
0x4f: {  	_ =	shalt  }
0x50: {  	_ =	shalt  }
0x51: {  	_ =	shalt  }
0x52: {  	_ =	shalt  }
0x53: {  	_ =	shalt  }
0x54: {  	_ =	shalt  }
0x55: {  	_ =	shalt  }
0x56: {  	_ =	shalt  }
0x57: {  	_ =	shalt  }
0x58: {  	_ =	shalt  }
0x59: {  	_ =	shalt  }
0x5a: {  	_ =	shalt  }
0x5b: {  	_ =	shalt  }
0x5c: {  	_ =	shalt  }
0x5d: {  	_ =	shalt  }
0x5e: {  	_ =	shalt  }
0x5f: {  	_ =	shalt  }
0x60: {  	_ =	shalt  }
0x61: {  	_ =	shalt  }
0x62: {  	_ =	shalt  }
0x63: {  	_ =	shalt  }
0x64: {  	_ =	shalt  }
0x65: {  	_ =	shalt  }
0x66: {  	_ =	shalt  }
0x67: {  	_ =	shalt  }
0x68: {  	_ =	shalt  }
0x69: {  	_ =	shalt  }
0x6a: {  	_ =	shalt  }
0x6b: {  	_ =	shalt  }
0x6c: {  	_ =	shalt  }
0x6d: {  	_ =	shalt  }
0x6e: {  	_ =	shalt  }
0x6f: {  	_ =	shalt  }
0x70: {  	_ =	shalt  }
0x71: {  	_ =	shalt  }
0x72: {  	_ =	shalt  }
0x73: {  	_ =	shalt  }
0x74: {  	_ =	shalt  }
0x75: {  	_ =	shalt  }
0x76: {  	_ =	shalt  }
0x77: {  	_ =	shalt  }
0x78: {  	_ =	shalt  }
0x79: {  	_ =	shalt  }
0x7a: {  	_ =	shalt  }
0x7b: {  	_ =	shalt  }
0x7c: {  	_ =	shalt  }
0x7d: {  	_ =	shalt  }
0x7e: {  	_ =	shalt  }
0x7f: {  	_ =	shalt  }
0x80: {  	_ =	shalt  }
0x81: {  	_ =	shalt  }
0x82: {  	_ =	shalt  }
0x83: {  	_ =	shalt  }
0x84: {  	_ =	shalt  }
0x85: {  	_ =	shalt  }
0x86: {  	_ =	shalt  }
0x87: {  	_ =	shalt  }
.Lfunc_end0:
.L_simem_size_0:
called_computation.2_lowered:
.L_overlay_start_0:
0x88: {  	s2 =	sld [smem:$0x3FD9]  }
0x89: {  	s3 =	sld [smem:$0x3FFE];
	_ =	sdelay $0x1  }
0x8a: {  	s1 =	srdreg.scid  }
0x8b: {  	s0 =	sand.u32 $0x1, s1  }
0x8c: {  	s17 =	sshll.u32 s0, $0xA;
	s2 =	sadd.s32 s3, s2  }
0x8d: {  	s2 =	sadd.s32 s2, s17  }
0x8e: {  	[smem:$0x3FBD] =	sst s2  }
0x8f: {  	_ = 	snop  }
0x90: {  	s2 =	sld [smem:$0x3FD0];
	(tm) =	ssettm $0x1  }
0x91: {  	s18 =	sld [smem:$0x3FFB];
	_ =	sdelay $0x3  }
0x92: {  	_ =	strace s18  }
0x93: {  	s3 =	sld [smem:$0x3FFC];
	_ =	sdelay $0x3  }
0x94: {  	_ =	strace s3  }
0x95: {  	s3 =	sld [smem:$0x3FFD];
	_ =	sdelay $0x3  }
0x96: {  	_ =	strace s3  }
0x97: {  	_ =	strace $0x8FFFFFFF  }
0x98: {  	s19 =	sld [smem:$0x3FDB];
	_ =	sdelay $0x1  }
0x99: {  	s4 =	simm.s32 $_scs_section_size  }
0x9a: {  	s5 =	simm.s32 $_size__tile_overlayer_lowered;
	s6 =	simm.s32 $_tile_overlayer_lowered  }
0x9b: {  	s22 =	simm.s32 $0x1BFF;
	s21 =	sshll.u32 s6, $0x1;
	s3 =	sadd.s32 s4, s19  }
0x9c: {  	s7 =	simm.s32 $0x0;
	s20 =	sshll.u32 s5, $0x1;
	s5 =	sadd.s32 s21, s3  }
0x9d: {  	[timem:s7], [sflag:s22] =	dma.local [hbm:s5], s20  }
0x9e: {  	_ =	swait.ge [sflag:s22], s20  }
0x9f: {  	s4 =	ssub.s32 $0x0, s20;
	[sflag:s22] =	ssyncset.done $0x0  }
0xa0: {  	[sflag:s22] =	ssyncadd.s32 s4;
	_ =	sdelay $0x1  }
0xa1: {  	s23 =	simm.s32 $0x1B8B  }
0xa2: {  	_ =	swait.ge [sflag:s23], $0x1  }
0xa3: {  	[sflag:s23] =	ssyncset.done $0x0  }
0xa4: {  	s25 =	simm.s32 $0x1B8E;
	s24 =	sld [smem:$0x3FFE];
	[sflag:s23] =	ssyncadd.s32 $0xFFFFFFFF  }
0xa5: {  	s26 =	simm.s32 $execute0_lowered;
	[smem:$0x3FD2] =	sst s25  }
0xa6: {  	s5 =	sshll.u32 s26, $0x1;
	_ =	strace $0x8000004C;
	[dreg:$0x1] =	wrdreg $0xFFFFFFFF  }
0xa7: {  	s28 =	simm.s32 $_size_execute0_lowered;
	s3 =	sadd.s32 s3, s5;
	[dreg:$0x0] =	wrdreg $0x0  }
0xa8: {  	s5 =	sshll.u32 s28, $0x1;
	[dreg:$0x2] =	wrdreg s3  }
0xa9: {  	[dreg:$0x3] =	wrdreg s5  }
0xaa: {  	[dreg:$0x4] =	wrdreg $0xC0  }
0xab: {  	_ =	task [dreg:s7], $0x5FFFF  }
0xac: {  	[dreg:$0x1] =	wrdreg $0xFFFFFFFF  }
0xad: {  	[dreg:$0x0] =	wrdreg $0x60  }
0xae: {  	[dreg:$0x2] =	wrdreg s2  }
0xaf: {  	[dreg:$0x3] =	wrdreg s24  }
0xb0: {  	[dreg:$0x4] =	wrdreg $0x140000  }
0xb1: {  	[dreg:$0x5] =	wrdreg $0x9  }
0xb2: {  	_ =	task.clear_ibuf [dreg:s7], $0x6FFFF;
	_ =	strace $0x9000004C  }
0xb3: {  	s29 =	simm.s32 $0x9;
	_ =	strace $0x8000004E  }
0xb4: {  	_ =	swait.ge [sflag:s29], $0x1  }
0xb5: {  	[sflag:s29] =	ssyncadd.s32 $0xFFFFFFFF  }
0xb6: {  	_ =	strace $0x9000004E  }
0xb7: {  	_ =	sfence  }
0xb8: {  	s30 =	sld [smem:$0x0];
	_ =	sdelay $0x2  }
0xb9: {  	s31 =	sshll.u32 s1, $0xD;
	s1 =	sshrl.u32 s1, $0x2  }
0xba: {  	s3 =	sand.u32 $0x4000, s31;
	s1 =	sadd.s32 s1, s30  }
0xbb: {  	s0 =	sor.u32 s3, s0;
	s1 =	sshll.u32 s1, $0x11  }
0xbc: {  	s0 =	sor.u32 s1, s0  }
0xbd: {  	s0 =	sadd.s32 $0x8F2B, s0  }
0xbe: {  	[sflag:s0] =	ssyncadd.remote.s32 $0x1  }
0xbf: {  	_ =	sfence.sel $0xFFFF  }
0xc0: {  	[dreg:$0x0] =	wrdreg $0xFFFFFFFF;
	(pc) =	sbr.abs _section_cstart, $3  }
0xc1: {  	[dreg:$0x1] =	wrdreg $0xFFFFFFFF  }
0xc2: {  	_ =	task.clear_ibuf [dreg:s7], $0x2FFFF;
	_ =	strace $0x9FFFFFFF  }
0xc3: {  	(tm) =	ssettm $0x7FFFFFFF  }
tec
execute0_lowered:
.L_overlay_start_1:
0x0: {  	(tag) =	ssettag $0x1  }
0x1: {  	s0 =	srdreg.scid;
	s2 =	rddreg [dreg:$0x0]  }
0x2: {  	s10 =	stileid.u32;
	s6 =	rddreg [dreg:$0x1]  }
0x3: {  	s3 =	rddreg [dreg:$0x2];
	s4 =	simm.s32 $0x0;
	s19 =	simm.s32 $0x3  }
0x4: {  	s20 =	simm.s32 $0x5000;
	s21 =	simm.s32 $0x12000;
	s22 =	simm.s32 $0x80  }
0x5: {  	s28 =	simm.s32 $0x1;
	s30 =	simm.s32 $0x10000;
	s5 =	smul.u32 $0xA00, s10  }
0x6: {  	s0 =	sand.u32 $0x1, s0;
	s7 =	smul.u32 $0x280, s10;
	[smem:$0x7FF] =	sst s4  }
0x7: {  	s23 =	smul.u32 $0x28000, s10;
	s24 =	sadd.s32 $0x22200, s6;
	s1 =	sshll.u32 s0, $0x4  }
0x8: {  	s8 =	smul.u32 $0x2800, s0;
	_ =	strace $0x8000004D;
	[dreg:$0x4] =	wrdreg s24  }
0x9: {  	s0 =	ssub.s32 $0x2, s0;
	s24 =	simm.s32 $0xC000;
	s1 =	sor.u32 s10, s1  }
0xa: {  	s9 =	sadd.s32 s5, s6;
	s25 =	sshrl.u32 s0, $0x1;
	s26 =	sshrl.u32 s23, $0x2  }
0xb: {  	s23 =	simm.s32 $0xA000;
	s1 =	smul.u32 $0xA00, s1;
	s7 =	sadd.s32 s7, s8  }
0xc: {  	s0 =	ssub.s32 s0, s25;
	s29 =	sadd.s32 $0x4200, s9;
	s25 =	simm.s32 $0x0  }
0xd: {  	s7 =	sshll.u32 s7, $0x3;
	[dreg:$0x6] =	wrdreg s29;
	s18 =	smax.u32 s0, $0x1  }
0xe: {  	s1 =	sadd.s32 s1, s6;
	s17 =	sadd.s32 s7, s6;
	s7 =	sadd.s32 s26, s3  }
.Ltmp0:
0xf: {  	s26 =	simm.s32 $0xE000;
	s1 =	sadd.s32 $0xE200, s1;
	(pc) =	sbr.rel .LBB2_1-.Ltmp0, $4  }
0x10: {  	s9 =	sadd.s32 $0x2000, s7;
	s10 =	sadd.s32 $0x4000, s7;
	s11 =	sadd.s32 $0x6000, s7  }
0x11: {  	s12 =	sadd.s32 $0x8000, s7;
	s31 =	sadd.s32 $0x49800, s17;
	s14 =	sadd.s32 $0x49C00, s17  }
0x12: {  	s15 =	sadd.s32 $0x4A000, s17;
	s16 =	sadd.s32 $0x4A400, s17;
	[dreg:$0x5] =	wrdreg s1  }
0x13: {  	s17 =	sadd.s32 $0x4A800, s17;
	[dreg:$0x7] =	wrdreg s31;
	s1 =	simm.s32 $0x2  }
.LBB2_4:
0x14: {  	_ =	swait.ge [sflag:s1], $0x2000  }
0x15: {  	[sflag:s1] =	ssyncset.done $0x0  }
0x16: {  	[sflag:s1] =	ssyncadd.s32 $0xFFFFE000  }
0x17: {  	_ =	swait.ge [sflag:s1], $0x2000  }
0x18: {  	[sflag:s1] =	ssyncset.done $0x0  }
0x19: {  	[sflag:s1] =	ssyncadd.s32 $0xFFFFE000  }
0x1a: {  	_ =	swait.ge [sflag:s1], $0x2000  }
0x1b: {  	[sflag:s1] =	ssyncset.done $0x0  }
0x1c: {  	[sflag:s1] =	ssyncadd.s32 $0xFFFFE000  }
0x1d: {  	[bflag:$0x0] =	sbarrier.arrive $0xFFFF  }
0x1e: {  	[tilespmem:s23], [sflag:$0x3] =	stream.linear.gather [spmem:s7], $0x2000, $0x38;
	[tilespmem:$0x1E000] =	vst v63  }
0x1f: {  	_ =	swait.ge [sflag:s19], $0x2000  }
0x20: {  	[sflag:s19] =	ssyncset.done $0x0  }
0x21: {  	s0 =	rddreg [dreg:$0x7];
	[sflag:s19] =	ssyncadd.s32 $0xFFFFE000  }
0x22: {  	[hbm4b:s0+s4] =	stream.linear.scatter [tilespmem:s23], [sflag:$0x3], $0x2000, $0x38;
	[tilespmem:$0x1E000] =	vst v63  }
0x23: {  	_ =	swait.ge [sflag:s19], $0x2000  }
0x24: {  	[sflag:s19] =	ssyncset.done $0x0  }
0x25: {  	[sflag:s19] =	ssyncadd.s32 $0xFFFFE000  }
0x26: {  	[tilespmem:s23], [sflag:$0x3] =	stream.linear.gather [spmem:s9], $0x2000, $0x38;
	[tilespmem:$0x1E000] =	vst v63  }
0x27: {  	_ =	swait.ge [sflag:s19], $0x2000  }
0x28: {  	[sflag:s19] =	ssyncset.done $0x0  }
0x29: {  	[sflag:s19] =	ssyncadd.s32 $0xFFFFE000  }
0x2a: {  	[hbm4b:s14+s4] =	stream.linear.scatter [tilespmem:s23], [sflag:$0x3], $0x2000, $0x38;
	[tilespmem:$0x1E000] =	vst v63  }
0x2b: {  	_ =	swait.ge [sflag:s19], $0x2000  }
0x2c: {  	[sflag:s19] =	ssyncset.done $0x0  }
0x2d: {  	[sflag:s19] =	ssyncadd.s32 $0xFFFFE000  }
0x2e: {  	[tilespmem:s23], [sflag:$0x3] =	stream.linear.gather [spmem:s10], $0x2000, $0x38;
	[tilespmem:$0x1E000] =	vst v63  }
0x2f: {  	_ =	swait.ge [sflag:s19], $0x2000  }
0x30: {  	[sflag:s19] =	ssyncset.done $0x0  }
0x31: {  	[sflag:s19] =	ssyncadd.s32 $0xFFFFE000  }
0x32: {  	[hbm4b:s15+s4] =	stream.linear.scatter [tilespmem:s23], [sflag:$0x3], $0x2000, $0x38;
	[tilespmem:$0x1E000] =	vst v63  }
0x33: {  	_ =	swait.ge [sflag:s19], $0x2000  }
0x34: {  	[sflag:s19] =	ssyncset.done $0x0  }
0x35: {  	[sflag:s19] =	ssyncadd.s32 $0xFFFFE000  }
0x36: {  	[tilespmem:s23], [sflag:$0x3] =	stream.linear.gather [spmem:s11], $0x2000, $0x38;
	[tilespmem:$0x1E000] =	vst v63  }
0x37: {  	_ =	swait.ge [sflag:s19], $0x2000  }
0x38: {  	[sflag:s19] =	ssyncset.done $0x0  }
0x39: {  	[sflag:s19] =	ssyncadd.s32 $0xFFFFE000  }
0x3a: {  	[hbm4b:s16+s4] =	stream.linear.scatter [tilespmem:s23], [sflag:$0x3], $0x2000, $0x38;
	[tilespmem:$0x1E000] =	vst v63  }
0x3b: {  	_ =	swait.ge [sflag:s19], $0x2000  }
0x3c: {  	[sflag:s19] =	ssyncset.done $0x0  }
0x3d: {  	[sflag:s19] =	ssyncadd.s32 $0xFFFFE000  }
0x3e: {  	[tilespmem:s23], [sflag:$0x3] =	stream.linear.gather [spmem:s12], $0x2000, $0x38;
	[tilespmem:$0x1E000] =	vst v63  }
0x3f: {  	s25 =	sadd.s32 $0x1, s25;
	_ =	swait.ge [sflag:s19], $0x2000  }
0x40: {  	p0 =	sne.s32 s25, s18;
	[sflag:s19] =	ssyncset.done $0x0  }
.Ltmp1:
0x41: {  	[sflag:s19] =	ssyncadd.s32 $0xFFFFE000;
	(pc) =	sbr.rel @!p0 .LBB2_5-.Ltmp1, $4  }
0x42: {  	[hbm4b:s17+s4] =	stream.linear.scatter [tilespmem:s23], [sflag:$0x3], $0x2000, $0x38;
	[tilespmem:$0x1E000] =	vst v63  }
0x43: {  	_ =	swait.ge [sflag:s19], $0x2000  }
0x44: {  	[sflag:s19] =	ssyncset.done $0x0  }
0x45: {  	[sflag:s19] =	ssyncadd.s32 $0xFFFFE000  }
.LBB2_1:
0x46: {  	s0 =	rddreg [dreg:$0x5]  }
0x47: {  	[tilespmem:s4], [sflag:$0x3] =	stream.linear.gather [hbm4b:s0+s4], $0x5000, $0x38;
	[tilespmem:$0x1E000] =	vst v63  }
0x48: {  	_ =	swait.ge [sflag:s19], $0x5000  }
0x49: {  	[sflag:s19] =	ssyncset.done $0x0  }
0x4a: {  	s5 =	rddreg [dreg:$0x6];
	[sflag:s19] =	ssyncadd.s32 $0xFFFFB000  }
0x4b: {  	[tilespmem:s20], [sflag:$0x3] =	stream.linear.gather [hbm4b:s5+s4], $0x5000, $0x38;
	[tilespmem:$0x1E000] =	vst v63  }
0x4c: {  	_ =	swait.ge [sflag:s19], $0x5000  }
0x4d: {  	[sflag:s19] =	ssyncset.done $0x0  }
0x4e: {  	s6 =	rddreg [dreg:$0x4];
	[sflag:s19] =	ssyncadd.s32 $0xFFFFB000  }
0x4f: {  	[tilespmem:s21], [sflag:$0x3] =	stream.linear.gather [hbm4b:s6+s4], $0x2000, $0x38;
	[tilespmem:$0x1E000] =	vst v63  }
0x50: {  	_ =	swait.ge [sflag:s19], $0x2000  }
0x51: {  	[sflag:s19] =	ssyncset.done $0x0  }
0x52: {  	[sflag:s19] =	ssyncadd.s32 $0xFFFFE000  }
0x53: {  	[spmem:s7] =	stream.linear.scatter [tilespmem:s21], [sflag:$0x3], $0x2000, $0x38;
	[tilespmem:$0x1E000] =	vst v63  }
0x54: {  	_ =	swait.ge [sflag:s19], $0x2000  }
0x55: {  	[sflag:s19] =	ssyncset.done $0x0  }
0x56: {  	[sflag:s19] =	ssyncadd.s32 $0xFFFFE000  }
0x57: {  	[spmem:s9] =	stream.linear.scatter [tilespmem:s21], [sflag:$0x3], $0x2000, $0x38;
	[tilespmem:$0x1E000] =	vst v63  }
0x58: {  	_ =	swait.ge [sflag:s19], $0x2000  }
0x59: {  	[sflag:s19] =	ssyncset.done $0x0  }
0x5a: {  	[sflag:s19] =	ssyncadd.s32 $0xFFFFE000  }
0x5b: {  	[spmem:s10] =	stream.linear.scatter [tilespmem:s21], [sflag:$0x3], $0x2000, $0x38;
	[tilespmem:$0x1E000] =	vst v63  }
0x5c: {  	_ =	swait.ge [sflag:s19], $0x2000  }
0x5d: {  	[sflag:s19] =	ssyncset.done $0x0  }
0x5e: {  	[sflag:s19] =	ssyncadd.s32 $0xFFFFE000  }
0x5f: {  	[spmem:s11] =	stream.linear.scatter [tilespmem:s21], [sflag:$0x3], $0x2000, $0x38;
	[tilespmem:$0x1E000] =	vst v63  }
0x60: {  	_ =	swait.ge [sflag:s19], $0x2000  }
0x61: {  	[sflag:s19] =	ssyncset.done $0x0  }
0x62: {  	[sflag:s19] =	ssyncadd.s32 $0xFFFFE000  }
0x63: {  	[spmem:s12] =	stream.linear.scatter [tilespmem:s21], [sflag:$0x3], $0x2000, $0x38;
	[tilespmem:$0x1E000] =	vst v63  }
0x64: {  	_ =	swait.ge [sflag:s19], $0x2000  }
0x65: {  	[sflag:s19] =	ssyncset.done $0x0  }
0x66: {  	[sflag:s19] =	ssyncadd.s32 $0xFFFFE000  }
0x67: {  	[bflag:$0x0] =	sbarrier.arrive $0xFFFF  }
0x68: {  	[tilespmem:s23], [sflag:$0x1] =	stream.indirect.gather [hbm4b:s2+s22], $0x40, s4, s22, $0xb8;
	[tilespmem:$0x1E000] =	vst v63  }
0x69: {  	_ = 	snop  }
0x6a: {  	[tilespmem:s24], [sflag:$0x1] =	stream.indirect.gather [hbm4b:s2+s22], $0x40, s22, s22, $0xb8;
	[tilespmem:$0x1E000] =	vst v63  }
0x6b: {  	s8 =	simm.s32 $0x100  }
0x6c: {  	[tilespmem:s26], [sflag:$0x1] =	stream.indirect.gather [hbm4b:s2+s22], $0x40, s8, s22, $0xb8;
	[tilespmem:$0x1E000] =	vst v63  }
0x6d: {  	_ =	swait.ge [sflag:s28], $0x2000  }
0x6e: {  	[sflag:s28] =	ssyncset.done $0x0  }
0x6f: {  	[sflag:s28] =	ssyncadd.s32 $0xFFFFE000  }
0x70: {  	[spmem:s3] =	stream.indirect.scatter.add.f32 [tilespmem:s23], [sflag:$0x2], $0x40, s20, s22, $0xb8;
	[tilespmem:$0x1E000] =	vst v63  }
0x71: {  	s13 =	simm.s32 $0x180  }
0x72: {  	[tilespmem:s30], [sflag:$0x1] =	stream.indirect.gather [hbm4b:s2+s22], $0x40, s13, s22, $0xb8;
	[tilespmem:$0x1E000] =	vst v63  }
0x73: {  	_ =	swait.ge [sflag:s28], $0x2000  }
0x74: {  	[sflag:s28] =	ssyncset.done $0x0  }
0x75: {  	s31 =	simm.s32 $0x5080;
	[sflag:s28] =	ssyncadd.s32 $0xFFFFE000  }
0x76: {  	[spmem:s3] =	stream.indirect.scatter.add.f32 [tilespmem:s24], [sflag:$0x2], $0x40, s31, s22, $0xb8;
	[tilespmem:$0x1E000] =	vst v63  }
0x77: {  	_ =	swait.ge [sflag:s1], $0x2000  }
0x78: {  	[sflag:s1] =	ssyncset.done $0x0  }
0x79: {  	s5 =	simm.s32 $0x200;
	[sflag:s1] =	ssyncadd.s32 $0xFFFFE000  }
0x7a: {  	[tilespmem:s23], [sflag:$0x1] =	stream.indirect.gather [hbm4b:s2+s22], $0x40, s5, s22, $0xb8;
	[tilespmem:$0x1E000] =	vst v63  }
0x7b: {  	_ =	swait.ge [sflag:s28], $0x2000  }
0x7c: {  	[sflag:s28] =	ssyncset.done $0x0  }
0x7d: {  	s6 =	simm.s32 $0x5100;
	[sflag:s28] =	ssyncadd.s32 $0xFFFFE000  }
0x7e: {  	[spmem:s3] =	stream.indirect.scatter.add.f32 [tilespmem:s26], [sflag:$0x2], $0x40, s6, s22, $0xb8;
	[tilespmem:$0x1E000] =	vst v63  }
0x7f: {  	_ =	swait.ge [sflag:s1], $0x2000  }
0x80: {  	[sflag:s1] =	ssyncset.done $0x0  }
0x81: {  	s8 =	simm.s32 $0x280;
	[sflag:s1] =	ssyncadd.s32 $0xFFFFE000  }
0x82: {  	[tilespmem:s24], [sflag:$0x1] =	stream.indirect.gather [hbm4b:s2+s22], $0x40, s8, s22, $0xb8;
	[tilespmem:$0x1E000] =	vst v63  }
0x83: {  	_ =	swait.ge [sflag:s28], $0x2000  }
0x84: {  	[sflag:s28] =	ssyncset.done $0x0  }
0x85: {  	s13 =	simm.s32 $0x5180;
	[sflag:s28] =	ssyncadd.s32 $0xFFFFE000  }
0x86: {  	[spmem:s3] =	stream.indirect.scatter.add.f32 [tilespmem:s30], [sflag:$0x2], $0x40, s13, s22, $0xb8;
	[tilespmem:$0x1E000] =	vst v63  }
0x87: {  	_ =	swait.ge [sflag:s1], $0x2000  }
0x88: {  	[sflag:s1] =	ssyncset.done $0x0  }
0x89: {  	s29 =	simm.s32 $0x0;
	s31 =	simm.s32 $0x300;
	[sflag:s1] =	ssyncadd.s32 $0xFFFFE000  }
0x8a: {  	[tilespmem:s26], [sflag:$0x1] =	stream.indirect.gather [hbm4b:s2+s22], $0x40, s31, s22, $0xb8;
	[tilespmem:$0x1E000] =	vst v63  }
.LBB2_2:
0x8b: {  	_ =	swait.ge [sflag:s28], $0x2000  }
0x8c: {  	s31 =	sshra.s32 s29, $0x2;
	[sflag:s28] =	ssyncset.done $0x0  }
0x8d: {  	s0 =	sadd.s32 $0x5200, s31;
	[sflag:s28] =	ssyncadd.s32 $0xFFFFE000  }
0x8e: {  	[spmem:s3] =	stream.indirect.scatter.add.f32 [tilespmem:s23], [sflag:$0x2], $0x40, s0, s22, $0xb8;
	[tilespmem:$0x1E000] =	vst v63  }
0x8f: {  	_ =	swait.ge [sflag:s1], $0x2000  }
0x90: {  	[sflag:s1] =	ssyncset.done $0x0  }
0x91: {  	s6 =	sadd.s32 $0x380, s31;
	[sflag:s1] =	ssyncadd.s32 $0xFFFFE000  }
0x92: {  	[tilespmem:s30], [sflag:$0x1] =	stream.indirect.gather [hbm4b:s2+s22], $0x40, s6, s22, $0xb8;
	[tilespmem:$0x1E000] =	vst v63  }
0x93: {  	_ =	swait.ge [sflag:s28], $0x2000  }
0x94: {  	p0 =	seq.s32 s29, $0x13000;
	[sflag:s28] =	ssyncset.done $0x0  }
0x95: {  	s8 =	sadd.s32 $0x5280, s31;
	s0 =	simm.s32 @p0 $0x1;
	[sflag:s28] =	ssyncadd.s32 $0xFFFFE000  }
0x96: {  	[spmem:s3] =	stream.indirect.scatter.add.f32 [tilespmem:s24], [sflag:$0x2], $0x40, s8, s22, $0xb8;
	[tilespmem:$0x1E000] =	vst v63  }
0x97: {  	_ =	swait.ge @p0 [sflag:s0], $0x2000  }
0x98: {  	[sflag:s0] =	ssyncset.done @p0 $0x0  }
0x99: {  	[sflag:s0] =	ssyncadd.s32 @p0 $0xFFFFE000;
	s0 =	sshra.s32 @p0 s29, $0x2  }
0x9a: {  	s5 =	simm.s32 @p0 $0x80;
	s6 =	simm.s32 @p0 $0xE000;
	s0 =	sadd.s32 @p0 $0x5300, s0  }
0x9b: {  	[spmem:s3] =	stream.indirect.scatter.add.f32 @p0 [tilespmem:s6], [sflag:$0x2], $0x40, s0, s5, $0xb8;
	[tilespmem:$0x1E000] =	vst v63  }
0x9c: {  	s0 =	simm.s32 @!p0 $0x2  }
0x9d: {  	_ =	swait.ge @!p0 [sflag:s0], $0x2000  }
0x9e: {  	s13 =	simm.s32 @!p0 $0xA000;
	s5 =	sshra.s32 @!p0 s29, $0x2;
	[sflag:s0] =	ssyncset.done @!p0 $0x0  }
0x9f: {  	s8 =	simm.s32 @!p0 $0x80;
	s6 =	sadd.s32 @!p0 $0x400, s5;
	[sflag:s0] =	ssyncadd.s32 @!p0 $0xFFFFE000  }
0xa0: {  	[tilespmem:s13], [sflag:$0x1] =	stream.indirect.gather @!p0 [hbm4b:s2+s8], $0x40, s6, s8, $0xb8;
	[tilespmem:$0x1E000] =	vst v63  }
0xa1: {  	s6 =	simm.s32 @!p0 $0x1  }
0xa2: {  	_ =	swait.ge @!p0 [sflag:s6], $0x2000  }
0xa3: {  	[sflag:s6] =	ssyncset.done @!p0 $0x0  }
0xa4: {  	s13 =	simm.s32 @!p0 $0xE000;
	[sflag:s6] =	ssyncadd.s32 @!p0 $0xFFFFE000;
	s6 =	sadd.s32 @!p0 $0x5300, s5  }
0xa5: {  	[spmem:s3] =	stream.indirect.scatter.add.f32 @!p0 [tilespmem:s13], [sflag:$0x2], $0x40, s6, s8, $0xb8;
	[tilespmem:$0x1E000] =	vst v63  }
0xa6: {  	_ =	swait.ge @!p0 [sflag:s0], $0x2000  }
0xa7: {  	[sflag:s0] =	ssyncset.done @!p0 $0x0  }
0xa8: {  	[sflag:s0] =	ssyncadd.s32 @!p0 $0xFFFFE000;
	s0 =	sadd.s32 @!p0 $0x480, s5;
	s5 =	simm.s32 @!p0 $0xC000  }
0xa9: {  	[tilespmem:s5], [sflag:$0x1] =	stream.indirect.gather @!p0 [hbm4b:s2+s8], $0x40, s0, s8, $0xb8;
	[tilespmem:$0x1E000] =	vst v63  }
0xaa: {  	_ =	swait.ge [sflag:s28], $0x2000  }
0xab: {  	[sflag:s28] =	ssyncset.done $0x0  }
.Ltmp2:
0xac: {  	s13 =	sadd.s32 $0x5380, s31;
	[sflag:s28] =	ssyncadd.s32 $0xFFFFE000;
	(pc) =	sbr.rel @p0 .LBB2_4-.Ltmp2, $4  }
0xad: {  	[spmem:s3] =	stream.indirect.scatter.add.f32 [tilespmem:s30], [sflag:$0x2], $0x40, s13, s22, $0xb8;
	[tilespmem:$0x1E000] =	vst v63  }
0xae: {  	_ =	swait.ge [sflag:s1], $0x2000  }
0xaf: {  	[sflag:s1] =	ssyncset.done $0x0  }
0xb0: {  	[sflag:s1] =	ssyncadd.s32 $0xFFFFE000  }
.Ltmp3:
0xb1: {  	(pc) =	sbr.rel .LBB2_2-.Ltmp3, $3  }
0xb2: {  	_ =	sdelay $0x1  }
0xb3: {  	s0 =	sadd.s32 $0x500, s31;
	s29 =	sadd.s32 $0x800, s29  }
0xb4: {  	[tilespmem:s26], [sflag:$0x1] =	stream.indirect.gather [hbm4b:s2+s22], $0x40, s0, s22, $0xb8;
	[tilespmem:$0x1E000] =	vst v63  }
.LBB2_5:
0xb5: {  	_ =	sfence.sel $0x180000  }
0xb6: {  	[bflag:$0x0] =	sbarrier.arrive $0xFFFF  }
0xb7: {  	_ =	strace $0x9000004D  }
0xb8: {  	s0 =	stileid.u32;
	[bflag:$0x2] =	sbarrier.arrive $0xFFFF  }
0xb9: {  	p0 =	sne.s32 s0, $0x0;
	s0 =	rddreg [dreg:$0x3]  }
0xba: {  	s0 =	sadd.s32 @!p0 $0x100000, s0  }
0xbb: {  	[sflag:s0] =	ssyncadd.tile.s32 @!p0 $0x1;
	_ =	shalt  }
.Lfunc_end2:
_tile_overlayer_lowered:
.L_overlay_start_2:
0xbc: {  	(tag) =	ssettag $0x2  }
0xbd: {  	s0 =	rddreg [dreg:$0x0];
	s2 =	stileid.u32  }
0xbe: {  	s1 =	rddreg [dreg:$0x1];
	p0 =	sne.s32 s2, $0x0  }
0xbf: {  	s3 =	rddreg [dreg:$0x2];
	[bflag:$0x3] =	sbarrier.arrive $0xFFFF;
	s2 =	simm.s32 @!p0 $0x1C03  }
0xc0: {  	[timem:s3], [sflag:s2] =	dma.local @!p0 [hbm:s0], s1  }
0xc1: {  	s0 =	simm.s32 @!p0 $0x3  }
0xc2: {  	_ =	swait.ge @!p0 [sflag:s0], s1  }
0xc3: {  	s1 =	ssub.s32 @!p0 $0x0, s1;
	[sflag:s0] =	ssyncset.done @!p0 $0x0  }
0xc4: {  	[sflag:s0] =	ssyncadd.s32 @!p0 s1  }
0xc5: {  	[bflag:$0x3] =	sbarrier.arrive $0xFFFF  }
0xc6: {  	_ =	shalt  }

// kernel: kernel.18.cloned.1.call-start
scs
__scs_entry_jumppad:
0x0: {  	(pc) =	sbr.rel $0x88, $3  }
0x1: {  	(tag) =	ssettag $0x0;
	lr =	simm.s32 $0x1  }
0x2: {  	[smem:$0x3F96] =	sst lr;
	_ =	strace $0xD0000000  }
0x3: {  	_ = 	snop  }
0x4: {  	_ = 	snop  }
0x5: {  	_ = 	snop  }
0x6: {  	_ = 	snop  }
0x7: {  	_ = 	snop  }
__scs_overlays_trampoline_lowered:
0x8: {  	[smem:$0x3FA5] =	sst s0  }
0x9: {  	[smem:$0x3FA6] =	sst s1  }
0xa: {  	[smem:$0x3FA7] =	sst s2  }
0xb: {  	[smem:$0x3FA8] =	sst s3  }
0xc: {  	[smem:$0x3FA9] =	sst s4  }
0xd: {  	[smem:$0x3FAA] =	sst s5  }
0xe: {  	[smem:$0x3FAB] =	sst s6  }
0xf: {  	[smem:$0x3FAC] =	sst s7  }
0x10: {  	[smem:$0x3FAD] =	sst s8  }
0x11: {  	[smem:$0x3FAE] =	sst s9;
	s0 =	simm.s32 @!p0 $0x0  }
0x12: {  	s1 =	sld [smem:$0x3F94];
	s0 =	simm.s32 @p0 $0x1  }
0x13: {  	[smem:$0x3FAF] =	sst s0;
	s0 =	simm.s32 @!p1 $0x0  }
0x14: {  	s2 =	sld [smem:$0x3F93];
	s0 =	simm.s32 @p1 $0x1  }
0x15: {  	[smem:$0x3FB0] =	sst s0;
	s0 =	simm.s32 @!p2 $0x0  }
0x16: {  	s3 =	sld [smem:$0x3FDB];
	s0 =	simm.s32 @p2 $0x1  }
0x17: {  	s4 =	simm.s32 $0x1BF5;
	[smem:$0x3FB2] =	sst s0  }
0x18: {  	s0 =	sld [smem:$0x3F95];
	_ =	swait.ge [sflag:s4], $0x0  }
0x19: {  	s7 =	sld [smem:$0x3F96]  }
0x1a: {  	s8 =	sadd.s32 $0xFFFFE003, lr  }
0x1b: {  	s9 =	sadd.s32 $0xFFFFFEF7, lr;
	s5 =	simm.s32 $0xFFFFFFFF;
	p2 =	slt.u32 s8, $0xFFFFF086  }
0x1c: {  	p1 =	slt.u32 s9, $0xF7A;
	s5 =	simm.s32 @!p2 $0x0  }
0x1d: {  	s5 =	simm.s32 @p1 $0x1;
	p0 =	seq.s32 s7, s2  }
0x1e: {  	s7 =	smul.u32 @!p0 $0xF7A, s2;
	p2 =	seq.s32 @!p0 s5, $0x0  }
0x1f: {  	s9 =	smul.u32 $0xF7A, s1;
	s8 =	simm.s32 @!p0 $0x1BF5;
	p2 =	por !p2, p0  }
0x20: {  	[sflag:s8] =	ssyncset.s32 @!p0 $0xFFFFF086;
	s6 =	sadd.s32 @!p0 s3, s7;
	s7 =	simm.s32 @!p0 $0x108  }
0x21: {  	s3 =	sadd.s32 s3, s9;
	s6 =	sadd.s32 @!p0 $0x88, s6;
	s7 =	simm.s32 @p2 $0x1082  }
0x22: {  	[simem:s7], [sflag:s8] =	dma.local @!p0 [hbm:s6], $0xF7A  }
0x23: {  	s9 =	sor.u32 $0xD0000000, s2;
	s6 =	simm.s32 $0x108;
	_ =	swait.ge @!p0 [sflag:s8], $0x0  }
0x24: {  	s3 =	sadd.s32 $0x88, s3;
	s6 =	simm.s32 @!p1 $0x1082;
	[sflag:s4] =	ssyncset.s32 $0xFFFFF086  }
0x25: {  	[simem:s6], [sflag:s4] =	dma.local [hbm:s3], $0xF7A  }
0x26: {  	[smem:$0x3F96] =	sst s1;
	(tag) =	ssettag s2;
	_ =	strace s9  }
0x27: {  	s1 =	sld [smem:$0x3FA6]  }
0x28: {  	s2 =	sld [smem:$0x3FA7]  }
0x29: {  	s4 =	sld [smem:$0x3FA9]  }
0x2a: {  	p0 =	seq.s32 s5, $0x0;
	s5 =	sld [smem:$0x3FAA]  }
0x2b: {  	s6 =	sld [smem:$0x3FAB]  }
0x2c: {  	s7 =	sld [smem:$0x3FAC]  }
0x2d: {  	s3 =	simm.s32 $0x108;
	s8 =	sld [smem:$0x3FAD]  }
0x2e: {  	s3 =	simm.s32 @!p0 $0x1082;
	s9 =	sld [smem:$0x3FAE]  }
0x2f: {  	lr =	sadd.s32 s0, s3;
	s0 =	sld [smem:$0x3FA5]  }
0x30: {  	s3 =	sld [smem:$0x3FA8]  }
0x31: {  	[smem:$0x3FB1] =	sst s10  }
0x32: {  	s10 =	sld [smem:$0x3FAF];
	_ =	sdelay $0x3  }
0x33: {  	p0 =	seq.s32 s10, $0x1;
	s10 =	sld [smem:$0x3FB1];
	_ =	sdelay $0x3  }
0x34: {  	[smem:$0x3FB1] =	sst s10  }
0x35: {  	s10 =	sld [smem:$0x3FB0];
	_ =	sdelay $0x3  }
0x36: {  	p1 =	seq.s32 s10, $0x1;
	s10 =	sld [smem:$0x3FB1];
	_ =	sdelay $0x3  }
0x37: {  	[smem:$0x3FB1] =	sst s10  }
0x38: {  	s10 =	sld [smem:$0x3FB2]  }
0x39: {  	_ = 	snop;
	(pc) =	sbr.ind lr, $3  }
0x3a: {  	_ = 	snop  }
0x3b: {  	_ = 	snop  }
0x3c: {  	p2 =	seq.s32 s10, $0x1;
	s10 =	sld [smem:$0x3FB1]  }
0x3d: {  	_ =	shalt  }
0x3e: {  	_ =	shalt  }
0x3f: {  	_ =	shalt  }
0x40: {  	_ =	shalt  }
0x41: {  	_ =	shalt  }
0x42: {  	_ =	shalt  }
0x43: {  	_ =	shalt  }
0x44: {  	_ =	shalt  }
0x45: {  	_ =	shalt  }
0x46: {  	_ =	shalt  }
0x47: {  	_ =	shalt  }
0x48: {  	_ =	shalt  }
0x49: {  	_ =	shalt  }
0x4a: {  	_ =	shalt  }
0x4b: {  	_ =	shalt  }
0x4c: {  	_ =	shalt  }
0x4d: {  	_ =	shalt  }
0x4e: {  	_ =	shalt  }
0x4f: {  	_ =	shalt  }
0x50: {  	_ =	shalt  }
0x51: {  	_ =	shalt  }
0x52: {  	_ =	shalt  }
0x53: {  	_ =	shalt  }
0x54: {  	_ =	shalt  }
0x55: {  	_ =	shalt  }
0x56: {  	_ =	shalt  }
0x57: {  	_ =	shalt  }
0x58: {  	_ =	shalt  }
0x59: {  	_ =	shalt  }
0x5a: {  	_ =	shalt  }
0x5b: {  	_ =	shalt  }
0x5c: {  	_ =	shalt  }
0x5d: {  	_ =	shalt  }
0x5e: {  	_ =	shalt  }
0x5f: {  	_ =	shalt  }
0x60: {  	_ =	shalt  }
0x61: {  	_ =	shalt  }
0x62: {  	_ =	shalt  }
0x63: {  	_ =	shalt  }
0x64: {  	_ =	shalt  }
0x65: {  	_ =	shalt  }
0x66: {  	_ =	shalt  }
0x67: {  	_ =	shalt  }
0x68: {  	_ =	shalt  }
0x69: {  	_ =	shalt  }
0x6a: {  	_ =	shalt  }
0x6b: {  	_ =	shalt  }
0x6c: {  	_ =	shalt  }
0x6d: {  	_ =	shalt  }
0x6e: {  	_ =	shalt  }
0x6f: {  	_ =	shalt  }
0x70: {  	_ =	shalt  }
0x71: {  	_ =	shalt  }
0x72: {  	_ =	shalt  }
0x73: {  	_ =	shalt  }
0x74: {  	_ =	shalt  }
0x75: {  	_ =	shalt  }
0x76: {  	_ =	shalt  }
0x77: {  	_ =	shalt  }
0x78: {  	_ =	shalt  }
0x79: {  	_ =	shalt  }
0x7a: {  	_ =	shalt  }
0x7b: {  	_ =	shalt  }
0x7c: {  	_ =	shalt  }
0x7d: {  	_ =	shalt  }
0x7e: {  	_ =	shalt  }
0x7f: {  	_ =	shalt  }
0x80: {  	_ =	shalt  }
0x81: {  	_ =	shalt  }
0x82: {  	_ =	shalt  }
0x83: {  	_ =	shalt  }
0x84: {  	_ =	shalt  }
0x85: {  	_ =	shalt  }
0x86: {  	_ =	shalt  }
0x87: {  	_ =	shalt  }
.Lfunc_end0:
.L_simem_size_0:
called_computation.3_lowered:
.L_overlay_start_0:
0x88: {  	s2 =	sld [smem:$0x3FD9]  }
0x89: {  	s3 =	sld [smem:$0x3FFE];
	_ =	sdelay $0x1  }
0x8a: {  	s1 =	srdreg.scid  }
0x8b: {  	s0 =	sand.u32 $0x1, s1  }
0x8c: {  	s17 =	sshll.u32 s0, $0xA;
	s2 =	sadd.s32 s3, s2  }
0x8d: {  	s2 =	sadd.s32 s2, s17  }
0x8e: {  	[smem:$0x3FBD] =	sst s2  }
0x8f: {  	_ = 	snop  }
0x90: {  	s2 =	sld [smem:$0x3FD0];
	(tm) =	ssettm $0x1  }
0x91: {  	s18 =	sld [smem:$0x3FFB];
	_ =	sdelay $0x3  }
0x92: {  	_ =	strace s18  }
0x93: {  	s3 =	sld [smem:$0x3FFC];
	_ =	sdelay $0x3  }
0x94: {  	_ =	strace s3  }
0x95: {  	s3 =	sld [smem:$0x3FFD];
	_ =	sdelay $0x3  }
0x96: {  	_ =	strace s3  }
0x97: {  	_ =	strace $0x8FFFFFFF  }
0x98: {  	s19 =	sld [smem:$0x3FDB];
	_ =	sdelay $0x1  }
0x99: {  	s4 =	simm.s32 $_scs_section_size  }
0x9a: {  	s5 =	simm.s32 $_size__tile_overlayer_lowered;
	s6 =	simm.s32 $_tile_overlayer_lowered  }
0x9b: {  	s22 =	simm.s32 $0x1BFF;
	s21 =	sshll.u32 s6, $0x1;
	s3 =	sadd.s32 s4, s19  }
0x9c: {  	s7 =	simm.s32 $0x0;
	s20 =	sshll.u32 s5, $0x1;
	s5 =	sadd.s32 s21, s3  }
0x9d: {  	[timem:s7], [sflag:s22] =	dma.local [hbm:s5], s20  }
0x9e: {  	_ =	swait.ge [sflag:s22], s20  }
0x9f: {  	s4 =	ssub.s32 $0x0, s20;
	[sflag:s22] =	ssyncset.done $0x0  }
0xa0: {  	[sflag:s22] =	ssyncadd.s32 s4;
	_ =	sdelay $0x1  }
0xa1: {  	s23 =	simm.s32 $0x1B8B  }
0xa2: {  	_ =	swait.ge [sflag:s23], $0x1  }
0xa3: {  	[sflag:s23] =	ssyncset.done $0x0  }
0xa4: {  	s25 =	simm.s32 $0x1B8E;
	s24 =	sld [smem:$0x3FFE];
	[sflag:s23] =	ssyncadd.s32 $0xFFFFFFFF  }
0xa5: {  	s26 =	simm.s32 $execute0_lowered;
	[smem:$0x3FD2] =	sst s25  }
0xa6: {  	s5 =	sshll.u32 s26, $0x1;
	_ =	strace $0x8000004F;
	[dreg:$0x1] =	wrdreg $0xFFFFFFFF  }
0xa7: {  	s28 =	simm.s32 $_size_execute0_lowered;
	s3 =	sadd.s32 s3, s5;
	[dreg:$0x0] =	wrdreg $0x0  }
0xa8: {  	s5 =	sshll.u32 s28, $0x1;
	[dreg:$0x2] =	wrdreg s3  }
0xa9: {  	[dreg:$0x3] =	wrdreg s5  }
0xaa: {  	[dreg:$0x4] =	wrdreg $0xC0  }
0xab: {  	_ =	task [dreg:s7], $0x5FFFF  }
0xac: {  	[dreg:$0x1] =	wrdreg $0xFFFFFFFF  }
0xad: {  	[dreg:$0x0] =	wrdreg $0x60  }
0xae: {  	[dreg:$0x2] =	wrdreg s24  }
0xaf: {  	[dreg:$0x3] =	wrdreg s2  }
0xb0: {  	[dreg:$0x4] =	wrdreg $0x140000  }
0xb1: {  	[dreg:$0x5] =	wrdreg $0x9  }
0xb2: {  	_ =	task.clear_ibuf [dreg:s7], $0x6FFFF;
	_ =	strace $0x9000004F  }
0xb3: {  	s29 =	simm.s32 $0x9;
	_ =	strace $0x80000051  }
0xb4: {  	_ =	swait.ge [sflag:s29], $0x1  }
0xb5: {  	[sflag:s29] =	ssyncadd.s32 $0xFFFFFFFF  }
0xb6: {  	_ =	strace $0x90000051  }
0xb7: {  	_ =	sfence  }
0xb8: {  	s30 =	sld [smem:$0x0];
	_ =	sdelay $0x2  }
0xb9: {  	s31 =	sshll.u32 s1, $0xD;
	s1 =	sshrl.u32 s1, $0x2  }
0xba: {  	s3 =	sand.u32 $0x4000, s31;
	s1 =	sadd.s32 s1, s30  }
0xbb: {  	s0 =	sor.u32 s3, s0;
	s1 =	sshll.u32 s1, $0x11  }
0xbc: {  	s0 =	sor.u32 s1, s0  }
0xbd: {  	s0 =	sadd.s32 $0x8F2B, s0  }
0xbe: {  	[sflag:s0] =	ssyncadd.remote.s32 $0x1  }
0xbf: {  	_ =	sfence.sel $0xFFFF  }
0xc0: {  	[dreg:$0x0] =	wrdreg $0xFFFFFFFF;
	(pc) =	sbr.abs _section_cstart, $3  }
0xc1: {  	[dreg:$0x1] =	wrdreg $0xFFFFFFFF  }
0xc2: {  	_ =	task.clear_ibuf [dreg:s7], $0x2FFFF;
	_ =	strace $0x9FFFFFFF  }
0xc3: {  	(tm) =	ssettm $0x7FFFFFFF  }
tec
execute0_lowered:
.L_overlay_start_1:
0x0: {  	(tag) =	ssettag $0x1  }
0x1: {  	s0 =	rddreg [dreg:$0x0]  }
0x2: {  	s13 =	rddreg [dreg:$0x1]  }
0x3: {  	s1 =	srdreg.scid;
	s2 =	rddreg [dreg:$0x2]  }
0x4: {  	s10 =	stileid.u32;
	s3 =	simm.s32 $0x0;
	s19 =	simm.s32 $0x3  }
0x5: {  	s20 =	simm.s32 $0x5000;
	s21 =	simm.s32 $0x12000;
	s22 =	simm.s32 $0x80  }
0x6: {  	s23 =	simm.s32 $0xA000;
	s24 =	simm.s32 $0xC000;
	s28 =	simm.s32 $0x1  }
0x7: {  	s30 =	simm.s32 $0x10000;
	s25 =	simm.s32 $0x0;
	s6 =	smul.u32 $0xA00, s10  }
0x8: {  	s1 =	sand.u32 $0x1, s1;
	[smem:$0x7FF] =	sst s3;
	s9 =	smul.u32 $0x280, s10  }
0x9: {  	s4 =	sshll.u32 s1, $0x4;
	s26 =	ssub.s32 $0x2, s1;
	s1 =	smul.u32 $0x2800, s1  }
0xa: {  	_ =	strace $0x80000050;
	s4 =	sor.u32 s10, s4;
	s10 =	smul.u32 $0x28000, s10  }
0xb: {  	s8 =	sadd.s32 s6, s0;
	s29 =	sshrl.u32 s26, $0x1;
	s5 =	smul.u32 $0xA00, s4  }
0xc: {  	s4 =	sadd.s32 $0x49800, s0;
	s31 =	sadd.s32 $0x4200, s8;
	s1 =	sadd.s32 s9, s1  }
0xd: {  	s10 =	sshrl.u32 s10, $0x2;
	[dreg:$0x6] =	wrdreg s31;
	s1 =	sshll.u32 s1, $0x3  }
0xe: {  	s7 =	sadd.s32 s5, s0;
	s0 =	sadd.s32 $0x22200, s0;
	s8 =	sadd.s32 s10, s2  }
0xf: {  	s13 =	sadd.s32 s13, s1;
	[dreg:$0x4] =	wrdreg s0;
	s0 =	ssub.s32 s26, s29  }
.Ltmp0:
0x10: {  	s5 =	sadd.s32 $0xE200, s7;
	s9 =	sadd.s32 $0x2000, s8;
	(pc) =	sbr.rel .LBB2_1-.Ltmp0, $4  }
0x11: {  	s10 =	sadd.s32 $0x4000, s8;
	s11 =	sadd.s32 $0x6000, s8;
	s12 =	sadd.s32 $0x8000, s8  }
0x12: {  	s1 =	sadd.s32 $0x400, s13;
	s15 =	sadd.s32 $0x800, s13;
	s16 =	sadd.s32 $0xC00, s13  }
0x13: {  	s17 =	sadd.s32 $0x1000, s13;
	s26 =	simm.s32 $0xE000;
	[dreg:$0x5] =	wrdreg s5  }
0x14: {  	[dreg:$0x7] =	wrdreg s1;
	s18 =	smax.u32 s0, $0x1;
	s0 =	simm.s32 $0x2  }
.LBB2_4:
0x15: {  	_ =	swait.ge [sflag:s0], $0x2000  }
0x16: {  	[sflag:s0] =	ssyncset.done $0x0  }
0x17: {  	[sflag:s0] =	ssyncadd.s32 $0xFFFFE000  }
0x18: {  	_ =	swait.ge [sflag:s0], $0x2000  }
0x19: {  	[sflag:s0] =	ssyncset.done $0x0  }
0x1a: {  	[sflag:s0] =	ssyncadd.s32 $0xFFFFE000  }
0x1b: {  	_ =	swait.ge [sflag:s0], $0x2000  }
0x1c: {  	[sflag:s0] =	ssyncset.done $0x0  }
0x1d: {  	[sflag:s0] =	ssyncadd.s32 $0xFFFFE000  }
0x1e: {  	[bflag:$0x0] =	sbarrier.arrive $0xFFFF  }
0x1f: {  	[tilespmem:s23], [sflag:$0x3] =	stream.linear.gather [spmem:s8], $0x2000, $0x38;
	[tilespmem:$0x1E000] =	vst v63  }
0x20: {  	_ =	swait.ge [sflag:s19], $0x2000  }
0x21: {  	[sflag:s19] =	ssyncset.done $0x0  }
0x22: {  	[sflag:s19] =	ssyncadd.s32 $0xFFFFE000  }
0x23: {  	[hbm4b:s13+s3] =	stream.linear.scatter [tilespmem:s23], [sflag:$0x3], $0x2000, $0x38;
	[tilespmem:$0x1E000] =	vst v63  }
0x24: {  	_ =	swait.ge [sflag:s19], $0x2000  }
0x25: {  	[sflag:s19] =	ssyncset.done $0x0  }
0x26: {  	[sflag:s19] =	ssyncadd.s32 $0xFFFFE000  }
0x27: {  	[tilespmem:s23], [sflag:$0x3] =	stream.linear.gather [spmem:s9], $0x2000, $0x38;
	[tilespmem:$0x1E000] =	vst v63  }
0x28: {  	_ =	swait.ge [sflag:s19], $0x2000  }
0x29: {  	[sflag:s19] =	ssyncset.done $0x0  }
0x2a: {  	s1 =	rddreg [dreg:$0x7];
	[sflag:s19] =	ssyncadd.s32 $0xFFFFE000  }
0x2b: {  	[hbm4b:s1+s3] =	stream.linear.scatter [tilespmem:s23], [sflag:$0x3], $0x2000, $0x38;
	[tilespmem:$0x1E000] =	vst v63  }
0x2c: {  	_ =	swait.ge [sflag:s19], $0x2000  }
0x2d: {  	[sflag:s19] =	ssyncset.done $0x0  }
0x2e: {  	[sflag:s19] =	ssyncadd.s32 $0xFFFFE000  }
0x2f: {  	[tilespmem:s23], [sflag:$0x3] =	stream.linear.gather [spmem:s10], $0x2000, $0x38;
	[tilespmem:$0x1E000] =	vst v63  }
0x30: {  	_ =	swait.ge [sflag:s19], $0x2000  }
0x31: {  	[sflag:s19] =	ssyncset.done $0x0  }
0x32: {  	[sflag:s19] =	ssyncadd.s32 $0xFFFFE000  }
0x33: {  	[hbm4b:s15+s3] =	stream.linear.scatter [tilespmem:s23], [sflag:$0x3], $0x2000, $0x38;
	[tilespmem:$0x1E000] =	vst v63  }
0x34: {  	_ =	swait.ge [sflag:s19], $0x2000  }
0x35: {  	[sflag:s19] =	ssyncset.done $0x0  }
0x36: {  	[sflag:s19] =	ssyncadd.s32 $0xFFFFE000  }
0x37: {  	[tilespmem:s23], [sflag:$0x3] =	stream.linear.gather [spmem:s11], $0x2000, $0x38;
	[tilespmem:$0x1E000] =	vst v63  }
0x38: {  	_ =	swait.ge [sflag:s19], $0x2000  }
0x39: {  	[sflag:s19] =	ssyncset.done $0x0  }
0x3a: {  	[sflag:s19] =	ssyncadd.s32 $0xFFFFE000  }
0x3b: {  	[hbm4b:s16+s3] =	stream.linear.scatter [tilespmem:s23], [sflag:$0x3], $0x2000, $0x38;
	[tilespmem:$0x1E000] =	vst v63  }
0x3c: {  	_ =	swait.ge [sflag:s19], $0x2000  }
0x3d: {  	[sflag:s19] =	ssyncset.done $0x0  }
0x3e: {  	[sflag:s19] =	ssyncadd.s32 $0xFFFFE000  }
0x3f: {  	[tilespmem:s23], [sflag:$0x3] =	stream.linear.gather [spmem:s12], $0x2000, $0x38;
	[tilespmem:$0x1E000] =	vst v63  }
0x40: {  	s25 =	sadd.s32 $0x1, s25;
	_ =	swait.ge [sflag:s19], $0x2000  }
0x41: {  	p0 =	sne.s32 s25, s18;
	[sflag:s19] =	ssyncset.done $0x0  }
.Ltmp1:
0x42: {  	[sflag:s19] =	ssyncadd.s32 $0xFFFFE000;
	(pc) =	sbr.rel @!p0 .LBB2_5-.Ltmp1, $4  }
0x43: {  	[hbm4b:s17+s3] =	stream.linear.scatter [tilespmem:s23], [sflag:$0x3], $0x2000, $0x38;
	[tilespmem:$0x1E000] =	vst v63  }
0x44: {  	_ =	swait.ge [sflag:s19], $0x2000  }
0x45: {  	[sflag:s19] =	ssyncset.done $0x0  }
0x46: {  	[sflag:s19] =	ssyncadd.s32 $0xFFFFE000  }
.LBB2_1:
0x47: {  	s1 =	rddreg [dreg:$0x5]  }
0x48: {  	[tilespmem:s3], [sflag:$0x3] =	stream.linear.gather [hbm4b:s1+s3], $0x5000, $0x38;
	[tilespmem:$0x1E000] =	vst v63  }
0x49: {  	_ =	swait.ge [sflag:s19], $0x5000  }
0x4a: {  	[sflag:s19] =	ssyncset.done $0x0  }
0x4b: {  	s5 =	rddreg [dreg:$0x6];
	[sflag:s19] =	ssyncadd.s32 $0xFFFFB000  }
0x4c: {  	[tilespmem:s20], [sflag:$0x3] =	stream.linear.gather [hbm4b:s5+s3], $0x5000, $0x38;
	[tilespmem:$0x1E000] =	vst v63  }
0x4d: {  	_ =	swait.ge [sflag:s19], $0x5000  }
0x4e: {  	[sflag:s19] =	ssyncset.done $0x0  }
0x4f: {  	s6 =	rddreg [dreg:$0x4];
	[sflag:s19] =	ssyncadd.s32 $0xFFFFB000  }
0x50: {  	[tilespmem:s21], [sflag:$0x3] =	stream.linear.gather [hbm4b:s6+s3], $0x2000, $0x38;
	[tilespmem:$0x1E000] =	vst v63  }
0x51: {  	_ =	swait.ge [sflag:s19], $0x2000  }
0x52: {  	[sflag:s19] =	ssyncset.done $0x0  }
0x53: {  	[sflag:s19] =	ssyncadd.s32 $0xFFFFE000  }
0x54: {  	[spmem:s8] =	stream.linear.scatter [tilespmem:s21], [sflag:$0x3], $0x2000, $0x38;
	[tilespmem:$0x1E000] =	vst v63  }
0x55: {  	_ =	swait.ge [sflag:s19], $0x2000  }
0x56: {  	[sflag:s19] =	ssyncset.done $0x0  }
0x57: {  	[sflag:s19] =	ssyncadd.s32 $0xFFFFE000  }
0x58: {  	[spmem:s9] =	stream.linear.scatter [tilespmem:s21], [sflag:$0x3], $0x2000, $0x38;
	[tilespmem:$0x1E000] =	vst v63  }
0x59: {  	_ =	swait.ge [sflag:s19], $0x2000  }
0x5a: {  	[sflag:s19] =	ssyncset.done $0x0  }
0x5b: {  	[sflag:s19] =	ssyncadd.s32 $0xFFFFE000  }
0x5c: {  	[spmem:s10] =	stream.linear.scatter [tilespmem:s21], [sflag:$0x3], $0x2000, $0x38;
	[tilespmem:$0x1E000] =	vst v63  }
0x5d: {  	_ =	swait.ge [sflag:s19], $0x2000  }
0x5e: {  	[sflag:s19] =	ssyncset.done $0x0  }
0x5f: {  	[sflag:s19] =	ssyncadd.s32 $0xFFFFE000  }
0x60: {  	[spmem:s11] =	stream.linear.scatter [tilespmem:s21], [sflag:$0x3], $0x2000, $0x38;
	[tilespmem:$0x1E000] =	vst v63  }
0x61: {  	_ =	swait.ge [sflag:s19], $0x2000  }
0x62: {  	[sflag:s19] =	ssyncset.done $0x0  }
0x63: {  	[sflag:s19] =	ssyncadd.s32 $0xFFFFE000  }
0x64: {  	[spmem:s12] =	stream.linear.scatter [tilespmem:s21], [sflag:$0x3], $0x2000, $0x38;
	[tilespmem:$0x1E000] =	vst v63  }
0x65: {  	_ =	swait.ge [sflag:s19], $0x2000  }
0x66: {  	[sflag:s19] =	ssyncset.done $0x0  }
0x67: {  	[sflag:s19] =	ssyncadd.s32 $0xFFFFE000  }
0x68: {  	[bflag:$0x0] =	sbarrier.arrive $0xFFFF  }
0x69: {  	[tilespmem:s23], [sflag:$0x1] =	stream.indirect.gather [hbm4b:s4+s22], $0x40, s3, s22, $0xb8;
	[tilespmem:$0x1E000] =	vst v63  }
0x6a: {  	_ = 	snop  }
0x6b: {  	[tilespmem:s24], [sflag:$0x1] =	stream.indirect.gather [hbm4b:s4+s22], $0x40, s22, s22, $0xb8;
	[tilespmem:$0x1E000] =	vst v63  }
0x6c: {  	s7 =	simm.s32 $0x100  }
0x6d: {  	[tilespmem:s26], [sflag:$0x1] =	stream.indirect.gather [hbm4b:s4+s22], $0x40, s7, s22, $0xb8;
	[tilespmem:$0x1E000] =	vst v63  }
0x6e: {  	_ =	swait.ge [sflag:s28], $0x2000  }
0x6f: {  	[sflag:s28] =	ssyncset.done $0x0  }
0x70: {  	[sflag:s28] =	ssyncadd.s32 $0xFFFFE000  }
0x71: {  	[spmem:s2] =	stream.indirect.scatter.add.f32 [tilespmem:s23], [sflag:$0x2], $0x40, s20, s22, $0xb8;
	[tilespmem:$0x1E000] =	vst v63  }
0x72: {  	s14 =	simm.s32 $0x180  }
0x73: {  	[tilespmem:s30], [sflag:$0x1] =	stream.indirect.gather [hbm4b:s4+s22], $0x40, s14, s22, $0xb8;
	[tilespmem:$0x1E000] =	vst v63  }
0x74: {  	_ =	swait.ge [sflag:s28], $0x2000  }
0x75: {  	[sflag:s28] =	ssyncset.done $0x0  }
0x76: {  	s31 =	simm.s32 $0x5080;
	[sflag:s28] =	ssyncadd.s32 $0xFFFFE000  }
0x77: {  	[spmem:s2] =	stream.indirect.scatter.add.f32 [tilespmem:s24], [sflag:$0x2], $0x40, s31, s22, $0xb8;
	[tilespmem:$0x1E000] =	vst v63  }
0x78: {  	_ =	swait.ge [sflag:s0], $0x2000  }
0x79: {  	[sflag:s0] =	ssyncset.done $0x0  }
0x7a: {  	s5 =	simm.s32 $0x200;
	[sflag:s0] =	ssyncadd.s32 $0xFFFFE000  }
0x7b: {  	[tilespmem:s23], [sflag:$0x1] =	stream.indirect.gather [hbm4b:s4+s22], $0x40, s5, s22, $0xb8;
	[tilespmem:$0x1E000] =	vst v63  }
0x7c: {  	_ =	swait.ge [sflag:s28], $0x2000  }
0x7d: {  	[sflag:s28] =	ssyncset.done $0x0  }
0x7e: {  	s6 =	simm.s32 $0x5100;
	[sflag:s28] =	ssyncadd.s32 $0xFFFFE000  }
0x7f: {  	[spmem:s2] =	stream.indirect.scatter.add.f32 [tilespmem:s26], [sflag:$0x2], $0x40, s6, s22, $0xb8;
	[tilespmem:$0x1E000] =	vst v63  }
0x80: {  	_ =	swait.ge [sflag:s0], $0x2000  }
0x81: {  	[sflag:s0] =	ssyncset.done $0x0  }
0x82: {  	s7 =	simm.s32 $0x280;
	[sflag:s0] =	ssyncadd.s32 $0xFFFFE000  }
0x83: {  	[tilespmem:s24], [sflag:$0x1] =	stream.indirect.gather [hbm4b:s4+s22], $0x40, s7, s22, $0xb8;
	[tilespmem:$0x1E000] =	vst v63  }
0x84: {  	_ =	swait.ge [sflag:s28], $0x2000  }
0x85: {  	[sflag:s28] =	ssyncset.done $0x0  }
0x86: {  	s14 =	simm.s32 $0x5180;
	[sflag:s28] =	ssyncadd.s32 $0xFFFFE000  }
0x87: {  	[spmem:s2] =	stream.indirect.scatter.add.f32 [tilespmem:s30], [sflag:$0x2], $0x40, s14, s22, $0xb8;
	[tilespmem:$0x1E000] =	vst v63  }
0x88: {  	_ =	swait.ge [sflag:s0], $0x2000  }
0x89: {  	[sflag:s0] =	ssyncset.done $0x0  }
0x8a: {  	s29 =	simm.s32 $0x0;
	s31 =	simm.s32 $0x300;
	[sflag:s0] =	ssyncadd.s32 $0xFFFFE000  }
0x8b: {  	[tilespmem:s26], [sflag:$0x1] =	stream.indirect.gather [hbm4b:s4+s22], $0x40, s31, s22, $0xb8;
	[tilespmem:$0x1E000] =	vst v63  }
.LBB2_2:
0x8c: {  	_ =	swait.ge [sflag:s28], $0x2000  }
0x8d: {  	s31 =	sshra.s32 s29, $0x2;
	[sflag:s28] =	ssyncset.done $0x0  }
0x8e: {  	s1 =	sadd.s32 $0x5200, s31;
	[sflag:s28] =	ssyncadd.s32 $0xFFFFE000  }
0x8f: {  	[spmem:s2] =	stream.indirect.scatter.add.f32 [tilespmem:s23], [sflag:$0x2], $0x40, s1, s22, $0xb8;
	[tilespmem:$0x1E000] =	vst v63  }
0x90: {  	_ =	swait.ge [sflag:s0], $0x2000  }
0x91: {  	[sflag:s0] =	ssyncset.done $0x0  }
0x92: {  	s6 =	sadd.s32 $0x380, s31;
	[sflag:s0] =	ssyncadd.s32 $0xFFFFE000  }
0x93: {  	[tilespmem:s30], [sflag:$0x1] =	stream.indirect.gather [hbm4b:s4+s22], $0x40, s6, s22, $0xb8;
	[tilespmem:$0x1E000] =	vst v63  }
0x94: {  	_ =	swait.ge [sflag:s28], $0x2000  }
0x95: {  	p0 =	seq.s32 s29, $0x13000;
	[sflag:s28] =	ssyncset.done $0x0  }
0x96: {  	s7 =	sadd.s32 $0x5280, s31;
	s1 =	simm.s32 @p0 $0x1;
	[sflag:s28] =	ssyncadd.s32 $0xFFFFE000  }
0x97: {  	[spmem:s2] =	stream.indirect.scatter.add.f32 [tilespmem:s24], [sflag:$0x2], $0x40, s7, s22, $0xb8;
	[tilespmem:$0x1E000] =	vst v63  }
0x98: {  	_ =	swait.ge @p0 [sflag:s1], $0x2000  }
0x99: {  	[sflag:s1] =	ssyncset.done @p0 $0x0  }
0x9a: {  	[sflag:s1] =	ssyncadd.s32 @p0 $0xFFFFE000;
	s1 =	sshra.s32 @p0 s29, $0x2  }
0x9b: {  	s5 =	simm.s32 @p0 $0x80;
	s6 =	simm.s32 @p0 $0xE000;
	s1 =	sadd.s32 @p0 $0x5300, s1  }
0x9c: {  	[spmem:s2] =	stream.indirect.scatter.add.f32 @p0 [tilespmem:s6], [sflag:$0x2], $0x40, s1, s5, $0xb8;
	[tilespmem:$0x1E000] =	vst v63  }
0x9d: {  	s1 =	simm.s32 @!p0 $0x2  }
0x9e: {  	_ =	swait.ge @!p0 [sflag:s1], $0x2000  }
0x9f: {  	s14 =	simm.s32 @!p0 $0xA000;
	s5 =	sshra.s32 @!p0 s29, $0x2;
	[sflag:s1] =	ssyncset.done @!p0 $0x0  }
0xa0: {  	s7 =	simm.s32 @!p0 $0x80;
	s6 =	sadd.s32 @!p0 $0x400, s5;
	[sflag:s1] =	ssyncadd.s32 @!p0 $0xFFFFE000  }
0xa1: {  	[tilespmem:s14], [sflag:$0x1] =	stream.indirect.gather @!p0 [hbm4b:s4+s7], $0x40, s6, s7, $0xb8;
	[tilespmem:$0x1E000] =	vst v63  }
0xa2: {  	s6 =	simm.s32 @!p0 $0x1  }
0xa3: {  	_ =	swait.ge @!p0 [sflag:s6], $0x2000  }
0xa4: {  	[sflag:s6] =	ssyncset.done @!p0 $0x0  }
0xa5: {  	s14 =	simm.s32 @!p0 $0xE000;
	[sflag:s6] =	ssyncadd.s32 @!p0 $0xFFFFE000;
	s6 =	sadd.s32 @!p0 $0x5300, s5  }
0xa6: {  	[spmem:s2] =	stream.indirect.scatter.add.f32 @!p0 [tilespmem:s14], [sflag:$0x2], $0x40, s6, s7, $0xb8;
	[tilespmem:$0x1E000] =	vst v63  }
0xa7: {  	_ =	swait.ge @!p0 [sflag:s1], $0x2000  }
0xa8: {  	[sflag:s1] =	ssyncset.done @!p0 $0x0  }
0xa9: {  	[sflag:s1] =	ssyncadd.s32 @!p0 $0xFFFFE000;
	s1 =	sadd.s32 @!p0 $0x480, s5;
	s5 =	simm.s32 @!p0 $0xC000  }
0xaa: {  	[tilespmem:s5], [sflag:$0x1] =	stream.indirect.gather @!p0 [hbm4b:s4+s7], $0x40, s1, s7, $0xb8;
	[tilespmem:$0x1E000] =	vst v63  }
0xab: {  	_ =	swait.ge [sflag:s28], $0x2000  }
0xac: {  	[sflag:s28] =	ssyncset.done $0x0  }
.Ltmp2:
0xad: {  	s14 =	sadd.s32 $0x5380, s31;
	[sflag:s28] =	ssyncadd.s32 $0xFFFFE000;
	(pc) =	sbr.rel @p0 .LBB2_4-.Ltmp2, $4  }
0xae: {  	[spmem:s2] =	stream.indirect.scatter.add.f32 [tilespmem:s30], [sflag:$0x2], $0x40, s14, s22, $0xb8;
	[tilespmem:$0x1E000] =	vst v63  }
0xaf: {  	_ =	swait.ge [sflag:s0], $0x2000  }
0xb0: {  	[sflag:s0] =	ssyncset.done $0x0  }
0xb1: {  	[sflag:s0] =	ssyncadd.s32 $0xFFFFE000  }
.Ltmp3:
0xb2: {  	(pc) =	sbr.rel .LBB2_2-.Ltmp3, $3  }
0xb3: {  	_ =	sdelay $0x1  }
0xb4: {  	s1 =	sadd.s32 $0x500, s31;
	s29 =	sadd.s32 $0x800, s29  }
0xb5: {  	[tilespmem:s26], [sflag:$0x1] =	stream.indirect.gather [hbm4b:s4+s22], $0x40, s1, s22, $0xb8;
	[tilespmem:$0x1E000] =	vst v63  }
.LBB2_5:
0xb6: {  	_ =	sfence.sel $0x180000  }
0xb7: {  	[bflag:$0x0] =	sbarrier.arrive $0xFFFF  }
0xb8: {  	_ =	strace $0x90000050  }
0xb9: {  	s0 =	stileid.u32;
	[bflag:$0x2] =	sbarrier.arrive $0xFFFF  }
0xba: {  	p0 =	sne.s32 s0, $0x0;
	s0 =	rddreg [dreg:$0x3]  }
0xbb: {  	s0 =	sadd.s32 @!p0 $0x100000, s0  }
0xbc: {  	[sflag:s0] =	ssyncadd.tile.s32 @!p0 $0x1;
	_ =	shalt  }
.Lfunc_end2:
_tile_overlayer_lowered:
.L_overlay_start_2:
0xbd: {  	(tag) =	ssettag $0x2  }
0xbe: {  	s0 =	rddreg [dreg:$0x0];
	s2 =	stileid.u32  }
0xbf: {  	s1 =	rddreg [dreg:$0x1];
	p0 =	sne.s32 s2, $0x0  }
0xc0: {  	s3 =	rddreg [dreg:$0x2];
	[bflag:$0x3] =	sbarrier.arrive $0xFFFF;
	s2 =	simm.s32 @!p0 $0x1C03  }
0xc1: {  	[timem:s3], [sflag:s2] =	dma.local @!p0 [hbm:s0], s1  }
0xc2: {  	s0 =	simm.s32 @!p0 $0x3  }
0xc3: {  	_ =	swait.ge @!p0 [sflag:s0], s1  }
0xc4: {  	s1 =	ssub.s32 @!p0 $0x0, s1;
	[sflag:s0] =	ssyncset.done @!p0 $0x0  }
0xc5: {  	[sflag:s0] =	ssyncadd.s32 @!p0 s1  }
0xc6: {  	[bflag:$0x3] =	sbarrier.arrive $0xFFFF  }
0xc7: {  	_ =	shalt  }

// kernel: kernel.9.cloned.1.call-start
scs
__scs_entry_jumppad:
0x0: {  	(pc) =	sbr.rel $0x88, $3  }
0x1: {  	(tag) =	ssettag $0x0;
	lr =	simm.s32 $0x1  }
0x2: {  	[smem:$0x3F96] =	sst lr;
	_ =	strace $0xD0000000  }
0x3: {  	_ = 	snop  }
0x4: {  	_ = 	snop  }
0x5: {  	_ = 	snop  }
0x6: {  	_ = 	snop  }
0x7: {  	_ = 	snop  }
__scs_overlays_trampoline_lowered:
0x8: {  	[smem:$0x3FA5] =	sst s0  }
0x9: {  	[smem:$0x3FA6] =	sst s1  }
0xa: {  	[smem:$0x3FA7] =	sst s2  }
0xb: {  	[smem:$0x3FA8] =	sst s3  }
0xc: {  	[smem:$0x3FA9] =	sst s4  }
0xd: {  	[smem:$0x3FAA] =	sst s5  }
0xe: {  	[smem:$0x3FAB] =	sst s6  }
0xf: {  	[smem:$0x3FAC] =	sst s7  }
0x10: {  	[smem:$0x3FAD] =	sst s8  }
0x11: {  	[smem:$0x3FAE] =	sst s9;
	s0 =	simm.s32 @!p0 $0x0  }
0x12: {  	s1 =	sld [smem:$0x3F94];
	s0 =	simm.s32 @p0 $0x1  }
0x13: {  	[smem:$0x3FAF] =	sst s0;
	s0 =	simm.s32 @!p1 $0x0  }
0x14: {  	s2 =	sld [smem:$0x3F93];
	s0 =	simm.s32 @p1 $0x1  }
0x15: {  	[smem:$0x3FB0] =	sst s0;
	s0 =	simm.s32 @!p2 $0x0  }
0x16: {  	s3 =	sld [smem:$0x3FDB];
	s0 =	simm.s32 @p2 $0x1  }
0x17: {  	s4 =	simm.s32 $0x1BF5;
	[smem:$0x3FB2] =	sst s0  }
0x18: {  	s0 =	sld [smem:$0x3F95];
	_ =	swait.ge [sflag:s4], $0x0  }
0x19: {  	s7 =	sld [smem:$0x3F96]  }
0x1a: {  	s8 =	sadd.s32 $0xFFFFE003, lr  }
0x1b: {  	s9 =	sadd.s32 $0xFFFFFEF7, lr;
	s5 =	simm.s32 $0xFFFFFFFF;
	p2 =	slt.u32 s8, $0xFFFFF086  }
0x1c: {  	p1 =	slt.u32 s9, $0xF7A;
	s5 =	simm.s32 @!p2 $0x0  }
0x1d: {  	s5 =	simm.s32 @p1 $0x1;
	p0 =	seq.s32 s7, s2  }
0x1e: {  	s7 =	smul.u32 @!p0 $0xF7A, s2;
	p2 =	seq.s32 @!p0 s5, $0x0  }
0x1f: {  	s9 =	smul.u32 $0xF7A, s1;
	s8 =	simm.s32 @!p0 $0x1BF5;
	p2 =	por !p2, p0  }
0x20: {  	[sflag:s8] =	ssyncset.s32 @!p0 $0xFFFFF086;
	s6 =	sadd.s32 @!p0 s3, s7;
	s7 =	simm.s32 @!p0 $0x108  }
0x21: {  	s3 =	sadd.s32 s3, s9;
	s6 =	sadd.s32 @!p0 $0x88, s6;
	s7 =	simm.s32 @p2 $0x1082  }
0x22: {  	[simem:s7], [sflag:s8] =	dma.local @!p0 [hbm:s6], $0xF7A  }
0x23: {  	s9 =	sor.u32 $0xD0000000, s2;
	s6 =	simm.s32 $0x108;
	_ =	swait.ge @!p0 [sflag:s8], $0x0  }
0x24: {  	s3 =	sadd.s32 $0x88, s3;
	s6 =	simm.s32 @!p1 $0x1082;
	[sflag:s4] =	ssyncset.s32 $0xFFFFF086  }
0x25: {  	[simem:s6], [sflag:s4] =	dma.local [hbm:s3], $0xF7A  }
0x26: {  	[smem:$0x3F96] =	sst s1;
	(tag) =	ssettag s2;
	_ =	strace s9  }
0x27: {  	s1 =	sld [smem:$0x3FA6]  }
0x28: {  	s2 =	sld [smem:$0x3FA7]  }
0x29: {  	s4 =	sld [smem:$0x3FA9]  }
0x2a: {  	p0 =	seq.s32 s5, $0x0;
	s5 =	sld [smem:$0x3FAA]  }
0x2b: {  	s6 =	sld [smem:$0x3FAB]  }
0x2c: {  	s7 =	sld [smem:$0x3FAC]  }
0x2d: {  	s3 =	simm.s32 $0x108;
	s8 =	sld [smem:$0x3FAD]  }
0x2e: {  	s3 =	simm.s32 @!p0 $0x1082;
	s9 =	sld [smem:$0x3FAE]  }
0x2f: {  	lr =	sadd.s32 s0, s3;
	s0 =	sld [smem:$0x3FA5]  }
0x30: {  	s3 =	sld [smem:$0x3FA8]  }
0x31: {  	[smem:$0x3FB1] =	sst s10  }
0x32: {  	s10 =	sld [smem:$0x3FAF];
	_ =	sdelay $0x3  }
0x33: {  	p0 =	seq.s32 s10, $0x1;
	s10 =	sld [smem:$0x3FB1];
	_ =	sdelay $0x3  }
0x34: {  	[smem:$0x3FB1] =	sst s10  }
0x35: {  	s10 =	sld [smem:$0x3FB0];
	_ =	sdelay $0x3  }
0x36: {  	p1 =	seq.s32 s10, $0x1;
	s10 =	sld [smem:$0x3FB1];
	_ =	sdelay $0x3  }
0x37: {  	[smem:$0x3FB1] =	sst s10  }
0x38: {  	s10 =	sld [smem:$0x3FB2]  }
0x39: {  	_ = 	snop;
	(pc) =	sbr.ind lr, $3  }
0x3a: {  	_ = 	snop  }
0x3b: {  	_ = 	snop  }
0x3c: {  	p2 =	seq.s32 s10, $0x1;
	s10 =	sld [smem:$0x3FB1]  }
0x3d: {  	_ =	shalt  }
0x3e: {  	_ =	shalt  }
0x3f: {  	_ =	shalt  }
0x40: {  	_ =	shalt  }
0x41: {  	_ =	shalt  }
0x42: {  	_ =	shalt  }
0x43: {  	_ =	shalt  }
0x44: {  	_ =	shalt  }
0x45: {  	_ =	shalt  }
0x46: {  	_ =	shalt  }
0x47: {  	_ =	shalt  }
0x48: {  	_ =	shalt  }
0x49: {  	_ =	shalt  }
0x4a: {  	_ =	shalt  }
0x4b: {  	_ =	shalt  }
0x4c: {  	_ =	shalt  }
0x4d: {  	_ =	shalt  }
0x4e: {  	_ =	shalt  }
0x4f: {  	_ =	shalt  }
0x50: {  	_ =	shalt  }
0x51: {  	_ =	shalt  }
0x52: {  	_ =	shalt  }
0x53: {  	_ =	shalt  }
0x54: {  	_ =	shalt  }
0x55: {  	_ =	shalt  }
0x56: {  	_ =	shalt  }
0x57: {  	_ =	shalt  }
0x58: {  	_ =	shalt  }
0x59: {  	_ =	shalt  }
0x5a: {  	_ =	shalt  }
0x5b: {  	_ =	shalt  }
0x5c: {  	_ =	shalt  }
0x5d: {  	_ =	shalt  }
0x5e: {  	_ =	shalt  }
0x5f: {  	_ =	shalt  }
0x60: {  	_ =	shalt  }
0x61: {  	_ =	shalt  }
0x62: {  	_ =	shalt  }
0x63: {  	_ =	shalt  }
0x64: {  	_ =	shalt  }
0x65: {  	_ =	shalt  }
0x66: {  	_ =	shalt  }
0x67: {  	_ =	shalt  }
0x68: {  	_ =	shalt  }
0x69: {  	_ =	shalt  }
0x6a: {  	_ =	shalt  }
0x6b: {  	_ =	shalt  }
0x6c: {  	_ =	shalt  }
0x6d: {  	_ =	shalt  }
0x6e: {  	_ =	shalt  }
0x6f: {  	_ =	shalt  }
0x70: {  	_ =	shalt  }
0x71: {  	_ =	shalt  }
0x72: {  	_ =	shalt  }
0x73: {  	_ =	shalt  }
0x74: {  	_ =	shalt  }
0x75: {  	_ =	shalt  }
0x76: {  	_ =	shalt  }
0x77: {  	_ =	shalt  }
0x78: {  	_ =	shalt  }
0x79: {  	_ =	shalt  }
0x7a: {  	_ =	shalt  }
0x7b: {  	_ =	shalt  }
0x7c: {  	_ =	shalt  }
0x7d: {  	_ =	shalt  }
0x7e: {  	_ =	shalt  }
0x7f: {  	_ =	shalt  }
0x80: {  	_ =	shalt  }
0x81: {  	_ =	shalt  }
0x82: {  	_ =	shalt  }
0x83: {  	_ =	shalt  }
0x84: {  	_ =	shalt  }
0x85: {  	_ =	shalt  }
0x86: {  	_ =	shalt  }
0x87: {  	_ =	shalt  }
.Lfunc_end0:
.L_simem_size_0:
called_computation_lowered:
.L_overlay_start_0:
0x88: {  	s2 =	sld [smem:$0x3FD9]  }
0x89: {  	s3 =	sld [smem:$0x3FFE];
	_ =	sdelay $0x1  }
0x8a: {  	s1 =	srdreg.scid  }
0x8b: {  	s0 =	sand.u32 $0x1, s1  }
0x8c: {  	s17 =	sshll.u32 s0, $0xA;
	s2 =	sadd.s32 s3, s2  }
0x8d: {  	s2 =	sadd.s32 s2, s17  }
0x8e: {  	[smem:$0x3FBD] =	sst s2  }
0x8f: {  	_ = 	snop  }
0x90: {  	(tm) =	ssettm $0x1  }
0x91: {  	s18 =	sld [smem:$0x3FFB];
	_ =	sdelay $0x3  }
0x92: {  	_ =	strace s18  }
0x93: {  	s2 =	sld [smem:$0x3FFC];
	_ =	sdelay $0x3  }
0x94: {  	_ =	strace s2  }
0x95: {  	s2 =	sld [smem:$0x3FFD];
	_ =	sdelay $0x3  }
0x96: {  	_ =	strace s2  }
0x97: {  	_ =	strace $0x8FFFFFFF  }
0x98: {  	s19 =	sld [smem:$0x3FDB];
	_ =	sdelay $0x1  }
0x99: {  	s20 =	simm.s32 $_scs_section_size  }
0x9a: {  	s4 =	simm.s32 $_size__tile_overlayer_lowered;
	s5 =	simm.s32 $_tile_overlayer_lowered  }
0x9b: {  	s6 =	simm.s32 $0x1BFF;
	s21 =	sshll.u32 s5, $0x1;
	s3 =	sadd.s32 s20, s19  }
0x9c: {  	s22 =	simm.s32 $0x0;
	s4 =	sshll.u32 s4, $0x1;
	s5 =	sadd.s32 s21, s3  }
0x9d: {  	[timem:s22], [sflag:s6] =	dma.local [hbm:s5], s4  }
0x9e: {  	_ =	swait.ge [sflag:s6], s4  }
0x9f: {  	s4 =	ssub.s32 $0x0, s4;
	[sflag:s6] =	ssyncset.done $0x0  }
0xa0: {  	[sflag:s6] =	ssyncadd.s32 s4;
	_ =	sdelay $0x1  }
0xa1: {  	s23 =	simm.s32 $0x1B8B  }
0xa2: {  	_ =	swait.ge [sflag:s23], $0x1  }
0xa3: {  	[sflag:s23] =	ssyncset.done $0x0  }
0xa4: {  	[sflag:s23] =	ssyncadd.s32 $0xFFFFFFFF  }
0xa5: {  	s4 =	sld [smem:$0x0]  }
0xa6: {  	s5 =	sand.u32 $0xFFFFFFFE, s1  }
0xa7: {  	p0 =	sne.s32 s1, s5  }
0xa8: {  	s5 =	sshll.u32 @p0 s5, $0xE  }
0xa9: {  	s5 =	sadd.s32 @p0 $0x11B8D, s5;
	s6 =	sshll.u32 @p0 s4, $0x11  }
0xaa: {  	s5 =	sor.u32 @p0 s6, s5  }
0xab: {  	[sflag:s5] =	ssyncadd.remote.s32 @p0 $0x1;
	_ =	sdelay $0x1  }
0xac: {  	s5 =	simm.s32 @p0 $0x1B8D  }
0xad: {  	_ =	swait.eq @p0 [sflag:s5], $0x1  }
0xae: {  	[sflag:s5] =	ssyncadd.s32 @p0 $0xFFFFFFFF  }
0xaf: {  	s6 =	sshll.u32 @!p0 s1, $0xE  }
0xb0: {  	s6 =	sor.u32 @!p0 $0x4000, s6;
	s5 =	simm.s32 @!p0 $0x1B8D  }
0xb1: {  	s4 =	sshll.u32 @!p0 s4, $0x11;
	s6 =	sadd.s32 @!p0 $0x11B8D, s6;
	_ =	swait.eq @!p0 [sflag:s5], $0x1  }
0xb2: {  	s4 =	sor.u32 @!p0 s4, s6;
	[sflag:s5] =	ssyncadd.s32 @!p0 $0xFFFFFFFF  }
0xb3: {  	s25 =	simm.s32 $0x1B8E;
	s24 =	sld [smem:$0x3FFE];
	[sflag:s4] =	ssyncadd.remote.s32 @!p0 $0x1  }
0xb4: {  	s26 =	simm.s32 $execute0_lowered;
	[smem:$0x3FD2] =	sst s25  }
0xb5: {  	s5 =	sshll.u32 s26, $0x1;
	_ =	strace $0x80000049;
	[dreg:$0x1] =	wrdreg $0xFFFFFFFF  }
0xb6: {  	s28 =	simm.s32 $_size_execute0_lowered;
	s3 =	sadd.s32 s3, s5;
	[dreg:$0x0] =	wrdreg $0x0  }
0xb7: {  	s5 =	sshll.u32 s28, $0x1;
	[dreg:$0x2] =	wrdreg s3  }
0xb8: {  	[dreg:$0x3] =	wrdreg s5  }
0xb9: {  	[dreg:$0x4] =	wrdreg $0xC0  }
0xba: {  	_ =	task [dreg:s22], $0x5FFFF  }
0xbb: {  	[dreg:$0x1] =	wrdreg $0xFFFFFFFF  }
0xbc: {  	[dreg:$0x0] =	wrdreg $0x60  }
0xbd: {  	[dreg:$0x2] =	wrdreg s24  }
0xbe: {  	[dreg:$0x3] =	wrdreg $0x38000  }
0xbf: {  	[dreg:$0x4] =	wrdreg $0x9  }
0xc0: {  	_ =	task.clear_ibuf [dreg:s22], $0x5FFFF;
	_ =	strace $0x90000049  }
0xc1: {  	s29 =	simm.s32 $0x9;
	_ =	strace $0x8000004B  }
0xc2: {  	_ =	swait.ge [sflag:s29], $0x1  }
0xc3: {  	[sflag:s29] =	ssyncadd.s32 $0xFFFFFFFF  }
0xc4: {  	_ =	strace $0x9000004B  }
0xc5: {  	_ =	sfence  }
0xc6: {  	s30 =	sld [smem:$0x0];
	_ =	sdelay $0x2  }
0xc7: {  	s31 =	sshll.u32 s1, $0xD;
	s1 =	sshrl.u32 s1, $0x2  }
0xc8: {  	s4 =	sand.u32 $0x4000, s31;
	s1 =	sadd.s32 s1, s30  }
0xc9: {  	s0 =	sor.u32 s4, s0;
	s1 =	sshll.u32 s1, $0x11  }
0xca: {  	s0 =	sor.u32 s1, s0  }
0xcb: {  	s0 =	sadd.s32 $0x8F2B, s0  }
0xcc: {  	[sflag:s0] =	ssyncadd.remote.s32 $0x1  }
0xcd: {  	_ =	sfence.sel $0xFFFF  }
0xce: {  	[dreg:$0x0] =	wrdreg $0xFFFFFFFF;
	(pc) =	sbr.abs _section_cstart, $3  }
0xcf: {  	[dreg:$0x1] =	wrdreg $0xFFFFFFFF  }
0xd0: {  	_ =	task.clear_ibuf [dreg:s22], $0x2FFFF;
	_ =	strace $0x9FFFFFFF  }
0xd1: {  	(tm) =	ssettm $0x7FFFFFFF  }
tec
execute0_lowered:
.L_overlay_start_1:
0x0: {  	(tag) =	ssettag $0x1  }
0x1: {  	s1 =	srdreg.scid  }
0x2: {  	s0 =	stileid.u32;
	s6 =	rddreg [dreg:$0x0]  }
0x3: {  	s2 =	rddreg [dreg:$0x1];
	s3 =	simm.s32 $0x0;
	s4 =	smul.u32 $0xA00, s0  }
0x4: {  	s18 =	simm.s32 $0x1;
	s19 =	simm.s32 $0x3000;
	s8 =	smul.u32 $0x280, s0  }
0x5: {  	s20 =	simm.s32 $0x2800;
	s7 =	sand.u32 $0x1, s1;
	s10 =	smul.u32 $0xA000, s0  }
0x6: {  	s21 =	simm.s32 $0x80;
	s22 =	simm.s32 $0x0;
	s5 =	smul.u32 $0x500, s7  }
0x7: {  	[smem:$0x7FF] =	sst s3;
	s29 =	smul.u32 $0x2800, s7;
	s7 =	ssub.s32 $0x2, s7  }
0x8: {  	s1 =	rddreg [dreg:$0x2];
	_ =	strace $0x8000004A;
	s30 =	sshrl.u32 s7, $0x1  }
0x9: {  	s31 =	sshrl.u32 s10, $0x2;
	s4 =	sadd.s32 s5, s4;
	s8 =	sadd.s32 s8, s29  }
0xa: {  	s5 =	sadd.s32 $0x4A600, s6;
	s17 =	ssub.s32 s7, s30;
	s7 =	sadd.s32 s31, s2  }
0xb: {  	s9 =	sadd.s32 s4, s6;
	s4 =	sadd.s32 $0x4A800, s6;
	s8 =	sshll.u32 s8, $0x1  }
0xc: {  	s10 =	sadd.s32 $0x1800, s7;
	s11 =	sadd.s32 $0x2000, s7;
	s17 =	smax.u32 s17, $0x1  }
0xd: {  	s16 =	sadd.s32 s8, s6;
	s6 =	sadd.s32 $0x4200, s9;
	s8 =	sadd.s32 $0x800, s7  }
0xe: {  	s9 =	sadd.s32 $0x1000, s7;
	s12 =	sadd.s32 $0x4AA00, s16;
	s13 =	sadd.s32 $0x4AB00, s16  }
0xf: {  	s14 =	sadd.s32 $0x4AC00, s16;
	s15 =	sadd.s32 $0x4AD00, s16;
	s16 =	sadd.s32 $0x4AE00, s16  }
.LBB2_1:
0x10: {  	[tilespmem:s3], [sflag:$0x1] =	stream.linear.gather [hbm4b:s6+s3], $0x2800, $0x38;
	[tilespmem:$0x6000] =	vst v63  }
0x11: {  	_ =	swait.ge [sflag:s18], $0x2800  }
0x12: {  	[sflag:s18] =	ssyncset.done $0x0  }
0x13: {  	[sflag:s18] =	ssyncadd.s32 $0xFFFFD800  }
0x14: {  	[tilespmem:s19], [sflag:$0x1] =	stream.linear.gather [hbm4b:s4+s3], $0x800, $0x38;
	[tilespmem:$0x6000] =	vst v63  }
0x15: {  	_ =	swait.ge [sflag:s18], $0x800  }
0x16: {  	[sflag:s18] =	ssyncset.done $0x0  }
0x17: {  	[sflag:s18] =	ssyncadd.s32 $0xFFFFF800  }
0x18: {  	[spmem:s7] =	stream.linear.scatter [tilespmem:s19], [sflag:$0x1], $0x800, $0x38;
	[tilespmem:$0x6000] =	vst v63  }
0x19: {  	_ =	swait.ge [sflag:s18], $0x800  }
0x1a: {  	[sflag:s18] =	ssyncset.done $0x0  }
0x1b: {  	[sflag:s18] =	ssyncadd.s32 $0xFFFFF800  }
0x1c: {  	[spmem:s8] =	stream.linear.scatter [tilespmem:s19], [sflag:$0x1], $0x800, $0x38;
	[tilespmem:$0x6000] =	vst v63  }
0x1d: {  	_ =	swait.ge [sflag:s18], $0x800  }
0x1e: {  	[sflag:s18] =	ssyncset.done $0x0  }
0x1f: {  	[sflag:s18] =	ssyncadd.s32 $0xFFFFF800  }
0x20: {  	[spmem:s9] =	stream.linear.scatter [tilespmem:s19], [sflag:$0x1], $0x800, $0x38;
	[tilespmem:$0x6000] =	vst v63  }
0x21: {  	_ =	swait.ge [sflag:s18], $0x800  }
0x22: {  	[sflag:s18] =	ssyncset.done $0x0  }
0x23: {  	[sflag:s18] =	ssyncadd.s32 $0xFFFFF800  }
0x24: {  	[spmem:s10] =	stream.linear.scatter [tilespmem:s19], [sflag:$0x1], $0x800, $0x38;
	[tilespmem:$0x6000] =	vst v63  }
0x25: {  	_ =	swait.ge [sflag:s18], $0x800  }
0x26: {  	[sflag:s18] =	ssyncset.done $0x0  }
0x27: {  	[sflag:s18] =	ssyncadd.s32 $0xFFFFF800  }
0x28: {  	[spmem:s11] =	stream.linear.scatter [tilespmem:s19], [sflag:$0x1], $0x800, $0x38;
	[tilespmem:$0x6000] =	vst v63  }
0x29: {  	_ =	swait.ge [sflag:s18], $0x800  }
0x2a: {  	[sflag:s18] =	ssyncset.done $0x0  }
0x2b: {  	[sflag:s18] =	ssyncadd.s32 $0xFFFFF800  }
0x2c: {  	[tilespmem:s20], [sflag:$0x1] =	stream.linear.gather [hbm4b:s5+s3], $0x800, $0x38;
	[tilespmem:$0x6000] =	vst v63  }
0x2d: {  	_ =	swait.ge [sflag:s18], $0x800  }
0x2e: {  	[sflag:s18] =	ssyncset.done $0x0  }
0x2f: {  	[sflag:s18] =	ssyncadd.s32 $0xFFFFF800  }
0x30: {  	s23 =	simm.s32 $0x0;
	[bflag:$0x0] =	sbarrier.arrive $0xFFFF  }
0x31: {  	[spmem:s2] =	stream.indirect.scatter.add.f32 [tilespmem:s20], [sflag:$0x1], $0x10, s23, s21, $0xb8;
	[tilespmem:$0x6000] =	vst v63  }
0x32: {  	_ =	swait.ge [sflag:s18], $0x800  }
0x33: {  	s23 =	simm.s32 $0x200;
	[sflag:s18] =	ssyncset.done $0x0  }
.LBB2_2:
0x34: {  	s24 =	sshra.s32 s23, $0x2;
	[sflag:s18] =	ssyncadd.s32 $0xFFFFF800;
	p0 =	sne.s32 s23, $0x9E00  }
0x35: {  	[spmem:s2] =	stream.indirect.scatter.add.f32 [tilespmem:s20], [sflag:$0x1], $0x10, s24, s21, $0xb8;
	[tilespmem:$0x6000] =	vst v63  }
.Ltmp0:
0x36: {  	_ = 	snop;
	(pc) =	sbr.rel @p0 .LBB2_2-.Ltmp0, $4  }
0x37: {  	_ = 	snop  }
0x38: {  	s23 =	sadd.s32 $0x200, s23  }
0x39: {  	_ =	swait.ge [sflag:s18], $0x800  }
0x3a: {  	[sflag:s18] =	ssyncset.done $0x0  }
0x3b: {  	[sflag:s18] =	ssyncadd.s32 $0xFFFFF800  }
0x3c: {  	[bflag:$0x0] =	sbarrier.arrive $0xFFFF  }
0x3d: {  	[tilespmem:s19], [sflag:$0x1] =	stream.linear.gather [spmem:s7], $0x800, $0x38;
	[tilespmem:$0x6000] =	vst v63  }
0x3e: {  	_ =	swait.ge [sflag:s18], $0x800  }
0x3f: {  	[sflag:s18] =	ssyncset.done $0x0  }
0x40: {  	[sflag:s18] =	ssyncadd.s32 $0xFFFFF800  }
0x41: {  	[hbm4b:s12+s3] =	stream.linear.scatter [tilespmem:s19], [sflag:$0x1], $0x800, $0x38;
	[tilespmem:$0x6000] =	vst v63  }
0x42: {  	_ =	swait.ge [sflag:s18], $0x800  }
0x43: {  	[sflag:s18] =	ssyncset.done $0x0  }
0x44: {  	[sflag:s18] =	ssyncadd.s32 $0xFFFFF800  }
0x45: {  	[tilespmem:s19], [sflag:$0x1] =	stream.linear.gather [spmem:s8], $0x800, $0x38;
	[tilespmem:$0x6000] =	vst v63  }
0x46: {  	_ =	swait.ge [sflag:s18], $0x800  }
0x47: {  	[sflag:s18] =	ssyncset.done $0x0  }
0x48: {  	[sflag:s18] =	ssyncadd.s32 $0xFFFFF800  }
0x49: {  	[hbm4b:s13+s3] =	stream.linear.scatter [tilespmem:s19], [sflag:$0x1], $0x800, $0x38;
	[tilespmem:$0x6000] =	vst v63  }
0x4a: {  	_ =	swait.ge [sflag:s18], $0x800  }
0x4b: {  	[sflag:s18] =	ssyncset.done $0x0  }
0x4c: {  	[sflag:s18] =	ssyncadd.s32 $0xFFFFF800  }
0x4d: {  	[tilespmem:s19], [sflag:$0x1] =	stream.linear.gather [spmem:s9], $0x800, $0x38;
	[tilespmem:$0x6000] =	vst v63  }
0x4e: {  	_ =	swait.ge [sflag:s18], $0x800  }
0x4f: {  	[sflag:s18] =	ssyncset.done $0x0  }
0x50: {  	[sflag:s18] =	ssyncadd.s32 $0xFFFFF800  }
0x51: {  	[hbm4b:s14+s3] =	stream.linear.scatter [tilespmem:s19], [sflag:$0x1], $0x800, $0x38;
	[tilespmem:$0x6000] =	vst v63  }
0x52: {  	_ =	swait.ge [sflag:s18], $0x800  }
0x53: {  	[sflag:s18] =	ssyncset.done $0x0  }
0x54: {  	[sflag:s18] =	ssyncadd.s32 $0xFFFFF800  }
0x55: {  	[tilespmem:s19], [sflag:$0x1] =	stream.linear.gather [spmem:s10], $0x800, $0x38;
	[tilespmem:$0x6000] =	vst v63  }
0x56: {  	_ =	swait.ge [sflag:s18], $0x800  }
0x57: {  	[sflag:s18] =	ssyncset.done $0x0  }
0x58: {  	[sflag:s18] =	ssyncadd.s32 $0xFFFFF800  }
0x59: {  	[hbm4b:s15+s3] =	stream.linear.scatter [tilespmem:s19], [sflag:$0x1], $0x800, $0x38;
	[tilespmem:$0x6000] =	vst v63  }
0x5a: {  	_ =	swait.ge [sflag:s18], $0x800  }
0x5b: {  	[sflag:s18] =	ssyncset.done $0x0  }
0x5c: {  	[sflag:s18] =	ssyncadd.s32 $0xFFFFF800  }
0x5d: {  	[tilespmem:s19], [sflag:$0x1] =	stream.linear.gather [spmem:s11], $0x800, $0x38;
	[tilespmem:$0x6000] =	vst v63  }
0x5e: {  	s22 =	sadd.s32 $0x1, s22;
	_ =	swait.ge [sflag:s18], $0x800  }
0x5f: {  	p0 =	sne.s32 s22, s17;
	[sflag:s18] =	ssyncset.done $0x0  }
.Ltmp1:
0x60: {  	[sflag:s18] =	ssyncadd.s32 $0xFFFFF800;
	(pc) =	sbr.rel @p0 .LBB2_1-.Ltmp1, $4  }
0x61: {  	[hbm4b:s16+s3] =	stream.linear.scatter [tilespmem:s19], [sflag:$0x1], $0x800, $0x38;
	[tilespmem:$0x6000] =	vst v63  }
0x62: {  	_ =	swait.ge [sflag:s18], $0x800  }
0x63: {  	[sflag:s18] =	ssyncset.done $0x0  }
0x64: {  	[sflag:s18] =	ssyncadd.s32 $0xFFFFF800  }
0x65: {  	_ =	sfence.sel $0x180000  }
0x66: {  	[bflag:$0x0] =	sbarrier.arrive $0xFFFF  }
0x67: {  	p0 =	sne.s32 s0, $0x0;
	_ =	strace $0x9000004A  }
0x68: {  	s0 =	sadd.s32 @!p0 $0x100000, s1;
	[bflag:$0x2] =	sbarrier.arrive $0xFFFF  }
0x69: {  	[sflag:s0] =	ssyncadd.tile.s32 @!p0 $0x1;
	_ =	shalt  }
.Lfunc_end2:
_tile_overlayer_lowered:
.L_overlay_start_2:
0x6a: {  	(tag) =	ssettag $0x2  }
0x6b: {  	s0 =	rddreg [dreg:$0x0];
	s2 =	stileid.u32  }
0x6c: {  	s1 =	rddreg [dreg:$0x1];
	p0 =	sne.s32 s2, $0x0  }
0x6d: {  	s3 =	rddreg [dreg:$0x2];
	[bflag:$0x3] =	sbarrier.arrive $0xFFFF;
	s2 =	simm.s32 @!p0 $0x1C01  }
0x6e: {  	[timem:s3], [sflag:s2] =	dma.local @!p0 [hbm:s0], s1  }
0x6f: {  	s0 =	simm.s32 @!p0 $0x1  }
0x70: {  	_ =	swait.ge @!p0 [sflag:s0], s1  }
0x71: {  	s1 =	ssub.s32 @!p0 $0x0, s1;
	[sflag:s0] =	ssyncset.done @!p0 $0x0  }
0x72: {  	[sflag:s0] =	ssyncadd.s32 @!p0 s1  }
0x73: {  	[bflag:$0x3] =	sbarrier.arrive $0xFFFF  }
0x74: {  	_ =	shalt  }

</sc_bundles>
